<compile_context>
chip_gen: v7x
topology: tpu7x:2x2x1
jax: 0.10.2.dev20260603
libtpu: 0.0.44.dev20260713+nightly
codegen_flags: <defaults>
</compile_context>

<pallas_src>
import jax
import jax.numpy as jnp
from jax import lax
from jax.experimental import pallas as pl
from jax.experimental.pallas import tpu as pltpu
from jax.experimental.pallas import tpu_sc as plsc

N = 10000
E = 320000
NC = 2
NS = 16
CH = 128
CR = 160
NBUF = 4
AHEAD = 2
EROWS = NS * CR
EPAD = EROWS * CH
NP = 10240
DUMP = NP - 2
ZR = NP // NS
ZC = 32
CW = 16
ROWBLK = 1000


def _sc_pass(ph, src2d, dst2d, with_count):
    d2 = ph.shape[2]
    nbuf = NBUF if with_count else 8
    ahead = AHEAD if with_count else 6
    mesh = plsc.VectorSubcoreMesh(
        core_axis_name="c", subcore_axis_name="s", num_cores=NC,
        num_subcores=NS)

    out_type = [jax.ShapeDtypeStruct((NC, NP, d2), jnp.float32)]
    if with_count:
        out_type.append(jax.ShapeDtypeStruct((NC, NP, CW), jnp.float32))

    scratch = dict(
        src_buf=pltpu.VMEM((CR, CH), jnp.int32),
        dst_buf=pltpu.VMEM((CR, CH), jnp.int32),
        zbuf=pltpu.VMEM((ZC, d2), jnp.float32),
        acc=pltpu.VMEM_SHARED((NP, d2), jnp.float32),
    )
    for b in range(nbuf):
        scratch[f"rows{b}"] = pltpu.VMEM((CH, d2), jnp.float32)
        scratch[f"semg{b}"] = pltpu.SemaphoreType.DMA
        scratch[f"sems{b}"] = pltpu.SemaphoreType.DMA
    if with_count:
        scratch.update(
            ones_v=pltpu.VMEM((CH, CW), jnp.float32),
            czbuf=pltpu.VMEM((ZC, CW), jnp.float32),
            cacc=pltpu.VMEM_SHARED((NP, CW), jnp.float32),
        )

    def body(ph_hbm, src_hbm, dst_hbm, *outs, **scr):
        src_buf, dst_buf = scr["src_buf"], scr["dst_buf"]
        rows = [scr[f"rows{b}"] for b in range(nbuf)]
        semg = [scr[f"semg{b}"] for b in range(nbuf)]
        sems = [scr[f"sems{b}"] for b in range(nbuf)]
        zbuf, acc = scr["zbuf"], scr["acc"]
        out_hbm = outs[0]
        cid = lax.axis_index("c")
        sid = lax.axis_index("s")
        is_c0 = cid == 0
        tbl = ph_hbm.at[cid]

        idx_cp = [
            pltpu.async_copy(src_hbm.at[pl.ds(sid * CR, CR)], src_buf,
                             semg[0]),
            pltpu.async_copy(dst_hbm.at[pl.ds(sid * CR, CR)], dst_buf,
                             semg[1]),
        ]

        zeros16 = jnp.zeros((16,), jnp.float32)
        ones16 = jnp.ones((16,), jnp.float32)
        dl = d2 // 16

        def zfill(i, _):
            zbuf[i // dl, pl.ds((i % dl) * 16, 16)] = zeros16
            return 0
        lax.fori_loop(0, ZC * dl, zfill, 0)

        def zcopy(j, _):
            pltpu.async_copy(zbuf, acc.at[pl.ds(sid * ZR + j * ZC, ZC)],
                             sems[0])
            return 0
        lax.fori_loop(0, ZR // ZC, zcopy, 0)

        def zdrain(j, _):
            pltpu.make_async_copy(zbuf, acc.at[pl.ds(sid * ZR, ZC)],
                                  sems[0]).wait()
            return 0

        if with_count:
            czbuf, cacc, ones_v = scr["czbuf"], scr["cacc"], scr["ones_v"]

            def czfill(i, _):
                czbuf[i, pl.ds(0, 16)] = zeros16
                return 0
            lax.fori_loop(0, ZC, czfill, 0)

            def ofill(i, _):
                ones_v[i, pl.ds(0, 16)] = ones16
                return 0
            lax.fori_loop(0, CH, ofill, 0)

            def czcopy(j, _):
                pltpu.sync_copy(czbuf, cacc.at[pl.ds(sid * ZR + j * ZC, ZC)])
                return 0
            lax.fori_loop(0, ZR // ZC, czcopy, 0)

        lax.fori_loop(0, ZR // ZC, zdrain, 0)
        for cp in idx_cp:
            cp.wait()
        for b in range(ahead):
            pltpu.async_copy(tbl.at[src_buf.at[b]], rows[b], semg[b])
        plsc.subcore_barrier()

        def step(i, _):
            for b in range(nbuf):
                c = i * nbuf + b
                pltpu.make_async_copy(tbl.at[src_buf.at[0]], rows[b],
                                      semg[b]).wait()
                pltpu.async_copy(rows[b], acc.at[dst_buf.at[c]], sems[b],
                                 add=True)
                if with_count:
                    @pl.when((c < CR // 2) == is_c0)
                    def _():
                        pltpu.sync_copy(scr["ones_v"],
                                        scr["cacc"].at[dst_buf.at[c]],
                                        add=True)
                c2 = c + ahead
                b2 = (b + ahead) % nbuf

                @pl.when(c2 < CR)
                def _():
                    @pl.when(c2 >= nbuf)
                    def _():
                        pltpu.make_async_copy(
                            rows[b2], acc.at[dst_buf.at[0]],
                            sems[b2]).wait()
                    pltpu.async_copy(tbl.at[src_buf.at[c2]], rows[b2],
                                     semg[b2])
            return 0
        lax.fori_loop(0, CR // nbuf, step, 0)

        for b in range(nbuf):
            pltpu.make_async_copy(rows[b], acc.at[dst_buf.at[0]],
                                  sems[b]).wait()

        plsc.subcore_barrier()

        pltpu.sync_copy(acc.at[pl.ds(sid * ZR, ZR)],
                        out_hbm.at[cid, pl.ds(sid * ZR, ZR)])
        if with_count:
            pltpu.sync_copy(scr["cacc"].at[pl.ds(sid * ZR, ZR)],
                            outs[1].at[cid, pl.ds(sid * ZR, ZR)])

    fn = pl.kernel(body, out_type=tuple(out_type), mesh=mesh,
                   scratch_types=scratch,
                   compiler_params=pltpu.CompilerParams(
                       use_tc_tiling_on_sc=False))
    return fn(ph, src2d, dst2d)


def _tc_pre(x, wt):
    n, k = x.shape
    m = wt.shape[1]
    m2 = m // 2

    def body(x_ref, w_ref, o_ref):
        p = jnp.dot(x_ref[...], w_ref[...],
                    preferred_element_type=jnp.float32)
        o_ref[0] = p[:, :m2]
        o_ref[1] = p[:, m2:]

    return pl.pallas_call(
        body,
        grid=(n // ROWBLK,),
        in_specs=[
            pl.BlockSpec((ROWBLK, k), lambda i: (i, 0)),
            pl.BlockSpec((k, m), lambda i: (0, 0)),
        ],
        out_specs=pl.BlockSpec((NC, ROWBLK, m2), lambda i: (0, i, 0)),
        out_shape=jax.ShapeDtypeStruct((NC, n, m2), jnp.float32),
    )(x, wt)


def _tc_post(agg, cnt, h_in, wrt, bl, wlnt):
    n, d_in = h_in.shape
    d = wrt.shape[1]
    d2 = d // 2
    dn = wlnt.shape[1]
    dn2 = dn // 2

    def body(a_ref, c_ref, h_ref, wr_ref, bl_ref, wl_ref, ho_ref, po_ref):
        c = c_ref[0, :, 0:1] + c_ref[1, :, 0:1]
        inv = 1.0 / jnp.maximum(c, 1.0)
        root = jnp.dot(h_ref[...], wr_ref[...],
                       preferred_element_type=jnp.float32)
        a = jnp.concatenate([a_ref[0], a_ref[1]], axis=1)
        h = jnp.maximum(a * inv + bl_ref[...] + root, 0.0)
        ho_ref[...] = h
        p = jnp.dot(h, wl_ref[...], preferred_element_type=jnp.float32)
        po_ref[0] = p[:, :dn2]
        po_ref[1] = p[:, dn2:]

    return pl.pallas_call(
        body,
        grid=(n // ROWBLK,),
        in_specs=[
            pl.BlockSpec((NC, ROWBLK, d2), lambda i: (0, i, 0)),
            pl.BlockSpec((NC, ROWBLK, CW), lambda i: (0, i, 0)),
            pl.BlockSpec((ROWBLK, d_in), lambda i: (i, 0)),
            pl.BlockSpec((d_in, d), lambda i: (0, 0)),
            pl.BlockSpec((1, d), lambda i: (0, 0)),
            pl.BlockSpec((d, dn), lambda i: (0, 0)),
        ],
        out_specs=[
            pl.BlockSpec((ROWBLK, d), lambda i: (i, 0)),
            pl.BlockSpec((NC, ROWBLK, dn2), lambda i: (0, i, 0)),
        ],
        out_shape=[
            jax.ShapeDtypeStruct((n, d), jnp.float32),
            jax.ShapeDtypeStruct((NC, n, dn2), jnp.float32),
        ],
    )(agg, cnt, h_in, wrt, bl, wlnt)


def _tc_final(agg, cnt, h_in, wrt, bl, wct, bc):
    n, d_in = h_in.shape
    d = wrt.shape[1]
    d2 = d // 2
    m = wct.shape[1]

    def body(a_ref, c_ref, h_ref, wr_ref, bl_ref, wc_ref, bc_ref, o_ref):
        c = c_ref[0, :, 0:1] + c_ref[1, :, 0:1]
        inv = 1.0 / jnp.maximum(c, 1.0)
        root = jnp.dot(h_ref[...], wr_ref[...],
                       preferred_element_type=jnp.float32)
        a = jnp.concatenate([a_ref[0], a_ref[1]], axis=1)
        h = jnp.maximum(a * inv + bl_ref[...] + root, 0.0)
        o_ref[...] = jnp.dot(h, wc_ref[...],
                             preferred_element_type=jnp.float32) + bc_ref[...]

    return pl.pallas_call(
        body,
        grid=(n // ROWBLK,),
        in_specs=[
            pl.BlockSpec((NC, ROWBLK, d2), lambda i: (0, i, 0)),
            pl.BlockSpec((NC, ROWBLK, CW), lambda i: (0, i, 0)),
            pl.BlockSpec((ROWBLK, d_in), lambda i: (i, 0)),
            pl.BlockSpec((d_in, d), lambda i: (0, 0)),
            pl.BlockSpec((1, d), lambda i: (0, 0)),
            pl.BlockSpec((d, m), lambda i: (0, 0)),
            pl.BlockSpec((1, m), lambda i: (0, 0)),
        ],
        out_specs=pl.BlockSpec((ROWBLK, m), lambda i: (i, 0)),
        out_shape=jax.ShapeDtypeStruct((n, m), jnp.float32),
    )(agg, cnt, h_in, wrt, bl, wct, bc)


@jax.jit
def kernel(x, edge_index, Wl1, bl1, Wr1, Wl2, bl2, Wr2, Wl3, bl3, Wr3,
           Wc, bc):
    pad_s = jnp.zeros((EPAD - E,), jnp.int32)
    pad_d = jnp.full((EPAD - E,), DUMP, jnp.int32)
    src2d = jnp.concatenate([edge_index[0], pad_s]).reshape(EROWS, CH)
    dst2d = jnp.concatenate([edge_index[1], pad_d]).reshape(EROWS, CH)

    p1 = _tc_pre(x, Wl1.T)
    agg1, cnt = _sc_pass(p1, src2d, dst2d, True)
    h1, p2 = _tc_post(agg1, cnt, x, Wr1.T, bl1.reshape(1, -1), Wl2.T)
    agg2, = _sc_pass(p2, src2d, dst2d, False)
    h2, p3 = _tc_post(agg2, cnt, h1, Wr2.T, bl2.reshape(1, -1), Wl3.T)
    agg3, = _sc_pass(p3, src2d, dst2d, False)
    return _tc_final(agg3, cnt, h2, Wr3.T, bl3.reshape(1, -1), Wc.T,
                     bc.reshape(1, -1))

# --- scband reference (transcript-rebuilt; emitter-appended) ---
"""Pipeline reference for scband-fraud-gnn-21492016349642 (READ-ONLY COPY).

The authoritative reference and input builder live on the scoring server;
editing this copy changes nothing except your own understanding.
"""

import jax, jax.numpy as jnp
import numpy as np

N = 10000
E = 320000
D_IN = 128


def _init_linear(key, out_dim, in_dim):
    scale = 1.0 / np.sqrt(in_dim)
    return jax.random.uniform(key, (out_dim, in_dim), jnp.float32, -scale, scale)


def setup_inputs(seed: int = 0) -> dict:
    key = jax.random.key(seed)
    ks = jax.random.split(key, 16)
    x = jax.random.normal(ks[0], (N, D_IN), dtype=jnp.float32)
    edge_index = jax.random.randint(ks[1], (2, E), 0, N, dtype=jnp.int32)
    # SAGEConv params: lin_l (neighbor agg, with bias) and lin_r (root, no bias)
    Wl1 = _init_linear(ks[2], 128, D_IN)
    bl1 = jnp.zeros((128,), jnp.float32)
    Wr1 = _init_linear(ks[3], 128, D_IN)
    Wl2 = _init_linear(ks[4], 64, 128)
    bl2 = jnp.zeros((64,), jnp.float32)
    Wr2 = _init_linear(ks[5], 64, 128)
    Wl3 = _init_linear(ks[6], 32, 64)
    bl3 = jnp.zeros((32,), jnp.float32)
    Wr3 = _init_linear(ks[7], 32, 64)
    Wc = _init_linear(ks[8], 2, 32)
    bc = jnp.zeros((2,), jnp.float32)
    return {"x": x, "edge_index": edge_index, "Wl1": Wl1, "bl1": bl1, "Wr1": Wr1,
            "Wl2": Wl2, "bl2": bl2, "Wr2": Wr2, "Wl3": Wl3, "bl3": bl3, "Wr3": Wr3,
            "Wc": Wc, "bc": bc}


def _sage_conv(x, edge_index, Wl, bl, Wr):
    # PyG SAGEConv with mean aggregation:
    # out = lin_l(mean_{j in N(i)} x_j) + lin_r(x_i)
    src = edge_index[0]
    dst = edge_index[1]
    msg = jnp.take(x, src, axis=0)
    agg = jax.ops.segment_sum(msg, dst, num_segments=N)
    cnt = jax.ops.segment_sum(jnp.ones((msg.shape[0], 1), x.dtype), dst, num_segments=N)
    mean = agg / jnp.maximum(cnt, 1.0)
    return mean @ Wl.T + bl + x @ Wr.T


def reference(x, edge_index, Wl1, bl1, Wr1, Wl2, bl2, Wr2, Wl3, bl3, Wr3, Wc, bc):
    # dropout is identity in eval mode (training=False)
    h = jax.nn.relu(_sage_conv(x, edge_index, Wl1, bl1, Wr1))
    h = jax.nn.relu(_sage_conv(h, edge_index, Wl2, bl2, Wr2))
    h = jax.nn.relu(_sage_conv(h, edge_index, Wl3, bl3, Wr3))
    return h @ Wc.T + bc

if __name__ == "__main__":
    import jax
    _d = setup_inputs()
    print(jax.jit(kernel)(*tuple(_d.values())))

</pallas_src>

<mosaic_0001>
#map = affine_map<(d0, d1) -> (0, 0, 0)>
#map1 = affine_map<(d0, d1) -> (0, 0)>
module attributes {stable_mosaic.version = 14 : i64} {
  func.func @body(%arg0: i32, %arg1: i32, %arg2: memref<2x10000x64xf32, #tpu.memory_space<hbm>>, %arg3: memref<2560x128xi32, #tpu.memory_space<hbm>>, %arg4: memref<2560x128xi32, #tpu.memory_space<hbm>>, %arg5: memref<2x10240x64xf32, #tpu.memory_space<hbm>>, %arg6: memref<2x10240x16xf32, #tpu.memory_space<hbm>>, %arg7: memref<10240x64xf32, #tpu.memory_space<vmem_shared>>, %arg8: memref<10240x16xf32, #tpu.memory_space<vmem_shared>>, %arg9: memref<32x16xf32, #tpu.memory_space<vmem>>, %arg10: memref<160x128xi32, #tpu.memory_space<vmem>>, %arg11: memref<128x16xf32, #tpu.memory_space<vmem>>, %arg12: memref<128x64xf32, #tpu.memory_space<vmem>>, %arg13: memref<128x64xf32, #tpu.memory_space<vmem>>, %arg14: memref<128x64xf32, #tpu.memory_space<vmem>>, %arg15: memref<128x64xf32, #tpu.memory_space<vmem>>, %arg16: memref<!tpu.dma_semaphore, #tpu.memory_space<semaphore_mem>>, %arg17: memref<!tpu.dma_semaphore, #tpu.memory_space<semaphore_mem>>, %arg18: memref<!tpu.dma_semaphore, #tpu.memory_space<semaphore_mem>>, %arg19: memref<!tpu.dma_semaphore, #tpu.memory_space<semaphore_mem>>, %arg20: memref<!tpu.dma_semaphore, #tpu.memory_space<semaphore_mem>>, %arg21: memref<!tpu.dma_semaphore, #tpu.memory_space<semaphore_mem>>, %arg22: memref<!tpu.dma_semaphore, #tpu.memory_space<semaphore_mem>>, %arg23: memref<!tpu.dma_semaphore, #tpu.memory_space<semaphore_mem>>, %arg24: memref<160x128xi32, #tpu.memory_space<vmem>>, %arg25: memref<32x64xf32, #tpu.memory_space<vmem>>) attributes {dimension_semantics = [#tpu.dimension_semantics<core_parallel>, #tpu.dimension_semantics<subcore_parallel>], iteration_bounds = array<i64: 2, 16>, scalar_prefetch = 0 : i64, scratch_operands = 19 : i64, tpu.core_type = #tpu.core_type<sc_vector_subcore>, window_params = [{transform_indices = #map}, {transform_indices = #map1}, {transform_indices = #map1}, {transform_indices = #map}, {transform_indices = #map}]} {
    %eq3A = arith.constant 0 : i32
    %eq3A_0 = arith.cmpi eq, %arg0, %eq3A : i32
    %mul3A = arith.constant 160 : i32
    %mul3A_1 = arith.muli %arg1, %mul3A : i32
    %dma_start3A = arith.constant 0 : i32
    %dma_start3A_2 = tpu.memref_slice %arg3[%mul3A_1, %dma_start3A] : memref<2560x128xi32, #tpu.memory_space<hbm>> -> memref<160x128xi32, #tpu.memory_space<hbm>>
    %dma_start3A_3 = arith.constant 0 : i32
    %dma_start3A_4 = tpu.memref_slice %arg3[%mul3A_1, %dma_start3A_3] : memref<2560x128xi32, #tpu.memory_space<hbm>> -> memref<160x128xi32, #tpu.memory_space<hbm>>
    tpu.enqueue_dma source(%dma_start3A_4 : memref<160x128xi32, #tpu.memory_space<hbm>>) target(%arg24 : memref<160x128xi32, #tpu.memory_space<vmem>>) target_semaphore(%arg16 : memref<!tpu.dma_semaphore, #tpu.memory_space<semaphore_mem>>)
    %mul3A_5 = arith.constant 160 : i32
    %mul3A_6 = arith.muli %arg1, %mul3A_5 : i32
    %dma_start3A_7 = arith.constant 0 : i32
    %dma_start3A_8 = tpu.memref_slice %arg4[%mul3A_6, %dma_start3A_7] : memref<2560x128xi32, #tpu.memory_space<hbm>> -> memref<160x128xi32, #tpu.memory_space<hbm>>
    %dma_start3A_9 = arith.constant 0 : i32
    %dma_start3A_10 = tpu.memref_slice %arg4[%mul3A_6, %dma_start3A_9] : memref<2560x128xi32, #tpu.memory_space<hbm>> -> memref<160x128xi32, #tpu.memory_space<hbm>>
    tpu.enqueue_dma source(%dma_start3A_10 : memref<160x128xi32, #tpu.memory_space<hbm>>) target(%arg10 : memref<160x128xi32, #tpu.memory_space<vmem>>) target_semaphore(%arg17 : memref<!tpu.dma_semaphore, #tpu.memory_space<semaphore_mem>>)
    %broadcast_in_dim3A = arith.constant 0.000000e+00 : f32
    %broadcast_in_dim3A_11 = vector.broadcast %broadcast_in_dim3A : f32 to vector<16xf32>
    %broadcast_in_dim3A_12 = arith.constant 1.000000e+00 : f32
    %broadcast_in_dim3A_13 = vector.broadcast %broadcast_in_dim3A_12 : f32 to vector<16xf32>
    %scan3A = arith.constant 0 : i32
    %scan3A_14 = arith.constant 0 : i32
    %scan3A_15 = arith.constant 128 : i32
    %scan3A_16 = arith.addi %scan3A_14, %scan3A_15 : i32
    %scan3A_17 = arith.constant 1 : i32
    %scan3A_18 = scf.for %scan3A_128 = %scan3A_14 to %scan3A_16 step %scan3A_17 iter_args(%scan3A_129 = %scan3A) -> (i32)  : i32 {
      %jit3A = arith.constant 4 : i32
      %div3A = arith.divsi %scan3A_128, %jit3A : i32
      %sign3A = arith.constant 0 : i32
      %sign3A_130 = arith.cmpi sgt, %scan3A_128, %sign3A : i32
      %sign3A_131 = arith.extui %sign3A_130 : i1 to i32
      %sign3A_132 = arith.constant 0 : i32
      %sign3A_133 = arith.cmpi slt, %scan3A_128, %sign3A_132 : i32
      %sign3A_134 = arith.extui %sign3A_133 : i1 to i32
      %sign3A_135 = arith.subi %sign3A_131, %sign3A_134 : i32
      %sign3A_136 = arith.constant 0 : i32
      %sign3A_137 = arith.cmpi sgt, %jit3A, %sign3A_136 : i32
      %sign3A_138 = arith.extui %sign3A_137 : i1 to i32
      %sign3A_139 = arith.constant 0 : i32
      %sign3A_140 = arith.cmpi slt, %jit3A, %sign3A_139 : i32
      %sign3A_141 = arith.extui %sign3A_140 : i1 to i32
      %sign3A_142 = arith.subi %sign3A_138, %sign3A_141 : i32
      %ne3A = arith.cmpi ne, %sign3A_135, %sign3A_142 : i32
      %rem3A = arith.remsi %scan3A_128, %jit3A : i32
      %ne3A_143 = arith.constant 0 : i32
      %ne3A_144 = arith.cmpi ne, %rem3A, %ne3A_143 : i32
      %and3A = arith.andi %ne3A, %ne3A_144 : i1
      %sub3A = arith.constant 1 : i32
      %sub3A_145 = arith.subi %div3A, %sub3A : i32
      %select_n3A = arith.select %and3A, %sub3A_145, %div3A : i32
      %jit3A_146 = arith.constant 4 : i32
      %eq3A_147 = arith.constant 0 : i32
      %eq3A_148 = arith.cmpi eq, %jit3A_146, %eq3A_147 : i32
      %jit3A_149 = arith.constant 1 : i32
      %select_n3A_150 = arith.select %eq3A_148, %jit3A_149, %jit3A_146 : i32
      %rem3A_151 = arith.remsi %scan3A_128, %select_n3A_150 : i32
      %ne3A_152 = arith.constant 0 : i32
      %ne3A_153 = arith.cmpi ne, %rem3A_151, %ne3A_152 : i32
      %lt3A = arith.constant 0 : i32
      %lt3A_154 = arith.cmpi slt, %rem3A_151, %lt3A : i32
      %lt3A_155 = arith.constant 0 : i32
      %lt3A_156 = arith.cmpi slt, %select_n3A_150, %lt3A_155 : i32
      %ne3A_157 = arith.xori %lt3A_154, %lt3A_156 : i1
      %and3A_158 = arith.andi %ne3A_157, %ne3A_153 : i1
      %add3A = arith.addi %rem3A_151, %select_n3A_150 : i32
      %select_n3A_159 = arith.select %and3A_158, %add3A, %rem3A_151 : i32
      %mul3A_160 = arith.constant 16 : i32
      %mul3A_161 = arith.muli %select_n3A_159, %mul3A_160 : i32
      %swap3A = arith.index_cast %select_n3A : i32 to index
      %swap3A_162 = arith.index_cast %mul3A_161 : i32 to index
      %swap3A_163 = tpu.vector_load %arg25[%swap3A, %swap3A_162] {strides = array<i32>} : memref<32x64xf32, #tpu.memory_space<vmem>>, vector<1x16xf32>,
      %swap3A_164 = vector.shape_cast %swap3A_163 : vector<1x16xf32> to vector<16xf32>
      %swap3A_165 = vector.shape_cast %broadcast_in_dim3A_11 : vector<16xf32> to vector<1x16xf32>
      tpu.vector_store %arg25[%swap3A, %swap3A_162], %swap3A_165 {strides = array<i32>} : memref<32x64xf32, #tpu.memory_space<vmem>>, vector<1x16xf32>,
      %scan3A_166 = arith.constant 0 : i32
      scf.yield %scan3A_166 : i32
    }
    %scan3A_19 = arith.constant 128 : i32
    %scan3A_20 = arith.constant 0 : i32
    %scan3A_21 = arith.constant 0 : i32
    %scan3A_22 = arith.constant 20 : i32
    %scan3A_23 = arith.addi %scan3A_21, %scan3A_22 : i32
    %scan3A_24 = arith.constant 1 : i32
    %scan3A_25 = scf.for %scan3A_128 = %scan3A_21 to %scan3A_23 step %scan3A_24 iter_args(%scan3A_129 = %scan3A_20) -> (i32)  : i32 {
      %mul3A_130 = arith.constant 640 : i32
      %mul3A_131 = arith.muli %arg1, %mul3A_130 : i32
      %mul3A_132 = arith.constant 32 : i32
      %mul3A_133 = arith.muli %scan3A_128, %mul3A_132 : i32
      %add3A = arith.addi %mul3A_131, %mul3A_133 : i32
      %dma_start3A_134 = arith.constant 0 : i32
      %dma_start3A_135 = tpu.memref_slice %arg7[%add3A, %dma_start3A_134] : memref<10240x64xf32, #tpu.memory_space<vmem_shared>> -> memref<32x64xf32, #tpu.memory_space<vmem_shared>>
      %dma_start3A_136 = arith.constant 0 : i32
      %dma_start3A_137 = tpu.memref_slice %arg7[%add3A, %dma_start3A_136] : memref<10240x64xf32, #tpu.memory_space<vmem_shared>> -> memref<32x64xf32, #tpu.memory_space<vmem_shared>>
      tpu.enqueue_dma source(%arg25 : memref<32x64xf32, #tpu.memory_space<vmem>>) target(%dma_start3A_137 : memref<32x64xf32, #tpu.memory_space<vmem_shared>>) target_semaphore(%arg20 : memref<!tpu.dma_semaphore, #tpu.memory_space<semaphore_mem>>)
      %scan3A_138 = arith.constant 0 : i32
      scf.yield %scan3A_138 : i32
    }
    %scan3A_26 = arith.constant 20 : i32
    %scan3A_27 = arith.constant 0 : i32
    %scan3A_28 = arith.constant 0 : i32
    %scan3A_29 = arith.constant 32 : i32
    %scan3A_30 = arith.addi %scan3A_28, %scan3A_29 : i32
    %scan3A_31 = arith.constant 1 : i32
    %scan3A_32 = scf.for %scan3A_128 = %scan3A_28 to %scan3A_30 step %scan3A_31 iter_args(%scan3A_129 = %scan3A_27) -> (i32)  : i32 {
      %swap3A = arith.index_cast %scan3A_128 : i32 to index
      %swap3A_130 = arith.constant 0 : index
      %swap3A_131 = tpu.vector_load %arg9[%swap3A, %swap3A_130] {strides = array<i32>} : memref<32x16xf32, #tpu.memory_space<vmem>>, vector<1x16xf32>,
      %swap3A_132 = vector.shape_cast %swap3A_131 : vector<1x16xf32> to vector<16xf32>
      %swap3A_133 = vector.shape_cast %broadcast_in_dim3A_11 : vector<16xf32> to vector<1x16xf32>
      tpu.vector_store %arg9[%swap3A, %swap3A_130], %swap3A_133 {strides = array<i32>} : memref<32x16xf32, #tpu.memory_space<vmem>>, vector<1x16xf32>,
      %scan3A_134 = arith.constant 0 : i32
      scf.yield %scan3A_134 : i32
    }
    %scan3A_33 = arith.constant 32 : i32
    %scan3A_34 = arith.constant 0 : i32
    %scan3A_35 = arith.constant 0 : i32
    %scan3A_36 = arith.constant 128 : i32
    %scan3A_37 = arith.addi %scan3A_35, %scan3A_36 : i32
    %scan3A_38 = arith.constant 1 : i32
    %scan3A_39 = scf.for %scan3A_128 = %scan3A_35 to %scan3A_37 step %scan3A_38 iter_args(%scan3A_129 = %scan3A_34) -> (i32)  : i32 {
      %swap3A = arith.index_cast %scan3A_128 : i32 to index
      %swap3A_130 = arith.constant 0 : index
      %swap3A_131 = tpu.vector_load %arg11[%swap3A, %swap3A_130] {strides = array<i32>} : memref<128x16xf32, #tpu.memory_space<vmem>>, vector<1x16xf32>,
      %swap3A_132 = vector.shape_cast %swap3A_131 : vector<1x16xf32> to vector<16xf32>
      %swap3A_133 = vector.shape_cast %broadcast_in_dim3A_13 : vector<16xf32> to vector<1x16xf32>
      tpu.vector_store %arg11[%swap3A, %swap3A_130], %swap3A_133 {strides = array<i32>} : memref<128x16xf32, #tpu.memory_space<vmem>>, vector<1x16xf32>,
      %scan3A_134 = arith.constant 0 : i32
      scf.yield %scan3A_134 : i32
    }
    %scan3A_40 = arith.constant 128 : i32
    %scan3A_41 = arith.constant 0 : i32
    %scan3A_42 = arith.constant 0 : i32
    %scan3A_43 = arith.constant 20 : i32
    %scan3A_44 = arith.addi %scan3A_42, %scan3A_43 : i32
    %scan3A_45 = arith.constant 1 : i32
    %scan3A_46 = scf.for %scan3A_128 = %scan3A_42 to %scan3A_44 step %scan3A_45 iter_args(%scan3A_129 = %scan3A_41) -> (i32)  : i32 {
      %mul3A_130 = arith.constant 640 : i32
      %mul3A_131 = arith.muli %arg1, %mul3A_130 : i32
      %mul3A_132 = arith.constant 32 : i32
      %mul3A_133 = arith.muli %scan3A_128, %mul3A_132 : i32
      %add3A = arith.addi %mul3A_131, %mul3A_133 : i32
      "tpu.region"() ({
        %run_scoped3A = tpu.sem_alloc : memref<!tpu.dma_semaphore, #tpu.memory_space<semaphore_mem>>
        %dma_start3A_135 = arith.constant 0 : i32
        %dma_start3A_136 = tpu.memref_slice %arg8[%add3A, %dma_start3A_135] : memref<10240x16xf32, #tpu.memory_space<vmem_shared>> -> memref<32x16xf32, #tpu.memory_space<vmem_shared>>
        %dma_start3A_137 = arith.constant 0 : i32
        %dma_start3A_138 = tpu.memref_slice %arg8[%add3A, %dma_start3A_137] : memref<10240x16xf32, #tpu.memory_space<vmem_shared>> -> memref<32x16xf32, #tpu.memory_space<vmem_shared>>
        tpu.enqueue_dma source(%arg9 : memref<32x16xf32, #tpu.memory_space<vmem>>) target(%dma_start3A_138 : memref<32x16xf32, #tpu.memory_space<vmem_shared>>) target_semaphore(%run_scoped3A : memref<!tpu.dma_semaphore, #tpu.memory_space<semaphore_mem>>)
        %dma_wait3A_139 = arith.constant 0 : i32
        %dma_wait3A_140 = tpu.memref_slice %arg8[%add3A, %dma_wait3A_139] : memref<10240x16xf32, #tpu.memory_space<vmem_shared>> -> memref<32x16xf32, #tpu.memory_space<vmem_shared>>
        %dma_wait3A_141 = arith.constant 0 : i32
        %dma_wait3A_142 = tpu.memref_slice %arg8[%add3A, %dma_wait3A_141] : memref<10240x16xf32, #tpu.memory_space<vmem_shared>> -> memref<32x16xf32, #tpu.memory_space<vmem_shared>>
        tpu.wait_dma2 semaphore(%run_scoped3A : memref<!tpu.dma_semaphore, #tpu.memory_space<semaphore_mem>>) src(%arg9 : memref<32x16xf32, #tpu.memory_space<vmem>>) dst(%dma_wait3A_142 : memref<32x16xf32, #tpu.memory_space<vmem_shared>>)
        tpu.yield
      }) : () -> ()
      %scan3A_134 = arith.constant 0 : i32
      scf.yield %scan3A_134 : i32
    }
    %scan3A_47 = arith.constant 20 : i32
    %scan3A_48 = arith.constant 0 : i32
    %scan3A_49 = arith.constant 0 : i32
    %scan3A_50 = arith.constant 20 : i32
    %scan3A_51 = arith.addi %scan3A_49, %scan3A_50 : i32
    %scan3A_52 = arith.constant 1 : i32
    %scan3A_53 = scf.for %scan3A_128 = %scan3A_49 to %scan3A_51 step %scan3A_52 iter_args(%scan3A_129 = %scan3A_48) -> (i32)  : i32 {
      %mul3A_130 = arith.constant 640 : i32
      %mul3A_131 = arith.muli %arg1, %mul3A_130 : i32
      %dma_wait3A_132 = arith.constant 0 : i32
      %dma_wait3A_133 = tpu.memref_slice %arg7[%mul3A_131, %dma_wait3A_132] : memref<10240x64xf32, #tpu.memory_space<vmem_shared>> -> memref<32x64xf32, #tpu.memory_space<vmem_shared>>
      %dma_wait3A_134 = arith.constant 0 : i32
      %dma_wait3A_135 = tpu.memref_slice %arg7[%mul3A_131, %dma_wait3A_134] : memref<10240x64xf32, #tpu.memory_space<vmem_shared>> -> memref<32x64xf32, #tpu.memory_space<vmem_shared>>
      tpu.wait_dma2 semaphore(%arg20 : memref<!tpu.dma_semaphore, #tpu.memory_space<semaphore_mem>>) src(%arg25 : memref<32x64xf32, #tpu.memory_space<vmem>>) dst(%dma_wait3A_135 : memref<32x64xf32, #tpu.memory_space<vmem_shared>>)
      %scan3A_136 = arith.constant 0 : i32
      scf.yield %scan3A_136 : i32
    }
    %scan3A_54 = arith.constant 20 : i32
    %dma_wait3A = arith.constant 0 : i32
    %dma_wait3A_55 = tpu.memref_slice %arg3[%mul3A_1, %dma_wait3A] : memref<2560x128xi32, #tpu.memory_space<hbm>> -> memref<160x128xi32, #tpu.memory_space<hbm>>
    %dma_wait3A_56 = arith.constant 0 : i32
    %dma_wait3A_57 = tpu.memref_slice %arg3[%mul3A_1, %dma_wait3A_56] : memref<2560x128xi32, #tpu.memory_space<hbm>> -> memref<160x128xi32, #tpu.memory_space<hbm>>
    tpu.wait_dma2 semaphore(%arg16 : memref<!tpu.dma_semaphore, #tpu.memory_space<semaphore_mem>>) src(%dma_wait3A_57 : memref<160x128xi32, #tpu.memory_space<hbm>>) dst(%arg24 : memref<160x128xi32, #tpu.memory_space<vmem>>)
    %dma_wait3A_58 = arith.constant 0 : i32
    %dma_wait3A_59 = tpu.memref_slice %arg4[%mul3A_6, %dma_wait3A_58] : memref<2560x128xi32, #tpu.memory_space<hbm>> -> memref<160x128xi32, #tpu.memory_space<hbm>>
    %dma_wait3A_60 = arith.constant 0 : i32
    %dma_wait3A_61 = tpu.memref_slice %arg4[%mul3A_6, %dma_wait3A_60] : memref<2560x128xi32, #tpu.memory_space<hbm>> -> memref<160x128xi32, #tpu.memory_space<hbm>>
    tpu.wait_dma2 semaphore(%arg17 : memref<!tpu.dma_semaphore, #tpu.memory_space<semaphore_mem>>) src(%dma_wait3A_61 : memref<160x128xi32, #tpu.memory_space<hbm>>) dst(%arg10 : memref<160x128xi32, #tpu.memory_space<vmem>>)
    %dma_start3A_62 = arith.constant 0 : i32
    %dma_start3A_63 = arith.constant 0 : i32
    %dma_start3A_64 = tpu.memref_slice %arg24[%dma_start3A_62, %dma_start3A_63] : memref<160x128xi32, #tpu.memory_space<vmem>> -> memref<1x128xi32, #tpu.memory_space<vmem>>
    %dma_start3A_65 = tpu.memref_squeeze %dma_start3A_64 : memref<1x128xi32, #tpu.memory_space<vmem>> -> memref<128xi32, #tpu.memory_space<vmem>>
    %dma_start3A_66 = arith.constant 0 : i32
    %dma_start3A_67 = arith.constant 0 : i32
    %dma_start3A_68 = tpu.memref_slice %arg2[%arg0, %dma_start3A_66, %dma_start3A_67] : memref<2x10000x64xf32, #tpu.memory_space<hbm>> -> memref<1x10000x64xf32, #tpu.memory_space<hbm>>
    %dma_start3A_69 = tpu.memref_squeeze %dma_start3A_68 : memref<1x10000x64xf32, #tpu.memory_space<hbm>> -> memref<10000x64xf32, #tpu.memory_space<hbm>>
    %dma_start3A_70 = arith.constant 0 : i32
    %dma_start3A_71 = arith.constant 0 : i32
    %dma_start3A_72 = tpu.memref_slice %dma_start3A_69[%dma_start3A_70, %dma_start3A_71] : memref<10000x64xf32, #tpu.memory_space<hbm>> -> memref<10000x64xf32, #tpu.memory_space<hbm>>
    tpu.enqueue_indirect_dma source(%dma_start3A_72 : memref<10000x64xf32, #tpu.memory_space<hbm>>) target(%arg12 : memref<128x64xf32, #tpu.memory_space<vmem>>) offsets(%dma_start3A_65 : memref<128xi32, #tpu.memory_space<vmem>>) semaphore(%arg16 : memref<!tpu.dma_semaphore, #tpu.memory_space<semaphore_mem>>)
    %dma_start3A_73 = arith.constant 1 : i32
    %dma_start3A_74 = arith.constant 0 : i32
    %dma_start3A_75 = tpu.memref_slice %arg24[%dma_start3A_73, %dma_start3A_74] : memref<160x128xi32, #tpu.memory_space<vmem>> -> memref<1x128xi32, #tpu.memory_space<vmem>>
    %dma_start3A_76 = tpu.memref_squeeze %dma_start3A_75 : memref<1x128xi32, #tpu.memory_space<vmem>> -> memref<128xi32, #tpu.memory_space<vmem>>
    %dma_start3A_77 = arith.constant 0 : i32
    %dma_start3A_78 = arith.constant 0 : i32
    %dma_start3A_79 = tpu.memref_slice %arg2[%arg0, %dma_start3A_77, %dma_start3A_78] : memref<2x10000x64xf32, #tpu.memory_space<hbm>> -> memref<1x10000x64xf32, #tpu.memory_space<hbm>>
    %dma_start3A_80 = tpu.memref_squeeze %dma_start3A_79 : memref<1x10000x64xf32, #tpu.memory_space<hbm>> -> memref<10000x64xf32, #tpu.memory_space<hbm>>
    %dma_start3A_81 = arith.constant 0 : i32
    %dma_start3A_82 = arith.constant 0 : i32
    %dma_start3A_83 = tpu.memref_slice %dma_start3A_80[%dma_start3A_81, %dma_start3A_82] : memref<10000x64xf32, #tpu.memory_space<hbm>> -> memref<10000x64xf32, #tpu.memory_space<hbm>>
    tpu.enqueue_indirect_dma source(%dma_start3A_83 : memref<10000x64xf32, #tpu.memory_space<hbm>>) target(%arg13 : memref<128x64xf32, #tpu.memory_space<vmem>>) offsets(%dma_start3A_76 : memref<128xi32, #tpu.memory_space<vmem>>) semaphore(%arg17 : memref<!tpu.dma_semaphore, #tpu.memory_space<semaphore_mem>>)
    %barrier3A = arith.constant 0 : index
    tpu.barrier barrier_id(%barrier3A)
    %scan3A_84 = arith.constant 0 : i32
    %scan3A_85 = arith.constant 0 : i32
    %scan3A_86 = arith.constant 40 : i32
    %scan3A_87 = arith.addi %scan3A_85, %scan3A_86 : i32
    %scan3A_88 = arith.constant 1 : i32
    %scan3A_89 = scf.for %scan3A_128 = %scan3A_85 to %scan3A_87 step %scan3A_88 iter_args(%scan3A_129 = %scan3A_84) -> (i32)  : i32 {
      %mul3A_130 = arith.constant 4 : i32
      %mul3A_131 = arith.muli %scan3A_128, %mul3A_130 : i32
      %add3A = arith.constant 0 : i32
      %add3A_132 = arith.addi %mul3A_131, %add3A : i32
      %dma_wait3A_133 = arith.constant 0 : i32
      %dma_wait3A_134 = arith.constant 0 : i32
      %dma_wait3A_135 = tpu.memref_slice %arg24[%dma_wait3A_133, %dma_wait3A_134] : memref<160x128xi32, #tpu.memory_space<vmem>> -> memref<1x128xi32, #tpu.memory_space<vmem>>
      %dma_wait3A_136 = tpu.memref_squeeze %dma_wait3A_135 : memref<1x128xi32, #tpu.memory_space<vmem>> -> memref<128xi32, #tpu.memory_space<vmem>>
      %dma_wait3A_137 = arith.constant 0 : i32
      %dma_wait3A_138 = arith.constant 0 : i32
      %dma_wait3A_139 = tpu.memref_slice %arg2[%arg0, %dma_wait3A_137, %dma_wait3A_138] : memref<2x10000x64xf32, #tpu.memory_space<hbm>> -> memref<1x10000x64xf32, #tpu.memory_space<hbm>>
      %dma_wait3A_140 = tpu.memref_squeeze %dma_wait3A_139 : memref<1x10000x64xf32, #tpu.memory_space<hbm>> -> memref<10000x64xf32, #tpu.memory_space<hbm>>
      %dma_wait3A_141 = arith.constant 0 : i32
      %dma_wait3A_142 = arith.constant 0 : i32
      %dma_wait3A_143 = tpu.memref_slice %dma_wait3A_140[%dma_wait3A_141, %dma_wait3A_142] : memref<10000x64xf32, #tpu.memory_space<hbm>> -> memref<10000x64xf32, #tpu.memory_space<hbm>>
      tpu.wait_indirect_dma semaphore(%arg16 : memref<!tpu.dma_semaphore, #tpu.memory_space<semaphore_mem>>) src(%dma_wait3A_143 : memref<10000x64xf32, #tpu.memory_space<hbm>>) dst(%arg12 : memref<128x64xf32, #tpu.memory_space<vmem>>)
      %dma_start3A_144 = arith.constant 0 : i32
      %dma_start3A_145 = tpu.memref_slice %arg10[%add3A_132, %dma_start3A_144] : memref<160x128xi32, #tpu.memory_space<vmem>> -> memref<1x128xi32, #tpu.memory_space<vmem>>
      %dma_start3A_146 = tpu.memref_squeeze %dma_start3A_145 : memref<1x128xi32, #tpu.memory_space<vmem>> -> memref<128xi32, #tpu.memory_space<vmem>>
      %dma_start3A_147 = arith.constant 0 : i32
      %dma_start3A_148 = arith.constant 0 : i32
      %dma_start3A_149 = tpu.memref_slice %arg7[%dma_start3A_147, %dma_start3A_148] : memref<10240x64xf32, #tpu.memory_space<vmem_shared>> -> memref<10240x64xf32, #tpu.memory_space<vmem_shared>>
      tpu.enqueue_indirect_dma source(%arg12 : memref<128x64xf32, #tpu.memory_space<vmem>>) target(%dma_start3A_149 : memref<10240x64xf32, #tpu.memory_space<vmem_shared>>) offsets(%dma_start3A_146 : memref<128xi32, #tpu.memory_space<vmem>>) semaphore(%arg20 : memref<!tpu.dma_semaphore, #tpu.memory_space<semaphore_mem>>) {add = true}
      %lt3A = arith.constant 80 : i32
      %lt3A_150 = arith.cmpi slt, %add3A_132, %lt3A : i32
      %eq3A_151 = arith.xori %lt3A_150, %eq3A_0 : i1
      %eq3A_152 = arith.constant true
      %eq3A_153 = arith.xori %eq3A_151, %eq3A_152 : i1
      %convert_element_type3A = arith.extui %eq3A_153 : i1 to i32
      %cond3A = arith.constant 0 : i32
      %cond3A_154 = arith.cmpi ne, %convert_element_type3A, %cond3A : i32
      scf.if %cond3A_154 {
        "tpu.region"() ({
          %run_scoped3A = tpu.sem_alloc : memref<!tpu.dma_semaphore, #tpu.memory_space<semaphore_mem>>
          %dma_start3A_271 = arith.constant 0 : i32
          %dma_start3A_272 = tpu.memref_slice %arg10[%add3A_132, %dma_start3A_271] : memref<160x128xi32, #tpu.memory_space<vmem>> -> memref<1x128xi32, #tpu.memory_space<vmem>>
          %dma_start3A_273 = tpu.memref_squeeze %dma_start3A_272 : memref<1x128xi32, #tpu.memory_space<vmem>> -> memref<128xi32, #tpu.memory_space<vmem>>
          %dma_start3A_274 = arith.constant 0 : i32
          %dma_start3A_275 = arith.constant 0 : i32
          %dma_start3A_276 = tpu.memref_slice %arg8[%dma_start3A_274, %dma_start3A_275] : memref<10240x16xf32, #tpu.memory_space<vmem_shared>> -> memref<10240x16xf32, #tpu.memory_space<vmem_shared>>
          tpu.enqueue_indirect_dma source(%arg11 : memref<128x16xf32, #tpu.memory_space<vmem>>) target(%dma_start3A_276 : memref<10240x16xf32, #tpu.memory_space<vmem_shared>>) offsets(%dma_start3A_273 : memref<128xi32, #tpu.memory_space<vmem>>) semaphore(%run_scoped3A : memref<!tpu.dma_semaphore, #tpu.memory_space<semaphore_mem>>) {add = true}
          %dma_wait3A_277 = arith.constant 0 : i32
          %dma_wait3A_278 = tpu.memref_slice %arg10[%add3A_132, %dma_wait3A_277] : memref<160x128xi32, #tpu.memory_space<vmem>> -> memref<1x128xi32, #tpu.memory_space<vmem>>
          %dma_wait3A_279 = tpu.memref_squeeze %dma_wait3A_278 : memref<1x128xi32, #tpu.memory_space<vmem>> -> memref<128xi32, #tpu.memory_space<vmem>>
          %dma_wait3A_280 = arith.constant 0 : i32
          %dma_wait3A_281 = arith.constant 0 : i32
          %dma_wait3A_282 = tpu.memref_slice %arg8[%dma_wait3A_280, %dma_wait3A_281] : memref<10240x16xf32, #tpu.memory_space<vmem_shared>> -> memref<10240x16xf32, #tpu.memory_space<vmem_shared>>
          tpu.wait_indirect_dma semaphore(%run_scoped3A : memref<!tpu.dma_semaphore, #tpu.memory_space<semaphore_mem>>) src(%arg11 : memref<128x16xf32, #tpu.memory_space<vmem>>) dst(%dma_wait3A_282 : memref<10240x16xf32, #tpu.memory_space<vmem_shared>>)
          tpu.yield
        }) : () -> ()
      } else {
      }
      %add3A_155 = arith.constant 2 : i32
      %add3A_156 = arith.addi %add3A_132, %add3A_155 : i32
      %lt3A_157 = arith.constant 160 : i32
      %lt3A_158 = arith.cmpi slt, %add3A_156, %lt3A_157 : i32
      %convert_element_type3A_159 = arith.extui %lt3A_158 : i1 to i32
      %cond3A_160 = arith.constant 0 : i32
      %cond3A_161 = arith.cmpi ne, %convert_element_type3A_159, %cond3A_160 : i32
      scf.if %cond3A_161 {
        %ge3A = arith.constant 4 : i32
        %ge3A_271 = arith.cmpi sge, %add3A_156, %ge3A : i32
        %convert_element_type3A_272 = arith.extui %ge3A_271 : i1 to i32
        %cond3A_273 = arith.constant 0 : i32
        %cond3A_274 = arith.cmpi ne, %convert_element_type3A_272, %cond3A_273 : i32
        scf.if %cond3A_274 {
          %dma_wait3A_285 = arith.constant 0 : i32
          %dma_wait3A_286 = arith.constant 0 : i32
          %dma_wait3A_287 = tpu.memref_slice %arg10[%dma_wait3A_285, %dma_wait3A_286] : memref<160x128xi32, #tpu.memory_space<vmem>> -> memref<1x128xi32, #tpu.memory_space<vmem>>
          %dma_wait3A_288 = tpu.memref_squeeze %dma_wait3A_287 : memref<1x128xi32, #tpu.memory_space<vmem>> -> memref<128xi32, #tpu.memory_space<vmem>>
          %dma_wait3A_289 = arith.constant 0 : i32
          %dma_wait3A_290 = arith.constant 0 : i32
          %dma_wait3A_291 = tpu.memref_slice %arg7[%dma_wait3A_289, %dma_wait3A_290] : memref<10240x64xf32, #tpu.memory_space<vmem_shared>> -> memref<10240x64xf32, #tpu.memory_space<vmem_shared>>
          tpu.wait_indirect_dma semaphore(%arg22 : memref<!tpu.dma_semaphore, #tpu.memory_space<semaphore_mem>>) src(%arg14 : memref<128x64xf32, #tpu.memory_space<vmem>>) dst(%dma_wait3A_291 : memref<10240x64xf32, #tpu.memory_space<vmem_shared>>)
        } else {
        }
        %dma_start3A_275 = arith.constant 0 : i32
        %dma_start3A_276 = tpu.memref_slice %arg24[%add3A_156, %dma_start3A_275] : memref<160x128xi32, #tpu.memory_space<vmem>> -> memref<1x128xi32, #tpu.memory_space<vmem>>
        %dma_start3A_277 = tpu.memref_squeeze %dma_start3A_276 : memref<1x128xi32, #tpu.memory_space<vmem>> -> memref<128xi32, #tpu.memory_space<vmem>>
        %dma_start3A_278 = arith.constant 0 : i32
        %dma_start3A_279 = arith.constant 0 : i32
        %dma_start3A_280 = tpu.memref_slice %arg2[%arg0, %dma_start3A_278, %dma_start3A_279] : memref<2x10000x64xf32, #tpu.memory_space<hbm>> -> memref<1x10000x64xf32, #tpu.memory_space<hbm>>
        %dma_start3A_281 = tpu.memref_squeeze %dma_start3A_280 : memref<1x10000x64xf32, #tpu.memory_space<hbm>> -> memref<10000x64xf32, #tpu.memory_space<hbm>>
        %dma_start3A_282 = arith.constant 0 : i32
        %dma_start3A_283 = arith.constant 0 : i32
        %dma_start3A_284 = tpu.memref_slice %dma_start3A_281[%dma_start3A_282, %dma_start3A_283] : memref<10000x64xf32, #tpu.memory_space<hbm>> -> memref<10000x64xf32, #tpu.memory_space<hbm>>
        tpu.enqueue_indirect_dma source(%dma_start3A_284 : memref<10000x64xf32, #tpu.memory_space<hbm>>) target(%arg14 : memref<128x64xf32, #tpu.memory_space<vmem>>) offsets(%dma_start3A_277 : memref<128xi32, #tpu.memory_space<vmem>>) semaphore(%arg18 : memref<!tpu.dma_semaphore, #tpu.memory_space<semaphore_mem>>)
      } else {
      }
      %mul3A_162 = arith.constant 4 : i32
      %mul3A_163 = arith.muli %scan3A_128, %mul3A_162 : i32
      %add3A_164 = arith.constant 1 : i32
      %add3A_165 = arith.addi %mul3A_163, %add3A_164 : i32
      %dma_wait3A_166 = arith.constant 0 : i32
      %dma_wait3A_167 = arith.constant 0 : i32
      %dma_wait3A_168 = tpu.memref_slice %arg24[%dma_wait3A_166, %dma_wait3A_167] : memref<160x128xi32, #tpu.memory_space<vmem>> -> memref<1x128xi32, #tpu.memory_space<vmem>>
      %dma_wait3A_169 = tpu.memref_squeeze %dma_wait3A_168 : memref<1x128xi32, #tpu.memory_space<vmem>> -> memref<128xi32, #tpu.memory_space<vmem>>
      %dma_wait3A_170 = arith.constant 0 : i32
      %dma_wait3A_171 = arith.constant 0 : i32
      %dma_wait3A_172 = tpu.memref_slice %arg2[%arg0, %dma_wait3A_170, %dma_wait3A_171] : memref<2x10000x64xf32, #tpu.memory_space<hbm>> -> memref<1x10000x64xf32, #tpu.memory_space<hbm>>
      %dma_wait3A_173 = tpu.memref_squeeze %dma_wait3A_172 : memref<1x10000x64xf32, #tpu.memory_space<hbm>> -> memref<10000x64xf32, #tpu.memory_space<hbm>>
      %dma_wait3A_174 = arith.constant 0 : i32
      %dma_wait3A_175 = arith.constant 0 : i32
      %dma_wait3A_176 = tpu.memref_slice %dma_wait3A_173[%dma_wait3A_174, %dma_wait3A_175] : memref<10000x64xf32, #tpu.memory_space<hbm>> -> memref<10000x64xf32, #tpu.memory_space<hbm>>
      tpu.wait_indirect_dma semaphore(%arg17 : memref<!tpu.dma_semaphore, #tpu.memory_space<semaphore_mem>>) src(%dma_wait3A_176 : memref<10000x64xf32, #tpu.memory_space<hbm>>) dst(%arg13 : memref<128x64xf32, #tpu.memory_space<vmem>>)
      %dma_start3A_177 = arith.constant 0 : i32
      %dma_start3A_178 = tpu.memref_slice %arg10[%add3A_165, %dma_start3A_177] : memref<160x128xi32, #tpu.memory_space<vmem>> -> memref<1x128xi32, #tpu.memory_space<vmem>>
      %dma_start3A_179 = tpu.memref_squeeze %dma_start3A_178 : memref<1x128xi32, #tpu.memory_space<vmem>> -> memref<128xi32, #tpu.memory_space<vmem>>
      %dma_start3A_180 = arith.constant 0 : i32
      %dma_start3A_181 = arith.constant 0 : i32
      %dma_start3A_182 = tpu.memref_slice %arg7[%dma_start3A_180, %dma_start3A_181] : memref<10240x64xf32, #tpu.memory_space<vmem_shared>> -> memref<10240x64xf32, #tpu.memory_space<vmem_shared>>
      tpu.enqueue_indirect_dma source(%arg13 : memref<128x64xf32, #tpu.memory_space<vmem>>) target(%dma_start3A_182 : memref<10240x64xf32, #tpu.memory_space<vmem_shared>>) offsets(%dma_start3A_179 : memref<128xi32, #tpu.memory_space<vmem>>) semaphore(%arg21 : memref<!tpu.dma_semaphore, #tpu.memory_space<semaphore_mem>>) {add = true}
      %lt3A_183 = arith.constant 80 : i32
      %lt3A_184 = arith.cmpi slt, %add3A_165, %lt3A_183 : i32
      %eq3A_185 = arith.xori %lt3A_184, %eq3A_0 : i1
      %eq3A_186 = arith.constant true
      %eq3A_187 = arith.xori %eq3A_185, %eq3A_186 : i1
      %convert_element_type3A_188 = arith.extui %eq3A_187 : i1 to i32
      %cond3A_189 = arith.constant 0 : i32
      %cond3A_190 = arith.cmpi ne, %convert_element_type3A_188, %cond3A_189 : i32
      scf.if %cond3A_190 {
        "tpu.region"() ({
          %run_scoped3A = tpu.sem_alloc : memref<!tpu.dma_semaphore, #tpu.memory_space<semaphore_mem>>
          %dma_start3A_271 = arith.constant 0 : i32
          %dma_start3A_272 = tpu.memref_slice %arg10[%add3A_165, %dma_start3A_271] : memref<160x128xi32, #tpu.memory_space<vmem>> -> memref<1x128xi32, #tpu.memory_space<vmem>>
          %dma_start3A_273 = tpu.memref_squeeze %dma_start3A_272 : memref<1x128xi32, #tpu.memory_space<vmem>> -> memref<128xi32, #tpu.memory_space<vmem>>
          %dma_start3A_274 = arith.constant 0 : i32
          %dma_start3A_275 = arith.constant 0 : i32
          %dma_start3A_276 = tpu.memref_slice %arg8[%dma_start3A_274, %dma_start3A_275] : memref<10240x16xf32, #tpu.memory_space<vmem_shared>> -> memref<10240x16xf32, #tpu.memory_space<vmem_shared>>
          tpu.enqueue_indirect_dma source(%arg11 : memref<128x16xf32, #tpu.memory_space<vmem>>) target(%dma_start3A_276 : memref<10240x16xf32, #tpu.memory_space<vmem_shared>>) offsets(%dma_start3A_273 : memref<128xi32, #tpu.memory_space<vmem>>) semaphore(%run_scoped3A : memref<!tpu.dma_semaphore, #tpu.memory_space<semaphore_mem>>) {add = true}
          %dma_wait3A_277 = arith.constant 0 : i32
          %dma_wait3A_278 = tpu.memref_slice %arg10[%add3A_165, %dma_wait3A_277] : memref<160x128xi32, #tpu.memory_space<vmem>> -> memref<1x128xi32, #tpu.memory_space<vmem>>
          %dma_wait3A_279 = tpu.memref_squeeze %dma_wait3A_278 : memref<1x128xi32, #tpu.memory_space<vmem>> -> memref<128xi32, #tpu.memory_space<vmem>>
          %dma_wait3A_280 = arith.constant 0 : i32
          %dma_wait3A_281 = arith.constant 0 : i32
          %dma_wait3A_282 = tpu.memref_slice %arg8[%dma_wait3A_280, %dma_wait3A_281] : memref<10240x16xf32, #tpu.memory_space<vmem_shared>> -> memref<10240x16xf32, #tpu.memory_space<vmem_shared>>
          tpu.wait_indirect_dma semaphore(%run_scoped3A : memref<!tpu.dma_semaphore, #tpu.memory_space<semaphore_mem>>) src(%arg11 : memref<128x16xf32, #tpu.memory_space<vmem>>) dst(%dma_wait3A_282 : memref<10240x16xf32, #tpu.memory_space<vmem_shared>>)
          tpu.yield
        }) : () -> ()
      } else {
      }
      %add3A_191 = arith.constant 2 : i32
      %add3A_192 = arith.addi %add3A_165, %add3A_191 : i32
      %lt3A_193 = arith.constant 160 : i32
      %lt3A_194 = arith.cmpi slt, %add3A_192, %lt3A_193 : i32
      %convert_element_type3A_195 = arith.extui %lt3A_194 : i1 to i32
      %cond3A_196 = arith.constant 0 : i32
      %cond3A_197 = arith.cmpi ne, %convert_element_type3A_195, %cond3A_196 : i32
      scf.if %cond3A_197 {
        %ge3A = arith.constant 4 : i32
        %ge3A_271 = arith.cmpi sge, %add3A_192, %ge3A : i32
        %convert_element_type3A_272 = arith.extui %ge3A_271 : i1 to i32
        %cond3A_273 = arith.constant 0 : i32
        %cond3A_274 = arith.cmpi ne, %convert_element_type3A_272, %cond3A_273 : i32
        scf.if %cond3A_274 {
          %dma_wait3A_285 = arith.constant 0 : i32
          %dma_wait3A_286 = arith.constant 0 : i32
          %dma_wait3A_287 = tpu.memref_slice %arg10[%dma_wait3A_285, %dma_wait3A_286] : memref<160x128xi32, #tpu.memory_space<vmem>> -> memref<1x128xi32, #tpu.memory_space<vmem>>
          %dma_wait3A_288 = tpu.memref_squeeze %dma_wait3A_287 : memref<1x128xi32, #tpu.memory_space<vmem>> -> memref<128xi32, #tpu.memory_space<vmem>>
          %dma_wait3A_289 = arith.constant 0 : i32
          %dma_wait3A_290 = arith.constant 0 : i32
          %dma_wait3A_291 = tpu.memref_slice %arg7[%dma_wait3A_289, %dma_wait3A_290] : memref<10240x64xf32, #tpu.memory_space<vmem_shared>> -> memref<10240x64xf32, #tpu.memory_space<vmem_shared>>
          tpu.wait_indirect_dma semaphore(%arg23 : memref<!tpu.dma_semaphore, #tpu.memory_space<semaphore_mem>>) src(%arg15 : memref<128x64xf32, #tpu.memory_space<vmem>>) dst(%dma_wait3A_291 : memref<10240x64xf32, #tpu.memory_space<vmem_shared>>)
        } else {
        }
        %dma_start3A_275 = arith.constant 0 : i32
        %dma_start3A_276 = tpu.memref_slice %arg24[%add3A_192, %dma_start3A_275] : memref<160x128xi32, #tpu.memory_space<vmem>> -> memref<1x128xi32, #tpu.memory_space<vmem>>
        %dma_start3A_277 = tpu.memref_squeeze %dma_start3A_276 : memref<1x128xi32, #tpu.memory_space<vmem>> -> memref<128xi32, #tpu.memory_space<vmem>>
        %dma_start3A_278 = arith.constant 0 : i32
        %dma_start3A_279 = arith.constant 0 : i32
        %dma_start3A_280 = tpu.memref_slice %arg2[%arg0, %dma_start3A_278, %dma_start3A_279] : memref<2x10000x64xf32, #tpu.memory_space<hbm>> -> memref<1x10000x64xf32, #tpu.memory_space<hbm>>
        %dma_start3A_281 = tpu.memref_squeeze %dma_start3A_280 : memref<1x10000x64xf32, #tpu.memory_space<hbm>> -> memref<10000x64xf32, #tpu.memory_space<hbm>>
        %dma_start3A_282 = arith.constant 0 : i32
        %dma_start3A_283 = arith.constant 0 : i32
        %dma_start3A_284 = tpu.memref_slice %dma_start3A_281[%dma_start3A_282, %dma_start3A_283] : memref<10000x64xf32, #tpu.memory_space<hbm>> -> memref<10000x64xf32, #tpu.memory_space<hbm>>
        tpu.enqueue_indirect_dma source(%dma_start3A_284 : memref<10000x64xf32, #tpu.memory_space<hbm>>) target(%arg15 : memref<128x64xf32, #tpu.memory_space<vmem>>) offsets(%dma_start3A_277 : memref<128xi32, #tpu.memory_space<vmem>>) semaphore(%arg19 : memref<!tpu.dma_semaphore, #tpu.memory_space<semaphore_mem>>)
      } else {
      }
      %mul3A_198 = arith.constant 4 : i32
      %mul3A_199 = arith.muli %scan3A_128, %mul3A_198 : i32
      %add3A_200 = arith.constant 2 : i32
      %add3A_201 = arith.addi %mul3A_199, %add3A_200 : i32
      %dma_wait3A_202 = arith.constant 0 : i32
      %dma_wait3A_203 = arith.constant 0 : i32
      %dma_wait3A_204 = tpu.memref_slice %arg24[%dma_wait3A_202, %dma_wait3A_203] : memref<160x128xi32, #tpu.memory_space<vmem>> -> memref<1x128xi32, #tpu.memory_space<vmem>>
      %dma_wait3A_205 = tpu.memref_squeeze %dma_wait3A_204 : memref<1x128xi32, #tpu.memory_space<vmem>> -> memref<128xi32, #tpu.memory_space<vmem>>
      %dma_wait3A_206 = arith.constant 0 : i32
      %dma_wait3A_207 = arith.constant 0 : i32
      %dma_wait3A_208 = tpu.memref_slice %arg2[%arg0, %dma_wait3A_206, %dma_wait3A_207] : memref<2x10000x64xf32, #tpu.memory_space<hbm>> -> memref<1x10000x64xf32, #tpu.memory_space<hbm>>
      %dma_wait3A_209 = tpu.memref_squeeze %dma_wait3A_208 : memref<1x10000x64xf32, #tpu.memory_space<hbm>> -> memref<10000x64xf32, #tpu.memory_space<hbm>>
      %dma_wait3A_210 = arith.constant 0 : i32
      %dma_wait3A_211 = arith.constant 0 : i32
      %dma_wait3A_212 = tpu.memref_slice %dma_wait3A_209[%dma_wait3A_210, %dma_wait3A_211] : memref<10000x64xf32, #tpu.memory_space<hbm>> -> memref<10000x64xf32, #tpu.memory_space<hbm>>
      tpu.wait_indirect_dma semaphore(%arg18 : memref<!tpu.dma_semaphore, #tpu.memory_space<semaphore_mem>>) src(%dma_wait3A_212 : memref<10000x64xf32, #tpu.memory_space<hbm>>) dst(%arg14 : memref<128x64xf32, #tpu.memory_space<vmem>>)
      %dma_start3A_213 = arith.constant 0 : i32
      %dma_start3A_214 = tpu.memref_slice %arg10[%add3A_201, %dma_start3A_213] : memref<160x128xi32, #tpu.memory_space<vmem>> -> memref<1x128xi32, #tpu.memory_space<vmem>>
      %dma_start3A_215 = tpu.memref_squeeze %dma_start3A_214 : memref<1x128xi32, #tpu.memory_space<vmem>> -> memref<128xi32, #tpu.memory_space<vmem>>
      %dma_start3A_216 = arith.constant 0 : i32
      %dma_start3A_217 = arith.constant 0 : i32
      %dma_start3A_218 = tpu.memref_slice %arg7[%dma_start3A_216, %dma_start3A_217] : memref<10240x64xf32, #tpu.memory_space<vmem_shared>> -> memref<10240x64xf32, #tpu.memory_space<vmem_shared>>
      tpu.enqueue_indirect_dma source(%arg14 : memref<128x64xf32, #tpu.memory_space<vmem>>) target(%dma_start3A_218 : memref<10240x64xf32, #tpu.memory_space<vmem_shared>>) offsets(%dma_start3A_215 : memref<128xi32, #tpu.memory_space<vmem>>) semaphore(%arg22 : memref<!tpu.dma_semaphore, #tpu.memory_space<semaphore_mem>>) {add = true}
      %lt3A_219 = arith.constant 80 : i32
      %lt3A_220 = arith.cmpi slt, %add3A_201, %lt3A_219 : i32
      %eq3A_221 = arith.xori %lt3A_220, %eq3A_0 : i1
      %eq3A_222 = arith.constant true
      %eq3A_223 = arith.xori %eq3A_221, %eq3A_222 : i1
      %convert_element_type3A_224 = arith.extui %eq3A_223 : i1 to i32
      %cond3A_225 = arith.constant 0 : i32
      %cond3A_226 = arith.cmpi ne, %convert_element_type3A_224, %cond3A_225 : i32
      scf.if %cond3A_226 {
        "tpu.region"() ({
          %run_scoped3A = tpu.sem_alloc : memref<!tpu.dma_semaphore, #tpu.memory_space<semaphore_mem>>
          %dma_start3A_271 = arith.constant 0 : i32
          %dma_start3A_272 = tpu.memref_slice %arg10[%add3A_201, %dma_start3A_271] : memref<160x128xi32, #tpu.memory_space<vmem>> -> memref<1x128xi32, #tpu.memory_space<vmem>>
          %dma_start3A_273 = tpu.memref_squeeze %dma_start3A_272 : memref<1x128xi32, #tpu.memory_space<vmem>> -> memref<128xi32, #tpu.memory_space<vmem>>
          %dma_start3A_274 = arith.constant 0 : i32
          %dma_start3A_275 = arith.constant 0 : i32
          %dma_start3A_276 = tpu.memref_slice %arg8[%dma_start3A_274, %dma_start3A_275] : memref<10240x16xf32, #tpu.memory_space<vmem_shared>> -> memref<10240x16xf32, #tpu.memory_space<vmem_shared>>
          tpu.enqueue_indirect_dma source(%arg11 : memref<128x16xf32, #tpu.memory_space<vmem>>) target(%dma_start3A_276 : memref<10240x16xf32, #tpu.memory_space<vmem_shared>>) offsets(%dma_start3A_273 : memref<128xi32, #tpu.memory_space<vmem>>) semaphore(%run_scoped3A : memref<!tpu.dma_semaphore, #tpu.memory_space<semaphore_mem>>) {add = true}
          %dma_wait3A_277 = arith.constant 0 : i32
          %dma_wait3A_278 = tpu.memref_slice %arg10[%add3A_201, %dma_wait3A_277] : memref<160x128xi32, #tpu.memory_space<vmem>> -> memref<1x128xi32, #tpu.memory_space<vmem>>
          %dma_wait3A_279 = tpu.memref_squeeze %dma_wait3A_278 : memref<1x128xi32, #tpu.memory_space<vmem>> -> memref<128xi32, #tpu.memory_space<vmem>>
          %dma_wait3A_280 = arith.constant 0 : i32
          %dma_wait3A_281 = arith.constant 0 : i32
          %dma_wait3A_282 = tpu.memref_slice %arg8[%dma_wait3A_280, %dma_wait3A_281] : memref<10240x16xf32, #tpu.memory_space<vmem_shared>> -> memref<10240x16xf32, #tpu.memory_space<vmem_shared>>
          tpu.wait_indirect_dma semaphore(%run_scoped3A : memref<!tpu.dma_semaphore, #tpu.memory_space<semaphore_mem>>) src(%arg11 : memref<128x16xf32, #tpu.memory_space<vmem>>) dst(%dma_wait3A_282 : memref<10240x16xf32, #tpu.memory_space<vmem_shared>>)
          tpu.yield
        }) : () -> ()
      } else {
      }
      %add3A_227 = arith.constant 2 : i32
      %add3A_228 = arith.addi %add3A_201, %add3A_227 : i32
      %lt3A_229 = arith.constant 160 : i32
      %lt3A_230 = arith.cmpi slt, %add3A_228, %lt3A_229 : i32
      %convert_element_type3A_231 = arith.extui %lt3A_230 : i1 to i32
      %cond3A_232 = arith.constant 0 : i32
      %cond3A_233 = arith.cmpi ne, %convert_element_type3A_231, %cond3A_232 : i32
      scf.if %cond3A_233 {
        %ge3A = arith.constant 4 : i32
        %ge3A_271 = arith.cmpi sge, %add3A_228, %ge3A : i32
        %convert_element_type3A_272 = arith.extui %ge3A_271 : i1 to i32
        %cond3A_273 = arith.constant 0 : i32
        %cond3A_274 = arith.cmpi ne, %convert_element_type3A_272, %cond3A_273 : i32
        scf.if %cond3A_274 {
          %dma_wait3A_285 = arith.constant 0 : i32
          %dma_wait3A_286 = arith.constant 0 : i32
          %dma_wait3A_287 = tpu.memref_slice %arg10[%dma_wait3A_285, %dma_wait3A_286] : memref<160x128xi32, #tpu.memory_space<vmem>> -> memref<1x128xi32, #tpu.memory_space<vmem>>
          %dma_wait3A_288 = tpu.memref_squeeze %dma_wait3A_287 : memref<1x128xi32, #tpu.memory_space<vmem>> -> memref<128xi32, #tpu.memory_space<vmem>>
          %dma_wait3A_289 = arith.constant 0 : i32
          %dma_wait3A_290 = arith.constant 0 : i32
          %dma_wait3A_291 = tpu.memref_slice %arg7[%dma_wait3A_289, %dma_wait3A_290] : memref<10240x64xf32, #tpu.memory_space<vmem_shared>> -> memref<10240x64xf32, #tpu.memory_space<vmem_shared>>
          tpu.wait_indirect_dma semaphore(%arg20 : memref<!tpu.dma_semaphore, #tpu.memory_space<semaphore_mem>>) src(%arg12 : memref<128x64xf32, #tpu.memory_space<vmem>>) dst(%dma_wait3A_291 : memref<10240x64xf32, #tpu.memory_space<vmem_shared>>)
        } else {
        }
        %dma_start3A_275 = arith.constant 0 : i32
        %dma_start3A_276 = tpu.memref_slice %arg24[%add3A_228, %dma_start3A_275] : memref<160x128xi32, #tpu.memory_space<vmem>> -> memref<1x128xi32, #tpu.memory_space<vmem>>
        %dma_start3A_277 = tpu.memref_squeeze %dma_start3A_276 : memref<1x128xi32, #tpu.memory_space<vmem>> -> memref<128xi32, #tpu.memory_space<vmem>>
        %dma_start3A_278 = arith.constant 0 : i32
        %dma_start3A_279 = arith.constant 0 : i32
        %dma_start3A_280 = tpu.memref_slice %arg2[%arg0, %dma_start3A_278, %dma_start3A_279] : memref<2x10000x64xf32, #tpu.memory_space<hbm>> -> memref<1x10000x64xf32, #tpu.memory_space<hbm>>
        %dma_start3A_281 = tpu.memref_squeeze %dma_start3A_280 : memref<1x10000x64xf32, #tpu.memory_space<hbm>> -> memref<10000x64xf32, #tpu.memory_space<hbm>>
        %dma_start3A_282 = arith.constant 0 : i32
        %dma_start3A_283 = arith.constant 0 : i32
        %dma_start3A_284 = tpu.memref_slice %dma_start3A_281[%dma_start3A_282, %dma_start3A_283] : memref<10000x64xf32, #tpu.memory_space<hbm>> -> memref<10000x64xf32, #tpu.memory_space<hbm>>
        tpu.enqueue_indirect_dma source(%dma_start3A_284 : memref<10000x64xf32, #tpu.memory_space<hbm>>) target(%arg12 : memref<128x64xf32, #tpu.memory_space<vmem>>) offsets(%dma_start3A_277 : memref<128xi32, #tpu.memory_space<vmem>>) semaphore(%arg16 : memref<!tpu.dma_semaphore, #tpu.memory_space<semaphore_mem>>)
      } else {
      }
      %mul3A_234 = arith.constant 4 : i32
      %mul3A_235 = arith.muli %scan3A_128, %mul3A_234 : i32
      %add3A_236 = arith.constant 3 : i32
      %add3A_237 = arith.addi %mul3A_235, %add3A_236 : i32
      %dma_wait3A_238 = arith.constant 0 : i32
      %dma_wait3A_239 = arith.constant 0 : i32
      %dma_wait3A_240 = tpu.memref_slice %arg24[%dma_wait3A_238, %dma_wait3A_239] : memref<160x128xi32, #tpu.memory_space<vmem>> -> memref<1x128xi32, #tpu.memory_space<vmem>>
      %dma_wait3A_241 = tpu.memref_squeeze %dma_wait3A_240 : memref<1x128xi32, #tpu.memory_space<vmem>> -> memref<128xi32, #tpu.memory_space<vmem>>
      %dma_wait3A_242 = arith.constant 0 : i32
      %dma_wait3A_243 = arith.constant 0 : i32
      %dma_wait3A_244 = tpu.memref_slice %arg2[%arg0, %dma_wait3A_242, %dma_wait3A_243] : memref<2x10000x64xf32, #tpu.memory_space<hbm>> -> memref<1x10000x64xf32, #tpu.memory_space<hbm>>
      %dma_wait3A_245 = tpu.memref_squeeze %dma_wait3A_244 : memref<1x10000x64xf32, #tpu.memory_space<hbm>> -> memref<10000x64xf32, #tpu.memory_space<hbm>>
      %dma_wait3A_246 = arith.constant 0 : i32
      %dma_wait3A_247 = arith.constant 0 : i32
      %dma_wait3A_248 = tpu.memref_slice %dma_wait3A_245[%dma_wait3A_246, %dma_wait3A_247] : memref<10000x64xf32, #tpu.memory_space<hbm>> -> memref<10000x64xf32, #tpu.memory_space<hbm>>
      tpu.wait_indirect_dma semaphore(%arg19 : memref<!tpu.dma_semaphore, #tpu.memory_space<semaphore_mem>>) src(%dma_wait3A_248 : memref<10000x64xf32, #tpu.memory_space<hbm>>) dst(%arg15 : memref<128x64xf32, #tpu.memory_space<vmem>>)
      %dma_start3A_249 = arith.constant 0 : i32
      %dma_start3A_250 = tpu.memref_slice %arg10[%add3A_237, %dma_start3A_249] : memref<160x128xi32, #tpu.memory_space<vmem>> -> memref<1x128xi32, #tpu.memory_space<vmem>>
      %dma_start3A_251 = tpu.memref_squeeze %dma_start3A_250 : memref<1x128xi32, #tpu.memory_space<vmem>> -> memref<128xi32, #tpu.memory_space<vmem>>
      %dma_start3A_252 = arith.constant 0 : i32
      %dma_start3A_253 = arith.constant 0 : i32
      %dma_start3A_254 = tpu.memref_slice %arg7[%dma_start3A_252, %dma_start3A_253] : memref<10240x64xf32, #tpu.memory_space<vmem_shared>> -> memref<10240x64xf32, #tpu.memory_space<vmem_shared>>
      tpu.enqueue_indirect_dma source(%arg15 : memref<128x64xf32, #tpu.memory_space<vmem>>) target(%dma_start3A_254 : memref<10240x64xf32, #tpu.memory_space<vmem_shared>>) offsets(%dma_start3A_251 : memref<128xi32, #tpu.memory_space<vmem>>) semaphore(%arg23 : memref<!tpu.dma_semaphore, #tpu.memory_space<semaphore_mem>>) {add = true}
      %lt3A_255 = arith.constant 80 : i32
      %lt3A_256 = arith.cmpi slt, %add3A_237, %lt3A_255 : i32
      %eq3A_257 = arith.xori %lt3A_256, %eq3A_0 : i1
      %eq3A_258 = arith.constant true
      %eq3A_259 = arith.xori %eq3A_257, %eq3A_258 : i1
      %convert_element_type3A_260 = arith.extui %eq3A_259 : i1 to i32
      %cond3A_261 = arith.constant 0 : i32
      %cond3A_262 = arith.cmpi ne, %convert_element_type3A_260, %cond3A_261 : i32
      scf.if %cond3A_262 {
        "tpu.region"() ({
          %run_scoped3A = tpu.sem_alloc : memref<!tpu.dma_semaphore, #tpu.memory_space<semaphore_mem>>
          %dma_start3A_271 = arith.constant 0 : i32
          %dma_start3A_272 = tpu.memref_slice %arg10[%add3A_237, %dma_start3A_271] : memref<160x128xi32, #tpu.memory_space<vmem>> -> memref<1x128xi32, #tpu.memory_space<vmem>>
          %dma_start3A_273 = tpu.memref_squeeze %dma_start3A_272 : memref<1x128xi32, #tpu.memory_space<vmem>> -> memref<128xi32, #tpu.memory_space<vmem>>
          %dma_start3A_274 = arith.constant 0 : i32
          %dma_start3A_275 = arith.constant 0 : i32
          %dma_start3A_276 = tpu.memref_slice %arg8[%dma_start3A_274, %dma_start3A_275] : memref<10240x16xf32, #tpu.memory_space<vmem_shared>> -> memref<10240x16xf32, #tpu.memory_space<vmem_shared>>
          tpu.enqueue_indirect_dma source(%arg11 : memref<128x16xf32, #tpu.memory_space<vmem>>) target(%dma_start3A_276 : memref<10240x16xf32, #tpu.memory_space<vmem_shared>>) offsets(%dma_start3A_273 : memref<128xi32, #tpu.memory_space<vmem>>) semaphore(%run_scoped3A : memref<!tpu.dma_semaphore, #tpu.memory_space<semaphore_mem>>) {add = true}
          %dma_wait3A_277 = arith.constant 0 : i32
          %dma_wait3A_278 = tpu.memref_slice %arg10[%add3A_237, %dma_wait3A_277] : memref<160x128xi32, #tpu.memory_space<vmem>> -> memref<1x128xi32, #tpu.memory_space<vmem>>
          %dma_wait3A_279 = tpu.memref_squeeze %dma_wait3A_278 : memref<1x128xi32, #tpu.memory_space<vmem>> -> memref<128xi32, #tpu.memory_space<vmem>>
          %dma_wait3A_280 = arith.constant 0 : i32
          %dma_wait3A_281 = arith.constant 0 : i32
          %dma_wait3A_282 = tpu.memref_slice %arg8[%dma_wait3A_280, %dma_wait3A_281] : memref<10240x16xf32, #tpu.memory_space<vmem_shared>> -> memref<10240x16xf32, #tpu.memory_space<vmem_shared>>
          tpu.wait_indirect_dma semaphore(%run_scoped3A : memref<!tpu.dma_semaphore, #tpu.memory_space<semaphore_mem>>) src(%arg11 : memref<128x16xf32, #tpu.memory_space<vmem>>) dst(%dma_wait3A_282 : memref<10240x16xf32, #tpu.memory_space<vmem_shared>>)
          tpu.yield
        }) : () -> ()
      } else {
      }
      %add3A_263 = arith.constant 2 : i32
      %add3A_264 = arith.addi %add3A_237, %add3A_263 : i32
      %lt3A_265 = arith.constant 160 : i32
      %lt3A_266 = arith.cmpi slt, %add3A_264, %lt3A_265 : i32
      %convert_element_type3A_267 = arith.extui %lt3A_266 : i1 to i32
      %cond3A_268 = arith.constant 0 : i32
      %cond3A_269 = arith.cmpi ne, %convert_element_type3A_267, %cond3A_268 : i32
      scf.if %cond3A_269 {
        %ge3A = arith.constant 4 : i32
        %ge3A_271 = arith.cmpi sge, %add3A_264, %ge3A : i32
        %convert_element_type3A_272 = arith.extui %ge3A_271 : i1 to i32
        %cond3A_273 = arith.constant 0 : i32
        %cond3A_274 = arith.cmpi ne, %convert_element_type3A_272, %cond3A_273 : i32
        scf.if %cond3A_274 {
          %dma_wait3A_285 = arith.constant 0 : i32
          %dma_wait3A_286 = arith.constant 0 : i32
          %dma_wait3A_287 = tpu.memref_slice %arg10[%dma_wait3A_285, %dma_wait3A_286] : memref<160x128xi32, #tpu.memory_space<vmem>> -> memref<1x128xi32, #tpu.memory_space<vmem>>
          %dma_wait3A_288 = tpu.memref_squeeze %dma_wait3A_287 : memref<1x128xi32, #tpu.memory_space<vmem>> -> memref<128xi32, #tpu.memory_space<vmem>>
          %dma_wait3A_289 = arith.constant 0 : i32
          %dma_wait3A_290 = arith.constant 0 : i32
          %dma_wait3A_291 = tpu.memref_slice %arg7[%dma_wait3A_289, %dma_wait3A_290] : memref<10240x64xf32, #tpu.memory_space<vmem_shared>> -> memref<10240x64xf32, #tpu.memory_space<vmem_shared>>
          tpu.wait_indirect_dma semaphore(%arg21 : memref<!tpu.dma_semaphore, #tpu.memory_space<semaphore_mem>>) src(%arg13 : memref<128x64xf32, #tpu.memory_space<vmem>>) dst(%dma_wait3A_291 : memref<10240x64xf32, #tpu.memory_space<vmem_shared>>)
        } else {
        }
        %dma_start3A_275 = arith.constant 0 : i32
        %dma_start3A_276 = tpu.memref_slice %arg24[%add3A_264, %dma_start3A_275] : memref<160x128xi32, #tpu.memory_space<vmem>> -> memref<1x128xi32, #tpu.memory_space<vmem>>
        %dma_start3A_277 = tpu.memref_squeeze %dma_start3A_276 : memref<1x128xi32, #tpu.memory_space<vmem>> -> memref<128xi32, #tpu.memory_space<vmem>>
        %dma_start3A_278 = arith.constant 0 : i32
        %dma_start3A_279 = arith.constant 0 : i32
        %dma_start3A_280 = tpu.memref_slice %arg2[%arg0, %dma_start3A_278, %dma_start3A_279] : memref<2x10000x64xf32, #tpu.memory_space<hbm>> -> memref<1x10000x64xf32, #tpu.memory_space<hbm>>
        %dma_start3A_281 = tpu.memref_squeeze %dma_start3A_280 : memref<1x10000x64xf32, #tpu.memory_space<hbm>> -> memref<10000x64xf32, #tpu.memory_space<hbm>>
        %dma_start3A_282 = arith.constant 0 : i32
        %dma_start3A_283 = arith.constant 0 : i32
        %dma_start3A_284 = tpu.memref_slice %dma_start3A_281[%dma_start3A_282, %dma_start3A_283] : memref<10000x64xf32, #tpu.memory_space<hbm>> -> memref<10000x64xf32, #tpu.memory_space<hbm>>
        tpu.enqueue_indirect_dma source(%dma_start3A_284 : memref<10000x64xf32, #tpu.memory_space<hbm>>) target(%arg13 : memref<128x64xf32, #tpu.memory_space<vmem>>) offsets(%dma_start3A_277 : memref<128xi32, #tpu.memory_space<vmem>>) semaphore(%arg17 : memref<!tpu.dma_semaphore, #tpu.memory_space<semaphore_mem>>)
      } else {
      }
      %scan3A_270 = arith.constant 0 : i32
      scf.yield %scan3A_270 : i32
    }
    %scan3A_90 = arith.constant 40 : i32
    %dma_wait3A_91 = arith.constant 0 : i32
    %dma_wait3A_92 = arith.constant 0 : i32
    %dma_wait3A_93 = tpu.memref_slice %arg10[%dma_wait3A_91, %dma_wait3A_92] : memref<160x128xi32, #tpu.memory_space<vmem>> -> memref<1x128xi32, #tpu.memory_space<vmem>>
    %dma_wait3A_94 = tpu.memref_squeeze %dma_wait3A_93 : memref<1x128xi32, #tpu.memory_space<vmem>> -> memref<128xi32, #tpu.memory_space<vmem>>
    %dma_wait3A_95 = arith.constant 0 : i32
    %dma_wait3A_96 = arith.constant 0 : i32
    %dma_wait3A_97 = tpu.memref_slice %arg7[%dma_wait3A_95, %dma_wait3A_96] : memref<10240x64xf32, #tpu.memory_space<vmem_shared>> -> memref<10240x64xf32, #tpu.memory_space<vmem_shared>>
    tpu.wait_indirect_dma semaphore(%arg20 : memref<!tpu.dma_semaphore, #tpu.memory_space<semaphore_mem>>) src(%arg12 : memref<128x64xf32, #tpu.memory_space<vmem>>) dst(%dma_wait3A_97 : memref<10240x64xf32, #tpu.memory_space<vmem_shared>>)
    %dma_wait3A_98 = arith.constant 0 : i32
    %dma_wait3A_99 = arith.constant 0 : i32
    %dma_wait3A_100 = tpu.memref_slice %arg10[%dma_wait3A_98, %dma_wait3A_99] : memref<160x128xi32, #tpu.memory_space<vmem>> -> memref<1x128xi32, #tpu.memory_space<vmem>>
    %dma_wait3A_101 = tpu.memref_squeeze %dma_wait3A_100 : memref<1x128xi32, #tpu.memory_space<vmem>> -> memref<128xi32, #tpu.memory_space<vmem>>
    %dma_wait3A_102 = arith.constant 0 : i32
    %dma_wait3A_103 = arith.constant 0 : i32
    %dma_wait3A_104 = tpu.memref_slice %arg7[%dma_wait3A_102, %dma_wait3A_103] : memref<10240x64xf32, #tpu.memory_space<vmem_shared>> -> memref<10240x64xf32, #tpu.memory_space<vmem_shared>>
    tpu.wait_indirect_dma semaphore(%arg21 : memref<!tpu.dma_semaphore, #tpu.memory_space<semaphore_mem>>) src(%arg13 : memref<128x64xf32, #tpu.memory_space<vmem>>) dst(%dma_wait3A_104 : memref<10240x64xf32, #tpu.memory_space<vmem_shared>>)
    %dma_wait3A_105 = arith.constant 0 : i32
    %dma_wait3A_106 = arith.constant 0 : i32
    %dma_wait3A_107 = tpu.memref_slice %arg10[%dma_wait3A_105, %dma_wait3A_106] : memref<160x128xi32, #tpu.memory_space<vmem>> -> memref<1x128xi32, #tpu.memory_space<vmem>>
    %dma_wait3A_108 = tpu.memref_squeeze %dma_wait3A_107 : memref<1x128xi32, #tpu.memory_space<vmem>> -> memref<128xi32, #tpu.memory_space<vmem>>
    %dma_wait3A_109 = arith.constant 0 : i32
    %dma_wait3A_110 = arith.constant 0 : i32
    %dma_wait3A_111 = tpu.memref_slice %arg7[%dma_wait3A_109, %dma_wait3A_110] : memref<10240x64xf32, #tpu.memory_space<vmem_shared>> -> memref<10240x64xf32, #tpu.memory_space<vmem_shared>>
    tpu.wait_indirect_dma semaphore(%arg22 : memref<!tpu.dma_semaphore, #tpu.memory_space<semaphore_mem>>) src(%arg14 : memref<128x64xf32, #tpu.memory_space<vmem>>) dst(%dma_wait3A_111 : memref<10240x64xf32, #tpu.memory_space<vmem_shared>>)
    %dma_wait3A_112 = arith.constant 0 : i32
    %dma_wait3A_113 = arith.constant 0 : i32
    %dma_wait3A_114 = tpu.memref_slice %arg10[%dma_wait3A_112, %dma_wait3A_113] : memref<160x128xi32, #tpu.memory_space<vmem>> -> memref<1x128xi32, #tpu.memory_space<vmem>>
    %dma_wait3A_115 = tpu.memref_squeeze %dma_wait3A_114 : memref<1x128xi32, #tpu.memory_space<vmem>> -> memref<128xi32, #tpu.memory_space<vmem>>
    %dma_wait3A_116 = arith.constant 0 : i32
    %dma_wait3A_117 = arith.constant 0 : i32
    %dma_wait3A_118 = tpu.memref_slice %arg7[%dma_wait3A_116, %dma_wait3A_117] : memref<10240x64xf32, #tpu.memory_space<vmem_shared>> -> memref<10240x64xf32, #tpu.memory_space<vmem_shared>>
    tpu.wait_indirect_dma semaphore(%arg23 : memref<!tpu.dma_semaphore, #tpu.memory_space<semaphore_mem>>) src(%arg15 : memref<128x64xf32, #tpu.memory_space<vmem>>) dst(%dma_wait3A_118 : memref<10240x64xf32, #tpu.memory_space<vmem_shared>>)
    %barrier3A_119 = arith.constant 0 : index
    tpu.barrier barrier_id(%barrier3A_119)
    %mul3A_120 = arith.constant 640 : i32
    %mul3A_121 = arith.muli %arg1, %mul3A_120 : i32
    %mul3A_122 = arith.constant 640 : i32
    %mul3A_123 = arith.muli %arg1, %mul3A_122 : i32
    "tpu.region"() ({
      %run_scoped3A = tpu.sem_alloc : memref<!tpu.dma_semaphore, #tpu.memory_space<semaphore_mem>>
      %dma_start3A_128 = arith.constant 0 : i32
      %dma_start3A_129 = tpu.memref_slice %arg5[%arg0, %mul3A_123, %dma_start3A_128] : memref<2x10240x64xf32, #tpu.memory_space<hbm>> -> memref<1x640x64xf32, #tpu.memory_space<hbm>>
      %dma_start3A_130 = tpu.memref_squeeze %dma_start3A_129 : memref<1x640x64xf32, #tpu.memory_space<hbm>> -> memref<640x64xf32, #tpu.memory_space<hbm>>
      %dma_start3A_131 = arith.constant 0 : i32
      %dma_start3A_132 = tpu.memref_slice %arg7[%mul3A_121, %dma_start3A_131] : memref<10240x64xf32, #tpu.memory_space<vmem_shared>> -> memref<640x64xf32, #tpu.memory_space<vmem_shared>>
      tpu.enqueue_dma source(%dma_start3A_132 : memref<640x64xf32, #tpu.memory_space<vmem_shared>>) target(%dma_start3A_130 : memref<640x64xf32, #tpu.memory_space<hbm>>) target_semaphore(%run_scoped3A : memref<!tpu.dma_semaphore, #tpu.memory_space<semaphore_mem>>)
      %dma_wait3A_133 = arith.constant 0 : i32
      %dma_wait3A_134 = tpu.memref_slice %arg5[%arg0, %mul3A_123, %dma_wait3A_133] : memref<2x10240x64xf32, #tpu.memory_space<hbm>> -> memref<1x640x64xf32, #tpu.memory_space<hbm>>
      %dma_wait3A_135 = tpu.memref_squeeze %dma_wait3A_134 : memref<1x640x64xf32, #tpu.memory_space<hbm>> -> memref<640x64xf32, #tpu.memory_space<hbm>>
      %dma_wait3A_136 = arith.constant 0 : i32
      %dma_wait3A_137 = tpu.memref_slice %arg7[%mul3A_121, %dma_wait3A_136] : memref<10240x64xf32, #tpu.memory_space<vmem_shared>> -> memref<640x64xf32, #tpu.memory_space<vmem_shared>>
      tpu.wait_dma2 semaphore(%run_scoped3A : memref<!tpu.dma_semaphore, #tpu.memory_space<semaphore_mem>>) src(%dma_wait3A_137 : memref<640x64xf32, #tpu.memory_space<vmem_shared>>) dst(%dma_wait3A_135 : memref<640x64xf32, #tpu.memory_space<hbm>>)
      tpu.yield
    }) : () -> ()
    %mul3A_124 = arith.constant 640 : i32
    %mul3A_125 = arith.muli %arg1, %mul3A_124 : i32
    %mul3A_126 = arith.constant 640 : i32
    %mul3A_127 = arith.muli %arg1, %mul3A_126 : i32
    "tpu.region"() ({
      %run_scoped3A = tpu.sem_alloc : memref<!tpu.dma_semaphore, #tpu.memory_space<semaphore_mem>>
      %dma_start3A_128 = arith.constant 0 : i32
      %dma_start3A_129 = tpu.memref_slice %arg6[%arg0, %mul3A_127, %dma_start3A_128] : memref<2x10240x16xf32, #tpu.memory_space<hbm>> -> memref<1x640x16xf32, #tpu.memory_space<hbm>>
      %dma_start3A_130 = tpu.memref_squeeze %dma_start3A_129 : memref<1x640x16xf32, #tpu.memory_space<hbm>> -> memref<640x16xf32, #tpu.memory_space<hbm>>
      %dma_start3A_131 = arith.constant 0 : i32
      %dma_start3A_132 = tpu.memref_slice %arg8[%mul3A_125, %dma_start3A_131] : memref<10240x16xf32, #tpu.memory_space<vmem_shared>> -> memref<640x16xf32, #tpu.memory_space<vmem_shared>>
      tpu.enqueue_dma source(%dma_start3A_132 : memref<640x16xf32, #tpu.memory_space<vmem_shared>>) target(%dma_start3A_130 : memref<640x16xf32, #tpu.memory_space<hbm>>) target_semaphore(%run_scoped3A : memref<!tpu.dma_semaphore, #tpu.memory_space<semaphore_mem>>)
      %dma_wait3A_133 = arith.constant 0 : i32
      %dma_wait3A_134 = tpu.memref_slice %arg6[%arg0, %mul3A_127, %dma_wait3A_133] : memref<2x10240x16xf32, #tpu.memory_space<hbm>> -> memref<1x640x16xf32, #tpu.memory_space<hbm>>
      %dma_wait3A_135 = tpu.memref_squeeze %dma_wait3A_134 : memref<1x640x16xf32, #tpu.memory_space<hbm>> -> memref<640x16xf32, #tpu.memory_space<hbm>>
      %dma_wait3A_136 = arith.constant 0 : i32
      %dma_wait3A_137 = tpu.memref_slice %arg8[%mul3A_125, %dma_wait3A_136] : memref<10240x16xf32, #tpu.memory_space<vmem_shared>> -> memref<640x16xf32, #tpu.memory_space<vmem_shared>>
      tpu.wait_dma2 semaphore(%run_scoped3A : memref<!tpu.dma_semaphore, #tpu.memory_space<semaphore_mem>>) src(%dma_wait3A_137 : memref<640x16xf32, #tpu.memory_space<vmem_shared>>) dst(%dma_wait3A_135 : memref<640x16xf32, #tpu.memory_space<hbm>>)
      tpu.yield
    }) : () -> ()
    return
  }
}

#map = affine_map<(d0, d1) -> (0, 0, 0)>
#map1 = affine_map<(d0, d1) -> (0, 0)>
module attributes {stable_mosaic.version = 14 : i64} {
  func.func @body(%arg0: i32, %arg1: i32, %arg2: memref<2x10000x16xf32, #tpu.memory_space<hbm>>, %arg3: memref<2560x128xi32, #tpu.memory_space<hbm>>, %arg4: memref<2560x128xi32, #tpu.memory_space<hbm>>, %arg5: memref<2x10240x16xf32, #tpu.memory_space<hbm>>, %arg6: memref<10240x16xf32, #tpu.memory_space<vmem_shared>>, %arg7: memref<160x128xi32, #tpu.memory_space<vmem>>, %arg8: memref<128x16xf32, #tpu.memory_space<vmem>>, %arg9: memref<128x16xf32, #tpu.memory_space<vmem>>, %arg10: memref<128x16xf32, #tpu.memory_space<vmem>>, %arg11: memref<128x16xf32, #tpu.memory_space<vmem>>, %arg12: memref<128x16xf32, #tpu.memory_space<vmem>>, %arg13: memref<128x16xf32, #tpu.memory_space<vmem>>, %arg14: memref<128x16xf32, #tpu.memory_space<vmem>>, %arg15: memref<128x16xf32, #tpu.memory_space<vmem>>, %arg16: memref<!tpu.dma_semaphore, #tpu.memory_space<semaphore_mem>>, %arg17: memref<!tpu.dma_semaphore, #tpu.memory_space<semaphore_mem>>, %arg18: memref<!tpu.dma_semaphore, #tpu.memory_space<semaphore_mem>>, %arg19: memref<!tpu.dma_semaphore, #tpu.memory_space<semaphore_mem>>, %arg20: memref<!tpu.dma_semaphore, #tpu.memory_space<semaphore_mem>>, %arg21: memref<!tpu.dma_semaphore, #tpu.memory_space<semaphore_mem>>, %arg22: memref<!tpu.dma_semaphore, #tpu.memory_space<semaphore_mem>>, %arg23: memref<!tpu.dma_semaphore, #tpu.memory_space<semaphore_mem>>, %arg24: memref<!tpu.dma_semaphore, #tpu.memory_space<semaphore_mem>>, %arg25: memref<!tpu.dma_semaphore, #tpu.memory_space<semaphore_mem>>, %arg26: memref<!tpu.dma_semaphore, #tpu.memory_space<semaphore_mem>>, %arg27: memref<!tpu.dma_semaphore, #tpu.memory_space<semaphore_mem>>, %arg28: memref<!tpu.dma_semaphore, #tpu.memory_space<semaphore_mem>>, %arg29: memref<!tpu.dma_semaphore, #tpu.memory_space<semaphore_mem>>, %arg30: memref<!tpu.dma_semaphore, #tpu.memory_space<semaphore_mem>>, %arg31: memref<!tpu.dma_semaphore, #tpu.memory_space<semaphore_mem>>, %arg32: memref<160x128xi32, #tpu.memory_space<vmem>>, %arg33: memref<32x16xf32, #tpu.memory_space<vmem>>) attributes {dimension_semantics = [#tpu.dimension_semantics<core_parallel>, #tpu.dimension_semantics<subcore_parallel>], iteration_bounds = array<i64: 2, 16>, scalar_prefetch = 0 : i64, scratch_operands = 28 : i64, tpu.core_type = #tpu.core_type<sc_vector_subcore>, window_params = [{transform_indices = #map}, {transform_indices = #map1}, {transform_indices = #map1}, {transform_indices = #map}]} {
    %eq3A = arith.constant 0 : i32
    %eq3A_0 = arith.cmpi eq, %arg0, %eq3A : i32
    %mul3A = arith.constant 160 : i32
    %mul3A_1 = arith.muli %arg1, %mul3A : i32
    %dma_start3A = arith.constant 0 : i32
    %dma_start3A_2 = tpu.memref_slice %arg3[%mul3A_1, %dma_start3A] : memref<2560x128xi32, #tpu.memory_space<hbm>> -> memref<160x128xi32, #tpu.memory_space<hbm>>
    %dma_start3A_3 = arith.constant 0 : i32
    %dma_start3A_4 = tpu.memref_slice %arg3[%mul3A_1, %dma_start3A_3] : memref<2560x128xi32, #tpu.memory_space<hbm>> -> memref<160x128xi32, #tpu.memory_space<hbm>>
    tpu.enqueue_dma source(%dma_start3A_4 : memref<160x128xi32, #tpu.memory_space<hbm>>) target(%arg32 : memref<160x128xi32, #tpu.memory_space<vmem>>) target_semaphore(%arg16 : memref<!tpu.dma_semaphore, #tpu.memory_space<semaphore_mem>>)
    %mul3A_5 = arith.constant 160 : i32
    %mul3A_6 = arith.muli %arg1, %mul3A_5 : i32
    %dma_start3A_7 = arith.constant 0 : i32
    %dma_start3A_8 = tpu.memref_slice %arg4[%mul3A_6, %dma_start3A_7] : memref<2560x128xi32, #tpu.memory_space<hbm>> -> memref<160x128xi32, #tpu.memory_space<hbm>>
    %dma_start3A_9 = arith.constant 0 : i32
    %dma_start3A_10 = tpu.memref_slice %arg4[%mul3A_6, %dma_start3A_9] : memref<2560x128xi32, #tpu.memory_space<hbm>> -> memref<160x128xi32, #tpu.memory_space<hbm>>
    tpu.enqueue_dma source(%dma_start3A_10 : memref<160x128xi32, #tpu.memory_space<hbm>>) target(%arg7 : memref<160x128xi32, #tpu.memory_space<vmem>>) target_semaphore(%arg17 : memref<!tpu.dma_semaphore, #tpu.memory_space<semaphore_mem>>)
    %broadcast_in_dim3A = arith.constant 0.000000e+00 : f32
    %broadcast_in_dim3A_11 = vector.broadcast %broadcast_in_dim3A : f32 to vector<16xf32>
    %broadcast_in_dim3A_12 = arith.constant 1.000000e+00 : f32
    %broadcast_in_dim3A_13 = vector.broadcast %broadcast_in_dim3A_12 : f32 to vector<16xf32>
    %scan3A = arith.constant 0 : i32
    %scan3A_14 = arith.constant 0 : i32
    %scan3A_15 = arith.constant 32 : i32
    %scan3A_16 = arith.addi %scan3A_14, %scan3A_15 : i32
    %scan3A_17 = arith.constant 1 : i32
    %scan3A_18 = scf.for %scan3A_175 = %scan3A_14 to %scan3A_16 step %scan3A_17 iter_args(%scan3A_176 = %scan3A) -> (i32)  : i32 {
      %jit3A = arith.constant 1 : i32
      %div3A = arith.divsi %scan3A_175, %jit3A : i32
      %sign3A = arith.constant 0 : i32
      %sign3A_177 = arith.cmpi sgt, %scan3A_175, %sign3A : i32
      %sign3A_178 = arith.extui %sign3A_177 : i1 to i32
      %sign3A_179 = arith.constant 0 : i32
      %sign3A_180 = arith.cmpi slt, %scan3A_175, %sign3A_179 : i32
      %sign3A_181 = arith.extui %sign3A_180 : i1 to i32
      %sign3A_182 = arith.subi %sign3A_178, %sign3A_181 : i32
      %sign3A_183 = arith.constant 0 : i32
      %sign3A_184 = arith.cmpi sgt, %jit3A, %sign3A_183 : i32
      %sign3A_185 = arith.extui %sign3A_184 : i1 to i32
      %sign3A_186 = arith.constant 0 : i32
      %sign3A_187 = arith.cmpi slt, %jit3A, %sign3A_186 : i32
      %sign3A_188 = arith.extui %sign3A_187 : i1 to i32
      %sign3A_189 = arith.subi %sign3A_185, %sign3A_188 : i32
      %ne3A = arith.cmpi ne, %sign3A_182, %sign3A_189 : i32
      %rem3A = arith.remsi %scan3A_175, %jit3A : i32
      %ne3A_190 = arith.constant 0 : i32
      %ne3A_191 = arith.cmpi ne, %rem3A, %ne3A_190 : i32
      %and3A = arith.andi %ne3A, %ne3A_191 : i1
      %sub3A = arith.constant 1 : i32
      %sub3A_192 = arith.subi %div3A, %sub3A : i32
      %select_n3A = arith.select %and3A, %sub3A_192, %div3A : i32
      %jit3A_193 = arith.constant 1 : i32
      %eq3A_194 = arith.constant 0 : i32
      %eq3A_195 = arith.cmpi eq, %jit3A_193, %eq3A_194 : i32
      %jit3A_196 = arith.constant 1 : i32
      %select_n3A_197 = arith.select %eq3A_195, %jit3A_196, %jit3A_193 : i32
      %rem3A_198 = arith.remsi %scan3A_175, %select_n3A_197 : i32
      %ne3A_199 = arith.constant 0 : i32
      %ne3A_200 = arith.cmpi ne, %rem3A_198, %ne3A_199 : i32
      %lt3A = arith.constant 0 : i32
      %lt3A_201 = arith.cmpi slt, %rem3A_198, %lt3A : i32
      %lt3A_202 = arith.constant 0 : i32
      %lt3A_203 = arith.cmpi slt, %select_n3A_197, %lt3A_202 : i32
      %ne3A_204 = arith.xori %lt3A_201, %lt3A_203 : i1
      %and3A_205 = arith.andi %ne3A_204, %ne3A_200 : i1
      %add3A = arith.addi %rem3A_198, %select_n3A_197 : i32
      %select_n3A_206 = arith.select %and3A_205, %add3A, %rem3A_198 : i32
      %mul3A_207 = arith.constant 16 : i32
      %mul3A_208 = arith.muli %select_n3A_206, %mul3A_207 : i32
      %swap3A = arith.index_cast %select_n3A : i32 to index
      %swap3A_209 = arith.index_cast %mul3A_208 : i32 to index
      %swap3A_210 = tpu.vector_load %arg33[%swap3A, %swap3A_209] {strides = array<i32>} : memref<32x16xf32, #tpu.memory_space<vmem>>, vector<1x16xf32>,
      %swap3A_211 = vector.shape_cast %swap3A_210 : vector<1x16xf32> to vector<16xf32>
      %swap3A_212 = vector.shape_cast %broadcast_in_dim3A_11 : vector<16xf32> to vector<1x16xf32>
      tpu.vector_store %arg33[%swap3A, %swap3A_209], %swap3A_212 {strides = array<i32>} : memref<32x16xf32, #tpu.memory_space<vmem>>, vector<1x16xf32>,
      %scan3A_213 = arith.constant 0 : i32
      scf.yield %scan3A_213 : i32
    }
    %scan3A_19 = arith.constant 32 : i32
    %scan3A_20 = arith.constant 0 : i32
    %scan3A_21 = arith.constant 0 : i32
    %scan3A_22 = arith.constant 20 : i32
    %scan3A_23 = arith.addi %scan3A_21, %scan3A_22 : i32
    %scan3A_24 = arith.constant 1 : i32
    %scan3A_25 = scf.for %scan3A_175 = %scan3A_21 to %scan3A_23 step %scan3A_24 iter_args(%scan3A_176 = %scan3A_20) -> (i32)  : i32 {
      %mul3A_177 = arith.constant 640 : i32
      %mul3A_178 = arith.muli %arg1, %mul3A_177 : i32
      %mul3A_179 = arith.constant 32 : i32
      %mul3A_180 = arith.muli %scan3A_175, %mul3A_179 : i32
      %add3A = arith.addi %mul3A_178, %mul3A_180 : i32
      %dma_start3A_181 = arith.constant 0 : i32
      %dma_start3A_182 = tpu.memref_slice %arg6[%add3A, %dma_start3A_181] : memref<10240x16xf32, #tpu.memory_space<vmem_shared>> -> memref<32x16xf32, #tpu.memory_space<vmem_shared>>
      %dma_start3A_183 = arith.constant 0 : i32
      %dma_start3A_184 = tpu.memref_slice %arg6[%add3A, %dma_start3A_183] : memref<10240x16xf32, #tpu.memory_space<vmem_shared>> -> memref<32x16xf32, #tpu.memory_space<vmem_shared>>
      tpu.enqueue_dma source(%arg33 : memref<32x16xf32, #tpu.memory_space<vmem>>) target(%dma_start3A_184 : memref<32x16xf32, #tpu.memory_space<vmem_shared>>) target_semaphore(%arg24 : memref<!tpu.dma_semaphore, #tpu.memory_space<semaphore_mem>>)
      %scan3A_185 = arith.constant 0 : i32
      scf.yield %scan3A_185 : i32
    }
    %scan3A_26 = arith.constant 20 : i32
    %scan3A_27 = arith.constant 0 : i32
    %scan3A_28 = arith.constant 0 : i32
    %scan3A_29 = arith.constant 20 : i32
    %scan3A_30 = arith.addi %scan3A_28, %scan3A_29 : i32
    %scan3A_31 = arith.constant 1 : i32
    %scan3A_32 = scf.for %scan3A_175 = %scan3A_28 to %scan3A_30 step %scan3A_31 iter_args(%scan3A_176 = %scan3A_27) -> (i32)  : i32 {
      %mul3A_177 = arith.constant 640 : i32
      %mul3A_178 = arith.muli %arg1, %mul3A_177 : i32
      %dma_wait3A_179 = arith.constant 0 : i32
      %dma_wait3A_180 = tpu.memref_slice %arg6[%mul3A_178, %dma_wait3A_179] : memref<10240x16xf32, #tpu.memory_space<vmem_shared>> -> memref<32x16xf32, #tpu.memory_space<vmem_shared>>
      %dma_wait3A_181 = arith.constant 0 : i32
      %dma_wait3A_182 = tpu.memref_slice %arg6[%mul3A_178, %dma_wait3A_181] : memref<10240x16xf32, #tpu.memory_space<vmem_shared>> -> memref<32x16xf32, #tpu.memory_space<vmem_shared>>
      tpu.wait_dma2 semaphore(%arg24 : memref<!tpu.dma_semaphore, #tpu.memory_space<semaphore_mem>>) src(%arg33 : memref<32x16xf32, #tpu.memory_space<vmem>>) dst(%dma_wait3A_182 : memref<32x16xf32, #tpu.memory_space<vmem_shared>>)
      %scan3A_183 = arith.constant 0 : i32
      scf.yield %scan3A_183 : i32
    }
    %scan3A_33 = arith.constant 20 : i32
    %dma_wait3A = arith.constant 0 : i32
    %dma_wait3A_34 = tpu.memref_slice %arg3[%mul3A_1, %dma_wait3A] : memref<2560x128xi32, #tpu.memory_space<hbm>> -> memref<160x128xi32, #tpu.memory_space<hbm>>
    %dma_wait3A_35 = arith.constant 0 : i32
    %dma_wait3A_36 = tpu.memref_slice %arg3[%mul3A_1, %dma_wait3A_35] : memref<2560x128xi32, #tpu.memory_space<hbm>> -> memref<160x128xi32, #tpu.memory_space<hbm>>
    tpu.wait_dma2 semaphore(%arg16 : memref<!tpu.dma_semaphore, #tpu.memory_space<semaphore_mem>>) src(%dma_wait3A_36 : memref<160x128xi32, #tpu.memory_space<hbm>>) dst(%arg32 : memref<160x128xi32, #tpu.memory_space<vmem>>)
    %dma_wait3A_37 = arith.constant 0 : i32
    %dma_wait3A_38 = tpu.memref_slice %arg4[%mul3A_6, %dma_wait3A_37] : memref<2560x128xi32, #tpu.memory_space<hbm>> -> memref<160x128xi32, #tpu.memory_space<hbm>>
    %dma_wait3A_39 = arith.constant 0 : i32
    %dma_wait3A_40 = tpu.memref_slice %arg4[%mul3A_6, %dma_wait3A_39] : memref<2560x128xi32, #tpu.memory_space<hbm>> -> memref<160x128xi32, #tpu.memory_space<hbm>>
    tpu.wait_dma2 semaphore(%arg17 : memref<!tpu.dma_semaphore, #tpu.memory_space<semaphore_mem>>) src(%dma_wait3A_40 : memref<160x128xi32, #tpu.memory_space<hbm>>) dst(%arg7 : memref<160x128xi32, #tpu.memory_space<vmem>>)
    %dma_start3A_41 = arith.constant 0 : i32
    %dma_start3A_42 = arith.constant 0 : i32
    %dma_start3A_43 = tpu.memref_slice %arg32[%dma_start3A_41, %dma_start3A_42] : memref<160x128xi32, #tpu.memory_space<vmem>> -> memref<1x128xi32, #tpu.memory_space<vmem>>
    %dma_start3A_44 = tpu.memref_squeeze %dma_start3A_43 : memref<1x128xi32, #tpu.memory_space<vmem>> -> memref<128xi32, #tpu.memory_space<vmem>>
    %dma_start3A_45 = arith.constant 0 : i32
    %dma_start3A_46 = arith.constant 0 : i32
    %dma_start3A_47 = tpu.memref_slice %arg2[%arg0, %dma_start3A_45, %dma_start3A_46] : memref<2x10000x16xf32, #tpu.memory_space<hbm>> -> memref<1x10000x16xf32, #tpu.memory_space<hbm>>
    %dma_start3A_48 = tpu.memref_squeeze %dma_start3A_47 : memref<1x10000x16xf32, #tpu.memory_space<hbm>> -> memref<10000x16xf32, #tpu.memory_space<hbm>>
    %dma_start3A_49 = arith.constant 0 : i32
    %dma_start3A_50 = arith.constant 0 : i32
    %dma_start3A_51 = tpu.memref_slice %dma_start3A_48[%dma_start3A_49, %dma_start3A_50] : memref<10000x16xf32, #tpu.memory_space<hbm>> -> memref<10000x16xf32, #tpu.memory_space<hbm>>
    tpu.enqueue_indirect_dma source(%dma_start3A_51 : memref<10000x16xf32, #tpu.memory_space<hbm>>) target(%arg8 : memref<128x16xf32, #tpu.memory_space<vmem>>) offsets(%dma_start3A_44 : memref<128xi32, #tpu.memory_space<vmem>>) semaphore(%arg16 : memref<!tpu.dma_semaphore, #tpu.memory_space<semaphore_mem>>)
    %dma_start3A_52 = arith.constant 1 : i32
    %dma_start3A_53 = arith.constant 0 : i32
    %dma_start3A_54 = tpu.memref_slice %arg32[%dma_start3A_52, %dma_start3A_53] : memref<160x128xi32, #tpu.memory_space<vmem>> -> memref<1x128xi32, #tpu.memory_space<vmem>>
    %dma_start3A_55 = tpu.memref_squeeze %dma_start3A_54 : memref<1x128xi32, #tpu.memory_space<vmem>> -> memref<128xi32, #tpu.memory_space<vmem>>
    %dma_start3A_56 = arith.constant 0 : i32
    %dma_start3A_57 = arith.constant 0 : i32
    %dma_start3A_58 = tpu.memref_slice %arg2[%arg0, %dma_start3A_56, %dma_start3A_57] : memref<2x10000x16xf32, #tpu.memory_space<hbm>> -> memref<1x10000x16xf32, #tpu.memory_space<hbm>>
    %dma_start3A_59 = tpu.memref_squeeze %dma_start3A_58 : memref<1x10000x16xf32, #tpu.memory_space<hbm>> -> memref<10000x16xf32, #tpu.memory_space<hbm>>
    %dma_start3A_60 = arith.constant 0 : i32
    %dma_start3A_61 = arith.constant 0 : i32
    %dma_start3A_62 = tpu.memref_slice %dma_start3A_59[%dma_start3A_60, %dma_start3A_61] : memref<10000x16xf32, #tpu.memory_space<hbm>> -> memref<10000x16xf32, #tpu.memory_space<hbm>>
    tpu.enqueue_indirect_dma source(%dma_start3A_62 : memref<10000x16xf32, #tpu.memory_space<hbm>>) target(%arg9 : memref<128x16xf32, #tpu.memory_space<vmem>>) offsets(%dma_start3A_55 : memref<128xi32, #tpu.memory_space<vmem>>) semaphore(%arg17 : memref<!tpu.dma_semaphore, #tpu.memory_space<semaphore_mem>>)
    %dma_start3A_63 = arith.constant 2 : i32
    %dma_start3A_64 = arith.constant 0 : i32
    %dma_start3A_65 = tpu.memref_slice %arg32[%dma_start3A_63, %dma_start3A_64] : memref<160x128xi32, #tpu.memory_space<vmem>> -> memref<1x128xi32, #tpu.memory_space<vmem>>
    %dma_start3A_66 = tpu.memref_squeeze %dma_start3A_65 : memref<1x128xi32, #tpu.memory_space<vmem>> -> memref<128xi32, #tpu.memory_space<vmem>>
    %dma_start3A_67 = arith.constant 0 : i32
    %dma_start3A_68 = arith.constant 0 : i32
    %dma_start3A_69 = tpu.memref_slice %arg2[%arg0, %dma_start3A_67, %dma_start3A_68] : memref<2x10000x16xf32, #tpu.memory_space<hbm>> -> memref<1x10000x16xf32, #tpu.memory_space<hbm>>
    %dma_start3A_70 = tpu.memref_squeeze %dma_start3A_69 : memref<1x10000x16xf32, #tpu.memory_space<hbm>> -> memref<10000x16xf32, #tpu.memory_space<hbm>>
    %dma_start3A_71 = arith.constant 0 : i32
    %dma_start3A_72 = arith.constant 0 : i32
    %dma_start3A_73 = tpu.memref_slice %dma_start3A_70[%dma_start3A_71, %dma_start3A_72] : memref<10000x16xf32, #tpu.memory_space<hbm>> -> memref<10000x16xf32, #tpu.memory_space<hbm>>
    tpu.enqueue_indirect_dma source(%dma_start3A_73 : memref<10000x16xf32, #tpu.memory_space<hbm>>) target(%arg10 : memref<128x16xf32, #tpu.memory_space<vmem>>) offsets(%dma_start3A_66 : memref<128xi32, #tpu.memory_space<vmem>>) semaphore(%arg18 : memref<!tpu.dma_semaphore, #tpu.memory_space<semaphore_mem>>)
    %dma_start3A_74 = arith.constant 3 : i32
    %dma_start3A_75 = arith.constant 0 : i32
    %dma_start3A_76 = tpu.memref_slice %arg32[%dma_start3A_74, %dma_start3A_75] : memref<160x128xi32, #tpu.memory_space<vmem>> -> memref<1x128xi32, #tpu.memory_space<vmem>>
    %dma_start3A_77 = tpu.memref_squeeze %dma_start3A_76 : memref<1x128xi32, #tpu.memory_space<vmem>> -> memref<128xi32, #tpu.memory_space<vmem>>
    %dma_start3A_78 = arith.constant 0 : i32
    %dma_start3A_79 = arith.constant 0 : i32
    %dma_start3A_80 = tpu.memref_slice %arg2[%arg0, %dma_start3A_78, %dma_start3A_79] : memref<2x10000x16xf32, #tpu.memory_space<hbm>> -> memref<1x10000x16xf32, #tpu.memory_space<hbm>>
    %dma_start3A_81 = tpu.memref_squeeze %dma_start3A_80 : memref<1x10000x16xf32, #tpu.memory_space<hbm>> -> memref<10000x16xf32, #tpu.memory_space<hbm>>
    %dma_start3A_82 = arith.constant 0 : i32
    %dma_start3A_83 = arith.constant 0 : i32
    %dma_start3A_84 = tpu.memref_slice %dma_start3A_81[%dma_start3A_82, %dma_start3A_83] : memref<10000x16xf32, #tpu.memory_space<hbm>> -> memref<10000x16xf32, #tpu.memory_space<hbm>>
    tpu.enqueue_indirect_dma source(%dma_start3A_84 : memref<10000x16xf32, #tpu.memory_space<hbm>>) target(%arg11 : memref<128x16xf32, #tpu.memory_space<vmem>>) offsets(%dma_start3A_77 : memref<128xi32, #tpu.memory_space<vmem>>) semaphore(%arg19 : memref<!tpu.dma_semaphore, #tpu.memory_space<semaphore_mem>>)
    %dma_start3A_85 = arith.constant 4 : i32
    %dma_start3A_86 = arith.constant 0 : i32
    %dma_start3A_87 = tpu.memref_slice %arg32[%dma_start3A_85, %dma_start3A_86] : memref<160x128xi32, #tpu.memory_space<vmem>> -> memref<1x128xi32, #tpu.memory_space<vmem>>
    %dma_start3A_88 = tpu.memref_squeeze %dma_start3A_87 : memref<1x128xi32, #tpu.memory_space<vmem>> -> memref<128xi32, #tpu.memory_space<vmem>>
    %dma_start3A_89 = arith.constant 0 : i32
    %dma_start3A_90 = arith.constant 0 : i32
    %dma_start3A_91 = tpu.memref_slice %arg2[%arg0, %dma_start3A_89, %dma_start3A_90] : memref<2x10000x16xf32, #tpu.memory_space<hbm>> -> memref<1x10000x16xf32, #tpu.memory_space<hbm>>
    %dma_start3A_92 = tpu.memref_squeeze %dma_start3A_91 : memref<1x10000x16xf32, #tpu.memory_space<hbm>> -> memref<10000x16xf32, #tpu.memory_space<hbm>>
    %dma_start3A_93 = arith.constant 0 : i32
    %dma_start3A_94 = arith.constant 0 : i32
    %dma_start3A_95 = tpu.memref_slice %dma_start3A_92[%dma_start3A_93, %dma_start3A_94] : memref<10000x16xf32, #tpu.memory_space<hbm>> -> memref<10000x16xf32, #tpu.memory_space<hbm>>
    tpu.enqueue_indirect_dma source(%dma_start3A_95 : memref<10000x16xf32, #tpu.memory_space<hbm>>) target(%arg12 : memref<128x16xf32, #tpu.memory_space<vmem>>) offsets(%dma_start3A_88 : memref<128xi32, #tpu.memory_space<vmem>>) semaphore(%arg20 : memref<!tpu.dma_semaphore, #tpu.memory_space<semaphore_mem>>)
    %dma_start3A_96 = arith.constant 5 : i32
    %dma_start3A_97 = arith.constant 0 : i32
    %dma_start3A_98 = tpu.memref_slice %arg32[%dma_start3A_96, %dma_start3A_97] : memref<160x128xi32, #tpu.memory_space<vmem>> -> memref<1x128xi32, #tpu.memory_space<vmem>>
    %dma_start3A_99 = tpu.memref_squeeze %dma_start3A_98 : memref<1x128xi32, #tpu.memory_space<vmem>> -> memref<128xi32, #tpu.memory_space<vmem>>
    %dma_start3A_100 = arith.constant 0 : i32
    %dma_start3A_101 = arith.constant 0 : i32
    %dma_start3A_102 = tpu.memref_slice %arg2[%arg0, %dma_start3A_100, %dma_start3A_101] : memref<2x10000x16xf32, #tpu.memory_space<hbm>> -> memref<1x10000x16xf32, #tpu.memory_space<hbm>>
    %dma_start3A_103 = tpu.memref_squeeze %dma_start3A_102 : memref<1x10000x16xf32, #tpu.memory_space<hbm>> -> memref<10000x16xf32, #tpu.memory_space<hbm>>
    %dma_start3A_104 = arith.constant 0 : i32
    %dma_start3A_105 = arith.constant 0 : i32
    %dma_start3A_106 = tpu.memref_slice %dma_start3A_103[%dma_start3A_104, %dma_start3A_105] : memref<10000x16xf32, #tpu.memory_space<hbm>> -> memref<10000x16xf32, #tpu.memory_space<hbm>>
    tpu.enqueue_indirect_dma source(%dma_start3A_106 : memref<10000x16xf32, #tpu.memory_space<hbm>>) target(%arg13 : memref<128x16xf32, #tpu.memory_space<vmem>>) offsets(%dma_start3A_99 : memref<128xi32, #tpu.memory_space<vmem>>) semaphore(%arg21 : memref<!tpu.dma_semaphore, #tpu.memory_space<semaphore_mem>>)
    %barrier3A = arith.constant 0 : index
    tpu.barrier barrier_id(%barrier3A)
    %scan3A_107 = arith.constant 0 : i32
    %scan3A_108 = arith.constant 0 : i32
    %scan3A_109 = arith.constant 20 : i32
    %scan3A_110 = arith.addi %scan3A_108, %scan3A_109 : i32
    %scan3A_111 = arith.constant 1 : i32
    %scan3A_112 = scf.for %scan3A_175 = %scan3A_108 to %scan3A_110 step %scan3A_111 iter_args(%scan3A_176 = %scan3A_107) -> (i32)  : i32 {
      %mul3A_177 = arith.constant 8 : i32
      %mul3A_178 = arith.muli %scan3A_175, %mul3A_177 : i32
      %add3A = arith.constant 0 : i32
      %add3A_179 = arith.addi %mul3A_178, %add3A : i32
      %dma_wait3A_180 = arith.constant 0 : i32
      %dma_wait3A_181 = arith.constant 0 : i32
      %dma_wait3A_182 = tpu.memref_slice %arg32[%dma_wait3A_180, %dma_wait3A_181] : memref<160x128xi32, #tpu.memory_space<vmem>> -> memref<1x128xi32, #tpu.memory_space<vmem>>
      %dma_wait3A_183 = tpu.memref_squeeze %dma_wait3A_182 : memref<1x128xi32, #tpu.memory_space<vmem>> -> memref<128xi32, #tpu.memory_space<vmem>>
      %dma_wait3A_184 = arith.constant 0 : i32
      %dma_wait3A_185 = arith.constant 0 : i32
      %dma_wait3A_186 = tpu.memref_slice %arg2[%arg0, %dma_wait3A_184, %dma_wait3A_185] : memref<2x10000x16xf32, #tpu.memory_space<hbm>> -> memref<1x10000x16xf32, #tpu.memory_space<hbm>>
      %dma_wait3A_187 = tpu.memref_squeeze %dma_wait3A_186 : memref<1x10000x16xf32, #tpu.memory_space<hbm>> -> memref<10000x16xf32, #tpu.memory_space<hbm>>
      %dma_wait3A_188 = arith.constant 0 : i32
      %dma_wait3A_189 = arith.constant 0 : i32
      %dma_wait3A_190 = tpu.memref_slice %dma_wait3A_187[%dma_wait3A_188, %dma_wait3A_189] : memref<10000x16xf32, #tpu.memory_space<hbm>> -> memref<10000x16xf32, #tpu.memory_space<hbm>>
      tpu.wait_indirect_dma semaphore(%arg16 : memref<!tpu.dma_semaphore, #tpu.memory_space<semaphore_mem>>) src(%dma_wait3A_190 : memref<10000x16xf32, #tpu.memory_space<hbm>>) dst(%arg8 : memref<128x16xf32, #tpu.memory_space<vmem>>)
      %dma_start3A_191 = arith.constant 0 : i32
      %dma_start3A_192 = tpu.memref_slice %arg7[%add3A_179, %dma_start3A_191] : memref<160x128xi32, #tpu.memory_space<vmem>> -> memref<1x128xi32, #tpu.memory_space<vmem>>
      %dma_start3A_193 = tpu.memref_squeeze %dma_start3A_192 : memref<1x128xi32, #tpu.memory_space<vmem>> -> memref<128xi32, #tpu.memory_space<vmem>>
      %dma_start3A_194 = arith.constant 0 : i32
      %dma_start3A_195 = arith.constant 0 : i32
      %dma_start3A_196 = tpu.memref_slice %arg6[%dma_start3A_194, %dma_start3A_195] : memref<10240x16xf32, #tpu.memory_space<vmem_shared>> -> memref<10240x16xf32, #tpu.memory_space<vmem_shared>>
      tpu.enqueue_indirect_dma source(%arg8 : memref<128x16xf32, #tpu.memory_space<vmem>>) target(%dma_start3A_196 : memref<10240x16xf32, #tpu.memory_space<vmem_shared>>) offsets(%dma_start3A_193 : memref<128xi32, #tpu.memory_space<vmem>>) semaphore(%arg24 : memref<!tpu.dma_semaphore, #tpu.memory_space<semaphore_mem>>) {add = true}
      %add3A_197 = arith.constant 6 : i32
      %add3A_198 = arith.addi %add3A_179, %add3A_197 : i32
      %lt3A = arith.constant 160 : i32
      %lt3A_199 = arith.cmpi slt, %add3A_198, %lt3A : i32
      %convert_element_type3A = arith.extui %lt3A_199 : i1 to i32
      %cond3A = arith.constant 0 : i32
      %cond3A_200 = arith.cmpi ne, %convert_element_type3A, %cond3A : i32
      scf.if %cond3A_200 {
        %ge3A = arith.constant 8 : i32
        %ge3A_398 = arith.cmpi sge, %add3A_198, %ge3A : i32
        %convert_element_type3A_399 = arith.extui %ge3A_398 : i1 to i32
        %cond3A_400 = arith.constant 0 : i32
        %cond3A_401 = arith.cmpi ne, %convert_element_type3A_399, %cond3A_400 : i32
        scf.if %cond3A_401 {
          %dma_wait3A_412 = arith.constant 0 : i32
          %dma_wait3A_413 = arith.constant 0 : i32
          %dma_wait3A_414 = tpu.memref_slice %arg7[%dma_wait3A_412, %dma_wait3A_413] : memref<160x128xi32, #tpu.memory_space<vmem>> -> memref<1x128xi32, #tpu.memory_space<vmem>>
          %dma_wait3A_415 = tpu.memref_squeeze %dma_wait3A_414 : memref<1x128xi32, #tpu.memory_space<vmem>> -> memref<128xi32, #tpu.memory_space<vmem>>
          %dma_wait3A_416 = arith.constant 0 : i32
          %dma_wait3A_417 = arith.constant 0 : i32
          %dma_wait3A_418 = tpu.memref_slice %arg6[%dma_wait3A_416, %dma_wait3A_417] : memref<10240x16xf32, #tpu.memory_space<vmem_shared>> -> memref<10240x16xf32, #tpu.memory_space<vmem_shared>>
          tpu.wait_indirect_dma semaphore(%arg30 : memref<!tpu.dma_semaphore, #tpu.memory_space<semaphore_mem>>) src(%arg14 : memref<128x16xf32, #tpu.memory_space<vmem>>) dst(%dma_wait3A_418 : memref<10240x16xf32, #tpu.memory_space<vmem_shared>>)
        } else {
        }
        %dma_start3A_402 = arith.constant 0 : i32
        %dma_start3A_403 = tpu.memref_slice %arg32[%add3A_198, %dma_start3A_402] : memref<160x128xi32, #tpu.memory_space<vmem>> -> memref<1x128xi32, #tpu.memory_space<vmem>>
        %dma_start3A_404 = tpu.memref_squeeze %dma_start3A_403 : memref<1x128xi32, #tpu.memory_space<vmem>> -> memref<128xi32, #tpu.memory_space<vmem>>
        %dma_start3A_405 = arith.constant 0 : i32
        %dma_start3A_406 = arith.constant 0 : i32
        %dma_start3A_407 = tpu.memref_slice %arg2[%arg0, %dma_start3A_405, %dma_start3A_406] : memref<2x10000x16xf32, #tpu.memory_space<hbm>> -> memref<1x10000x16xf32, #tpu.memory_space<hbm>>
        %dma_start3A_408 = tpu.memref_squeeze %dma_start3A_407 : memref<1x10000x16xf32, #tpu.memory_space<hbm>> -> memref<10000x16xf32, #tpu.memory_space<hbm>>
        %dma_start3A_409 = arith.constant 0 : i32
        %dma_start3A_410 = arith.constant 0 : i32
        %dma_start3A_411 = tpu.memref_slice %dma_start3A_408[%dma_start3A_409, %dma_start3A_410] : memref<10000x16xf32, #tpu.memory_space<hbm>> -> memref<10000x16xf32, #tpu.memory_space<hbm>>
        tpu.enqueue_indirect_dma source(%dma_start3A_411 : memref<10000x16xf32, #tpu.memory_space<hbm>>) target(%arg14 : memref<128x16xf32, #tpu.memory_space<vmem>>) offsets(%dma_start3A_404 : memref<128xi32, #tpu.memory_space<vmem>>) semaphore(%arg22 : memref<!tpu.dma_semaphore, #tpu.memory_space<semaphore_mem>>)
      } else {
      }
      %mul3A_201 = arith.constant 8 : i32
      %mul3A_202 = arith.muli %scan3A_175, %mul3A_201 : i32
      %add3A_203 = arith.constant 1 : i32
      %add3A_204 = arith.addi %mul3A_202, %add3A_203 : i32
      %dma_wait3A_205 = arith.constant 0 : i32
      %dma_wait3A_206 = arith.constant 0 : i32
      %dma_wait3A_207 = tpu.memref_slice %arg32[%dma_wait3A_205, %dma_wait3A_206] : memref<160x128xi32, #tpu.memory_space<vmem>> -> memref<1x128xi32, #tpu.memory_space<vmem>>
      %dma_wait3A_208 = tpu.memref_squeeze %dma_wait3A_207 : memref<1x128xi32, #tpu.memory_space<vmem>> -> memref<128xi32, #tpu.memory_space<vmem>>
      %dma_wait3A_209 = arith.constant 0 : i32
      %dma_wait3A_210 = arith.constant 0 : i32
      %dma_wait3A_211 = tpu.memref_slice %arg2[%arg0, %dma_wait3A_209, %dma_wait3A_210] : memref<2x10000x16xf32, #tpu.memory_space<hbm>> -> memref<1x10000x16xf32, #tpu.memory_space<hbm>>
      %dma_wait3A_212 = tpu.memref_squeeze %dma_wait3A_211 : memref<1x10000x16xf32, #tpu.memory_space<hbm>> -> memref<10000x16xf32, #tpu.memory_space<hbm>>
      %dma_wait3A_213 = arith.constant 0 : i32
      %dma_wait3A_214 = arith.constant 0 : i32
      %dma_wait3A_215 = tpu.memref_slice %dma_wait3A_212[%dma_wait3A_213, %dma_wait3A_214] : memref<10000x16xf32, #tpu.memory_space<hbm>> -> memref<10000x16xf32, #tpu.memory_space<hbm>>
      tpu.wait_indirect_dma semaphore(%arg17 : memref<!tpu.dma_semaphore, #tpu.memory_space<semaphore_mem>>) src(%dma_wait3A_215 : memref<10000x16xf32, #tpu.memory_space<hbm>>) dst(%arg9 : memref<128x16xf32, #tpu.memory_space<vmem>>)
      %dma_start3A_216 = arith.constant 0 : i32
      %dma_start3A_217 = tpu.memref_slice %arg7[%add3A_204, %dma_start3A_216] : memref<160x128xi32, #tpu.memory_space<vmem>> -> memref<1x128xi32, #tpu.memory_space<vmem>>
      %dma_start3A_218 = tpu.memref_squeeze %dma_start3A_217 : memref<1x128xi32, #tpu.memory_space<vmem>> -> memref<128xi32, #tpu.memory_space<vmem>>
      %dma_start3A_219 = arith.constant 0 : i32
      %dma_start3A_220 = arith.constant 0 : i32
      %dma_start3A_221 = tpu.memref_slice %arg6[%dma_start3A_219, %dma_start3A_220] : memref<10240x16xf32, #tpu.memory_space<vmem_shared>> -> memref<10240x16xf32, #tpu.memory_space<vmem_shared>>
      tpu.enqueue_indirect_dma source(%arg9 : memref<128x16xf32, #tpu.memory_space<vmem>>) target(%dma_start3A_221 : memref<10240x16xf32, #tpu.memory_space<vmem_shared>>) offsets(%dma_start3A_218 : memref<128xi32, #tpu.memory_space<vmem>>) semaphore(%arg25 : memref<!tpu.dma_semaphore, #tpu.memory_space<semaphore_mem>>) {add = true}
      %add3A_222 = arith.constant 6 : i32
      %add3A_223 = arith.addi %add3A_204, %add3A_222 : i32
      %lt3A_224 = arith.constant 160 : i32
      %lt3A_225 = arith.cmpi slt, %add3A_223, %lt3A_224 : i32
      %convert_element_type3A_226 = arith.extui %lt3A_225 : i1 to i32
      %cond3A_227 = arith.constant 0 : i32
      %cond3A_228 = arith.cmpi ne, %convert_element_type3A_226, %cond3A_227 : i32
      scf.if %cond3A_228 {
        %ge3A = arith.constant 8 : i32
        %ge3A_398 = arith.cmpi sge, %add3A_223, %ge3A : i32
        %convert_element_type3A_399 = arith.extui %ge3A_398 : i1 to i32
        %cond3A_400 = arith.constant 0 : i32
        %cond3A_401 = arith.cmpi ne, %convert_element_type3A_399, %cond3A_400 : i32
        scf.if %cond3A_401 {
          %dma_wait3A_412 = arith.constant 0 : i32
          %dma_wait3A_413 = arith.constant 0 : i32
          %dma_wait3A_414 = tpu.memref_slice %arg7[%dma_wait3A_412, %dma_wait3A_413] : memref<160x128xi32, #tpu.memory_space<vmem>> -> memref<1x128xi32, #tpu.memory_space<vmem>>
          %dma_wait3A_415 = tpu.memref_squeeze %dma_wait3A_414 : memref<1x128xi32, #tpu.memory_space<vmem>> -> memref<128xi32, #tpu.memory_space<vmem>>
          %dma_wait3A_416 = arith.constant 0 : i32
          %dma_wait3A_417 = arith.constant 0 : i32
          %dma_wait3A_418 = tpu.memref_slice %arg6[%dma_wait3A_416, %dma_wait3A_417] : memref<10240x16xf32, #tpu.memory_space<vmem_shared>> -> memref<10240x16xf32, #tpu.memory_space<vmem_shared>>
          tpu.wait_indirect_dma semaphore(%arg31 : memref<!tpu.dma_semaphore, #tpu.memory_space<semaphore_mem>>) src(%arg15 : memref<128x16xf32, #tpu.memory_space<vmem>>) dst(%dma_wait3A_418 : memref<10240x16xf32, #tpu.memory_space<vmem_shared>>)
        } else {
        }
        %dma_start3A_402 = arith.constant 0 : i32
        %dma_start3A_403 = tpu.memref_slice %arg32[%add3A_223, %dma_start3A_402] : memref<160x128xi32, #tpu.memory_space<vmem>> -> memref<1x128xi32, #tpu.memory_space<vmem>>
        %dma_start3A_404 = tpu.memref_squeeze %dma_start3A_403 : memref<1x128xi32, #tpu.memory_space<vmem>> -> memref<128xi32, #tpu.memory_space<vmem>>
        %dma_start3A_405 = arith.constant 0 : i32
        %dma_start3A_406 = arith.constant 0 : i32
        %dma_start3A_407 = tpu.memref_slice %arg2[%arg0, %dma_start3A_405, %dma_start3A_406] : memref<2x10000x16xf32, #tpu.memory_space<hbm>> -> memref<1x10000x16xf32, #tpu.memory_space<hbm>>
        %dma_start3A_408 = tpu.memref_squeeze %dma_start3A_407 : memref<1x10000x16xf32, #tpu.memory_space<hbm>> -> memref<10000x16xf32, #tpu.memory_space<hbm>>
        %dma_start3A_409 = arith.constant 0 : i32
        %dma_start3A_410 = arith.constant 0 : i32
        %dma_start3A_411 = tpu.memref_slice %dma_start3A_408[%dma_start3A_409, %dma_start3A_410] : memref<10000x16xf32, #tpu.memory_space<hbm>> -> memref<10000x16xf32, #tpu.memory_space<hbm>>
        tpu.enqueue_indirect_dma source(%dma_start3A_411 : memref<10000x16xf32, #tpu.memory_space<hbm>>) target(%arg15 : memref<128x16xf32, #tpu.memory_space<vmem>>) offsets(%dma_start3A_404 : memref<128xi32, #tpu.memory_space<vmem>>) semaphore(%arg23 : memref<!tpu.dma_semaphore, #tpu.memory_space<semaphore_mem>>)
      } else {
      }
      %mul3A_229 = arith.constant 8 : i32
      %mul3A_230 = arith.muli %scan3A_175, %mul3A_229 : i32
      %add3A_231 = arith.constant 2 : i32
      %add3A_232 = arith.addi %mul3A_230, %add3A_231 : i32
      %dma_wait3A_233 = arith.constant 0 : i32
      %dma_wait3A_234 = arith.constant 0 : i32
      %dma_wait3A_235 = tpu.memref_slice %arg32[%dma_wait3A_233, %dma_wait3A_234] : memref<160x128xi32, #tpu.memory_space<vmem>> -> memref<1x128xi32, #tpu.memory_space<vmem>>
      %dma_wait3A_236 = tpu.memref_squeeze %dma_wait3A_235 : memref<1x128xi32, #tpu.memory_space<vmem>> -> memref<128xi32, #tpu.memory_space<vmem>>
      %dma_wait3A_237 = arith.constant 0 : i32
      %dma_wait3A_238 = arith.constant 0 : i32
      %dma_wait3A_239 = tpu.memref_slice %arg2[%arg0, %dma_wait3A_237, %dma_wait3A_238] : memref<2x10000x16xf32, #tpu.memory_space<hbm>> -> memref<1x10000x16xf32, #tpu.memory_space<hbm>>
      %dma_wait3A_240 = tpu.memref_squeeze %dma_wait3A_239 : memref<1x10000x16xf32, #tpu.memory_space<hbm>> -> memref<10000x16xf32, #tpu.memory_space<hbm>>
      %dma_wait3A_241 = arith.constant 0 : i32
      %dma_wait3A_242 = arith.constant 0 : i32
      %dma_wait3A_243 = tpu.memref_slice %dma_wait3A_240[%dma_wait3A_241, %dma_wait3A_242] : memref<10000x16xf32, #tpu.memory_space<hbm>> -> memref<10000x16xf32, #tpu.memory_space<hbm>>
      tpu.wait_indirect_dma semaphore(%arg18 : memref<!tpu.dma_semaphore, #tpu.memory_space<semaphore_mem>>) src(%dma_wait3A_243 : memref<10000x16xf32, #tpu.memory_space<hbm>>) dst(%arg10 : memref<128x16xf32, #tpu.memory_space<vmem>>)
      %dma_start3A_244 = arith.constant 0 : i32
      %dma_start3A_245 = tpu.memref_slice %arg7[%add3A_232, %dma_start3A_244] : memref<160x128xi32, #tpu.memory_space<vmem>> -> memref<1x128xi32, #tpu.memory_space<vmem>>
      %dma_start3A_246 = tpu.memref_squeeze %dma_start3A_245 : memref<1x128xi32, #tpu.memory_space<vmem>> -> memref<128xi32, #tpu.memory_space<vmem>>
      %dma_start3A_247 = arith.constant 0 : i32
      %dma_start3A_248 = arith.constant 0 : i32
      %dma_start3A_249 = tpu.memref_slice %arg6[%dma_start3A_247, %dma_start3A_248] : memref<10240x16xf32, #tpu.memory_space<vmem_shared>> -> memref<10240x16xf32, #tpu.memory_space<vmem_shared>>
      tpu.enqueue_indirect_dma source(%arg10 : memref<128x16xf32, #tpu.memory_space<vmem>>) target(%dma_start3A_249 : memref<10240x16xf32, #tpu.memory_space<vmem_shared>>) offsets(%dma_start3A_246 : memref<128xi32, #tpu.memory_space<vmem>>) semaphore(%arg26 : memref<!tpu.dma_semaphore, #tpu.memory_space<semaphore_mem>>) {add = true}
      %add3A_250 = arith.constant 6 : i32
      %add3A_251 = arith.addi %add3A_232, %add3A_250 : i32
      %lt3A_252 = arith.constant 160 : i32
      %lt3A_253 = arith.cmpi slt, %add3A_251, %lt3A_252 : i32
      %convert_element_type3A_254 = arith.extui %lt3A_253 : i1 to i32
      %cond3A_255 = arith.constant 0 : i32
      %cond3A_256 = arith.cmpi ne, %convert_element_type3A_254, %cond3A_255 : i32
      scf.if %cond3A_256 {
        %ge3A = arith.constant 8 : i32
        %ge3A_398 = arith.cmpi sge, %add3A_251, %ge3A : i32
        %convert_element_type3A_399 = arith.extui %ge3A_398 : i1 to i32
        %cond3A_400 = arith.constant 0 : i32
        %cond3A_401 = arith.cmpi ne, %convert_element_type3A_399, %cond3A_400 : i32
        scf.if %cond3A_401 {
          %dma_wait3A_412 = arith.constant 0 : i32
          %dma_wait3A_413 = arith.constant 0 : i32
          %dma_wait3A_414 = tpu.memref_slice %arg7[%dma_wait3A_412, %dma_wait3A_413] : memref<160x128xi32, #tpu.memory_space<vmem>> -> memref<1x128xi32, #tpu.memory_space<vmem>>
          %dma_wait3A_415 = tpu.memref_squeeze %dma_wait3A_414 : memref<1x128xi32, #tpu.memory_space<vmem>> -> memref<128xi32, #tpu.memory_space<vmem>>
          %dma_wait3A_416 = arith.constant 0 : i32
          %dma_wait3A_417 = arith.constant 0 : i32
          %dma_wait3A_418 = tpu.memref_slice %arg6[%dma_wait3A_416, %dma_wait3A_417] : memref<10240x16xf32, #tpu.memory_space<vmem_shared>> -> memref<10240x16xf32, #tpu.memory_space<vmem_shared>>
          tpu.wait_indirect_dma semaphore(%arg24 : memref<!tpu.dma_semaphore, #tpu.memory_space<semaphore_mem>>) src(%arg8 : memref<128x16xf32, #tpu.memory_space<vmem>>) dst(%dma_wait3A_418 : memref<10240x16xf32, #tpu.memory_space<vmem_shared>>)
        } else {
        }
        %dma_start3A_402 = arith.constant 0 : i32
        %dma_start3A_403 = tpu.memref_slice %arg32[%add3A_251, %dma_start3A_402] : memref<160x128xi32, #tpu.memory_space<vmem>> -> memref<1x128xi32, #tpu.memory_space<vmem>>
        %dma_start3A_404 = tpu.memref_squeeze %dma_start3A_403 : memref<1x128xi32, #tpu.memory_space<vmem>> -> memref<128xi32, #tpu.memory_space<vmem>>
        %dma_start3A_405 = arith.constant 0 : i32
        %dma_start3A_406 = arith.constant 0 : i32
        %dma_start3A_407 = tpu.memref_slice %arg2[%arg0, %dma_start3A_405, %dma_start3A_406] : memref<2x10000x16xf32, #tpu.memory_space<hbm>> -> memref<1x10000x16xf32, #tpu.memory_space<hbm>>
        %dma_start3A_408 = tpu.memref_squeeze %dma_start3A_407 : memref<1x10000x16xf32, #tpu.memory_space<hbm>> -> memref<10000x16xf32, #tpu.memory_space<hbm>>
        %dma_start3A_409 = arith.constant 0 : i32
        %dma_start3A_410 = arith.constant 0 : i32
        %dma_start3A_411 = tpu.memref_slice %dma_start3A_408[%dma_start3A_409, %dma_start3A_410] : memref<10000x16xf32, #tpu.memory_space<hbm>> -> memref<10000x16xf32, #tpu.memory_space<hbm>>
        tpu.enqueue_indirect_dma source(%dma_start3A_411 : memref<10000x16xf32, #tpu.memory_space<hbm>>) target(%arg8 : memref<128x16xf32, #tpu.memory_space<vmem>>) offsets(%dma_start3A_404 : memref<128xi32, #tpu.memory_space<vmem>>) semaphore(%arg16 : memref<!tpu.dma_semaphore, #tpu.memory_space<semaphore_mem>>)
      } else {
      }
      %mul3A_257 = arith.constant 8 : i32
      %mul3A_258 = arith.muli %scan3A_175, %mul3A_257 : i32
      %add3A_259 = arith.constant 3 : i32
      %add3A_260 = arith.addi %mul3A_258, %add3A_259 : i32
      %dma_wait3A_261 = arith.constant 0 : i32
      %dma_wait3A_262 = arith.constant 0 : i32
      %dma_wait3A_263 = tpu.memref_slice %arg32[%dma_wait3A_261, %dma_wait3A_262] : memref<160x128xi32, #tpu.memory_space<vmem>> -> memref<1x128xi32, #tpu.memory_space<vmem>>
      %dma_wait3A_264 = tpu.memref_squeeze %dma_wait3A_263 : memref<1x128xi32, #tpu.memory_space<vmem>> -> memref<128xi32, #tpu.memory_space<vmem>>
      %dma_wait3A_265 = arith.constant 0 : i32
      %dma_wait3A_266 = arith.constant 0 : i32
      %dma_wait3A_267 = tpu.memref_slice %arg2[%arg0, %dma_wait3A_265, %dma_wait3A_266] : memref<2x10000x16xf32, #tpu.memory_space<hbm>> -> memref<1x10000x16xf32, #tpu.memory_space<hbm>>
      %dma_wait3A_268 = tpu.memref_squeeze %dma_wait3A_267 : memref<1x10000x16xf32, #tpu.memory_space<hbm>> -> memref<10000x16xf32, #tpu.memory_space<hbm>>
      %dma_wait3A_269 = arith.constant 0 : i32
      %dma_wait3A_270 = arith.constant 0 : i32
      %dma_wait3A_271 = tpu.memref_slice %dma_wait3A_268[%dma_wait3A_269, %dma_wait3A_270] : memref<10000x16xf32, #tpu.memory_space<hbm>> -> memref<10000x16xf32, #tpu.memory_space<hbm>>
      tpu.wait_indirect_dma semaphore(%arg19 : memref<!tpu.dma_semaphore, #tpu.memory_space<semaphore_mem>>) src(%dma_wait3A_271 : memref<10000x16xf32, #tpu.memory_space<hbm>>) dst(%arg11 : memref<128x16xf32, #tpu.memory_space<vmem>>)
      %dma_start3A_272 = arith.constant 0 : i32
      %dma_start3A_273 = tpu.memref_slice %arg7[%add3A_260, %dma_start3A_272] : memref<160x128xi32, #tpu.memory_space<vmem>> -> memref<1x128xi32, #tpu.memory_space<vmem>>
      %dma_start3A_274 = tpu.memref_squeeze %dma_start3A_273 : memref<1x128xi32, #tpu.memory_space<vmem>> -> memref<128xi32, #tpu.memory_space<vmem>>
      %dma_start3A_275 = arith.constant 0 : i32
      %dma_start3A_276 = arith.constant 0 : i32
      %dma_start3A_277 = tpu.memref_slice %arg6[%dma_start3A_275, %dma_start3A_276] : memref<10240x16xf32, #tpu.memory_space<vmem_shared>> -> memref<10240x16xf32, #tpu.memory_space<vmem_shared>>
      tpu.enqueue_indirect_dma source(%arg11 : memref<128x16xf32, #tpu.memory_space<vmem>>) target(%dma_start3A_277 : memref<10240x16xf32, #tpu.memory_space<vmem_shared>>) offsets(%dma_start3A_274 : memref<128xi32, #tpu.memory_space<vmem>>) semaphore(%arg27 : memref<!tpu.dma_semaphore, #tpu.memory_space<semaphore_mem>>) {add = true}
      %add3A_278 = arith.constant 6 : i32
      %add3A_279 = arith.addi %add3A_260, %add3A_278 : i32
      %lt3A_280 = arith.constant 160 : i32
      %lt3A_281 = arith.cmpi slt, %add3A_279, %lt3A_280 : i32
      %convert_element_type3A_282 = arith.extui %lt3A_281 : i1 to i32
      %cond3A_283 = arith.constant 0 : i32
      %cond3A_284 = arith.cmpi ne, %convert_element_type3A_282, %cond3A_283 : i32
      scf.if %cond3A_284 {
        %ge3A = arith.constant 8 : i32
        %ge3A_398 = arith.cmpi sge, %add3A_279, %ge3A : i32
        %convert_element_type3A_399 = arith.extui %ge3A_398 : i1 to i32
        %cond3A_400 = arith.constant 0 : i32
        %cond3A_401 = arith.cmpi ne, %convert_element_type3A_399, %cond3A_400 : i32
        scf.if %cond3A_401 {
          %dma_wait3A_412 = arith.constant 0 : i32
          %dma_wait3A_413 = arith.constant 0 : i32
          %dma_wait3A_414 = tpu.memref_slice %arg7[%dma_wait3A_412, %dma_wait3A_413] : memref<160x128xi32, #tpu.memory_space<vmem>> -> memref<1x128xi32, #tpu.memory_space<vmem>>
          %dma_wait3A_415 = tpu.memref_squeeze %dma_wait3A_414 : memref<1x128xi32, #tpu.memory_space<vmem>> -> memref<128xi32, #tpu.memory_space<vmem>>
          %dma_wait3A_416 = arith.constant 0 : i32
          %dma_wait3A_417 = arith.constant 0 : i32
          %dma_wait3A_418 = tpu.memref_slice %arg6[%dma_wait3A_416, %dma_wait3A_417] : memref<10240x16xf32, #tpu.memory_space<vmem_shared>> -> memref<10240x16xf32, #tpu.memory_space<vmem_shared>>
          tpu.wait_indirect_dma semaphore(%arg25 : memref<!tpu.dma_semaphore, #tpu.memory_space<semaphore_mem>>) src(%arg9 : memref<128x16xf32, #tpu.memory_space<vmem>>) dst(%dma_wait3A_418 : memref<10240x16xf32, #tpu.memory_space<vmem_shared>>)
        } else {
        }
        %dma_start3A_402 = arith.constant 0 : i32
        %dma_start3A_403 = tpu.memref_slice %arg32[%add3A_279, %dma_start3A_402] : memref<160x128xi32, #tpu.memory_space<vmem>> -> memref<1x128xi32, #tpu.memory_space<vmem>>
        %dma_start3A_404 = tpu.memref_squeeze %dma_start3A_403 : memref<1x128xi32, #tpu.memory_space<vmem>> -> memref<128xi32, #tpu.memory_space<vmem>>
        %dma_start3A_405 = arith.constant 0 : i32
        %dma_start3A_406 = arith.constant 0 : i32
        %dma_start3A_407 = tpu.memref_slice %arg2[%arg0, %dma_start3A_405, %dma_start3A_406] : memref<2x10000x16xf32, #tpu.memory_space<hbm>> -> memref<1x10000x16xf32, #tpu.memory_space<hbm>>
        %dma_start3A_408 = tpu.memref_squeeze %dma_start3A_407 : memref<1x10000x16xf32, #tpu.memory_space<hbm>> -> memref<10000x16xf32, #tpu.memory_space<hbm>>
        %dma_start3A_409 = arith.constant 0 : i32
        %dma_start3A_410 = arith.constant 0 : i32
        %dma_start3A_411 = tpu.memref_slice %dma_start3A_408[%dma_start3A_409, %dma_start3A_410] : memref<10000x16xf32, #tpu.memory_space<hbm>> -> memref<10000x16xf32, #tpu.memory_space<hbm>>
        tpu.enqueue_indirect_dma source(%dma_start3A_411 : memref<10000x16xf32, #tpu.memory_space<hbm>>) target(%arg9 : memref<128x16xf32, #tpu.memory_space<vmem>>) offsets(%dma_start3A_404 : memref<128xi32, #tpu.memory_space<vmem>>) semaphore(%arg17 : memref<!tpu.dma_semaphore, #tpu.memory_space<semaphore_mem>>)
      } else {
      }
      %mul3A_285 = arith.constant 8 : i32
      %mul3A_286 = arith.muli %scan3A_175, %mul3A_285 : i32
      %add3A_287 = arith.constant 4 : i32
      %add3A_288 = arith.addi %mul3A_286, %add3A_287 : i32
      %dma_wait3A_289 = arith.constant 0 : i32
      %dma_wait3A_290 = arith.constant 0 : i32
      %dma_wait3A_291 = tpu.memref_slice %arg32[%dma_wait3A_289, %dma_wait3A_290] : memref<160x128xi32, #tpu.memory_space<vmem>> -> memref<1x128xi32, #tpu.memory_space<vmem>>
      %dma_wait3A_292 = tpu.memref_squeeze %dma_wait3A_291 : memref<1x128xi32, #tpu.memory_space<vmem>> -> memref<128xi32, #tpu.memory_space<vmem>>
      %dma_wait3A_293 = arith.constant 0 : i32
      %dma_wait3A_294 = arith.constant 0 : i32
      %dma_wait3A_295 = tpu.memref_slice %arg2[%arg0, %dma_wait3A_293, %dma_wait3A_294] : memref<2x10000x16xf32, #tpu.memory_space<hbm>> -> memref<1x10000x16xf32, #tpu.memory_space<hbm>>
      %dma_wait3A_296 = tpu.memref_squeeze %dma_wait3A_295 : memref<1x10000x16xf32, #tpu.memory_space<hbm>> -> memref<10000x16xf32, #tpu.memory_space<hbm>>
      %dma_wait3A_297 = arith.constant 0 : i32
      %dma_wait3A_298 = arith.constant 0 : i32
      %dma_wait3A_299 = tpu.memref_slice %dma_wait3A_296[%dma_wait3A_297, %dma_wait3A_298] : memref<10000x16xf32, #tpu.memory_space<hbm>> -> memref<10000x16xf32, #tpu.memory_space<hbm>>
      tpu.wait_indirect_dma semaphore(%arg20 : memref<!tpu.dma_semaphore, #tpu.memory_space<semaphore_mem>>) src(%dma_wait3A_299 : memref<10000x16xf32, #tpu.memory_space<hbm>>) dst(%arg12 : memref<128x16xf32, #tpu.memory_space<vmem>>)
      %dma_start3A_300 = arith.constant 0 : i32
      %dma_start3A_301 = tpu.memref_slice %arg7[%add3A_288, %dma_start3A_300] : memref<160x128xi32, #tpu.memory_space<vmem>> -> memref<1x128xi32, #tpu.memory_space<vmem>>
      %dma_start3A_302 = tpu.memref_squeeze %dma_start3A_301 : memref<1x128xi32, #tpu.memory_space<vmem>> -> memref<128xi32, #tpu.memory_space<vmem>>
      %dma_start3A_303 = arith.constant 0 : i32
      %dma_start3A_304 = arith.constant 0 : i32
      %dma_start3A_305 = tpu.memref_slice %arg6[%dma_start3A_303, %dma_start3A_304] : memref<10240x16xf32, #tpu.memory_space<vmem_shared>> -> memref<10240x16xf32, #tpu.memory_space<vmem_shared>>
      tpu.enqueue_indirect_dma source(%arg12 : memref<128x16xf32, #tpu.memory_space<vmem>>) target(%dma_start3A_305 : memref<10240x16xf32, #tpu.memory_space<vmem_shared>>) offsets(%dma_start3A_302 : memref<128xi32, #tpu.memory_space<vmem>>) semaphore(%arg28 : memref<!tpu.dma_semaphore, #tpu.memory_space<semaphore_mem>>) {add = true}
      %add3A_306 = arith.constant 6 : i32
      %add3A_307 = arith.addi %add3A_288, %add3A_306 : i32
      %lt3A_308 = arith.constant 160 : i32
      %lt3A_309 = arith.cmpi slt, %add3A_307, %lt3A_308 : i32
      %convert_element_type3A_310 = arith.extui %lt3A_309 : i1 to i32
      %cond3A_311 = arith.constant 0 : i32
      %cond3A_312 = arith.cmpi ne, %convert_element_type3A_310, %cond3A_311 : i32
      scf.if %cond3A_312 {
        %ge3A = arith.constant 8 : i32
        %ge3A_398 = arith.cmpi sge, %add3A_307, %ge3A : i32
        %convert_element_type3A_399 = arith.extui %ge3A_398 : i1 to i32
        %cond3A_400 = arith.constant 0 : i32
        %cond3A_401 = arith.cmpi ne, %convert_element_type3A_399, %cond3A_400 : i32
        scf.if %cond3A_401 {
          %dma_wait3A_412 = arith.constant 0 : i32
          %dma_wait3A_413 = arith.constant 0 : i32
          %dma_wait3A_414 = tpu.memref_slice %arg7[%dma_wait3A_412, %dma_wait3A_413] : memref<160x128xi32, #tpu.memory_space<vmem>> -> memref<1x128xi32, #tpu.memory_space<vmem>>
          %dma_wait3A_415 = tpu.memref_squeeze %dma_wait3A_414 : memref<1x128xi32, #tpu.memory_space<vmem>> -> memref<128xi32, #tpu.memory_space<vmem>>
          %dma_wait3A_416 = arith.constant 0 : i32
          %dma_wait3A_417 = arith.constant 0 : i32
          %dma_wait3A_418 = tpu.memref_slice %arg6[%dma_wait3A_416, %dma_wait3A_417] : memref<10240x16xf32, #tpu.memory_space<vmem_shared>> -> memref<10240x16xf32, #tpu.memory_space<vmem_shared>>
          tpu.wait_indirect_dma semaphore(%arg26 : memref<!tpu.dma_semaphore, #tpu.memory_space<semaphore_mem>>) src(%arg10 : memref<128x16xf32, #tpu.memory_space<vmem>>) dst(%dma_wait3A_418 : memref<10240x16xf32, #tpu.memory_space<vmem_shared>>)
        } else {
        }
        %dma_start3A_402 = arith.constant 0 : i32
        %dma_start3A_403 = tpu.memref_slice %arg32[%add3A_307, %dma_start3A_402] : memref<160x128xi32, #tpu.memory_space<vmem>> -> memref<1x128xi32, #tpu.memory_space<vmem>>
        %dma_start3A_404 = tpu.memref_squeeze %dma_start3A_403 : memref<1x128xi32, #tpu.memory_space<vmem>> -> memref<128xi32, #tpu.memory_space<vmem>>
        %dma_start3A_405 = arith.constant 0 : i32
        %dma_start3A_406 = arith.constant 0 : i32
        %dma_start3A_407 = tpu.memref_slice %arg2[%arg0, %dma_start3A_405, %dma_start3A_406] : memref<2x10000x16xf32, #tpu.memory_space<hbm>> -> memref<1x10000x16xf32, #tpu.memory_space<hbm>>
        %dma_start3A_408 = tpu.memref_squeeze %dma_start3A_407 : memref<1x10000x16xf32, #tpu.memory_space<hbm>> -> memref<10000x16xf32, #tpu.memory_space<hbm>>
        %dma_start3A_409 = arith.constant 0 : i32
        %dma_start3A_410 = arith.constant 0 : i32
        %dma_start3A_411 = tpu.memref_slice %dma_start3A_408[%dma_start3A_409, %dma_start3A_410] : memref<10000x16xf32, #tpu.memory_space<hbm>> -> memref<10000x16xf32, #tpu.memory_space<hbm>>
        tpu.enqueue_indirect_dma source(%dma_start3A_411 : memref<10000x16xf32, #tpu.memory_space<hbm>>) target(%arg10 : memref<128x16xf32, #tpu.memory_space<vmem>>) offsets(%dma_start3A_404 : memref<128xi32, #tpu.memory_space<vmem>>) semaphore(%arg18 : memref<!tpu.dma_semaphore, #tpu.memory_space<semaphore_mem>>)
      } else {
      }
      %mul3A_313 = arith.constant 8 : i32
      %mul3A_314 = arith.muli %scan3A_175, %mul3A_313 : i32
      %add3A_315 = arith.constant 5 : i32
      %add3A_316 = arith.addi %mul3A_314, %add3A_315 : i32
      %dma_wait3A_317 = arith.constant 0 : i32
      %dma_wait3A_318 = arith.constant 0 : i32
      %dma_wait3A_319 = tpu.memref_slice %arg32[%dma_wait3A_317, %dma_wait3A_318] : memref<160x128xi32, #tpu.memory_space<vmem>> -> memref<1x128xi32, #tpu.memory_space<vmem>>
      %dma_wait3A_320 = tpu.memref_squeeze %dma_wait3A_319 : memref<1x128xi32, #tpu.memory_space<vmem>> -> memref<128xi32, #tpu.memory_space<vmem>>
      %dma_wait3A_321 = arith.constant 0 : i32
      %dma_wait3A_322 = arith.constant 0 : i32
      %dma_wait3A_323 = tpu.memref_slice %arg2[%arg0, %dma_wait3A_321, %dma_wait3A_322] : memref<2x10000x16xf32, #tpu.memory_space<hbm>> -> memref<1x10000x16xf32, #tpu.memory_space<hbm>>
      %dma_wait3A_324 = tpu.memref_squeeze %dma_wait3A_323 : memref<1x10000x16xf32, #tpu.memory_space<hbm>> -> memref<10000x16xf32, #tpu.memory_space<hbm>>
      %dma_wait3A_325 = arith.constant 0 : i32
      %dma_wait3A_326 = arith.constant 0 : i32
      %dma_wait3A_327 = tpu.memref_slice %dma_wait3A_324[%dma_wait3A_325, %dma_wait3A_326] : memref<10000x16xf32, #tpu.memory_space<hbm>> -> memref<10000x16xf32, #tpu.memory_space<hbm>>
      tpu.wait_indirect_dma semaphore(%arg21 : memref<!tpu.dma_semaphore, #tpu.memory_space<semaphore_mem>>) src(%dma_wait3A_327 : memref<10000x16xf32, #tpu.memory_space<hbm>>) dst(%arg13 : memref<128x16xf32, #tpu.memory_space<vmem>>)
      %dma_start3A_328 = arith.constant 0 : i32
      %dma_start3A_329 = tpu.memref_slice %arg7[%add3A_316, %dma_start3A_328] : memref<160x128xi32, #tpu.memory_space<vmem>> -> memref<1x128xi32, #tpu.memory_space<vmem>>
      %dma_start3A_330 = tpu.memref_squeeze %dma_start3A_329 : memref<1x128xi32, #tpu.memory_space<vmem>> -> memref<128xi32, #tpu.memory_space<vmem>>
      %dma_start3A_331 = arith.constant 0 : i32
      %dma_start3A_332 = arith.constant 0 : i32
      %dma_start3A_333 = tpu.memref_slice %arg6[%dma_start3A_331, %dma_start3A_332] : memref<10240x16xf32, #tpu.memory_space<vmem_shared>> -> memref<10240x16xf32, #tpu.memory_space<vmem_shared>>
      tpu.enqueue_indirect_dma source(%arg13 : memref<128x16xf32, #tpu.memory_space<vmem>>) target(%dma_start3A_333 : memref<10240x16xf32, #tpu.memory_space<vmem_shared>>) offsets(%dma_start3A_330 : memref<128xi32, #tpu.memory_space<vmem>>) semaphore(%arg29 : memref<!tpu.dma_semaphore, #tpu.memory_space<semaphore_mem>>) {add = true}
      %add3A_334 = arith.constant 6 : i32
      %add3A_335 = arith.addi %add3A_316, %add3A_334 : i32
      %lt3A_336 = arith.constant 160 : i32
      %lt3A_337 = arith.cmpi slt, %add3A_335, %lt3A_336 : i32
      %convert_element_type3A_338 = arith.extui %lt3A_337 : i1 to i32
      %cond3A_339 = arith.constant 0 : i32
      %cond3A_340 = arith.cmpi ne, %convert_element_type3A_338, %cond3A_339 : i32
      scf.if %cond3A_340 {
        %ge3A = arith.constant 8 : i32
        %ge3A_398 = arith.cmpi sge, %add3A_335, %ge3A : i32
        %convert_element_type3A_399 = arith.extui %ge3A_398 : i1 to i32
        %cond3A_400 = arith.constant 0 : i32
        %cond3A_401 = arith.cmpi ne, %convert_element_type3A_399, %cond3A_400 : i32
        scf.if %cond3A_401 {
          %dma_wait3A_412 = arith.constant 0 : i32
          %dma_wait3A_413 = arith.constant 0 : i32
          %dma_wait3A_414 = tpu.memref_slice %arg7[%dma_wait3A_412, %dma_wait3A_413] : memref<160x128xi32, #tpu.memory_space<vmem>> -> memref<1x128xi32, #tpu.memory_space<vmem>>
          %dma_wait3A_415 = tpu.memref_squeeze %dma_wait3A_414 : memref<1x128xi32, #tpu.memory_space<vmem>> -> memref<128xi32, #tpu.memory_space<vmem>>
          %dma_wait3A_416 = arith.constant 0 : i32
          %dma_wait3A_417 = arith.constant 0 : i32
          %dma_wait3A_418 = tpu.memref_slice %arg6[%dma_wait3A_416, %dma_wait3A_417] : memref<10240x16xf32, #tpu.memory_space<vmem_shared>> -> memref<10240x16xf32, #tpu.memory_space<vmem_shared>>
          tpu.wait_indirect_dma semaphore(%arg27 : memref<!tpu.dma_semaphore, #tpu.memory_space<semaphore_mem>>) src(%arg11 : memref<128x16xf32, #tpu.memory_space<vmem>>) dst(%dma_wait3A_418 : memref<10240x16xf32, #tpu.memory_space<vmem_shared>>)
        } else {
        }
        %dma_start3A_402 = arith.constant 0 : i32
        %dma_start3A_403 = tpu.memref_slice %arg32[%add3A_335, %dma_start3A_402] : memref<160x128xi32, #tpu.memory_space<vmem>> -> memref<1x128xi32, #tpu.memory_space<vmem>>
        %dma_start3A_404 = tpu.memref_squeeze %dma_start3A_403 : memref<1x128xi32, #tpu.memory_space<vmem>> -> memref<128xi32, #tpu.memory_space<vmem>>
        %dma_start3A_405 = arith.constant 0 : i32
        %dma_start3A_406 = arith.constant 0 : i32
        %dma_start3A_407 = tpu.memref_slice %arg2[%arg0, %dma_start3A_405, %dma_start3A_406] : memref<2x10000x16xf32, #tpu.memory_space<hbm>> -> memref<1x10000x16xf32, #tpu.memory_space<hbm>>
        %dma_start3A_408 = tpu.memref_squeeze %dma_start3A_407 : memref<1x10000x16xf32, #tpu.memory_space<hbm>> -> memref<10000x16xf32, #tpu.memory_space<hbm>>
        %dma_start3A_409 = arith.constant 0 : i32
        %dma_start3A_410 = arith.constant 0 : i32
        %dma_start3A_411 = tpu.memref_slice %dma_start3A_408[%dma_start3A_409, %dma_start3A_410] : memref<10000x16xf32, #tpu.memory_space<hbm>> -> memref<10000x16xf32, #tpu.memory_space<hbm>>
        tpu.enqueue_indirect_dma source(%dma_start3A_411 : memref<10000x16xf32, #tpu.memory_space<hbm>>) target(%arg11 : memref<128x16xf32, #tpu.memory_space<vmem>>) offsets(%dma_start3A_404 : memref<128xi32, #tpu.memory_space<vmem>>) semaphore(%arg19 : memref<!tpu.dma_semaphore, #tpu.memory_space<semaphore_mem>>)
      } else {
      }
      %mul3A_341 = arith.constant 8 : i32
      %mul3A_342 = arith.muli %scan3A_175, %mul3A_341 : i32
      %add3A_343 = arith.constant 6 : i32
      %add3A_344 = arith.addi %mul3A_342, %add3A_343 : i32
      %dma_wait3A_345 = arith.constant 0 : i32
      %dma_wait3A_346 = arith.constant 0 : i32
      %dma_wait3A_347 = tpu.memref_slice %arg32[%dma_wait3A_345, %dma_wait3A_346] : memref<160x128xi32, #tpu.memory_space<vmem>> -> memref<1x128xi32, #tpu.memory_space<vmem>>
      %dma_wait3A_348 = tpu.memref_squeeze %dma_wait3A_347 : memref<1x128xi32, #tpu.memory_space<vmem>> -> memref<128xi32, #tpu.memory_space<vmem>>
      %dma_wait3A_349 = arith.constant 0 : i32
      %dma_wait3A_350 = arith.constant 0 : i32
      %dma_wait3A_351 = tpu.memref_slice %arg2[%arg0, %dma_wait3A_349, %dma_wait3A_350] : memref<2x10000x16xf32, #tpu.memory_space<hbm>> -> memref<1x10000x16xf32, #tpu.memory_space<hbm>>
      %dma_wait3A_352 = tpu.memref_squeeze %dma_wait3A_351 : memref<1x10000x16xf32, #tpu.memory_space<hbm>> -> memref<10000x16xf32, #tpu.memory_space<hbm>>
      %dma_wait3A_353 = arith.constant 0 : i32
      %dma_wait3A_354 = arith.constant 0 : i32
      %dma_wait3A_355 = tpu.memref_slice %dma_wait3A_352[%dma_wait3A_353, %dma_wait3A_354] : memref<10000x16xf32, #tpu.memory_space<hbm>> -> memref<10000x16xf32, #tpu.memory_space<hbm>>
      tpu.wait_indirect_dma semaphore(%arg22 : memref<!tpu.dma_semaphore, #tpu.memory_space<semaphore_mem>>) src(%dma_wait3A_355 : memref<10000x16xf32, #tpu.memory_space<hbm>>) dst(%arg14 : memref<128x16xf32, #tpu.memory_space<vmem>>)
      %dma_start3A_356 = arith.constant 0 : i32
      %dma_start3A_357 = tpu.memref_slice %arg7[%add3A_344, %dma_start3A_356] : memref<160x128xi32, #tpu.memory_space<vmem>> -> memref<1x128xi32, #tpu.memory_space<vmem>>
      %dma_start3A_358 = tpu.memref_squeeze %dma_start3A_357 : memref<1x128xi32, #tpu.memory_space<vmem>> -> memref<128xi32, #tpu.memory_space<vmem>>
      %dma_start3A_359 = arith.constant 0 : i32
      %dma_start3A_360 = arith.constant 0 : i32
      %dma_start3A_361 = tpu.memref_slice %arg6[%dma_start3A_359, %dma_start3A_360] : memref<10240x16xf32, #tpu.memory_space<vmem_shared>> -> memref<10240x16xf32, #tpu.memory_space<vmem_shared>>
      tpu.enqueue_indirect_dma source(%arg14 : memref<128x16xf32, #tpu.memory_space<vmem>>) target(%dma_start3A_361 : memref<10240x16xf32, #tpu.memory_space<vmem_shared>>) offsets(%dma_start3A_358 : memref<128xi32, #tpu.memory_space<vmem>>) semaphore(%arg30 : memref<!tpu.dma_semaphore, #tpu.memory_space<semaphore_mem>>) {add = true}
      %add3A_362 = arith.constant 6 : i32
      %add3A_363 = arith.addi %add3A_344, %add3A_362 : i32
      %lt3A_364 = arith.constant 160 : i32
      %lt3A_365 = arith.cmpi slt, %add3A_363, %lt3A_364 : i32
      %convert_element_type3A_366 = arith.extui %lt3A_365 : i1 to i32
      %cond3A_367 = arith.constant 0 : i32
      %cond3A_368 = arith.cmpi ne, %convert_element_type3A_366, %cond3A_367 : i32
      scf.if %cond3A_368 {
        %ge3A = arith.constant 8 : i32
        %ge3A_398 = arith.cmpi sge, %add3A_363, %ge3A : i32
        %convert_element_type3A_399 = arith.extui %ge3A_398 : i1 to i32
        %cond3A_400 = arith.constant 0 : i32
        %cond3A_401 = arith.cmpi ne, %convert_element_type3A_399, %cond3A_400 : i32
        scf.if %cond3A_401 {
          %dma_wait3A_412 = arith.constant 0 : i32
          %dma_wait3A_413 = arith.constant 0 : i32
          %dma_wait3A_414 = tpu.memref_slice %arg7[%dma_wait3A_412, %dma_wait3A_413] : memref<160x128xi32, #tpu.memory_space<vmem>> -> memref<1x128xi32, #tpu.memory_space<vmem>>
          %dma_wait3A_415 = tpu.memref_squeeze %dma_wait3A_414 : memref<1x128xi32, #tpu.memory_space<vmem>> -> memref<128xi32, #tpu.memory_space<vmem>>
          %dma_wait3A_416 = arith.constant 0 : i32
          %dma_wait3A_417 = arith.constant 0 : i32
          %dma_wait3A_418 = tpu.memref_slice %arg6[%dma_wait3A_416, %dma_wait3A_417] : memref<10240x16xf32, #tpu.memory_space<vmem_shared>> -> memref<10240x16xf32, #tpu.memory_space<vmem_shared>>
          tpu.wait_indirect_dma semaphore(%arg28 : memref<!tpu.dma_semaphore, #tpu.memory_space<semaphore_mem>>) src(%arg12 : memref<128x16xf32, #tpu.memory_space<vmem>>) dst(%dma_wait3A_418 : memref<10240x16xf32, #tpu.memory_space<vmem_shared>>)
        } else {
        }
        %dma_start3A_402 = arith.constant 0 : i32
        %dma_start3A_403 = tpu.memref_slice %arg32[%add3A_363, %dma_start3A_402] : memref<160x128xi32, #tpu.memory_space<vmem>> -> memref<1x128xi32, #tpu.memory_space<vmem>>
        %dma_start3A_404 = tpu.memref_squeeze %dma_start3A_403 : memref<1x128xi32, #tpu.memory_space<vmem>> -> memref<128xi32, #tpu.memory_space<vmem>>
        %dma_start3A_405 = arith.constant 0 : i32
        %dma_start3A_406 = arith.constant 0 : i32
        %dma_start3A_407 = tpu.memref_slice %arg2[%arg0, %dma_start3A_405, %dma_start3A_406] : memref<2x10000x16xf32, #tpu.memory_space<hbm>> -> memref<1x10000x16xf32, #tpu.memory_space<hbm>>
        %dma_start3A_408 = tpu.memref_squeeze %dma_start3A_407 : memref<1x10000x16xf32, #tpu.memory_space<hbm>> -> memref<10000x16xf32, #tpu.memory_space<hbm>>
        %dma_start3A_409 = arith.constant 0 : i32
        %dma_start3A_410 = arith.constant 0 : i32
        %dma_start3A_411 = tpu.memref_slice %dma_start3A_408[%dma_start3A_409, %dma_start3A_410] : memref<10000x16xf32, #tpu.memory_space<hbm>> -> memref<10000x16xf32, #tpu.memory_space<hbm>>
        tpu.enqueue_indirect_dma source(%dma_start3A_411 : memref<10000x16xf32, #tpu.memory_space<hbm>>) target(%arg12 : memref<128x16xf32, #tpu.memory_space<vmem>>) offsets(%dma_start3A_404 : memref<128xi32, #tpu.memory_space<vmem>>) semaphore(%arg20 : memref<!tpu.dma_semaphore, #tpu.memory_space<semaphore_mem>>)
      } else {
      }
      %mul3A_369 = arith.constant 8 : i32
      %mul3A_370 = arith.muli %scan3A_175, %mul3A_369 : i32
      %add3A_371 = arith.constant 7 : i32
      %add3A_372 = arith.addi %mul3A_370, %add3A_371 : i32
      %dma_wait3A_373 = arith.constant 0 : i32
      %dma_wait3A_374 = arith.constant 0 : i32
      %dma_wait3A_375 = tpu.memref_slice %arg32[%dma_wait3A_373, %dma_wait3A_374] : memref<160x128xi32, #tpu.memory_space<vmem>> -> memref<1x128xi32, #tpu.memory_space<vmem>>
      %dma_wait3A_376 = tpu.memref_squeeze %dma_wait3A_375 : memref<1x128xi32, #tpu.memory_space<vmem>> -> memref<128xi32, #tpu.memory_space<vmem>>
      %dma_wait3A_377 = arith.constant 0 : i32
      %dma_wait3A_378 = arith.constant 0 : i32
      %dma_wait3A_379 = tpu.memref_slice %arg2[%arg0, %dma_wait3A_377, %dma_wait3A_378] : memref<2x10000x16xf32, #tpu.memory_space<hbm>> -> memref<1x10000x16xf32, #tpu.memory_space<hbm>>
      %dma_wait3A_380 = tpu.memref_squeeze %dma_wait3A_379 : memref<1x10000x16xf32, #tpu.memory_space<hbm>> -> memref<10000x16xf32, #tpu.memory_space<hbm>>
      %dma_wait3A_381 = arith.constant 0 : i32
      %dma_wait3A_382 = arith.constant 0 : i32
      %dma_wait3A_383 = tpu.memref_slice %dma_wait3A_380[%dma_wait3A_381, %dma_wait3A_382] : memref<10000x16xf32, #tpu.memory_space<hbm>> -> memref<10000x16xf32, #tpu.memory_space<hbm>>
      tpu.wait_indirect_dma semaphore(%arg23 : memref<!tpu.dma_semaphore, #tpu.memory_space<semaphore_mem>>) src(%dma_wait3A_383 : memref<10000x16xf32, #tpu.memory_space<hbm>>) dst(%arg15 : memref<128x16xf32, #tpu.memory_space<vmem>>)
      %dma_start3A_384 = arith.constant 0 : i32
      %dma_start3A_385 = tpu.memref_slice %arg7[%add3A_372, %dma_start3A_384] : memref<160x128xi32, #tpu.memory_space<vmem>> -> memref<1x128xi32, #tpu.memory_space<vmem>>
      %dma_start3A_386 = tpu.memref_squeeze %dma_start3A_385 : memref<1x128xi32, #tpu.memory_space<vmem>> -> memref<128xi32, #tpu.memory_space<vmem>>
      %dma_start3A_387 = arith.constant 0 : i32
      %dma_start3A_388 = arith.constant 0 : i32
      %dma_start3A_389 = tpu.memref_slice %arg6[%dma_start3A_387, %dma_start3A_388] : memref<10240x16xf32, #tpu.memory_space<vmem_shared>> -> memref<10240x16xf32, #tpu.memory_space<vmem_shared>>
      tpu.enqueue_indirect_dma source(%arg15 : memref<128x16xf32, #tpu.memory_space<vmem>>) target(%dma_start3A_389 : memref<10240x16xf32, #tpu.memory_space<vmem_shared>>) offsets(%dma_start3A_386 : memref<128xi32, #tpu.memory_space<vmem>>) semaphore(%arg31 : memref<!tpu.dma_semaphore, #tpu.memory_space<semaphore_mem>>) {add = true}
      %add3A_390 = arith.constant 6 : i32
      %add3A_391 = arith.addi %add3A_372, %add3A_390 : i32
      %lt3A_392 = arith.constant 160 : i32
      %lt3A_393 = arith.cmpi slt, %add3A_391, %lt3A_392 : i32
      %convert_element_type3A_394 = arith.extui %lt3A_393 : i1 to i32
      %cond3A_395 = arith.constant 0 : i32
      %cond3A_396 = arith.cmpi ne, %convert_element_type3A_394, %cond3A_395 : i32
      scf.if %cond3A_396 {
        %ge3A = arith.constant 8 : i32
        %ge3A_398 = arith.cmpi sge, %add3A_391, %ge3A : i32
        %convert_element_type3A_399 = arith.extui %ge3A_398 : i1 to i32
        %cond3A_400 = arith.constant 0 : i32
        %cond3A_401 = arith.cmpi ne, %convert_element_type3A_399, %cond3A_400 : i32
        scf.if %cond3A_401 {
          %dma_wait3A_412 = arith.constant 0 : i32
          %dma_wait3A_413 = arith.constant 0 : i32
          %dma_wait3A_414 = tpu.memref_slice %arg7[%dma_wait3A_412, %dma_wait3A_413] : memref<160x128xi32, #tpu.memory_space<vmem>> -> memref<1x128xi32, #tpu.memory_space<vmem>>
          %dma_wait3A_415 = tpu.memref_squeeze %dma_wait3A_414 : memref<1x128xi32, #tpu.memory_space<vmem>> -> memref<128xi32, #tpu.memory_space<vmem>>
          %dma_wait3A_416 = arith.constant 0 : i32
          %dma_wait3A_417 = arith.constant 0 : i32
          %dma_wait3A_418 = tpu.memref_slice %arg6[%dma_wait3A_416, %dma_wait3A_417] : memref<10240x16xf32, #tpu.memory_space<vmem_shared>> -> memref<10240x16xf32, #tpu.memory_space<vmem_shared>>
          tpu.wait_indirect_dma semaphore(%arg29 : memref<!tpu.dma_semaphore, #tpu.memory_space<semaphore_mem>>) src(%arg13 : memref<128x16xf32, #tpu.memory_space<vmem>>) dst(%dma_wait3A_418 : memref<10240x16xf32, #tpu.memory_space<vmem_shared>>)
        } else {
        }
        %dma_start3A_402 = arith.constant 0 : i32
        %dma_start3A_403 = tpu.memref_slice %arg32[%add3A_391, %dma_start3A_402] : memref<160x128xi32, #tpu.memory_space<vmem>> -> memref<1x128xi32, #tpu.memory_space<vmem>>
        %dma_start3A_404 = tpu.memref_squeeze %dma_start3A_403 : memref<1x128xi32, #tpu.memory_space<vmem>> -> memref<128xi32, #tpu.memory_space<vmem>>
        %dma_start3A_405 = arith.constant 0 : i32
        %dma_start3A_406 = arith.constant 0 : i32
        %dma_start3A_407 = tpu.memref_slice %arg2[%arg0, %dma_start3A_405, %dma_start3A_406] : memref<2x10000x16xf32, #tpu.memory_space<hbm>> -> memref<1x10000x16xf32, #tpu.memory_space<hbm>>
        %dma_start3A_408 = tpu.memref_squeeze %dma_start3A_407 : memref<1x10000x16xf32, #tpu.memory_space<hbm>> -> memref<10000x16xf32, #tpu.memory_space<hbm>>
        %dma_start3A_409 = arith.constant 0 : i32
        %dma_start3A_410 = arith.constant 0 : i32
        %dma_start3A_411 = tpu.memref_slice %dma_start3A_408[%dma_start3A_409, %dma_start3A_410] : memref<10000x16xf32, #tpu.memory_space<hbm>> -> memref<10000x16xf32, #tpu.memory_space<hbm>>
        tpu.enqueue_indirect_dma source(%dma_start3A_411 : memref<10000x16xf32, #tpu.memory_space<hbm>>) target(%arg13 : memref<128x16xf32, #tpu.memory_space<vmem>>) offsets(%dma_start3A_404 : memref<128xi32, #tpu.memory_space<vmem>>) semaphore(%arg21 : memref<!tpu.dma_semaphore, #tpu.memory_space<semaphore_mem>>)
      } else {
      }
      %scan3A_397 = arith.constant 0 : i32
      scf.yield %scan3A_397 : i32
    }
    %scan3A_113 = arith.constant 20 : i32
    %dma_wait3A_114 = arith.constant 0 : i32
    %dma_wait3A_115 = arith.constant 0 : i32
    %dma_wait3A_116 = tpu.memref_slice %arg7[%dma_wait3A_114, %dma_wait3A_115] : memref<160x128xi32, #tpu.memory_space<vmem>> -> memref<1x128xi32, #tpu.memory_space<vmem>>
    %dma_wait3A_117 = tpu.memref_squeeze %dma_wait3A_116 : memref<1x128xi32, #tpu.memory_space<vmem>> -> memref<128xi32, #tpu.memory_space<vmem>>
    %dma_wait3A_118 = arith.constant 0 : i32
    %dma_wait3A_119 = arith.constant 0 : i32
    %dma_wait3A_120 = tpu.memref_slice %arg6[%dma_wait3A_118, %dma_wait3A_119] : memref<10240x16xf32, #tpu.memory_space<vmem_shared>> -> memref<10240x16xf32, #tpu.memory_space<vmem_shared>>
    tpu.wait_indirect_dma semaphore(%arg24 : memref<!tpu.dma_semaphore, #tpu.memory_space<semaphore_mem>>) src(%arg8 : memref<128x16xf32, #tpu.memory_space<vmem>>) dst(%dma_wait3A_120 : memref<10240x16xf32, #tpu.memory_space<vmem_shared>>)
    %dma_wait3A_121 = arith.constant 0 : i32
    %dma_wait3A_122 = arith.constant 0 : i32
    %dma_wait3A_123 = tpu.memref_slice %arg7[%dma_wait3A_121, %dma_wait3A_122] : memref<160x128xi32, #tpu.memory_space<vmem>> -> memref<1x128xi32, #tpu.memory_space<vmem>>
    %dma_wait3A_124 = tpu.memref_squeeze %dma_wait3A_123 : memref<1x128xi32, #tpu.memory_space<vmem>> -> memref<128xi32, #tpu.memory_space<vmem>>
    %dma_wait3A_125 = arith.constant 0 : i32
    %dma_wait3A_126 = arith.constant 0 : i32
    %dma_wait3A_127 = tpu.memref_slice %arg6[%dma_wait3A_125, %dma_wait3A_126] : memref<10240x16xf32, #tpu.memory_space<vmem_shared>> -> memref<10240x16xf32, #tpu.memory_space<vmem_shared>>
    tpu.wait_indirect_dma semaphore(%arg25 : memref<!tpu.dma_semaphore, #tpu.memory_space<semaphore_mem>>) src(%arg9 : memref<128x16xf32, #tpu.memory_space<vmem>>) dst(%dma_wait3A_127 : memref<10240x16xf32, #tpu.memory_space<vmem_shared>>)
    %dma_wait3A_128 = arith.constant 0 : i32
    %dma_wait3A_129 = arith.constant 0 : i32
    %dma_wait3A_130 = tpu.memref_slice %arg7[%dma_wait3A_128, %dma_wait3A_129] : memref<160x128xi32, #tpu.memory_space<vmem>> -> memref<1x128xi32, #tpu.memory_space<vmem>>
    %dma_wait3A_131 = tpu.memref_squeeze %dma_wait3A_130 : memref<1x128xi32, #tpu.memory_space<vmem>> -> memref<128xi32, #tpu.memory_space<vmem>>
    %dma_wait3A_132 = arith.constant 0 : i32
    %dma_wait3A_133 = arith.constant 0 : i32
    %dma_wait3A_134 = tpu.memref_slice %arg6[%dma_wait3A_132, %dma_wait3A_133] : memref<10240x16xf32, #tpu.memory_space<vmem_shared>> -> memref<10240x16xf32, #tpu.memory_space<vmem_shared>>
    tpu.wait_indirect_dma semaphore(%arg26 : memref<!tpu.dma_semaphore, #tpu.memory_space<semaphore_mem>>) src(%arg10 : memref<128x16xf32, #tpu.memory_space<vmem>>) dst(%dma_wait3A_134 : memref<10240x16xf32, #tpu.memory_space<vmem_shared>>)
    %dma_wait3A_135 = arith.constant 0 : i32
    %dma_wait3A_136 = arith.constant 0 : i32
    %dma_wait3A_137 = tpu.memref_slice %arg7[%dma_wait3A_135, %dma_wait3A_136] : memref<160x128xi32, #tpu.memory_space<vmem>> -> memref<1x128xi32, #tpu.memory_space<vmem>>
    %dma_wait3A_138 = tpu.memref_squeeze %dma_wait3A_137 : memref<1x128xi32, #tpu.memory_space<vmem>> -> memref<128xi32, #tpu.memory_space<vmem>>
    %dma_wait3A_139 = arith.constant 0 : i32
    %dma_wait3A_140 = arith.constant 0 : i32
    %dma_wait3A_141 = tpu.memref_slice %arg6[%dma_wait3A_139, %dma_wait3A_140] : memref<10240x16xf32, #tpu.memory_space<vmem_shared>> -> memref<10240x16xf32, #tpu.memory_space<vmem_shared>>
    tpu.wait_indirect_dma semaphore(%arg27 : memref<!tpu.dma_semaphore, #tpu.memory_space<semaphore_mem>>) src(%arg11 : memref<128x16xf32, #tpu.memory_space<vmem>>) dst(%dma_wait3A_141 : memref<10240x16xf32, #tpu.memory_space<vmem_shared>>)
    %dma_wait3A_142 = arith.constant 0 : i32
    %dma_wait3A_143 = arith.constant 0 : i32
    %dma_wait3A_144 = tpu.memref_slice %arg7[%dma_wait3A_142, %dma_wait3A_143] : memref<160x128xi32, #tpu.memory_space<vmem>> -> memref<1x128xi32, #tpu.memory_space<vmem>>
    %dma_wait3A_145 = tpu.memref_squeeze %dma_wait3A_144 : memref<1x128xi32, #tpu.memory_space<vmem>> -> memref<128xi32, #tpu.memory_space<vmem>>
    %dma_wait3A_146 = arith.constant 0 : i32
    %dma_wait3A_147 = arith.constant 0 : i32
    %dma_wait3A_148 = tpu.memref_slice %arg6[%dma_wait3A_146, %dma_wait3A_147] : memref<10240x16xf32, #tpu.memory_space<vmem_shared>> -> memref<10240x16xf32, #tpu.memory_space<vmem_shared>>
    tpu.wait_indirect_dma semaphore(%arg28 : memref<!tpu.dma_semaphore, #tpu.memory_space<semaphore_mem>>) src(%arg12 : memref<128x16xf32, #tpu.memory_space<vmem>>) dst(%dma_wait3A_148 : memref<10240x16xf32, #tpu.memory_space<vmem_shared>>)
    %dma_wait3A_149 = arith.constant 0 : i32
    %dma_wait3A_150 = arith.constant 0 : i32
    %dma_wait3A_151 = tpu.memref_slice %arg7[%dma_wait3A_149, %dma_wait3A_150] : memref<160x128xi32, #tpu.memory_space<vmem>> -> memref<1x128xi32, #tpu.memory_space<vmem>>
    %dma_wait3A_152 = tpu.memref_squeeze %dma_wait3A_151 : memref<1x128xi32, #tpu.memory_space<vmem>> -> memref<128xi32, #tpu.memory_space<vmem>>
    %dma_wait3A_153 = arith.constant 0 : i32
    %dma_wait3A_154 = arith.constant 0 : i32
    %dma_wait3A_155 = tpu.memref_slice %arg6[%dma_wait3A_153, %dma_wait3A_154] : memref<10240x16xf32, #tpu.memory_space<vmem_shared>> -> memref<10240x16xf32, #tpu.memory_space<vmem_shared>>
    tpu.wait_indirect_dma semaphore(%arg29 : memref<!tpu.dma_semaphore, #tpu.memory_space<semaphore_mem>>) src(%arg13 : memref<128x16xf32, #tpu.memory_space<vmem>>) dst(%dma_wait3A_155 : memref<10240x16xf32, #tpu.memory_space<vmem_shared>>)
    %dma_wait3A_156 = arith.constant 0 : i32
    %dma_wait3A_157 = arith.constant 0 : i32
    %dma_wait3A_158 = tpu.memref_slice %arg7[%dma_wait3A_156, %dma_wait3A_157] : memref<160x128xi32, #tpu.memory_space<vmem>> -> memref<1x128xi32, #tpu.memory_space<vmem>>
    %dma_wait3A_159 = tpu.memref_squeeze %dma_wait3A_158 : memref<1x128xi32, #tpu.memory_space<vmem>> -> memref<128xi32, #tpu.memory_space<vmem>>
    %dma_wait3A_160 = arith.constant 0 : i32
    %dma_wait3A_161 = arith.constant 0 : i32
    %dma_wait3A_162 = tpu.memref_slice %arg6[%dma_wait3A_160, %dma_wait3A_161] : memref<10240x16xf32, #tpu.memory_space<vmem_shared>> -> memref<10240x16xf32, #tpu.memory_space<vmem_shared>>
    tpu.wait_indirect_dma semaphore(%arg30 : memref<!tpu.dma_semaphore, #tpu.memory_space<semaphore_mem>>) src(%arg14 : memref<128x16xf32, #tpu.memory_space<vmem>>) dst(%dma_wait3A_162 : memref<10240x16xf32, #tpu.memory_space<vmem_shared>>)
    %dma_wait3A_163 = arith.constant 0 : i32
    %dma_wait3A_164 = arith.constant 0 : i32
    %dma_wait3A_165 = tpu.memref_slice %arg7[%dma_wait3A_163, %dma_wait3A_164] : memref<160x128xi32, #tpu.memory_space<vmem>> -> memref<1x128xi32, #tpu.memory_space<vmem>>
    %dma_wait3A_166 = tpu.memref_squeeze %dma_wait3A_165 : memref<1x128xi32, #tpu.memory_space<vmem>> -> memref<128xi32, #tpu.memory_space<vmem>>
    %dma_wait3A_167 = arith.constant 0 : i32
    %dma_wait3A_168 = arith.constant 0 : i32
    %dma_wait3A_169 = tpu.memref_slice %arg6[%dma_wait3A_167, %dma_wait3A_168] : memref<10240x16xf32, #tpu.memory_space<vmem_shared>> -> memref<10240x16xf32, #tpu.memory_space<vmem_shared>>
    tpu.wait_indirect_dma semaphore(%arg31 : memref<!tpu.dma_semaphore, #tpu.memory_space<semaphore_mem>>) src(%arg15 : memref<128x16xf32, #tpu.memory_space<vmem>>) dst(%dma_wait3A_169 : memref<10240x16xf32, #tpu.memory_space<vmem_shared>>)
    %barrier3A_170 = arith.constant 0 : index
    tpu.barrier barrier_id(%barrier3A_170)
    %mul3A_171 = arith.constant 640 : i32
    %mul3A_172 = arith.muli %arg1, %mul3A_171 : i32
    %mul3A_173 = arith.constant 640 : i32
    %mul3A_174 = arith.muli %arg1, %mul3A_173 : i32
    "tpu.region"() ({
      %run_scoped3A = tpu.sem_alloc : memref<!tpu.dma_semaphore, #tpu.memory_space<semaphore_mem>>
      %dma_start3A_175 = arith.constant 0 : i32
      %dma_start3A_176 = tpu.memref_slice %arg5[%arg0, %mul3A_174, %dma_start3A_175] : memref<2x10240x16xf32, #tpu.memory_space<hbm>> -> memref<1x640x16xf32, #tpu.memory_space<hbm>>
      %dma_start3A_177 = tpu.memref_squeeze %dma_start3A_176 : memref<1x640x16xf32, #tpu.memory_space<hbm>> -> memref<640x16xf32, #tpu.memory_space<hbm>>
      %dma_start3A_178 = arith.constant 0 : i32
      %dma_start3A_179 = tpu.memref_slice %arg6[%mul3A_172, %dma_start3A_178] : memref<10240x16xf32, #tpu.memory_space<vmem_shared>> -> memref<640x16xf32, #tpu.memory_space<vmem_shared>>
      tpu.enqueue_dma source(%dma_start3A_179 : memref<640x16xf32, #tpu.memory_space<vmem_shared>>) target(%dma_start3A_177 : memref<640x16xf32, #tpu.memory_space<hbm>>) target_semaphore(%run_scoped3A : memref<!tpu.dma_semaphore, #tpu.memory_space<semaphore_mem>>)
      %dma_wait3A_180 = arith.constant 0 : i32
      %dma_wait3A_181 = tpu.memref_slice %arg5[%arg0, %mul3A_174, %dma_wait3A_180] : memref<2x10240x16xf32, #tpu.memory_space<hbm>> -> memref<1x640x16xf32, #tpu.memory_space<hbm>>
      %dma_wait3A_182 = tpu.memref_squeeze %dma_wait3A_181 : memref<1x640x16xf32, #tpu.memory_space<hbm>> -> memref<640x16xf32, #tpu.memory_space<hbm>>
      %dma_wait3A_183 = arith.constant 0 : i32
      %dma_wait3A_184 = tpu.memref_slice %arg6[%mul3A_172, %dma_wait3A_183] : memref<10240x16xf32, #tpu.memory_space<vmem_shared>> -> memref<640x16xf32, #tpu.memory_space<vmem_shared>>
      tpu.wait_dma2 semaphore(%run_scoped3A : memref<!tpu.dma_semaphore, #tpu.memory_space<semaphore_mem>>) src(%dma_wait3A_184 : memref<640x16xf32, #tpu.memory_space<vmem_shared>>) dst(%dma_wait3A_182 : memref<640x16xf32, #tpu.memory_space<hbm>>)
      tpu.yield
    }) : () -> ()
    return
  }
}

#map = affine_map<(d0, d1) -> (0, 0, 0)>
#map1 = affine_map<(d0, d1) -> (0, 0)>
module attributes {stable_mosaic.version = 14 : i64} {
  func.func @body(%arg0: i32, %arg1: i32, %arg2: memref<2x10000x32xf32, #tpu.memory_space<hbm>>, %arg3: memref<2560x128xi32, #tpu.memory_space<hbm>>, %arg4: memref<2560x128xi32, #tpu.memory_space<hbm>>, %arg5: memref<2x10240x32xf32, #tpu.memory_space<hbm>>, %arg6: memref<10240x32xf32, #tpu.memory_space<vmem_shared>>, %arg7: memref<160x128xi32, #tpu.memory_space<vmem>>, %arg8: memref<128x32xf32, #tpu.memory_space<vmem>>, %arg9: memref<128x32xf32, #tpu.memory_space<vmem>>, %arg10: memref<128x32xf32, #tpu.memory_space<vmem>>, %arg11: memref<128x32xf32, #tpu.memory_space<vmem>>, %arg12: memref<128x32xf32, #tpu.memory_space<vmem>>, %arg13: memref<128x32xf32, #tpu.memory_space<vmem>>, %arg14: memref<128x32xf32, #tpu.memory_space<vmem>>, %arg15: memref<128x32xf32, #tpu.memory_space<vmem>>, %arg16: memref<!tpu.dma_semaphore, #tpu.memory_space<semaphore_mem>>, %arg17: memref<!tpu.dma_semaphore, #tpu.memory_space<semaphore_mem>>, %arg18: memref<!tpu.dma_semaphore, #tpu.memory_space<semaphore_mem>>, %arg19: memref<!tpu.dma_semaphore, #tpu.memory_space<semaphore_mem>>, %arg20: memref<!tpu.dma_semaphore, #tpu.memory_space<semaphore_mem>>, %arg21: memref<!tpu.dma_semaphore, #tpu.memory_space<semaphore_mem>>, %arg22: memref<!tpu.dma_semaphore, #tpu.memory_space<semaphore_mem>>, %arg23: memref<!tpu.dma_semaphore, #tpu.memory_space<semaphore_mem>>, %arg24: memref<!tpu.dma_semaphore, #tpu.memory_space<semaphore_mem>>, %arg25: memref<!tpu.dma_semaphore, #tpu.memory_space<semaphore_mem>>, %arg26: memref<!tpu.dma_semaphore, #tpu.memory_space<semaphore_mem>>, %arg27: memref<!tpu.dma_semaphore, #tpu.memory_space<semaphore_mem>>, %arg28: memref<!tpu.dma_semaphore, #tpu.memory_space<semaphore_mem>>, %arg29: memref<!tpu.dma_semaphore, #tpu.memory_space<semaphore_mem>>, %arg30: memref<!tpu.dma_semaphore, #tpu.memory_space<semaphore_mem>>, %arg31: memref<!tpu.dma_semaphore, #tpu.memory_space<semaphore_mem>>, %arg32: memref<160x128xi32, #tpu.memory_space<vmem>>, %arg33: memref<32x32xf32, #tpu.memory_space<vmem>>) attributes {dimension_semantics = [#tpu.dimension_semantics<core_parallel>, #tpu.dimension_semantics<subcore_parallel>], iteration_bounds = array<i64: 2, 16>, scalar_prefetch = 0 : i64, scratch_operands = 28 : i64, tpu.core_type = #tpu.core_type<sc_vector_subcore>, window_params = [{transform_indices = #map}, {transform_indices = #map1}, {transform_indices = #map1}, {transform_indices = #map}]} {
    %eq3A = arith.constant 0 : i32
    %eq3A_0 = arith.cmpi eq, %arg0, %eq3A : i32
    %mul3A = arith.constant 160 : i32
    %mul3A_1 = arith.muli %arg1, %mul3A : i32
    %dma_start3A = arith.constant 0 : i32
    %dma_start3A_2 = tpu.memref_slice %arg3[%mul3A_1, %dma_start3A] : memref<2560x128xi32, #tpu.memory_space<hbm>> -> memref<160x128xi32, #tpu.memory_space<hbm>>
    %dma_start3A_3 = arith.constant 0 : i32
    %dma_start3A_4 = tpu.memref_slice %arg3[%mul3A_1, %dma_start3A_3] : memref<2560x128xi32, #tpu.memory_space<hbm>> -> memref<160x128xi32, #tpu.memory_space<hbm>>
    tpu.enqueue_dma source(%dma_start3A_4 : memref<160x128xi32, #tpu.memory_space<hbm>>) target(%arg32 : memref<160x128xi32, #tpu.memory_space<vmem>>) target_semaphore(%arg16 : memref<!tpu.dma_semaphore, #tpu.memory_space<semaphore_mem>>)
    %mul3A_5 = arith.constant 160 : i32
    %mul3A_6 = arith.muli %arg1, %mul3A_5 : i32
    %dma_start3A_7 = arith.constant 0 : i32
    %dma_start3A_8 = tpu.memref_slice %arg4[%mul3A_6, %dma_start3A_7] : memref<2560x128xi32, #tpu.memory_space<hbm>> -> memref<160x128xi32, #tpu.memory_space<hbm>>
    %dma_start3A_9 = arith.constant 0 : i32
    %dma_start3A_10 = tpu.memref_slice %arg4[%mul3A_6, %dma_start3A_9] : memref<2560x128xi32, #tpu.memory_space<hbm>> -> memref<160x128xi32, #tpu.memory_space<hbm>>
    tpu.enqueue_dma source(%dma_start3A_10 : memref<160x128xi32, #tpu.memory_space<hbm>>) target(%arg7 : memref<160x128xi32, #tpu.memory_space<vmem>>) target_semaphore(%arg17 : memref<!tpu.dma_semaphore, #tpu.memory_space<semaphore_mem>>)
    %broadcast_in_dim3A = arith.constant 0.000000e+00 : f32
    %broadcast_in_dim3A_11 = vector.broadcast %broadcast_in_dim3A : f32 to vector<16xf32>
    %broadcast_in_dim3A_12 = arith.constant 1.000000e+00 : f32
    %broadcast_in_dim3A_13 = vector.broadcast %broadcast_in_dim3A_12 : f32 to vector<16xf32>
    %scan3A = arith.constant 0 : i32
    %scan3A_14 = arith.constant 0 : i32
    %scan3A_15 = arith.constant 64 : i32
    %scan3A_16 = arith.addi %scan3A_14, %scan3A_15 : i32
    %scan3A_17 = arith.constant 1 : i32
    %scan3A_18 = scf.for %scan3A_175 = %scan3A_14 to %scan3A_16 step %scan3A_17 iter_args(%scan3A_176 = %scan3A) -> (i32)  : i32 {
      %jit3A = arith.constant 2 : i32
      %div3A = arith.divsi %scan3A_175, %jit3A : i32
      %sign3A = arith.constant 0 : i32
      %sign3A_177 = arith.cmpi sgt, %scan3A_175, %sign3A : i32
      %sign3A_178 = arith.extui %sign3A_177 : i1 to i32
      %sign3A_179 = arith.constant 0 : i32
      %sign3A_180 = arith.cmpi slt, %scan3A_175, %sign3A_179 : i32
      %sign3A_181 = arith.extui %sign3A_180 : i1 to i32
      %sign3A_182 = arith.subi %sign3A_178, %sign3A_181 : i32
      %sign3A_183 = arith.constant 0 : i32
      %sign3A_184 = arith.cmpi sgt, %jit3A, %sign3A_183 : i32
      %sign3A_185 = arith.extui %sign3A_184 : i1 to i32
      %sign3A_186 = arith.constant 0 : i32
      %sign3A_187 = arith.cmpi slt, %jit3A, %sign3A_186 : i32
      %sign3A_188 = arith.extui %sign3A_187 : i1 to i32
      %sign3A_189 = arith.subi %sign3A_185, %sign3A_188 : i32
      %ne3A = arith.cmpi ne, %sign3A_182, %sign3A_189 : i32
      %rem3A = arith.remsi %scan3A_175, %jit3A : i32
      %ne3A_190 = arith.constant 0 : i32
      %ne3A_191 = arith.cmpi ne, %rem3A, %ne3A_190 : i32
      %and3A = arith.andi %ne3A, %ne3A_191 : i1
      %sub3A = arith.constant 1 : i32
      %sub3A_192 = arith.subi %div3A, %sub3A : i32
      %select_n3A = arith.select %and3A, %sub3A_192, %div3A : i32
      %jit3A_193 = arith.constant 2 : i32
      %eq3A_194 = arith.constant 0 : i32
      %eq3A_195 = arith.cmpi eq, %jit3A_193, %eq3A_194 : i32
      %jit3A_196 = arith.constant 1 : i32
      %select_n3A_197 = arith.select %eq3A_195, %jit3A_196, %jit3A_193 : i32
      %rem3A_198 = arith.remsi %scan3A_175, %select_n3A_197 : i32
      %ne3A_199 = arith.constant 0 : i32
      %ne3A_200 = arith.cmpi ne, %rem3A_198, %ne3A_199 : i32
      %lt3A = arith.constant 0 : i32
      %lt3A_201 = arith.cmpi slt, %rem3A_198, %lt3A : i32
      %lt3A_202 = arith.constant 0 : i32
      %lt3A_203 = arith.cmpi slt, %select_n3A_197, %lt3A_202 : i32
      %ne3A_204 = arith.xori %lt3A_201, %lt3A_203 : i1
      %and3A_205 = arith.andi %ne3A_204, %ne3A_200 : i1
      %add3A = arith.addi %rem3A_198, %select_n3A_197 : i32
      %select_n3A_206 = arith.select %and3A_205, %add3A, %rem3A_198 : i32
      %mul3A_207 = arith.constant 16 : i32
      %mul3A_208 = arith.muli %select_n3A_206, %mul3A_207 : i32
      %swap3A = arith.index_cast %select_n3A : i32 to index
      %swap3A_209 = arith.index_cast %mul3A_208 : i32 to index
      %swap3A_210 = tpu.vector_load %arg33[%swap3A, %swap3A_209] {strides = array<i32>} : memref<32x32xf32, #tpu.memory_space<vmem>>, vector<1x16xf32>,
      %swap3A_211 = vector.shape_cast %swap3A_210 : vector<1x16xf32> to vector<16xf32>
      %swap3A_212 = vector.shape_cast %broadcast_in_dim3A_11 : vector<16xf32> to vector<1x16xf32>
      tpu.vector_store %arg33[%swap3A, %swap3A_209], %swap3A_212 {strides = array<i32>} : memref<32x32xf32, #tpu.memory_space<vmem>>, vector<1x16xf32>,
      %scan3A_213 = arith.constant 0 : i32
      scf.yield %scan3A_213 : i32
    }
    %scan3A_19 = arith.constant 64 : i32
    %scan3A_20 = arith.constant 0 : i32
    %scan3A_21 = arith.constant 0 : i32
    %scan3A_22 = arith.constant 20 : i32
    %scan3A_23 = arith.addi %scan3A_21, %scan3A_22 : i32
    %scan3A_24 = arith.constant 1 : i32
    %scan3A_25 = scf.for %scan3A_175 = %scan3A_21 to %scan3A_23 step %scan3A_24 iter_args(%scan3A_176 = %scan3A_20) -> (i32)  : i32 {
      %mul3A_177 = arith.constant 640 : i32
      %mul3A_178 = arith.muli %arg1, %mul3A_177 : i32
      %mul3A_179 = arith.constant 32 : i32
      %mul3A_180 = arith.muli %scan3A_175, %mul3A_179 : i32
      %add3A = arith.addi %mul3A_178, %mul3A_180 : i32
      %dma_start3A_181 = arith.constant 0 : i32
      %dma_start3A_182 = tpu.memref_slice %arg6[%add3A, %dma_start3A_181] : memref<10240x32xf32, #tpu.memory_space<vmem_shared>> -> memref<32x32xf32, #tpu.memory_space<vmem_shared>>
      %dma_start3A_183 = arith.constant 0 : i32
      %dma_start3A_184 = tpu.memref_slice %arg6[%add3A, %dma_start3A_183] : memref<10240x32xf32, #tpu.memory_space<vmem_shared>> -> memref<32x32xf32, #tpu.memory_space<vmem_shared>>
      tpu.enqueue_dma source(%arg33 : memref<32x32xf32, #tpu.memory_space<vmem>>) target(%dma_start3A_184 : memref<32x32xf32, #tpu.memory_space<vmem_shared>>) target_semaphore(%arg24 : memref<!tpu.dma_semaphore, #tpu.memory_space<semaphore_mem>>)
      %scan3A_185 = arith.constant 0 : i32
      scf.yield %scan3A_185 : i32
    }
    %scan3A_26 = arith.constant 20 : i32
    %scan3A_27 = arith.constant 0 : i32
    %scan3A_28 = arith.constant 0 : i32
    %scan3A_29 = arith.constant 20 : i32
    %scan3A_30 = arith.addi %scan3A_28, %scan3A_29 : i32
    %scan3A_31 = arith.constant 1 : i32
    %scan3A_32 = scf.for %scan3A_175 = %scan3A_28 to %scan3A_30 step %scan3A_31 iter_args(%scan3A_176 = %scan3A_27) -> (i32)  : i32 {
      %mul3A_177 = arith.constant 640 : i32
      %mul3A_178 = arith.muli %arg1, %mul3A_177 : i32
      %dma_wait3A_179 = arith.constant 0 : i32
      %dma_wait3A_180 = tpu.memref_slice %arg6[%mul3A_178, %dma_wait3A_179] : memref<10240x32xf32, #tpu.memory_space<vmem_shared>> -> memref<32x32xf32, #tpu.memory_space<vmem_shared>>
      %dma_wait3A_181 = arith.constant 0 : i32
      %dma_wait3A_182 = tpu.memref_slice %arg6[%mul3A_178, %dma_wait3A_181] : memref<10240x32xf32, #tpu.memory_space<vmem_shared>> -> memref<32x32xf32, #tpu.memory_space<vmem_shared>>
      tpu.wait_dma2 semaphore(%arg24 : memref<!tpu.dma_semaphore, #tpu.memory_space<semaphore_mem>>) src(%arg33 : memref<32x32xf32, #tpu.memory_space<vmem>>) dst(%dma_wait3A_182 : memref<32x32xf32, #tpu.memory_space<vmem_shared>>)
      %scan3A_183 = arith.constant 0 : i32
      scf.yield %scan3A_183 : i32
    }
    %scan3A_33 = arith.constant 20 : i32
    %dma_wait3A = arith.constant 0 : i32
    %dma_wait3A_34 = tpu.memref_slice %arg3[%mul3A_1, %dma_wait3A] : memref<2560x128xi32, #tpu.memory_space<hbm>> -> memref<160x128xi32, #tpu.memory_space<hbm>>
    %dma_wait3A_35 = arith.constant 0 : i32
    %dma_wait3A_36 = tpu.memref_slice %arg3[%mul3A_1, %dma_wait3A_35] : memref<2560x128xi32, #tpu.memory_space<hbm>> -> memref<160x128xi32, #tpu.memory_space<hbm>>
    tpu.wait_dma2 semaphore(%arg16 : memref<!tpu.dma_semaphore, #tpu.memory_space<semaphore_mem>>) src(%dma_wait3A_36 : memref<160x128xi32, #tpu.memory_space<hbm>>) dst(%arg32 : memref<160x128xi32, #tpu.memory_space<vmem>>)
    %dma_wait3A_37 = arith.constant 0 : i32
    %dma_wait3A_38 = tpu.memref_slice %arg4[%mul3A_6, %dma_wait3A_37] : memref<2560x128xi32, #tpu.memory_space<hbm>> -> memref<160x128xi32, #tpu.memory_space<hbm>>
    %dma_wait3A_39 = arith.constant 0 : i32
    %dma_wait3A_40 = tpu.memref_slice %arg4[%mul3A_6, %dma_wait3A_39] : memref<2560x128xi32, #tpu.memory_space<hbm>> -> memref<160x128xi32, #tpu.memory_space<hbm>>
    tpu.wait_dma2 semaphore(%arg17 : memref<!tpu.dma_semaphore, #tpu.memory_space<semaphore_mem>>) src(%dma_wait3A_40 : memref<160x128xi32, #tpu.memory_space<hbm>>) dst(%arg7 : memref<160x128xi32, #tpu.memory_space<vmem>>)
    %dma_start3A_41 = arith.constant 0 : i32
    %dma_start3A_42 = arith.constant 0 : i32
    %dma_start3A_43 = tpu.memref_slice %arg32[%dma_start3A_41, %dma_start3A_42] : memref<160x128xi32, #tpu.memory_space<vmem>> -> memref<1x128xi32, #tpu.memory_space<vmem>>
    %dma_start3A_44 = tpu.memref_squeeze %dma_start3A_43 : memref<1x128xi32, #tpu.memory_space<vmem>> -> memref<128xi32, #tpu.memory_space<vmem>>
    %dma_start3A_45 = arith.constant 0 : i32
    %dma_start3A_46 = arith.constant 0 : i32
    %dma_start3A_47 = tpu.memref_slice %arg2[%arg0, %dma_start3A_45, %dma_start3A_46] : memref<2x10000x32xf32, #tpu.memory_space<hbm>> -> memref<1x10000x32xf32, #tpu.memory_space<hbm>>
    %dma_start3A_48 = tpu.memref_squeeze %dma_start3A_47 : memref<1x10000x32xf32, #tpu.memory_space<hbm>> -> memref<10000x32xf32, #tpu.memory_space<hbm>>
    %dma_start3A_49 = arith.constant 0 : i32
    %dma_start3A_50 = arith.constant 0 : i32
    %dma_start3A_51 = tpu.memref_slice %dma_start3A_48[%dma_start3A_49, %dma_start3A_50] : memref<10000x32xf32, #tpu.memory_space<hbm>> -> memref<10000x32xf32, #tpu.memory_space<hbm>>
    tpu.enqueue_indirect_dma source(%dma_start3A_51 : memref<10000x32xf32, #tpu.memory_space<hbm>>) target(%arg8 : memref<128x32xf32, #tpu.memory_space<vmem>>) offsets(%dma_start3A_44 : memref<128xi32, #tpu.memory_space<vmem>>) semaphore(%arg16 : memref<!tpu.dma_semaphore, #tpu.memory_space<semaphore_mem>>)
    %dma_start3A_52 = arith.constant 1 : i32
    %dma_start3A_53 = arith.constant 0 : i32
    %dma_start3A_54 = tpu.memref_slice %arg32[%dma_start3A_52, %dma_start3A_53] : memref<160x128xi32, #tpu.memory_space<vmem>> -> memref<1x128xi32, #tpu.memory_space<vmem>>
    %dma_start3A_55 = tpu.memref_squeeze %dma_start3A_54 : memref<1x128xi32, #tpu.memory_space<vmem>> -> memref<128xi32, #tpu.memory_space<vmem>>
    %dma_start3A_56 = arith.constant 0 : i32
    %dma_start3A_57 = arith.constant 0 : i32
    %dma_start3A_58 = tpu.memref_slice %arg2[%arg0, %dma_start3A_56, %dma_start3A_57] : memref<2x10000x32xf32, #tpu.memory_space<hbm>> -> memref<1x10000x32xf32, #tpu.memory_space<hbm>>
    %dma_start3A_59 = tpu.memref_squeeze %dma_start3A_58 : memref<1x10000x32xf32, #tpu.memory_space<hbm>> -> memref<10000x32xf32, #tpu.memory_space<hbm>>
    %dma_start3A_60 = arith.constant 0 : i32
    %dma_start3A_61 = arith.constant 0 : i32
    %dma_start3A_62 = tpu.memref_slice %dma_start3A_59[%dma_start3A_60, %dma_start3A_61] : memref<10000x32xf32, #tpu.memory_space<hbm>> -> memref<10000x32xf32, #tpu.memory_space<hbm>>
    tpu.enqueue_indirect_dma source(%dma_start3A_62 : memref<10000x32xf32, #tpu.memory_space<hbm>>) target(%arg9 : memref<128x32xf32, #tpu.memory_space<vmem>>) offsets(%dma_start3A_55 : memref<128xi32, #tpu.memory_space<vmem>>) semaphore(%arg17 : memref<!tpu.dma_semaphore, #tpu.memory_space<semaphore_mem>>)
    %dma_start3A_63 = arith.constant 2 : i32
    %dma_start3A_64 = arith.constant 0 : i32
    %dma_start3A_65 = tpu.memref_slice %arg32[%dma_start3A_63, %dma_start3A_64] : memref<160x128xi32, #tpu.memory_space<vmem>> -> memref<1x128xi32, #tpu.memory_space<vmem>>
    %dma_start3A_66 = tpu.memref_squeeze %dma_start3A_65 : memref<1x128xi32, #tpu.memory_space<vmem>> -> memref<128xi32, #tpu.memory_space<vmem>>
    %dma_start3A_67 = arith.constant 0 : i32
    %dma_start3A_68 = arith.constant 0 : i32
    %dma_start3A_69 = tpu.memref_slice %arg2[%arg0, %dma_start3A_67, %dma_start3A_68] : memref<2x10000x32xf32, #tpu.memory_space<hbm>> -> memref<1x10000x32xf32, #tpu.memory_space<hbm>>
    %dma_start3A_70 = tpu.memref_squeeze %dma_start3A_69 : memref<1x10000x32xf32, #tpu.memory_space<hbm>> -> memref<10000x32xf32, #tpu.memory_space<hbm>>
    %dma_start3A_71 = arith.constant 0 : i32
    %dma_start3A_72 = arith.constant 0 : i32
    %dma_start3A_73 = tpu.memref_slice %dma_start3A_70[%dma_start3A_71, %dma_start3A_72] : memref<10000x32xf32, #tpu.memory_space<hbm>> -> memref<10000x32xf32, #tpu.memory_space<hbm>>
    tpu.enqueue_indirect_dma source(%dma_start3A_73 : memref<10000x32xf32, #tpu.memory_space<hbm>>) target(%arg10 : memref<128x32xf32, #tpu.memory_space<vmem>>) offsets(%dma_start3A_66 : memref<128xi32, #tpu.memory_space<vmem>>) semaphore(%arg18 : memref<!tpu.dma_semaphore, #tpu.memory_space<semaphore_mem>>)
    %dma_start3A_74 = arith.constant 3 : i32
    %dma_start3A_75 = arith.constant 0 : i32
    %dma_start3A_76 = tpu.memref_slice %arg32[%dma_start3A_74, %dma_start3A_75] : memref<160x128xi32, #tpu.memory_space<vmem>> -> memref<1x128xi32, #tpu.memory_space<vmem>>
    %dma_start3A_77 = tpu.memref_squeeze %dma_start3A_76 : memref<1x128xi32, #tpu.memory_space<vmem>> -> memref<128xi32, #tpu.memory_space<vmem>>
    %dma_start3A_78 = arith.constant 0 : i32
    %dma_start3A_79 = arith.constant 0 : i32
    %dma_start3A_80 = tpu.memref_slice %arg2[%arg0, %dma_start3A_78, %dma_start3A_79] : memref<2x10000x32xf32, #tpu.memory_space<hbm>> -> memref<1x10000x32xf32, #tpu.memory_space<hbm>>
    %dma_start3A_81 = tpu.memref_squeeze %dma_start3A_80 : memref<1x10000x32xf32, #tpu.memory_space<hbm>> -> memref<10000x32xf32, #tpu.memory_space<hbm>>
    %dma_start3A_82 = arith.constant 0 : i32
    %dma_start3A_83 = arith.constant 0 : i32
    %dma_start3A_84 = tpu.memref_slice %dma_start3A_81[%dma_start3A_82, %dma_start3A_83] : memref<10000x32xf32, #tpu.memory_space<hbm>> -> memref<10000x32xf32, #tpu.memory_space<hbm>>
    tpu.enqueue_indirect_dma source(%dma_start3A_84 : memref<10000x32xf32, #tpu.memory_space<hbm>>) target(%arg11 : memref<128x32xf32, #tpu.memory_space<vmem>>) offsets(%dma_start3A_77 : memref<128xi32, #tpu.memory_space<vmem>>) semaphore(%arg19 : memref<!tpu.dma_semaphore, #tpu.memory_space<semaphore_mem>>)
    %dma_start3A_85 = arith.constant 4 : i32
    %dma_start3A_86 = arith.constant 0 : i32
    %dma_start3A_87 = tpu.memref_slice %arg32[%dma_start3A_85, %dma_start3A_86] : memref<160x128xi32, #tpu.memory_space<vmem>> -> memref<1x128xi32, #tpu.memory_space<vmem>>
    %dma_start3A_88 = tpu.memref_squeeze %dma_start3A_87 : memref<1x128xi32, #tpu.memory_space<vmem>> -> memref<128xi32, #tpu.memory_space<vmem>>
    %dma_start3A_89 = arith.constant 0 : i32
    %dma_start3A_90 = arith.constant 0 : i32
    %dma_start3A_91 = tpu.memref_slice %arg2[%arg0, %dma_start3A_89, %dma_start3A_90] : memref<2x10000x32xf32, #tpu.memory_space<hbm>> -> memref<1x10000x32xf32, #tpu.memory_space<hbm>>
    %dma_start3A_92 = tpu.memref_squeeze %dma_start3A_91 : memref<1x10000x32xf32, #tpu.memory_space<hbm>> -> memref<10000x32xf32, #tpu.memory_space<hbm>>
    %dma_start3A_93 = arith.constant 0 : i32
    %dma_start3A_94 = arith.constant 0 : i32
    %dma_start3A_95 = tpu.memref_slice %dma_start3A_92[%dma_start3A_93, %dma_start3A_94] : memref<10000x32xf32, #tpu.memory_space<hbm>> -> memref<10000x32xf32, #tpu.memory_space<hbm>>
    tpu.enqueue_indirect_dma source(%dma_start3A_95 : memref<10000x32xf32, #tpu.memory_space<hbm>>) target(%arg12 : memref<128x32xf32, #tpu.memory_space<vmem>>) offsets(%dma_start3A_88 : memref<128xi32, #tpu.memory_space<vmem>>) semaphore(%arg20 : memref<!tpu.dma_semaphore, #tpu.memory_space<semaphore_mem>>)
    %dma_start3A_96 = arith.constant 5 : i32
    %dma_start3A_97 = arith.constant 0 : i32
    %dma_start3A_98 = tpu.memref_slice %arg32[%dma_start3A_96, %dma_start3A_97] : memref<160x128xi32, #tpu.memory_space<vmem>> -> memref<1x128xi32, #tpu.memory_space<vmem>>
    %dma_start3A_99 = tpu.memref_squeeze %dma_start3A_98 : memref<1x128xi32, #tpu.memory_space<vmem>> -> memref<128xi32, #tpu.memory_space<vmem>>
    %dma_start3A_100 = arith.constant 0 : i32
    %dma_start3A_101 = arith.constant 0 : i32
    %dma_start3A_102 = tpu.memref_slice %arg2[%arg0, %dma_start3A_100, %dma_start3A_101] : memref<2x10000x32xf32, #tpu.memory_space<hbm>> -> memref<1x10000x32xf32, #tpu.memory_space<hbm>>
    %dma_start3A_103 = tpu.memref_squeeze %dma_start3A_102 : memref<1x10000x32xf32, #tpu.memory_space<hbm>> -> memref<10000x32xf32, #tpu.memory_space<hbm>>
    %dma_start3A_104 = arith.constant 0 : i32
    %dma_start3A_105 = arith.constant 0 : i32
    %dma_start3A_106 = tpu.memref_slice %dma_start3A_103[%dma_start3A_104, %dma_start3A_105] : memref<10000x32xf32, #tpu.memory_space<hbm>> -> memref<10000x32xf32, #tpu.memory_space<hbm>>
    tpu.enqueue_indirect_dma source(%dma_start3A_106 : memref<10000x32xf32, #tpu.memory_space<hbm>>) target(%arg13 : memref<128x32xf32, #tpu.memory_space<vmem>>) offsets(%dma_start3A_99 : memref<128xi32, #tpu.memory_space<vmem>>) semaphore(%arg21 : memref<!tpu.dma_semaphore, #tpu.memory_space<semaphore_mem>>)
    %barrier3A = arith.constant 0 : index
    tpu.barrier barrier_id(%barrier3A)
    %scan3A_107 = arith.constant 0 : i32
    %scan3A_108 = arith.constant 0 : i32
    %scan3A_109 = arith.constant 20 : i32
    %scan3A_110 = arith.addi %scan3A_108, %scan3A_109 : i32
    %scan3A_111 = arith.constant 1 : i32
    %scan3A_112 = scf.for %scan3A_175 = %scan3A_108 to %scan3A_110 step %scan3A_111 iter_args(%scan3A_176 = %scan3A_107) -> (i32)  : i32 {
      %mul3A_177 = arith.constant 8 : i32
      %mul3A_178 = arith.muli %scan3A_175, %mul3A_177 : i32
      %add3A = arith.constant 0 : i32
      %add3A_179 = arith.addi %mul3A_178, %add3A : i32
      %dma_wait3A_180 = arith.constant 0 : i32
      %dma_wait3A_181 = arith.constant 0 : i32
      %dma_wait3A_182 = tpu.memref_slice %arg32[%dma_wait3A_180, %dma_wait3A_181] : memref<160x128xi32, #tpu.memory_space<vmem>> -> memref<1x128xi32, #tpu.memory_space<vmem>>
      %dma_wait3A_183 = tpu.memref_squeeze %dma_wait3A_182 : memref<1x128xi32, #tpu.memory_space<vmem>> -> memref<128xi32, #tpu.memory_space<vmem>>
      %dma_wait3A_184 = arith.constant 0 : i32
      %dma_wait3A_185 = arith.constant 0 : i32
      %dma_wait3A_186 = tpu.memref_slice %arg2[%arg0, %dma_wait3A_184, %dma_wait3A_185] : memref<2x10000x32xf32, #tpu.memory_space<hbm>> -> memref<1x10000x32xf32, #tpu.memory_space<hbm>>
      %dma_wait3A_187 = tpu.memref_squeeze %dma_wait3A_186 : memref<1x10000x32xf32, #tpu.memory_space<hbm>> -> memref<10000x32xf32, #tpu.memory_space<hbm>>
      %dma_wait3A_188 = arith.constant 0 : i32
      %dma_wait3A_189 = arith.constant 0 : i32
      %dma_wait3A_190 = tpu.memref_slice %dma_wait3A_187[%dma_wait3A_188, %dma_wait3A_189] : memref<10000x32xf32, #tpu.memory_space<hbm>> -> memref<10000x32xf32, #tpu.memory_space<hbm>>
      tpu.wait_indirect_dma semaphore(%arg16 : memref<!tpu.dma_semaphore, #tpu.memory_space<semaphore_mem>>) src(%dma_wait3A_190 : memref<10000x32xf32, #tpu.memory_space<hbm>>) dst(%arg8 : memref<128x32xf32, #tpu.memory_space<vmem>>)
      %dma_start3A_191 = arith.constant 0 : i32
      %dma_start3A_192 = tpu.memref_slice %arg7[%add3A_179, %dma_start3A_191] : memref<160x128xi32, #tpu.memory_space<vmem>> -> memref<1x128xi32, #tpu.memory_space<vmem>>
      %dma_start3A_193 = tpu.memref_squeeze %dma_start3A_192 : memref<1x128xi32, #tpu.memory_space<vmem>> -> memref<128xi32, #tpu.memory_space<vmem>>
      %dma_start3A_194 = arith.constant 0 : i32
      %dma_start3A_195 = arith.constant 0 : i32
      %dma_start3A_196 = tpu.memref_slice %arg6[%dma_start3A_194, %dma_start3A_195] : memref<10240x32xf32, #tpu.memory_space<vmem_shared>> -> memref<10240x32xf32, #tpu.memory_space<vmem_shared>>
      tpu.enqueue_indirect_dma source(%arg8 : memref<128x32xf32, #tpu.memory_space<vmem>>) target(%dma_start3A_196 : memref<10240x32xf32, #tpu.memory_space<vmem_shared>>) offsets(%dma_start3A_193 : memref<128xi32, #tpu.memory_space<vmem>>) semaphore(%arg24 : memref<!tpu.dma_semaphore, #tpu.memory_space<semaphore_mem>>) {add = true}
      %add3A_197 = arith.constant 6 : i32
      %add3A_198 = arith.addi %add3A_179, %add3A_197 : i32
      %lt3A = arith.constant 160 : i32
      %lt3A_199 = arith.cmpi slt, %add3A_198, %lt3A : i32
      %convert_element_type3A = arith.extui %lt3A_199 : i1 to i32
      %cond3A = arith.constant 0 : i32
      %cond3A_200 = arith.cmpi ne, %convert_element_type3A, %cond3A : i32
      scf.if %cond3A_200 {
        %ge3A = arith.constant 8 : i32
        %ge3A_398 = arith.cmpi sge, %add3A_198, %ge3A : i32
        %convert_element_type3A_399 = arith.extui %ge3A_398 : i1 to i32
        %cond3A_400 = arith.constant 0 : i32
        %cond3A_401 = arith.cmpi ne, %convert_element_type3A_399, %cond3A_400 : i32
        scf.if %cond3A_401 {
          %dma_wait3A_412 = arith.constant 0 : i32
          %dma_wait3A_413 = arith.constant 0 : i32
          %dma_wait3A_414 = tpu.memref_slice %arg7[%dma_wait3A_412, %dma_wait3A_413] : memref<160x128xi32, #tpu.memory_space<vmem>> -> memref<1x128xi32, #tpu.memory_space<vmem>>
          %dma_wait3A_415 = tpu.memref_squeeze %dma_wait3A_414 : memref<1x128xi32, #tpu.memory_space<vmem>> -> memref<128xi32, #tpu.memory_space<vmem>>
          %dma_wait3A_416 = arith.constant 0 : i32
          %dma_wait3A_417 = arith.constant 0 : i32
          %dma_wait3A_418 = tpu.memref_slice %arg6[%dma_wait3A_416, %dma_wait3A_417] : memref<10240x32xf32, #tpu.memory_space<vmem_shared>> -> memref<10240x32xf32, #tpu.memory_space<vmem_shared>>
          tpu.wait_indirect_dma semaphore(%arg30 : memref<!tpu.dma_semaphore, #tpu.memory_space<semaphore_mem>>) src(%arg14 : memref<128x32xf32, #tpu.memory_space<vmem>>) dst(%dma_wait3A_418 : memref<10240x32xf32, #tpu.memory_space<vmem_shared>>)
        } else {
        }
        %dma_start3A_402 = arith.constant 0 : i32
        %dma_start3A_403 = tpu.memref_slice %arg32[%add3A_198, %dma_start3A_402] : memref<160x128xi32, #tpu.memory_space<vmem>> -> memref<1x128xi32, #tpu.memory_space<vmem>>
        %dma_start3A_404 = tpu.memref_squeeze %dma_start3A_403 : memref<1x128xi32, #tpu.memory_space<vmem>> -> memref<128xi32, #tpu.memory_space<vmem>>
        %dma_start3A_405 = arith.constant 0 : i32
        %dma_start3A_406 = arith.constant 0 : i32
        %dma_start3A_407 = tpu.memref_slice %arg2[%arg0, %dma_start3A_405, %dma_start3A_406] : memref<2x10000x32xf32, #tpu.memory_space<hbm>> -> memref<1x10000x32xf32, #tpu.memory_space<hbm>>
        %dma_start3A_408 = tpu.memref_squeeze %dma_start3A_407 : memref<1x10000x32xf32, #tpu.memory_space<hbm>> -> memref<10000x32xf32, #tpu.memory_space<hbm>>
        %dma_start3A_409 = arith.constant 0 : i32
        %dma_start3A_410 = arith.constant 0 : i32
        %dma_start3A_411 = tpu.memref_slice %dma_start3A_408[%dma_start3A_409, %dma_start3A_410] : memref<10000x32xf32, #tpu.memory_space<hbm>> -> memref<10000x32xf32, #tpu.memory_space<hbm>>
        tpu.enqueue_indirect_dma source(%dma_start3A_411 : memref<10000x32xf32, #tpu.memory_space<hbm>>) target(%arg14 : memref<128x32xf32, #tpu.memory_space<vmem>>) offsets(%dma_start3A_404 : memref<128xi32, #tpu.memory_space<vmem>>) semaphore(%arg22 : memref<!tpu.dma_semaphore, #tpu.memory_space<semaphore_mem>>)
      } else {
      }
      %mul3A_201 = arith.constant 8 : i32
      %mul3A_202 = arith.muli %scan3A_175, %mul3A_201 : i32
      %add3A_203 = arith.constant 1 : i32
      %add3A_204 = arith.addi %mul3A_202, %add3A_203 : i32
      %dma_wait3A_205 = arith.constant 0 : i32
      %dma_wait3A_206 = arith.constant 0 : i32
      %dma_wait3A_207 = tpu.memref_slice %arg32[%dma_wait3A_205, %dma_wait3A_206] : memref<160x128xi32, #tpu.memory_space<vmem>> -> memref<1x128xi32, #tpu.memory_space<vmem>>
      %dma_wait3A_208 = tpu.memref_squeeze %dma_wait3A_207 : memref<1x128xi32, #tpu.memory_space<vmem>> -> memref<128xi32, #tpu.memory_space<vmem>>
      %dma_wait3A_209 = arith.constant 0 : i32
      %dma_wait3A_210 = arith.constant 0 : i32
      %dma_wait3A_211 = tpu.memref_slice %arg2[%arg0, %dma_wait3A_209, %dma_wait3A_210] : memref<2x10000x32xf32, #tpu.memory_space<hbm>> -> memref<1x10000x32xf32, #tpu.memory_space<hbm>>
      %dma_wait3A_212 = tpu.memref_squeeze %dma_wait3A_211 : memref<1x10000x32xf32, #tpu.memory_space<hbm>> -> memref<10000x32xf32, #tpu.memory_space<hbm>>
      %dma_wait3A_213 = arith.constant 0 : i32
      %dma_wait3A_214 = arith.constant 0 : i32
      %dma_wait3A_215 = tpu.memref_slice %dma_wait3A_212[%dma_wait3A_213, %dma_wait3A_214] : memref<10000x32xf32, #tpu.memory_space<hbm>> -> memref<10000x32xf32, #tpu.memory_space<hbm>>
      tpu.wait_indirect_dma semaphore(%arg17 : memref<!tpu.dma_semaphore, #tpu.memory_space<semaphore_mem>>) src(%dma_wait3A_215 : memref<10000x32xf32, #tpu.memory_space<hbm>>) dst(%arg9 : memref<128x32xf32, #tpu.memory_space<vmem>>)
      %dma_start3A_216 = arith.constant 0 : i32
      %dma_start3A_217 = tpu.memref_slice %arg7[%add3A_204, %dma_start3A_216] : memref<160x128xi32, #tpu.memory_space<vmem>> -> memref<1x128xi32, #tpu.memory_space<vmem>>
      %dma_start3A_218 = tpu.memref_squeeze %dma_start3A_217 : memref<1x128xi32, #tpu.memory_space<vmem>> -> memref<128xi32, #tpu.memory_space<vmem>>
      %dma_start3A_219 = arith.constant 0 : i32
      %dma_start3A_220 = arith.constant 0 : i32
      %dma_start3A_221 = tpu.memref_slice %arg6[%dma_start3A_219, %dma_start3A_220] : memref<10240x32xf32, #tpu.memory_space<vmem_shared>> -> memref<10240x32xf32, #tpu.memory_space<vmem_shared>>
      tpu.enqueue_indirect_dma source(%arg9 : memref<128x32xf32, #tpu.memory_space<vmem>>) target(%dma_start3A_221 : memref<10240x32xf32, #tpu.memory_space<vmem_shared>>) offsets(%dma_start3A_218 : memref<128xi32, #tpu.memory_space<vmem>>) semaphore(%arg25 : memref<!tpu.dma_semaphore, #tpu.memory_space<semaphore_mem>>) {add = true}
      %add3A_222 = arith.constant 6 : i32
      %add3A_223 = arith.addi %add3A_204, %add3A_222 : i32
      %lt3A_224 = arith.constant 160 : i32
      %lt3A_225 = arith.cmpi slt, %add3A_223, %lt3A_224 : i32
      %convert_element_type3A_226 = arith.extui %lt3A_225 : i1 to i32
      %cond3A_227 = arith.constant 0 : i32
      %cond3A_228 = arith.cmpi ne, %convert_element_type3A_226, %cond3A_227 : i32
      scf.if %cond3A_228 {
        %ge3A = arith.constant 8 : i32
        %ge3A_398 = arith.cmpi sge, %add3A_223, %ge3A : i32
        %convert_element_type3A_399 = arith.extui %ge3A_398 : i1 to i32
        %cond3A_400 = arith.constant 0 : i32
        %cond3A_401 = arith.cmpi ne, %convert_element_type3A_399, %cond3A_400 : i32
        scf.if %cond3A_401 {
          %dma_wait3A_412 = arith.constant 0 : i32
          %dma_wait3A_413 = arith.constant 0 : i32
          %dma_wait3A_414 = tpu.memref_slice %arg7[%dma_wait3A_412, %dma_wait3A_413] : memref<160x128xi32, #tpu.memory_space<vmem>> -> memref<1x128xi32, #tpu.memory_space<vmem>>
          %dma_wait3A_415 = tpu.memref_squeeze %dma_wait3A_414 : memref<1x128xi32, #tpu.memory_space<vmem>> -> memref<128xi32, #tpu.memory_space<vmem>>
          %dma_wait3A_416 = arith.constant 0 : i32
          %dma_wait3A_417 = arith.constant 0 : i32
          %dma_wait3A_418 = tpu.memref_slice %arg6[%dma_wait3A_416, %dma_wait3A_417] : memref<10240x32xf32, #tpu.memory_space<vmem_shared>> -> memref<10240x32xf32, #tpu.memory_space<vmem_shared>>
          tpu.wait_indirect_dma semaphore(%arg31 : memref<!tpu.dma_semaphore, #tpu.memory_space<semaphore_mem>>) src(%arg15 : memref<128x32xf32, #tpu.memory_space<vmem>>) dst(%dma_wait3A_418 : memref<10240x32xf32, #tpu.memory_space<vmem_shared>>)
        } else {
        }
        %dma_start3A_402 = arith.constant 0 : i32
        %dma_start3A_403 = tpu.memref_slice %arg32[%add3A_223, %dma_start3A_402] : memref<160x128xi32, #tpu.memory_space<vmem>> -> memref<1x128xi32, #tpu.memory_space<vmem>>
        %dma_start3A_404 = tpu.memref_squeeze %dma_start3A_403 : memref<1x128xi32, #tpu.memory_space<vmem>> -> memref<128xi32, #tpu.memory_space<vmem>>
        %dma_start3A_405 = arith.constant 0 : i32
        %dma_start3A_406 = arith.constant 0 : i32
        %dma_start3A_407 = tpu.memref_slice %arg2[%arg0, %dma_start3A_405, %dma_start3A_406] : memref<2x10000x32xf32, #tpu.memory_space<hbm>> -> memref<1x10000x32xf32, #tpu.memory_space<hbm>>
        %dma_start3A_408 = tpu.memref_squeeze %dma_start3A_407 : memref<1x10000x32xf32, #tpu.memory_space<hbm>> -> memref<10000x32xf32, #tpu.memory_space<hbm>>
        %dma_start3A_409 = arith.constant 0 : i32
        %dma_start3A_410 = arith.constant 0 : i32
        %dma_start3A_411 = tpu.memref_slice %dma_start3A_408[%dma_start3A_409, %dma_start3A_410] : memref<10000x32xf32, #tpu.memory_space<hbm>> -> memref<10000x32xf32, #tpu.memory_space<hbm>>
        tpu.enqueue_indirect_dma source(%dma_start3A_411 : memref<10000x32xf32, #tpu.memory_space<hbm>>) target(%arg15 : memref<128x32xf32, #tpu.memory_space<vmem>>) offsets(%dma_start3A_404 : memref<128xi32, #tpu.memory_space<vmem>>) semaphore(%arg23 : memref<!tpu.dma_semaphore, #tpu.memory_space<semaphore_mem>>)
      } else {
      }
      %mul3A_229 = arith.constant 8 : i32
      %mul3A_230 = arith.muli %scan3A_175, %mul3A_229 : i32
      %add3A_231 = arith.constant 2 : i32
      %add3A_232 = arith.addi %mul3A_230, %add3A_231 : i32
      %dma_wait3A_233 = arith.constant 0 : i32
      %dma_wait3A_234 = arith.constant 0 : i32
      %dma_wait3A_235 = tpu.memref_slice %arg32[%dma_wait3A_233, %dma_wait3A_234] : memref<160x128xi32, #tpu.memory_space<vmem>> -> memref<1x128xi32, #tpu.memory_space<vmem>>
      %dma_wait3A_236 = tpu.memref_squeeze %dma_wait3A_235 : memref<1x128xi32, #tpu.memory_space<vmem>> -> memref<128xi32, #tpu.memory_space<vmem>>
      %dma_wait3A_237 = arith.constant 0 : i32
      %dma_wait3A_238 = arith.constant 0 : i32
      %dma_wait3A_239 = tpu.memref_slice %arg2[%arg0, %dma_wait3A_237, %dma_wait3A_238] : memref<2x10000x32xf32, #tpu.memory_space<hbm>> -> memref<1x10000x32xf32, #tpu.memory_space<hbm>>
      %dma_wait3A_240 = tpu.memref_squeeze %dma_wait3A_239 : memref<1x10000x32xf32, #tpu.memory_space<hbm>> -> memref<10000x32xf32, #tpu.memory_space<hbm>>
      %dma_wait3A_241 = arith.constant 0 : i32
      %dma_wait3A_242 = arith.constant 0 : i32
      %dma_wait3A_243 = tpu.memref_slice %dma_wait3A_240[%dma_wait3A_241, %dma_wait3A_242] : memref<10000x32xf32, #tpu.memory_space<hbm>> -> memref<10000x32xf32, #tpu.memory_space<hbm>>
      tpu.wait_indirect_dma semaphore(%arg18 : memref<!tpu.dma_semaphore, #tpu.memory_space<semaphore_mem>>) src(%dma_wait3A_243 : memref<10000x32xf32, #tpu.memory_space<hbm>>) dst(%arg10 : memref<128x32xf32, #tpu.memory_space<vmem>>)
      %dma_start3A_244 = arith.constant 0 : i32
      %dma_start3A_245 = tpu.memref_slice %arg7[%add3A_232, %dma_start3A_244] : memref<160x128xi32, #tpu.memory_space<vmem>> -> memref<1x128xi32, #tpu.memory_space<vmem>>
      %dma_start3A_246 = tpu.memref_squeeze %dma_start3A_245 : memref<1x128xi32, #tpu.memory_space<vmem>> -> memref<128xi32, #tpu.memory_space<vmem>>
      %dma_start3A_247 = arith.constant 0 : i32
      %dma_start3A_248 = arith.constant 0 : i32
      %dma_start3A_249 = tpu.memref_slice %arg6[%dma_start3A_247, %dma_start3A_248] : memref<10240x32xf32, #tpu.memory_space<vmem_shared>> -> memref<10240x32xf32, #tpu.memory_space<vmem_shared>>
      tpu.enqueue_indirect_dma source(%arg10 : memref<128x32xf32, #tpu.memory_space<vmem>>) target(%dma_start3A_249 : memref<10240x32xf32, #tpu.memory_space<vmem_shared>>) offsets(%dma_start3A_246 : memref<128xi32, #tpu.memory_space<vmem>>) semaphore(%arg26 : memref<!tpu.dma_semaphore, #tpu.memory_space<semaphore_mem>>) {add = true}
      %add3A_250 = arith.constant 6 : i32
      %add3A_251 = arith.addi %add3A_232, %add3A_250 : i32
      %lt3A_252 = arith.constant 160 : i32
      %lt3A_253 = arith.cmpi slt, %add3A_251, %lt3A_252 : i32
      %convert_element_type3A_254 = arith.extui %lt3A_253 : i1 to i32
      %cond3A_255 = arith.constant 0 : i32
      %cond3A_256 = arith.cmpi ne, %convert_element_type3A_254, %cond3A_255 : i32
      scf.if %cond3A_256 {
        %ge3A = arith.constant 8 : i32
        %ge3A_398 = arith.cmpi sge, %add3A_251, %ge3A : i32
        %convert_element_type3A_399 = arith.extui %ge3A_398 : i1 to i32
        %cond3A_400 = arith.constant 0 : i32
        %cond3A_401 = arith.cmpi ne, %convert_element_type3A_399, %cond3A_400 : i32
        scf.if %cond3A_401 {
          %dma_wait3A_412 = arith.constant 0 : i32
          %dma_wait3A_413 = arith.constant 0 : i32
          %dma_wait3A_414 = tpu.memref_slice %arg7[%dma_wait3A_412, %dma_wait3A_413] : memref<160x128xi32, #tpu.memory_space<vmem>> -> memref<1x128xi32, #tpu.memory_space<vmem>>
          %dma_wait3A_415 = tpu.memref_squeeze %dma_wait3A_414 : memref<1x128xi32, #tpu.memory_space<vmem>> -> memref<128xi32, #tpu.memory_space<vmem>>
          %dma_wait3A_416 = arith.constant 0 : i32
          %dma_wait3A_417 = arith.constant 0 : i32
          %dma_wait3A_418 = tpu.memref_slice %arg6[%dma_wait3A_416, %dma_wait3A_417] : memref<10240x32xf32, #tpu.memory_space<vmem_shared>> -> memref<10240x32xf32, #tpu.memory_space<vmem_shared>>
          tpu.wait_indirect_dma semaphore(%arg24 : memref<!tpu.dma_semaphore, #tpu.memory_space<semaphore_mem>>) src(%arg8 : memref<128x32xf32, #tpu.memory_space<vmem>>) dst(%dma_wait3A_418 : memref<10240x32xf32, #tpu.memory_space<vmem_shared>>)
        } else {
        }
        %dma_start3A_402 = arith.constant 0 : i32
        %dma_start3A_403 = tpu.memref_slice %arg32[%add3A_251, %dma_start3A_402] : memref<160x128xi32, #tpu.memory_space<vmem>> -> memref<1x128xi32, #tpu.memory_space<vmem>>
        %dma_start3A_404 = tpu.memref_squeeze %dma_start3A_403 : memref<1x128xi32, #tpu.memory_space<vmem>> -> memref<128xi32, #tpu.memory_space<vmem>>
        %dma_start3A_405 = arith.constant 0 : i32
        %dma_start3A_406 = arith.constant 0 : i32
        %dma_start3A_407 = tpu.memref_slice %arg2[%arg0, %dma_start3A_405, %dma_start3A_406] : memref<2x10000x32xf32, #tpu.memory_space<hbm>> -> memref<1x10000x32xf32, #tpu.memory_space<hbm>>
        %dma_start3A_408 = tpu.memref_squeeze %dma_start3A_407 : memref<1x10000x32xf32, #tpu.memory_space<hbm>> -> memref<10000x32xf32, #tpu.memory_space<hbm>>
        %dma_start3A_409 = arith.constant 0 : i32
        %dma_start3A_410 = arith.constant 0 : i32
        %dma_start3A_411 = tpu.memref_slice %dma_start3A_408[%dma_start3A_409, %dma_start3A_410] : memref<10000x32xf32, #tpu.memory_space<hbm>> -> memref<10000x32xf32, #tpu.memory_space<hbm>>
        tpu.enqueue_indirect_dma source(%dma_start3A_411 : memref<10000x32xf32, #tpu.memory_space<hbm>>) target(%arg8 : memref<128x32xf32, #tpu.memory_space<vmem>>) offsets(%dma_start3A_404 : memref<128xi32, #tpu.memory_space<vmem>>) semaphore(%arg16 : memref<!tpu.dma_semaphore, #tpu.memory_space<semaphore_mem>>)
      } else {
      }
      %mul3A_257 = arith.constant 8 : i32
      %mul3A_258 = arith.muli %scan3A_175, %mul3A_257 : i32
      %add3A_259 = arith.constant 3 : i32
      %add3A_260 = arith.addi %mul3A_258, %add3A_259 : i32
      %dma_wait3A_261 = arith.constant 0 : i32
      %dma_wait3A_262 = arith.constant 0 : i32
      %dma_wait3A_263 = tpu.memref_slice %arg32[%dma_wait3A_261, %dma_wait3A_262] : memref<160x128xi32, #tpu.memory_space<vmem>> -> memref<1x128xi32, #tpu.memory_space<vmem>>
      %dma_wait3A_264 = tpu.memref_squeeze %dma_wait3A_263 : memref<1x128xi32, #tpu.memory_space<vmem>> -> memref<128xi32, #tpu.memory_space<vmem>>
      %dma_wait3A_265 = arith.constant 0 : i32
      %dma_wait3A_266 = arith.constant 0 : i32
      %dma_wait3A_267 = tpu.memref_slice %arg2[%arg0, %dma_wait3A_265, %dma_wait3A_266] : memref<2x10000x32xf32, #tpu.memory_space<hbm>> -> memref<1x10000x32xf32, #tpu.memory_space<hbm>>
      %dma_wait3A_268 = tpu.memref_squeeze %dma_wait3A_267 : memref<1x10000x32xf32, #tpu.memory_space<hbm>> -> memref<10000x32xf32, #tpu.memory_space<hbm>>
      %dma_wait3A_269 = arith.constant 0 : i32
      %dma_wait3A_270 = arith.constant 0 : i32
      %dma_wait3A_271 = tpu.memref_slice %dma_wait3A_268[%dma_wait3A_269, %dma_wait3A_270] : memref<10000x32xf32, #tpu.memory_space<hbm>> -> memref<10000x32xf32, #tpu.memory_space<hbm>>
      tpu.wait_indirect_dma semaphore(%arg19 : memref<!tpu.dma_semaphore, #tpu.memory_space<semaphore_mem>>) src(%dma_wait3A_271 : memref<10000x32xf32, #tpu.memory_space<hbm>>) dst(%arg11 : memref<128x32xf32, #tpu.memory_space<vmem>>)
      %dma_start3A_272 = arith.constant 0 : i32
      %dma_start3A_273 = tpu.memref_slice %arg7[%add3A_260, %dma_start3A_272] : memref<160x128xi32, #tpu.memory_space<vmem>> -> memref<1x128xi32, #tpu.memory_space<vmem>>
      %dma_start3A_274 = tpu.memref_squeeze %dma_start3A_273 : memref<1x128xi32, #tpu.memory_space<vmem>> -> memref<128xi32, #tpu.memory_space<vmem>>
      %dma_start3A_275 = arith.constant 0 : i32
      %dma_start3A_276 = arith.constant 0 : i32
      %dma_start3A_277 = tpu.memref_slice %arg6[%dma_start3A_275, %dma_start3A_276] : memref<10240x32xf32, #tpu.memory_space<vmem_shared>> -> memref<10240x32xf32, #tpu.memory_space<vmem_shared>>
      tpu.enqueue_indirect_dma source(%arg11 : memref<128x32xf32, #tpu.memory_space<vmem>>) target(%dma_start3A_277 : memref<10240x32xf32, #tpu.memory_space<vmem_shared>>) offsets(%dma_start3A_274 : memref<128xi32, #tpu.memory_space<vmem>>) semaphore(%arg27 : memref<!tpu.dma_semaphore, #tpu.memory_space<semaphore_mem>>) {add = true}
      %add3A_278 = arith.constant 6 : i32
      %add3A_279 = arith.addi %add3A_260, %add3A_278 : i32
      %lt3A_280 = arith.constant 160 : i32
      %lt3A_281 = arith.cmpi slt, %add3A_279, %lt3A_280 : i32
      %convert_element_type3A_282 = arith.extui %lt3A_281 : i1 to i32
      %cond3A_283 = arith.constant 0 : i32
      %cond3A_284 = arith.cmpi ne, %convert_element_type3A_282, %cond3A_283 : i32
      scf.if %cond3A_284 {
        %ge3A = arith.constant 8 : i32
        %ge3A_398 = arith.cmpi sge, %add3A_279, %ge3A : i32
        %convert_element_type3A_399 = arith.extui %ge3A_398 : i1 to i32
        %cond3A_400 = arith.constant 0 : i32
        %cond3A_401 = arith.cmpi ne, %convert_element_type3A_399, %cond3A_400 : i32
        scf.if %cond3A_401 {
          %dma_wait3A_412 = arith.constant 0 : i32
          %dma_wait3A_413 = arith.constant 0 : i32
          %dma_wait3A_414 = tpu.memref_slice %arg7[%dma_wait3A_412, %dma_wait3A_413] : memref<160x128xi32, #tpu.memory_space<vmem>> -> memref<1x128xi32, #tpu.memory_space<vmem>>
          %dma_wait3A_415 = tpu.memref_squeeze %dma_wait3A_414 : memref<1x128xi32, #tpu.memory_space<vmem>> -> memref<128xi32, #tpu.memory_space<vmem>>
          %dma_wait3A_416 = arith.constant 0 : i32
          %dma_wait3A_417 = arith.constant 0 : i32
          %dma_wait3A_418 = tpu.memref_slice %arg6[%dma_wait3A_416, %dma_wait3A_417] : memref<10240x32xf32, #tpu.memory_space<vmem_shared>> -> memref<10240x32xf32, #tpu.memory_space<vmem_shared>>
          tpu.wait_indirect_dma semaphore(%arg25 : memref<!tpu.dma_semaphore, #tpu.memory_space<semaphore_mem>>) src(%arg9 : memref<128x32xf32, #tpu.memory_space<vmem>>) dst(%dma_wait3A_418 : memref<10240x32xf32, #tpu.memory_space<vmem_shared>>)
        } else {
        }
        %dma_start3A_402 = arith.constant 0 : i32
        %dma_start3A_403 = tpu.memref_slice %arg32[%add3A_279, %dma_start3A_402] : memref<160x128xi32, #tpu.memory_space<vmem>> -> memref<1x128xi32, #tpu.memory_space<vmem>>
        %dma_start3A_404 = tpu.memref_squeeze %dma_start3A_403 : memref<1x128xi32, #tpu.memory_space<vmem>> -> memref<128xi32, #tpu.memory_space<vmem>>
        %dma_start3A_405 = arith.constant 0 : i32
        %dma_start3A_406 = arith.constant 0 : i32
        %dma_start3A_407 = tpu.memref_slice %arg2[%arg0, %dma_start3A_405, %dma_start3A_406] : memref<2x10000x32xf32, #tpu.memory_space<hbm>> -> memref<1x10000x32xf32, #tpu.memory_space<hbm>>
        %dma_start3A_408 = tpu.memref_squeeze %dma_start3A_407 : memref<1x10000x32xf32, #tpu.memory_space<hbm>> -> memref<10000x32xf32, #tpu.memory_space<hbm>>
        %dma_start3A_409 = arith.constant 0 : i32
        %dma_start3A_410 = arith.constant 0 : i32
        %dma_start3A_411 = tpu.memref_slice %dma_start3A_408[%dma_start3A_409, %dma_start3A_410] : memref<10000x32xf32, #tpu.memory_space<hbm>> -> memref<10000x32xf32, #tpu.memory_space<hbm>>
        tpu.enqueue_indirect_dma source(%dma_start3A_411 : memref<10000x32xf32, #tpu.memory_space<hbm>>) target(%arg9 : memref<128x32xf32, #tpu.memory_space<vmem>>) offsets(%dma_start3A_404 : memref<128xi32, #tpu.memory_space<vmem>>) semaphore(%arg17 : memref<!tpu.dma_semaphore, #tpu.memory_space<semaphore_mem>>)
      } else {
      }
      %mul3A_285 = arith.constant 8 : i32
      %mul3A_286 = arith.muli %scan3A_175, %mul3A_285 : i32
      %add3A_287 = arith.constant 4 : i32
      %add3A_288 = arith.addi %mul3A_286, %add3A_287 : i32
      %dma_wait3A_289 = arith.constant 0 : i32
      %dma_wait3A_290 = arith.constant 0 : i32
      %dma_wait3A_291 = tpu.memref_slice %arg32[%dma_wait3A_289, %dma_wait3A_290] : memref<160x128xi32, #tpu.memory_space<vmem>> -> memref<1x128xi32, #tpu.memory_space<vmem>>
      %dma_wait3A_292 = tpu.memref_squeeze %dma_wait3A_291 : memref<1x128xi32, #tpu.memory_space<vmem>> -> memref<128xi32, #tpu.memory_space<vmem>>
      %dma_wait3A_293 = arith.constant 0 : i32
      %dma_wait3A_294 = arith.constant 0 : i32
      %dma_wait3A_295 = tpu.memref_slice %arg2[%arg0, %dma_wait3A_293, %dma_wait3A_294] : memref<2x10000x32xf32, #tpu.memory_space<hbm>> -> memref<1x10000x32xf32, #tpu.memory_space<hbm>>
      %dma_wait3A_296 = tpu.memref_squeeze %dma_wait3A_295 : memref<1x10000x32xf32, #tpu.memory_space<hbm>> -> memref<10000x32xf32, #tpu.memory_space<hbm>>
      %dma_wait3A_297 = arith.constant 0 : i32
      %dma_wait3A_298 = arith.constant 0 : i32
      %dma_wait3A_299 = tpu.memref_slice %dma_wait3A_296[%dma_wait3A_297, %dma_wait3A_298] : memref<10000x32xf32, #tpu.memory_space<hbm>> -> memref<10000x32xf32, #tpu.memory_space<hbm>>
      tpu.wait_indirect_dma semaphore(%arg20 : memref<!tpu.dma_semaphore, #tpu.memory_space<semaphore_mem>>) src(%dma_wait3A_299 : memref<10000x32xf32, #tpu.memory_space<hbm>>) dst(%arg12 : memref<128x32xf32, #tpu.memory_space<vmem>>)
      %dma_start3A_300 = arith.constant 0 : i32
      %dma_start3A_301 = tpu.memref_slice %arg7[%add3A_288, %dma_start3A_300] : memref<160x128xi32, #tpu.memory_space<vmem>> -> memref<1x128xi32, #tpu.memory_space<vmem>>
      %dma_start3A_302 = tpu.memref_squeeze %dma_start3A_301 : memref<1x128xi32, #tpu.memory_space<vmem>> -> memref<128xi32, #tpu.memory_space<vmem>>
      %dma_start3A_303 = arith.constant 0 : i32
      %dma_start3A_304 = arith.constant 0 : i32
      %dma_start3A_305 = tpu.memref_slice %arg6[%dma_start3A_303, %dma_start3A_304] : memref<10240x32xf32, #tpu.memory_space<vmem_shared>> -> memref<10240x32xf32, #tpu.memory_space<vmem_shared>>
      tpu.enqueue_indirect_dma source(%arg12 : memref<128x32xf32, #tpu.memory_space<vmem>>) target(%dma_start3A_305 : memref<10240x32xf32, #tpu.memory_space<vmem_shared>>) offsets(%dma_start3A_302 : memref<128xi32, #tpu.memory_space<vmem>>) semaphore(%arg28 : memref<!tpu.dma_semaphore, #tpu.memory_space<semaphore_mem>>) {add = true}
      %add3A_306 = arith.constant 6 : i32
      %add3A_307 = arith.addi %add3A_288, %add3A_306 : i32
      %lt3A_308 = arith.constant 160 : i32
      %lt3A_309 = arith.cmpi slt, %add3A_307, %lt3A_308 : i32
      %convert_element_type3A_310 = arith.extui %lt3A_309 : i1 to i32
      %cond3A_311 = arith.constant 0 : i32
      %cond3A_312 = arith.cmpi ne, %convert_element_type3A_310, %cond3A_311 : i32
      scf.if %cond3A_312 {
        %ge3A = arith.constant 8 : i32
        %ge3A_398 = arith.cmpi sge, %add3A_307, %ge3A : i32
        %convert_element_type3A_399 = arith.extui %ge3A_398 : i1 to i32
        %cond3A_400 = arith.constant 0 : i32
        %cond3A_401 = arith.cmpi ne, %convert_element_type3A_399, %cond3A_400 : i32
        scf.if %cond3A_401 {
          %dma_wait3A_412 = arith.constant 0 : i32
          %dma_wait3A_413 = arith.constant 0 : i32
          %dma_wait3A_414 = tpu.memref_slice %arg7[%dma_wait3A_412, %dma_wait3A_413] : memref<160x128xi32, #tpu.memory_space<vmem>> -> memref<1x128xi32, #tpu.memory_space<vmem>>
          %dma_wait3A_415 = tpu.memref_squeeze %dma_wait3A_414 : memref<1x128xi32, #tpu.memory_space<vmem>> -> memref<128xi32, #tpu.memory_space<vmem>>
          %dma_wait3A_416 = arith.constant 0 : i32
          %dma_wait3A_417 = arith.constant 0 : i32
          %dma_wait3A_418 = tpu.memref_slice %arg6[%dma_wait3A_416, %dma_wait3A_417] : memref<10240x32xf32, #tpu.memory_space<vmem_shared>> -> memref<10240x32xf32, #tpu.memory_space<vmem_shared>>
          tpu.wait_indirect_dma semaphore(%arg26 : memref<!tpu.dma_semaphore, #tpu.memory_space<semaphore_mem>>) src(%arg10 : memref<128x32xf32, #tpu.memory_space<vmem>>) dst(%dma_wait3A_418 : memref<10240x32xf32, #tpu.memory_space<vmem_shared>>)
        } else {
        }
        %dma_start3A_402 = arith.constant 0 : i32
        %dma_start3A_403 = tpu.memref_slice %arg32[%add3A_307, %dma_start3A_402] : memref<160x128xi32, #tpu.memory_space<vmem>> -> memref<1x128xi32, #tpu.memory_space<vmem>>
        %dma_start3A_404 = tpu.memref_squeeze %dma_start3A_403 : memref<1x128xi32, #tpu.memory_space<vmem>> -> memref<128xi32, #tpu.memory_space<vmem>>
        %dma_start3A_405 = arith.constant 0 : i32
        %dma_start3A_406 = arith.constant 0 : i32
        %dma_start3A_407 = tpu.memref_slice %arg2[%arg0, %dma_start3A_405, %dma_start3A_406] : memref<2x10000x32xf32, #tpu.memory_space<hbm>> -> memref<1x10000x32xf32, #tpu.memory_space<hbm>>
        %dma_start3A_408 = tpu.memref_squeeze %dma_start3A_407 : memref<1x10000x32xf32, #tpu.memory_space<hbm>> -> memref<10000x32xf32, #tpu.memory_space<hbm>>
        %dma_start3A_409 = arith.constant 0 : i32
        %dma_start3A_410 = arith.constant 0 : i32
        %dma_start3A_411 = tpu.memref_slice %dma_start3A_408[%dma_start3A_409, %dma_start3A_410] : memref<10000x32xf32, #tpu.memory_space<hbm>> -> memref<10000x32xf32, #tpu.memory_space<hbm>>
        tpu.enqueue_indirect_dma source(%dma_start3A_411 : memref<10000x32xf32, #tpu.memory_space<hbm>>) target(%arg10 : memref<128x32xf32, #tpu.memory_space<vmem>>) offsets(%dma_start3A_404 : memref<128xi32, #tpu.memory_space<vmem>>) semaphore(%arg18 : memref<!tpu.dma_semaphore, #tpu.memory_space<semaphore_mem>>)
      } else {
      }
      %mul3A_313 = arith.constant 8 : i32
      %mul3A_314 = arith.muli %scan3A_175, %mul3A_313 : i32
      %add3A_315 = arith.constant 5 : i32
      %add3A_316 = arith.addi %mul3A_314, %add3A_315 : i32
      %dma_wait3A_317 = arith.constant 0 : i32
      %dma_wait3A_318 = arith.constant 0 : i32
      %dma_wait3A_319 = tpu.memref_slice %arg32[%dma_wait3A_317, %dma_wait3A_318] : memref<160x128xi32, #tpu.memory_space<vmem>> -> memref<1x128xi32, #tpu.memory_space<vmem>>
      %dma_wait3A_320 = tpu.memref_squeeze %dma_wait3A_319 : memref<1x128xi32, #tpu.memory_space<vmem>> -> memref<128xi32, #tpu.memory_space<vmem>>
      %dma_wait3A_321 = arith.constant 0 : i32
      %dma_wait3A_322 = arith.constant 0 : i32
      %dma_wait3A_323 = tpu.memref_slice %arg2[%arg0, %dma_wait3A_321, %dma_wait3A_322] : memref<2x10000x32xf32, #tpu.memory_space<hbm>> -> memref<1x10000x32xf32, #tpu.memory_space<hbm>>
      %dma_wait3A_324 = tpu.memref_squeeze %dma_wait3A_323 : memref<1x10000x32xf32, #tpu.memory_space<hbm>> -> memref<10000x32xf32, #tpu.memory_space<hbm>>
      %dma_wait3A_325 = arith.constant 0 : i32
      %dma_wait3A_326 = arith.constant 0 : i32
      %dma_wait3A_327 = tpu.memref_slice %dma_wait3A_324[%dma_wait3A_325, %dma_wait3A_326] : memref<10000x32xf32, #tpu.memory_space<hbm>> -> memref<10000x32xf32, #tpu.memory_space<hbm>>
      tpu.wait_indirect_dma semaphore(%arg21 : memref<!tpu.dma_semaphore, #tpu.memory_space<semaphore_mem>>) src(%dma_wait3A_327 : memref<10000x32xf32, #tpu.memory_space<hbm>>) dst(%arg13 : memref<128x32xf32, #tpu.memory_space<vmem>>)
      %dma_start3A_328 = arith.constant 0 : i32
      %dma_start3A_329 = tpu.memref_slice %arg7[%add3A_316, %dma_start3A_328] : memref<160x128xi32, #tpu.memory_space<vmem>> -> memref<1x128xi32, #tpu.memory_space<vmem>>
      %dma_start3A_330 = tpu.memref_squeeze %dma_start3A_329 : memref<1x128xi32, #tpu.memory_space<vmem>> -> memref<128xi32, #tpu.memory_space<vmem>>
      %dma_start3A_331 = arith.constant 0 : i32
      %dma_start3A_332 = arith.constant 0 : i32
      %dma_start3A_333 = tpu.memref_slice %arg6[%dma_start3A_331, %dma_start3A_332] : memref<10240x32xf32, #tpu.memory_space<vmem_shared>> -> memref<10240x32xf32, #tpu.memory_space<vmem_shared>>
      tpu.enqueue_indirect_dma source(%arg13 : memref<128x32xf32, #tpu.memory_space<vmem>>) target(%dma_start3A_333 : memref<10240x32xf32, #tpu.memory_space<vmem_shared>>) offsets(%dma_start3A_330 : memref<128xi32, #tpu.memory_space<vmem>>) semaphore(%arg29 : memref<!tpu.dma_semaphore, #tpu.memory_space<semaphore_mem>>) {add = true}
      %add3A_334 = arith.constant 6 : i32
      %add3A_335 = arith.addi %add3A_316, %add3A_334 : i32
      %lt3A_336 = arith.constant 160 : i32
      %lt3A_337 = arith.cmpi slt, %add3A_335, %lt3A_336 : i32
      %convert_element_type3A_338 = arith.extui %lt3A_337 : i1 to i32
      %cond3A_339 = arith.constant 0 : i32
      %cond3A_340 = arith.cmpi ne, %convert_element_type3A_338, %cond3A_339 : i32
      scf.if %cond3A_340 {
        %ge3A = arith.constant 8 : i32
        %ge3A_398 = arith.cmpi sge, %add3A_335, %ge3A : i32
        %convert_element_type3A_399 = arith.extui %ge3A_398 : i1 to i32
        %cond3A_400 = arith.constant 0 : i32
        %cond3A_401 = arith.cmpi ne, %convert_element_type3A_399, %cond3A_400 : i32
        scf.if %cond3A_401 {
          %dma_wait3A_412 = arith.constant 0 : i32
          %dma_wait3A_413 = arith.constant 0 : i32
          %dma_wait3A_414 = tpu.memref_slice %arg7[%dma_wait3A_412, %dma_wait3A_413] : memref<160x128xi32, #tpu.memory_space<vmem>> -> memref<1x128xi32, #tpu.memory_space<vmem>>
          %dma_wait3A_415 = tpu.memref_squeeze %dma_wait3A_414 : memref<1x128xi32, #tpu.memory_space<vmem>> -> memref<128xi32, #tpu.memory_space<vmem>>
          %dma_wait3A_416 = arith.constant 0 : i32
          %dma_wait3A_417 = arith.constant 0 : i32
          %dma_wait3A_418 = tpu.memref_slice %arg6[%dma_wait3A_416, %dma_wait3A_417] : memref<10240x32xf32, #tpu.memory_space<vmem_shared>> -> memref<10240x32xf32, #tpu.memory_space<vmem_shared>>
          tpu.wait_indirect_dma semaphore(%arg27 : memref<!tpu.dma_semaphore, #tpu.memory_space<semaphore_mem>>) src(%arg11 : memref<128x32xf32, #tpu.memory_space<vmem>>) dst(%dma_wait3A_418 : memref<10240x32xf32, #tpu.memory_space<vmem_shared>>)
        } else {
        }
        %dma_start3A_402 = arith.constant 0 : i32
        %dma_start3A_403 = tpu.memref_slice %arg32[%add3A_335, %dma_start3A_402] : memref<160x128xi32, #tpu.memory_space<vmem>> -> memref<1x128xi32, #tpu.memory_space<vmem>>
        %dma_start3A_404 = tpu.memref_squeeze %dma_start3A_403 : memref<1x128xi32, #tpu.memory_space<vmem>> -> memref<128xi32, #tpu.memory_space<vmem>>
        %dma_start3A_405 = arith.constant 0 : i32
        %dma_start3A_406 = arith.constant 0 : i32
        %dma_start3A_407 = tpu.memref_slice %arg2[%arg0, %dma_start3A_405, %dma_start3A_406] : memref<2x10000x32xf32, #tpu.memory_space<hbm>> -> memref<1x10000x32xf32, #tpu.memory_space<hbm>>
        %dma_start3A_408 = tpu.memref_squeeze %dma_start3A_407 : memref<1x10000x32xf32, #tpu.memory_space<hbm>> -> memref<10000x32xf32, #tpu.memory_space<hbm>>
        %dma_start3A_409 = arith.constant 0 : i32
        %dma_start3A_410 = arith.constant 0 : i32
        %dma_start3A_411 = tpu.memref_slice %dma_start3A_408[%dma_start3A_409, %dma_start3A_410] : memref<10000x32xf32, #tpu.memory_space<hbm>> -> memref<10000x32xf32, #tpu.memory_space<hbm>>
        tpu.enqueue_indirect_dma source(%dma_start3A_411 : memref<10000x32xf32, #tpu.memory_space<hbm>>) target(%arg11 : memref<128x32xf32, #tpu.memory_space<vmem>>) offsets(%dma_start3A_404 : memref<128xi32, #tpu.memory_space<vmem>>) semaphore(%arg19 : memref<!tpu.dma_semaphore, #tpu.memory_space<semaphore_mem>>)
      } else {
      }
      %mul3A_341 = arith.constant 8 : i32
      %mul3A_342 = arith.muli %scan3A_175, %mul3A_341 : i32
      %add3A_343 = arith.constant 6 : i32
      %add3A_344 = arith.addi %mul3A_342, %add3A_343 : i32
      %dma_wait3A_345 = arith.constant 0 : i32
      %dma_wait3A_346 = arith.constant 0 : i32
      %dma_wait3A_347 = tpu.memref_slice %arg32[%dma_wait3A_345, %dma_wait3A_346] : memref<160x128xi32, #tpu.memory_space<vmem>> -> memref<1x128xi32, #tpu.memory_space<vmem>>
      %dma_wait3A_348 = tpu.memref_squeeze %dma_wait3A_347 : memref<1x128xi32, #tpu.memory_space<vmem>> -> memref<128xi32, #tpu.memory_space<vmem>>
      %dma_wait3A_349 = arith.constant 0 : i32
      %dma_wait3A_350 = arith.constant 0 : i32
      %dma_wait3A_351 = tpu.memref_slice %arg2[%arg0, %dma_wait3A_349, %dma_wait3A_350] : memref<2x10000x32xf32, #tpu.memory_space<hbm>> -> memref<1x10000x32xf32, #tpu.memory_space<hbm>>
      %dma_wait3A_352 = tpu.memref_squeeze %dma_wait3A_351 : memref<1x10000x32xf32, #tpu.memory_space<hbm>> -> memref<10000x32xf32, #tpu.memory_space<hbm>>
      %dma_wait3A_353 = arith.constant 0 : i32
      %dma_wait3A_354 = arith.constant 0 : i32
      %dma_wait3A_355 = tpu.memref_slice %dma_wait3A_352[%dma_wait3A_353, %dma_wait3A_354] : memref<10000x32xf32, #tpu.memory_space<hbm>> -> memref<10000x32xf32, #tpu.memory_space<hbm>>
      tpu.wait_indirect_dma semaphore(%arg22 : memref<!tpu.dma_semaphore, #tpu.memory_space<semaphore_mem>>) src(%dma_wait3A_355 : memref<10000x32xf32, #tpu.memory_space<hbm>>) dst(%arg14 : memref<128x32xf32, #tpu.memory_space<vmem>>)
      %dma_start3A_356 = arith.constant 0 : i32
      %dma_start3A_357 = tpu.memref_slice %arg7[%add3A_344, %dma_start3A_356] : memref<160x128xi32, #tpu.memory_space<vmem>> -> memref<1x128xi32, #tpu.memory_space<vmem>>
      %dma_start3A_358 = tpu.memref_squeeze %dma_start3A_357 : memref<1x128xi32, #tpu.memory_space<vmem>> -> memref<128xi32, #tpu.memory_space<vmem>>
      %dma_start3A_359 = arith.constant 0 : i32
      %dma_start3A_360 = arith.constant 0 : i32
      %dma_start3A_361 = tpu.memref_slice %arg6[%dma_start3A_359, %dma_start3A_360] : memref<10240x32xf32, #tpu.memory_space<vmem_shared>> -> memref<10240x32xf32, #tpu.memory_space<vmem_shared>>
      tpu.enqueue_indirect_dma source(%arg14 : memref<128x32xf32, #tpu.memory_space<vmem>>) target(%dma_start3A_361 : memref<10240x32xf32, #tpu.memory_space<vmem_shared>>) offsets(%dma_start3A_358 : memref<128xi32, #tpu.memory_space<vmem>>) semaphore(%arg30 : memref<!tpu.dma_semaphore, #tpu.memory_space<semaphore_mem>>) {add = true}
      %add3A_362 = arith.constant 6 : i32
      %add3A_363 = arith.addi %add3A_344, %add3A_362 : i32
      %lt3A_364 = arith.constant 160 : i32
      %lt3A_365 = arith.cmpi slt, %add3A_363, %lt3A_364 : i32
      %convert_element_type3A_366 = arith.extui %lt3A_365 : i1 to i32
      %cond3A_367 = arith.constant 0 : i32
      %cond3A_368 = arith.cmpi ne, %convert_element_type3A_366, %cond3A_367 : i32
      scf.if %cond3A_368 {
        %ge3A = arith.constant 8 : i32
        %ge3A_398 = arith.cmpi sge, %add3A_363, %ge3A : i32
        %convert_element_type3A_399 = arith.extui %ge3A_398 : i1 to i32
        %cond3A_400 = arith.constant 0 : i32
        %cond3A_401 = arith.cmpi ne, %convert_element_type3A_399, %cond3A_400 : i32
        scf.if %cond3A_401 {
          %dma_wait3A_412 = arith.constant 0 : i32
          %dma_wait3A_413 = arith.constant 0 : i32
          %dma_wait3A_414 = tpu.memref_slice %arg7[%dma_wait3A_412, %dma_wait3A_413] : memref<160x128xi32, #tpu.memory_space<vmem>> -> memref<1x128xi32, #tpu.memory_space<vmem>>
          %dma_wait3A_415 = tpu.memref_squeeze %dma_wait3A_414 : memref<1x128xi32, #tpu.memory_space<vmem>> -> memref<128xi32, #tpu.memory_space<vmem>>
          %dma_wait3A_416 = arith.constant 0 : i32
          %dma_wait3A_417 = arith.constant 0 : i32
          %dma_wait3A_418 = tpu.memref_slice %arg6[%dma_wait3A_416, %dma_wait3A_417] : memref<10240x32xf32, #tpu.memory_space<vmem_shared>> -> memref<10240x32xf32, #tpu.memory_space<vmem_shared>>
          tpu.wait_indirect_dma semaphore(%arg28 : memref<!tpu.dma_semaphore, #tpu.memory_space<semaphore_mem>>) src(%arg12 : memref<128x32xf32, #tpu.memory_space<vmem>>) dst(%dma_wait3A_418 : memref<10240x32xf32, #tpu.memory_space<vmem_shared>>)
        } else {
        }
        %dma_start3A_402 = arith.constant 0 : i32
        %dma_start3A_403 = tpu.memref_slice %arg32[%add3A_363, %dma_start3A_402] : memref<160x128xi32, #tpu.memory_space<vmem>> -> memref<1x128xi32, #tpu.memory_space<vmem>>
        %dma_start3A_404 = tpu.memref_squeeze %dma_start3A_403 : memref<1x128xi32, #tpu.memory_space<vmem>> -> memref<128xi32, #tpu.memory_space<vmem>>
        %dma_start3A_405 = arith.constant 0 : i32
        %dma_start3A_406 = arith.constant 0 : i32
        %dma_start3A_407 = tpu.memref_slice %arg2[%arg0, %dma_start3A_405, %dma_start3A_406] : memref<2x10000x32xf32, #tpu.memory_space<hbm>> -> memref<1x10000x32xf32, #tpu.memory_space<hbm>>
        %dma_start3A_408 = tpu.memref_squeeze %dma_start3A_407 : memref<1x10000x32xf32, #tpu.memory_space<hbm>> -> memref<10000x32xf32, #tpu.memory_space<hbm>>
        %dma_start3A_409 = arith.constant 0 : i32
        %dma_start3A_410 = arith.constant 0 : i32
        %dma_start3A_411 = tpu.memref_slice %dma_start3A_408[%dma_start3A_409, %dma_start3A_410] : memref<10000x32xf32, #tpu.memory_space<hbm>> -> memref<10000x32xf32, #tpu.memory_space<hbm>>
        tpu.enqueue_indirect_dma source(%dma_start3A_411 : memref<10000x32xf32, #tpu.memory_space<hbm>>) target(%arg12 : memref<128x32xf32, #tpu.memory_space<vmem>>) offsets(%dma_start3A_404 : memref<128xi32, #tpu.memory_space<vmem>>) semaphore(%arg20 : memref<!tpu.dma_semaphore, #tpu.memory_space<semaphore_mem>>)
      } else {
      }
      %mul3A_369 = arith.constant 8 : i32
      %mul3A_370 = arith.muli %scan3A_175, %mul3A_369 : i32
      %add3A_371 = arith.constant 7 : i32
      %add3A_372 = arith.addi %mul3A_370, %add3A_371 : i32
      %dma_wait3A_373 = arith.constant 0 : i32
      %dma_wait3A_374 = arith.constant 0 : i32
      %dma_wait3A_375 = tpu.memref_slice %arg32[%dma_wait3A_373, %dma_wait3A_374] : memref<160x128xi32, #tpu.memory_space<vmem>> -> memref<1x128xi32, #tpu.memory_space<vmem>>
      %dma_wait3A_376 = tpu.memref_squeeze %dma_wait3A_375 : memref<1x128xi32, #tpu.memory_space<vmem>> -> memref<128xi32, #tpu.memory_space<vmem>>
      %dma_wait3A_377 = arith.constant 0 : i32
      %dma_wait3A_378 = arith.constant 0 : i32
      %dma_wait3A_379 = tpu.memref_slice %arg2[%arg0, %dma_wait3A_377, %dma_wait3A_378] : memref<2x10000x32xf32, #tpu.memory_space<hbm>> -> memref<1x10000x32xf32, #tpu.memory_space<hbm>>
      %dma_wait3A_380 = tpu.memref_squeeze %dma_wait3A_379 : memref<1x10000x32xf32, #tpu.memory_space<hbm>> -> memref<10000x32xf32, #tpu.memory_space<hbm>>
      %dma_wait3A_381 = arith.constant 0 : i32
      %dma_wait3A_382 = arith.constant 0 : i32
      %dma_wait3A_383 = tpu.memref_slice %dma_wait3A_380[%dma_wait3A_381, %dma_wait3A_382] : memref<10000x32xf32, #tpu.memory_space<hbm>> -> memref<10000x32xf32, #tpu.memory_space<hbm>>
      tpu.wait_indirect_dma semaphore(%arg23 : memref<!tpu.dma_semaphore, #tpu.memory_space<semaphore_mem>>) src(%dma_wait3A_383 : memref<10000x32xf32, #tpu.memory_space<hbm>>) dst(%arg15 : memref<128x32xf32, #tpu.memory_space<vmem>>)
      %dma_start3A_384 = arith.constant 0 : i32
      %dma_start3A_385 = tpu.memref_slice %arg7[%add3A_372, %dma_start3A_384] : memref<160x128xi32, #tpu.memory_space<vmem>> -> memref<1x128xi32, #tpu.memory_space<vmem>>
      %dma_start3A_386 = tpu.memref_squeeze %dma_start3A_385 : memref<1x128xi32, #tpu.memory_space<vmem>> -> memref<128xi32, #tpu.memory_space<vmem>>
      %dma_start3A_387 = arith.constant 0 : i32
      %dma_start3A_388 = arith.constant 0 : i32
      %dma_start3A_389 = tpu.memref_slice %arg6[%dma_start3A_387, %dma_start3A_388] : memref<10240x32xf32, #tpu.memory_space<vmem_shared>> -> memref<10240x32xf32, #tpu.memory_space<vmem_shared>>
      tpu.enqueue_indirect_dma source(%arg15 : memref<128x32xf32, #tpu.memory_space<vmem>>) target(%dma_start3A_389 : memref<10240x32xf32, #tpu.memory_space<vmem_shared>>) offsets(%dma_start3A_386 : memref<128xi32, #tpu.memory_space<vmem>>) semaphore(%arg31 : memref<!tpu.dma_semaphore, #tpu.memory_space<semaphore_mem>>) {add = true}
      %add3A_390 = arith.constant 6 : i32
      %add3A_391 = arith.addi %add3A_372, %add3A_390 : i32
      %lt3A_392 = arith.constant 160 : i32
      %lt3A_393 = arith.cmpi slt, %add3A_391, %lt3A_392 : i32
      %convert_element_type3A_394 = arith.extui %lt3A_393 : i1 to i32
      %cond3A_395 = arith.constant 0 : i32
      %cond3A_396 = arith.cmpi ne, %convert_element_type3A_394, %cond3A_395 : i32
      scf.if %cond3A_396 {
        %ge3A = arith.constant 8 : i32
        %ge3A_398 = arith.cmpi sge, %add3A_391, %ge3A : i32
        %convert_element_type3A_399 = arith.extui %ge3A_398 : i1 to i32
        %cond3A_400 = arith.constant 0 : i32
        %cond3A_401 = arith.cmpi ne, %convert_element_type3A_399, %cond3A_400 : i32
        scf.if %cond3A_401 {
          %dma_wait3A_412 = arith.constant 0 : i32
          %dma_wait3A_413 = arith.constant 0 : i32
          %dma_wait3A_414 = tpu.memref_slice %arg7[%dma_wait3A_412, %dma_wait3A_413] : memref<160x128xi32, #tpu.memory_space<vmem>> -> memref<1x128xi32, #tpu.memory_space<vmem>>
          %dma_wait3A_415 = tpu.memref_squeeze %dma_wait3A_414 : memref<1x128xi32, #tpu.memory_space<vmem>> -> memref<128xi32, #tpu.memory_space<vmem>>
          %dma_wait3A_416 = arith.constant 0 : i32
          %dma_wait3A_417 = arith.constant 0 : i32
          %dma_wait3A_418 = tpu.memref_slice %arg6[%dma_wait3A_416, %dma_wait3A_417] : memref<10240x32xf32, #tpu.memory_space<vmem_shared>> -> memref<10240x32xf32, #tpu.memory_space<vmem_shared>>
          tpu.wait_indirect_dma semaphore(%arg29 : memref<!tpu.dma_semaphore, #tpu.memory_space<semaphore_mem>>) src(%arg13 : memref<128x32xf32, #tpu.memory_space<vmem>>) dst(%dma_wait3A_418 : memref<10240x32xf32, #tpu.memory_space<vmem_shared>>)
        } else {
        }
        %dma_start3A_402 = arith.constant 0 : i32
        %dma_start3A_403 = tpu.memref_slice %arg32[%add3A_391, %dma_start3A_402] : memref<160x128xi32, #tpu.memory_space<vmem>> -> memref<1x128xi32, #tpu.memory_space<vmem>>
        %dma_start3A_404 = tpu.memref_squeeze %dma_start3A_403 : memref<1x128xi32, #tpu.memory_space<vmem>> -> memref<128xi32, #tpu.memory_space<vmem>>
        %dma_start3A_405 = arith.constant 0 : i32
        %dma_start3A_406 = arith.constant 0 : i32
        %dma_start3A_407 = tpu.memref_slice %arg2[%arg0, %dma_start3A_405, %dma_start3A_406] : memref<2x10000x32xf32, #tpu.memory_space<hbm>> -> memref<1x10000x32xf32, #tpu.memory_space<hbm>>
        %dma_start3A_408 = tpu.memref_squeeze %dma_start3A_407 : memref<1x10000x32xf32, #tpu.memory_space<hbm>> -> memref<10000x32xf32, #tpu.memory_space<hbm>>
        %dma_start3A_409 = arith.constant 0 : i32
        %dma_start3A_410 = arith.constant 0 : i32
        %dma_start3A_411 = tpu.memref_slice %dma_start3A_408[%dma_start3A_409, %dma_start3A_410] : memref<10000x32xf32, #tpu.memory_space<hbm>> -> memref<10000x32xf32, #tpu.memory_space<hbm>>
        tpu.enqueue_indirect_dma source(%dma_start3A_411 : memref<10000x32xf32, #tpu.memory_space<hbm>>) target(%arg13 : memref<128x32xf32, #tpu.memory_space<vmem>>) offsets(%dma_start3A_404 : memref<128xi32, #tpu.memory_space<vmem>>) semaphore(%arg21 : memref<!tpu.dma_semaphore, #tpu.memory_space<semaphore_mem>>)
      } else {
      }
      %scan3A_397 = arith.constant 0 : i32
      scf.yield %scan3A_397 : i32
    }
    %scan3A_113 = arith.constant 20 : i32
    %dma_wait3A_114 = arith.constant 0 : i32
    %dma_wait3A_115 = arith.constant 0 : i32
    %dma_wait3A_116 = tpu.memref_slice %arg7[%dma_wait3A_114, %dma_wait3A_115] : memref<160x128xi32, #tpu.memory_space<vmem>> -> memref<1x128xi32, #tpu.memory_space<vmem>>
    %dma_wait3A_117 = tpu.memref_squeeze %dma_wait3A_116 : memref<1x128xi32, #tpu.memory_space<vmem>> -> memref<128xi32, #tpu.memory_space<vmem>>
    %dma_wait3A_118 = arith.constant 0 : i32
    %dma_wait3A_119 = arith.constant 0 : i32
    %dma_wait3A_120 = tpu.memref_slice %arg6[%dma_wait3A_118, %dma_wait3A_119] : memref<10240x32xf32, #tpu.memory_space<vmem_shared>> -> memref<10240x32xf32, #tpu.memory_space<vmem_shared>>
    tpu.wait_indirect_dma semaphore(%arg24 : memref<!tpu.dma_semaphore, #tpu.memory_space<semaphore_mem>>) src(%arg8 : memref<128x32xf32, #tpu.memory_space<vmem>>) dst(%dma_wait3A_120 : memref<10240x32xf32, #tpu.memory_space<vmem_shared>>)
    %dma_wait3A_121 = arith.constant 0 : i32
    %dma_wait3A_122 = arith.constant 0 : i32
    %dma_wait3A_123 = tpu.memref_slice %arg7[%dma_wait3A_121, %dma_wait3A_122] : memref<160x128xi32, #tpu.memory_space<vmem>> -> memref<1x128xi32, #tpu.memory_space<vmem>>
    %dma_wait3A_124 = tpu.memref_squeeze %dma_wait3A_123 : memref<1x128xi32, #tpu.memory_space<vmem>> -> memref<128xi32, #tpu.memory_space<vmem>>
    %dma_wait3A_125 = arith.constant 0 : i32
    %dma_wait3A_126 = arith.constant 0 : i32
    %dma_wait3A_127 = tpu.memref_slice %arg6[%dma_wait3A_125, %dma_wait3A_126] : memref<10240x32xf32, #tpu.memory_space<vmem_shared>> -> memref<10240x32xf32, #tpu.memory_space<vmem_shared>>
    tpu.wait_indirect_dma semaphore(%arg25 : memref<!tpu.dma_semaphore, #tpu.memory_space<semaphore_mem>>) src(%arg9 : memref<128x32xf32, #tpu.memory_space<vmem>>) dst(%dma_wait3A_127 : memref<10240x32xf32, #tpu.memory_space<vmem_shared>>)
    %dma_wait3A_128 = arith.constant 0 : i32
    %dma_wait3A_129 = arith.constant 0 : i32
    %dma_wait3A_130 = tpu.memref_slice %arg7[%dma_wait3A_128, %dma_wait3A_129] : memref<160x128xi32, #tpu.memory_space<vmem>> -> memref<1x128xi32, #tpu.memory_space<vmem>>
    %dma_wait3A_131 = tpu.memref_squeeze %dma_wait3A_130 : memref<1x128xi32, #tpu.memory_space<vmem>> -> memref<128xi32, #tpu.memory_space<vmem>>
    %dma_wait3A_132 = arith.constant 0 : i32
    %dma_wait3A_133 = arith.constant 0 : i32
    %dma_wait3A_134 = tpu.memref_slice %arg6[%dma_wait3A_132, %dma_wait3A_133] : memref<10240x32xf32, #tpu.memory_space<vmem_shared>> -> memref<10240x32xf32, #tpu.memory_space<vmem_shared>>
    tpu.wait_indirect_dma semaphore(%arg26 : memref<!tpu.dma_semaphore, #tpu.memory_space<semaphore_mem>>) src(%arg10 : memref<128x32xf32, #tpu.memory_space<vmem>>) dst(%dma_wait3A_134 : memref<10240x32xf32, #tpu.memory_space<vmem_shared>>)
    %dma_wait3A_135 = arith.constant 0 : i32
    %dma_wait3A_136 = arith.constant 0 : i32
    %dma_wait3A_137 = tpu.memref_slice %arg7[%dma_wait3A_135, %dma_wait3A_136] : memref<160x128xi32, #tpu.memory_space<vmem>> -> memref<1x128xi32, #tpu.memory_space<vmem>>
    %dma_wait3A_138 = tpu.memref_squeeze %dma_wait3A_137 : memref<1x128xi32, #tpu.memory_space<vmem>> -> memref<128xi32, #tpu.memory_space<vmem>>
    %dma_wait3A_139 = arith.constant 0 : i32
    %dma_wait3A_140 = arith.constant 0 : i32
    %dma_wait3A_141 = tpu.memref_slice %arg6[%dma_wait3A_139, %dma_wait3A_140] : memref<10240x32xf32, #tpu.memory_space<vmem_shared>> -> memref<10240x32xf32, #tpu.memory_space<vmem_shared>>
    tpu.wait_indirect_dma semaphore(%arg27 : memref<!tpu.dma_semaphore, #tpu.memory_space<semaphore_mem>>) src(%arg11 : memref<128x32xf32, #tpu.memory_space<vmem>>) dst(%dma_wait3A_141 : memref<10240x32xf32, #tpu.memory_space<vmem_shared>>)
    %dma_wait3A_142 = arith.constant 0 : i32
    %dma_wait3A_143 = arith.constant 0 : i32
    %dma_wait3A_144 = tpu.memref_slice %arg7[%dma_wait3A_142, %dma_wait3A_143] : memref<160x128xi32, #tpu.memory_space<vmem>> -> memref<1x128xi32, #tpu.memory_space<vmem>>
    %dma_wait3A_145 = tpu.memref_squeeze %dma_wait3A_144 : memref<1x128xi32, #tpu.memory_space<vmem>> -> memref<128xi32, #tpu.memory_space<vmem>>
    %dma_wait3A_146 = arith.constant 0 : i32
    %dma_wait3A_147 = arith.constant 0 : i32
    %dma_wait3A_148 = tpu.memref_slice %arg6[%dma_wait3A_146, %dma_wait3A_147] : memref<10240x32xf32, #tpu.memory_space<vmem_shared>> -> memref<10240x32xf32, #tpu.memory_space<vmem_shared>>
    tpu.wait_indirect_dma semaphore(%arg28 : memref<!tpu.dma_semaphore, #tpu.memory_space<semaphore_mem>>) src(%arg12 : memref<128x32xf32, #tpu.memory_space<vmem>>) dst(%dma_wait3A_148 : memref<10240x32xf32, #tpu.memory_space<vmem_shared>>)
    %dma_wait3A_149 = arith.constant 0 : i32
    %dma_wait3A_150 = arith.constant 0 : i32
    %dma_wait3A_151 = tpu.memref_slice %arg7[%dma_wait3A_149, %dma_wait3A_150] : memref<160x128xi32, #tpu.memory_space<vmem>> -> memref<1x128xi32, #tpu.memory_space<vmem>>
    %dma_wait3A_152 = tpu.memref_squeeze %dma_wait3A_151 : memref<1x128xi32, #tpu.memory_space<vmem>> -> memref<128xi32, #tpu.memory_space<vmem>>
    %dma_wait3A_153 = arith.constant 0 : i32
    %dma_wait3A_154 = arith.constant 0 : i32
    %dma_wait3A_155 = tpu.memref_slice %arg6[%dma_wait3A_153, %dma_wait3A_154] : memref<10240x32xf32, #tpu.memory_space<vmem_shared>> -> memref<10240x32xf32, #tpu.memory_space<vmem_shared>>
    tpu.wait_indirect_dma semaphore(%arg29 : memref<!tpu.dma_semaphore, #tpu.memory_space<semaphore_mem>>) src(%arg13 : memref<128x32xf32, #tpu.memory_space<vmem>>) dst(%dma_wait3A_155 : memref<10240x32xf32, #tpu.memory_space<vmem_shared>>)
    %dma_wait3A_156 = arith.constant 0 : i32
    %dma_wait3A_157 = arith.constant 0 : i32
    %dma_wait3A_158 = tpu.memref_slice %arg7[%dma_wait3A_156, %dma_wait3A_157] : memref<160x128xi32, #tpu.memory_space<vmem>> -> memref<1x128xi32, #tpu.memory_space<vmem>>
    %dma_wait3A_159 = tpu.memref_squeeze %dma_wait3A_158 : memref<1x128xi32, #tpu.memory_space<vmem>> -> memref<128xi32, #tpu.memory_space<vmem>>
    %dma_wait3A_160 = arith.constant 0 : i32
    %dma_wait3A_161 = arith.constant 0 : i32
    %dma_wait3A_162 = tpu.memref_slice %arg6[%dma_wait3A_160, %dma_wait3A_161] : memref<10240x32xf32, #tpu.memory_space<vmem_shared>> -> memref<10240x32xf32, #tpu.memory_space<vmem_shared>>
    tpu.wait_indirect_dma semaphore(%arg30 : memref<!tpu.dma_semaphore, #tpu.memory_space<semaphore_mem>>) src(%arg14 : memref<128x32xf32, #tpu.memory_space<vmem>>) dst(%dma_wait3A_162 : memref<10240x32xf32, #tpu.memory_space<vmem_shared>>)
    %dma_wait3A_163 = arith.constant 0 : i32
    %dma_wait3A_164 = arith.constant 0 : i32
    %dma_wait3A_165 = tpu.memref_slice %arg7[%dma_wait3A_163, %dma_wait3A_164] : memref<160x128xi32, #tpu.memory_space<vmem>> -> memref<1x128xi32, #tpu.memory_space<vmem>>
    %dma_wait3A_166 = tpu.memref_squeeze %dma_wait3A_165 : memref<1x128xi32, #tpu.memory_space<vmem>> -> memref<128xi32, #tpu.memory_space<vmem>>
    %dma_wait3A_167 = arith.constant 0 : i32
    %dma_wait3A_168 = arith.constant 0 : i32
    %dma_wait3A_169 = tpu.memref_slice %arg6[%dma_wait3A_167, %dma_wait3A_168] : memref<10240x32xf32, #tpu.memory_space<vmem_shared>> -> memref<10240x32xf32, #tpu.memory_space<vmem_shared>>
    tpu.wait_indirect_dma semaphore(%arg31 : memref<!tpu.dma_semaphore, #tpu.memory_space<semaphore_mem>>) src(%arg15 : memref<128x32xf32, #tpu.memory_space<vmem>>) dst(%dma_wait3A_169 : memref<10240x32xf32, #tpu.memory_space<vmem_shared>>)
    %barrier3A_170 = arith.constant 0 : index
    tpu.barrier barrier_id(%barrier3A_170)
    %mul3A_171 = arith.constant 640 : i32
    %mul3A_172 = arith.muli %arg1, %mul3A_171 : i32
    %mul3A_173 = arith.constant 640 : i32
    %mul3A_174 = arith.muli %arg1, %mul3A_173 : i32
    "tpu.region"() ({
      %run_scoped3A = tpu.sem_alloc : memref<!tpu.dma_semaphore, #tpu.memory_space<semaphore_mem>>
      %dma_start3A_175 = arith.constant 0 : i32
      %dma_start3A_176 = tpu.memref_slice %arg5[%arg0, %mul3A_174, %dma_start3A_175] : memref<2x10240x32xf32, #tpu.memory_space<hbm>> -> memref<1x640x32xf32, #tpu.memory_space<hbm>>
      %dma_start3A_177 = tpu.memref_squeeze %dma_start3A_176 : memref<1x640x32xf32, #tpu.memory_space<hbm>> -> memref<640x32xf32, #tpu.memory_space<hbm>>
      %dma_start3A_178 = arith.constant 0 : i32
      %dma_start3A_179 = tpu.memref_slice %arg6[%mul3A_172, %dma_start3A_178] : memref<10240x32xf32, #tpu.memory_space<vmem_shared>> -> memref<640x32xf32, #tpu.memory_space<vmem_shared>>
      tpu.enqueue_dma source(%dma_start3A_179 : memref<640x32xf32, #tpu.memory_space<vmem_shared>>) target(%dma_start3A_177 : memref<640x32xf32, #tpu.memory_space<hbm>>) target_semaphore(%run_scoped3A : memref<!tpu.dma_semaphore, #tpu.memory_space<semaphore_mem>>)
      %dma_wait3A_180 = arith.constant 0 : i32
      %dma_wait3A_181 = tpu.memref_slice %arg5[%arg0, %mul3A_174, %dma_wait3A_180] : memref<2x10240x32xf32, #tpu.memory_space<hbm>> -> memref<1x640x32xf32, #tpu.memory_space<hbm>>
      %dma_wait3A_182 = tpu.memref_squeeze %dma_wait3A_181 : memref<1x640x32xf32, #tpu.memory_space<hbm>> -> memref<640x32xf32, #tpu.memory_space<hbm>>
      %dma_wait3A_183 = arith.constant 0 : i32
      %dma_wait3A_184 = tpu.memref_slice %arg6[%mul3A_172, %dma_wait3A_183] : memref<10240x32xf32, #tpu.memory_space<vmem_shared>> -> memref<640x32xf32, #tpu.memory_space<vmem_shared>>
      tpu.wait_dma2 semaphore(%run_scoped3A : memref<!tpu.dma_semaphore, #tpu.memory_space<semaphore_mem>>) src(%dma_wait3A_184 : memref<640x32xf32, #tpu.memory_space<vmem_shared>>) dst(%dma_wait3A_182 : memref<640x32xf32, #tpu.memory_space<hbm>>)
      tpu.yield
    }) : () -> ()
    return
  }
}

module attributes {stable_mosaic.version = 14 : i64} {
  func.func @body(%arg0: i32, %arg1: memref<1000x128xf32, #tpu.memory_space<vmem>>, %arg2: memref<128x128xf32, #tpu.memory_space<vmem>>, %arg3: memref<2x1000x64xf32, #tpu.memory_space<vmem>>) attributes {dimension_semantics = [#tpu.dimension_semantics<arbitrary>], iteration_bounds = array<i64: 10>, scalar_prefetch = 0 : i64, scratch_operands = 0 : i64, tpu.core_type = #tpu.core_type<tc>, window_params = [{transform_indices = @transform_0, window_bounds = array<i64: 1000, 128>}, {pipeline_mode = #tpu.pipeline_mode<synchronous>, transform_indices = @transform_1, window_bounds = array<i64: 128, 128>}, {transform_indices = @transform_2, window_bounds = array<i64: 2, 1000, 64>}]} {
    %get3A = arith.constant 0 : index
    %get3A_0 = arith.constant 0 : index
    %get3A_1 = vector.load %arg1[%get3A, %get3A_0] : memref<1000x128xf32, #tpu.memory_space<vmem>>, vector<1000x128xf32>
    %get3A_2 = arith.constant 0 : index
    %get3A_3 = arith.constant 0 : index
    %get3A_4 = vector.load %arg2[%get3A_2, %get3A_3] : memref<128x128xf32, #tpu.memory_space<vmem>>, vector<128x128xf32>
    %dot_general3A = arith.constant dense<0.000000e+00> : vector<1000x128xf32>
    %dot_general3A_5 = tpu.matmul %get3A_1, %get3A_4, %dot_general3A {dimension_numbers = #tpu.dot_dimension_numbers<[1], [0], [0], [1], [0, 0, 1, 1], [], []>, transpose_lhs_hint = false} : vector<1000x128xf32>, vector<128x128xf32>, vector<1000x128xf32> -> vector<1000x128xf32>
    %slice3A = vector.extract_strided_slice %dot_general3A_5 {offsets = [0, 0], sizes = [1000, 64], strides = [1, 1]} : vector<1000x128xf32> to vector<1000x64xf32>
    %swap3A = arith.constant 0 : index
    %swap3A_6 = arith.constant 0 : index
    %swap3A_7 = arith.constant 0 : index
    %swap3A_8 = vector.load %arg3[%swap3A, %swap3A_6, %swap3A_7] : memref<2x1000x64xf32, #tpu.memory_space<vmem>>, vector<1x1000x64xf32>
    %swap3A_9 = vector.shape_cast %swap3A_8 : vector<1x1000x64xf32> to vector<1000x64xf32>
    %swap3A_10 = vector.shape_cast %slice3A : vector<1000x64xf32> to vector<1x1000x64xf32>
    tpu.vector_store %arg3[%swap3A, %swap3A_6, %swap3A_7], %swap3A_10 {strides = array<i32>} : memref<2x1000x64xf32, #tpu.memory_space<vmem>>, vector<1x1000x64xf32>,
    %slice3A_11 = vector.extract_strided_slice %dot_general3A_5 {offsets = [0, 64], sizes = [1000, 64], strides = [1, 1]} : vector<1000x128xf32> to vector<1000x64xf32>
    %swap3A_12 = arith.constant 1 : index
    %swap3A_13 = arith.constant 0 : index
    %swap3A_14 = arith.constant 0 : index
    %swap3A_15 = vector.load %arg3[%swap3A_12, %swap3A_13, %swap3A_14] : memref<2x1000x64xf32, #tpu.memory_space<vmem>>, vector<1x1000x64xf32>
    %swap3A_16 = vector.shape_cast %swap3A_15 : vector<1x1000x64xf32> to vector<1000x64xf32>
    %swap3A_17 = vector.shape_cast %slice3A_11 : vector<1000x64xf32> to vector<1x1000x64xf32>
    tpu.vector_store %arg3[%swap3A_12, %swap3A_13, %swap3A_14], %swap3A_17 {strides = array<i32>} : memref<2x1000x64xf32, #tpu.memory_space<vmem>>, vector<1x1000x64xf32>,
    return
  }
  func.func @transform_0(%arg0: i32) -> (i32, i32) {
    %c0_i32 = arith.constant 0 : i32
    %c0_i32_0 = arith.constant 0 : i32
    return %arg0, %c0_i32 : i32, i32
  }
  func.func @transform_1(%arg0: i32) -> (i32, i32) {
    %c0_i32 = arith.constant 0 : i32
    %c0_i32_0 = arith.constant 0 : i32
    %c0_i32_1 = arith.constant 0 : i32
    return %c0_i32, %c0_i32_0 : i32, i32
  }
  func.func @transform_2(%arg0: i32) -> (i32, i32, i32) {
    %c0_i32 = arith.constant 0 : i32
    %c0_i32_0 = arith.constant 0 : i32
    %c0_i32_1 = arith.constant 0 : i32
    return %c0_i32, %arg0, %c0_i32_0 : i32, i32, i32
  }
}

module attributes {stable_mosaic.version = 14 : i64} {
  func.func @body(%arg0: i32, %arg1: memref<2x1000x64xf32, #tpu.memory_space<vmem>>, %arg2: memref<2x1000x16xf32, #tpu.memory_space<vmem>>, %arg3: memref<1000x128xf32, #tpu.memory_space<vmem>>, %arg4: memref<128x128xf32, #tpu.memory_space<vmem>>, %arg5: memref<1x128xf32, #tpu.memory_space<vmem>>, %arg6: memref<128x64xf32, #tpu.memory_space<vmem>>, %arg7: memref<1000x128xf32, #tpu.memory_space<vmem>>, %arg8: memref<2x1000x32xf32, #tpu.memory_space<vmem>>) attributes {dimension_semantics = [#tpu.dimension_semantics<arbitrary>], iteration_bounds = array<i64: 10>, scalar_prefetch = 0 : i64, scratch_operands = 0 : i64, tpu.core_type = #tpu.core_type<tc>, window_params = [{transform_indices = @transform_0, window_bounds = array<i64: 2, 1000, 64>}, {transform_indices = @transform_1, window_bounds = array<i64: 2, 1000, 16>}, {transform_indices = @transform_2, window_bounds = array<i64: 1000, 128>}, {pipeline_mode = #tpu.pipeline_mode<synchronous>, transform_indices = @transform_3, window_bounds = array<i64: 128, 128>}, {pipeline_mode = #tpu.pipeline_mode<synchronous>, transform_indices = @transform_4, window_bounds = array<i64: 1, 128>}, {pipeline_mode = #tpu.pipeline_mode<synchronous>, transform_indices = @transform_5, window_bounds = array<i64: 128, 64>}, {transform_indices = @transform_6, window_bounds = array<i64: 1000, 128>}, {transform_indices = @transform_7, window_bounds = array<i64: 2, 1000, 32>}]} {
    %get3A = arith.constant 0 : index
    %get3A_0 = arith.constant 0 : index
    %get3A_1 = arith.constant 0 : index
    %get3A_2 = vector.load %arg2[%get3A, %get3A_0, %get3A_1] : memref<2x1000x16xf32, #tpu.memory_space<vmem>>, vector<1x1000x1xf32>
    %get3A_3 = vector.shape_cast %get3A_2 : vector<1x1000x1xf32> to vector<1000x1xf32>
    %get3A_4 = arith.constant 1 : index
    %get3A_5 = arith.constant 0 : index
    %get3A_6 = arith.constant 0 : index
    %get3A_7 = vector.load %arg2[%get3A_4, %get3A_5, %get3A_6] : memref<2x1000x16xf32, #tpu.memory_space<vmem>>, vector<1x1000x1xf32>
    %get3A_8 = vector.shape_cast %get3A_7 : vector<1x1000x1xf32> to vector<1000x1xf32>
    %add3A = arith.addf %get3A_3, %get3A_8 : vector<1000x1xf32>
    %max3A = arith.constant 1.000000e+00 : f32
    %max3A_9 = vector.broadcast %max3A : f32 to vector<1000x1xf32>
    %max3A_10 = arith.maximumf %add3A, %max3A_9 : vector<1000x1xf32>
    %div3A = arith.constant 1.000000e+00 : f32
    %div3A_11 = vector.broadcast %div3A : f32 to vector<1000x1xf32>
    %div3A_12 = arith.divf %div3A_11, %max3A_10 : vector<1000x1xf32>
    %get3A_13 = arith.constant 0 : index
    %get3A_14 = arith.constant 0 : index
    %get3A_15 = vector.load %arg3[%get3A_13, %get3A_14] : memref<1000x128xf32, #tpu.memory_space<vmem>>, vector<1000x128xf32>
    %get3A_16 = arith.constant 0 : index
    %get3A_17 = arith.constant 0 : index
    %get3A_18 = vector.load %arg4[%get3A_16, %get3A_17] : memref<128x128xf32, #tpu.memory_space<vmem>>, vector<128x128xf32>
    %dot_general3A = arith.constant dense<0.000000e+00> : vector<1000x128xf32>
    %dot_general3A_19 = tpu.matmul %get3A_15, %get3A_18, %dot_general3A {dimension_numbers = #tpu.dot_dimension_numbers<[1], [0], [0], [1], [0, 0, 1, 1], [], []>, transpose_lhs_hint = false} : vector<1000x128xf32>, vector<128x128xf32>, vector<1000x128xf32> -> vector<1000x128xf32>
    %get3A_20 = arith.constant 0 : index
    %get3A_21 = arith.constant 0 : index
    %get3A_22 = arith.constant 0 : index
    %get3A_23 = vector.load %arg1[%get3A_20, %get3A_21, %get3A_22] : memref<2x1000x64xf32, #tpu.memory_space<vmem>>, vector<1x1000x64xf32>
    %get3A_24 = vector.shape_cast %get3A_23 : vector<1x1000x64xf32> to vector<1000x64xf32>
    %get3A_25 = arith.constant 1 : index
    %get3A_26 = arith.constant 0 : index
    %get3A_27 = arith.constant 0 : index
    %get3A_28 = vector.load %arg1[%get3A_25, %get3A_26, %get3A_27] : memref<2x1000x64xf32, #tpu.memory_space<vmem>>, vector<1x1000x64xf32>
    %get3A_29 = vector.shape_cast %get3A_28 : vector<1x1000x64xf32> to vector<1000x64xf32>
    %concatenate3A = tpu.concatenate %get3A_24, %get3A_29 in 1 : vector<1000x64xf32>, vector<1000x64xf32> -> vector<1000x128xf32>
    %mul3A = vector.broadcast %div3A_12 : vector<1000x1xf32> to vector<1000x128xf32>
    %mul3A_30 = arith.mulf %concatenate3A, %mul3A : vector<1000x128xf32>
    %get3A_31 = arith.constant 0 : index
    %get3A_32 = arith.constant 0 : index
    %get3A_33 = vector.load %arg5[%get3A_31, %get3A_32] : memref<1x128xf32, #tpu.memory_space<vmem>>, vector<1x128xf32>
    %add3A_34 = vector.broadcast %get3A_33 : vector<1x128xf32> to vector<1000x128xf32>
    %add3A_35 = arith.addf %mul3A_30, %add3A_34 : vector<1000x128xf32>
    %add3A_36 = arith.addf %add3A_35, %dot_general3A_19 : vector<1000x128xf32>
    %max3A_37 = arith.constant 0.000000e+00 : f32
    %max3A_38 = vector.broadcast %max3A_37 : f32 to vector<1000x128xf32>
    %max3A_39 = arith.maximumf %add3A_36, %max3A_38 : vector<1000x128xf32>
    %swap3A = arith.constant 0 : index
    %swap3A_40 = arith.constant 0 : index
    %swap3A_41 = vector.load %arg7[%swap3A, %swap3A_40] : memref<1000x128xf32, #tpu.memory_space<vmem>>, vector<1000x128xf32>
    tpu.vector_store %arg7[%swap3A, %swap3A_40], %max3A_39 {strides = array<i32>} : memref<1000x128xf32, #tpu.memory_space<vmem>>, vector<1000x128xf32>,
    %get3A_42 = arith.constant 0 : index
    %get3A_43 = arith.constant 0 : index
    %get3A_44 = vector.load %arg6[%get3A_42, %get3A_43] : memref<128x64xf32, #tpu.memory_space<vmem>>, vector<128x64xf32>
    %dot_general3A_45 = arith.constant dense<0.000000e+00> : vector<1000x64xf32>
    %dot_general3A_46 = tpu.matmul %max3A_39, %get3A_44, %dot_general3A_45 {dimension_numbers = #tpu.dot_dimension_numbers<[1], [0], [0], [1], [0, 0, 1, 1], [], []>, transpose_lhs_hint = false} : vector<1000x128xf32>, vector<128x64xf32>, vector<1000x64xf32> -> vector<1000x64xf32>
    %slice3A = vector.extract_strided_slice %dot_general3A_46 {offsets = [0, 0], sizes = [1000, 32], strides = [1, 1]} : vector<1000x64xf32> to vector<1000x32xf32>
    %swap3A_47 = arith.constant 0 : index
    %swap3A_48 = arith.constant 0 : index
    %swap3A_49 = arith.constant 0 : index
    %swap3A_50 = vector.load %arg8[%swap3A_47, %swap3A_48, %swap3A_49] : memref<2x1000x32xf32, #tpu.memory_space<vmem>>, vector<1x1000x32xf32>
    %swap3A_51 = vector.shape_cast %swap3A_50 : vector<1x1000x32xf32> to vector<1000x32xf32>
    %swap3A_52 = vector.shape_cast %slice3A : vector<1000x32xf32> to vector<1x1000x32xf32>
    tpu.vector_store %arg8[%swap3A_47, %swap3A_48, %swap3A_49], %swap3A_52 {strides = array<i32>} : memref<2x1000x32xf32, #tpu.memory_space<vmem>>, vector<1x1000x32xf32>,
    %slice3A_53 = vector.extract_strided_slice %dot_general3A_46 {offsets = [0, 32], sizes = [1000, 32], strides = [1, 1]} : vector<1000x64xf32> to vector<1000x32xf32>
    %swap3A_54 = arith.constant 1 : index
    %swap3A_55 = arith.constant 0 : index
    %swap3A_56 = arith.constant 0 : index
    %swap3A_57 = vector.load %arg8[%swap3A_54, %swap3A_55, %swap3A_56] : memref<2x1000x32xf32, #tpu.memory_space<vmem>>, vector<1x1000x32xf32>
    %swap3A_58 = vector.shape_cast %swap3A_57 : vector<1x1000x32xf32> to vector<1000x32xf32>
    %swap3A_59 = vector.shape_cast %slice3A_53 : vector<1000x32xf32> to vector<1x1000x32xf32>
    tpu.vector_store %arg8[%swap3A_54, %swap3A_55, %swap3A_56], %swap3A_59 {strides = array<i32>} : memref<2x1000x32xf32, #tpu.memory_space<vmem>>, vector<1x1000x32xf32>,
    return
  }
  func.func @transform_0(%arg0: i32) -> (i32, i32, i32) {
    %c0_i32 = arith.constant 0 : i32
    %c0_i32_0 = arith.constant 0 : i32
    %c0_i32_1 = arith.constant 0 : i32
    return %c0_i32, %arg0, %c0_i32_0 : i32, i32, i32
  }
  func.func @transform_1(%arg0: i32) -> (i32, i32, i32) {
    %c0_i32 = arith.constant 0 : i32
    %c0_i32_0 = arith.constant 0 : i32
    %c0_i32_1 = arith.constant 0 : i32
    return %c0_i32, %arg0, %c0_i32_0 : i32, i32, i32
  }
  func.func @transform_2(%arg0: i32) -> (i32, i32) {
    %c0_i32 = arith.constant 0 : i32
    %c0_i32_0 = arith.constant 0 : i32
    return %arg0, %c0_i32 : i32, i32
  }
  func.func @transform_3(%arg0: i32) -> (i32, i32) {
    %c0_i32 = arith.constant 0 : i32
    %c0_i32_0 = arith.constant 0 : i32
    %c0_i32_1 = arith.constant 0 : i32
    return %c0_i32, %c0_i32_0 : i32, i32
  }
  func.func @transform_4(%arg0: i32) -> (i32, i32) {
    %c0_i32 = arith.constant 0 : i32
    %c0_i32_0 = arith.constant 0 : i32
    %c0_i32_1 = arith.constant 0 : i32
    return %c0_i32, %c0_i32_0 : i32, i32
  }
  func.func @transform_5(%arg0: i32) -> (i32, i32) {
    %c0_i32 = arith.constant 0 : i32
    %c0_i32_0 = arith.constant 0 : i32
    %c0_i32_1 = arith.constant 0 : i32
    return %c0_i32, %c0_i32_0 : i32, i32
  }
  func.func @transform_6(%arg0: i32) -> (i32, i32) {
    %c0_i32 = arith.constant 0 : i32
    %c0_i32_0 = arith.constant 0 : i32
    return %arg0, %c0_i32 : i32, i32
  }
  func.func @transform_7(%arg0: i32) -> (i32, i32, i32) {
    %c0_i32 = arith.constant 0 : i32
    %c0_i32_0 = arith.constant 0 : i32
    %c0_i32_1 = arith.constant 0 : i32
    return %c0_i32, %arg0, %c0_i32_0 : i32, i32, i32
  }
}

module attributes {stable_mosaic.version = 14 : i64} {
  func.func @body(%arg0: i32, %arg1: memref<2x1000x32xf32, #tpu.memory_space<vmem>>, %arg2: memref<2x1000x16xf32, #tpu.memory_space<vmem>>, %arg3: memref<1000x128xf32, #tpu.memory_space<vmem>>, %arg4: memref<128x64xf32, #tpu.memory_space<vmem>>, %arg5: memref<1x64xf32, #tpu.memory_space<vmem>>, %arg6: memref<64x32xf32, #tpu.memory_space<vmem>>, %arg7: memref<1000x64xf32, #tpu.memory_space<vmem>>, %arg8: memref<2x1000x16xf32, #tpu.memory_space<vmem>>) attributes {dimension_semantics = [#tpu.dimension_semantics<arbitrary>], iteration_bounds = array<i64: 10>, scalar_prefetch = 0 : i64, scratch_operands = 0 : i64, tpu.core_type = #tpu.core_type<tc>, window_params = [{transform_indices = @transform_0, window_bounds = array<i64: 2, 1000, 32>}, {transform_indices = @transform_1, window_bounds = array<i64: 2, 1000, 16>}, {transform_indices = @transform_2, window_bounds = array<i64: 1000, 128>}, {pipeline_mode = #tpu.pipeline_mode<synchronous>, transform_indices = @transform_3, window_bounds = array<i64: 128, 64>}, {pipeline_mode = #tpu.pipeline_mode<synchronous>, transform_indices = @transform_4, window_bounds = array<i64: 1, 64>}, {pipeline_mode = #tpu.pipeline_mode<synchronous>, transform_indices = @transform_5, window_bounds = array<i64: 64, 32>}, {transform_indices = @transform_6, window_bounds = array<i64: 1000, 64>}, {transform_indices = @transform_7, window_bounds = array<i64: 2, 1000, 16>}]} {
    %get3A = arith.constant 0 : index
    %get3A_0 = arith.constant 0 : index
    %get3A_1 = arith.constant 0 : index
    %get3A_2 = vector.load %arg2[%get3A, %get3A_0, %get3A_1] : memref<2x1000x16xf32, #tpu.memory_space<vmem>>, vector<1x1000x1xf32>
    %get3A_3 = vector.shape_cast %get3A_2 : vector<1x1000x1xf32> to vector<1000x1xf32>
    %get3A_4 = arith.constant 1 : index
    %get3A_5 = arith.constant 0 : index
    %get3A_6 = arith.constant 0 : index
    %get3A_7 = vector.load %arg2[%get3A_4, %get3A_5, %get3A_6] : memref<2x1000x16xf32, #tpu.memory_space<vmem>>, vector<1x1000x1xf32>
    %get3A_8 = vector.shape_cast %get3A_7 : vector<1x1000x1xf32> to vector<1000x1xf32>
    %add3A = arith.addf %get3A_3, %get3A_8 : vector<1000x1xf32>
    %max3A = arith.constant 1.000000e+00 : f32
    %max3A_9 = vector.broadcast %max3A : f32 to vector<1000x1xf32>
    %max3A_10 = arith.maximumf %add3A, %max3A_9 : vector<1000x1xf32>
    %div3A = arith.constant 1.000000e+00 : f32
    %div3A_11 = vector.broadcast %div3A : f32 to vector<1000x1xf32>
    %div3A_12 = arith.divf %div3A_11, %max3A_10 : vector<1000x1xf32>
    %get3A_13 = arith.constant 0 : index
    %get3A_14 = arith.constant 0 : index
    %get3A_15 = vector.load %arg3[%get3A_13, %get3A_14] : memref<1000x128xf32, #tpu.memory_space<vmem>>, vector<1000x128xf32>
    %get3A_16 = arith.constant 0 : index
    %get3A_17 = arith.constant 0 : index
    %get3A_18 = vector.load %arg4[%get3A_16, %get3A_17] : memref<128x64xf32, #tpu.memory_space<vmem>>, vector<128x64xf32>
    %dot_general3A = arith.constant dense<0.000000e+00> : vector<1000x64xf32>
    %dot_general3A_19 = tpu.matmul %get3A_15, %get3A_18, %dot_general3A {dimension_numbers = #tpu.dot_dimension_numbers<[1], [0], [0], [1], [0, 0, 1, 1], [], []>, transpose_lhs_hint = false} : vector<1000x128xf32>, vector<128x64xf32>, vector<1000x64xf32> -> vector<1000x64xf32>
    %get3A_20 = arith.constant 0 : index
    %get3A_21 = arith.constant 0 : index
    %get3A_22 = arith.constant 0 : index
    %get3A_23 = vector.load %arg1[%get3A_20, %get3A_21, %get3A_22] : memref<2x1000x32xf32, #tpu.memory_space<vmem>>, vector<1x1000x32xf32>
    %get3A_24 = vector.shape_cast %get3A_23 : vector<1x1000x32xf32> to vector<1000x32xf32>
    %get3A_25 = arith.constant 1 : index
    %get3A_26 = arith.constant 0 : index
    %get3A_27 = arith.constant 0 : index
    %get3A_28 = vector.load %arg1[%get3A_25, %get3A_26, %get3A_27] : memref<2x1000x32xf32, #tpu.memory_space<vmem>>, vector<1x1000x32xf32>
    %get3A_29 = vector.shape_cast %get3A_28 : vector<1x1000x32xf32> to vector<1000x32xf32>
    %concatenate3A = tpu.concatenate %get3A_24, %get3A_29 in 1 : vector<1000x32xf32>, vector<1000x32xf32> -> vector<1000x64xf32>
    %mul3A = vector.broadcast %div3A_12 : vector<1000x1xf32> to vector<1000x64xf32>
    %mul3A_30 = arith.mulf %concatenate3A, %mul3A : vector<1000x64xf32>
    %get3A_31 = arith.constant 0 : index
    %get3A_32 = arith.constant 0 : index
    %get3A_33 = vector.load %arg5[%get3A_31, %get3A_32] : memref<1x64xf32, #tpu.memory_space<vmem>>, vector<1x64xf32>
    %add3A_34 = vector.broadcast %get3A_33 : vector<1x64xf32> to vector<1000x64xf32>
    %add3A_35 = arith.addf %mul3A_30, %add3A_34 : vector<1000x64xf32>
    %add3A_36 = arith.addf %add3A_35, %dot_general3A_19 : vector<1000x64xf32>
    %max3A_37 = arith.constant 0.000000e+00 : f32
    %max3A_38 = vector.broadcast %max3A_37 : f32 to vector<1000x64xf32>
    %max3A_39 = arith.maximumf %add3A_36, %max3A_38 : vector<1000x64xf32>
    %swap3A = arith.constant 0 : index
    %swap3A_40 = arith.constant 0 : index
    %swap3A_41 = vector.load %arg7[%swap3A, %swap3A_40] : memref<1000x64xf32, #tpu.memory_space<vmem>>, vector<1000x64xf32>
    tpu.vector_store %arg7[%swap3A, %swap3A_40], %max3A_39 {strides = array<i32>} : memref<1000x64xf32, #tpu.memory_space<vmem>>, vector<1000x64xf32>,
    %get3A_42 = arith.constant 0 : index
    %get3A_43 = arith.constant 0 : index
    %get3A_44 = vector.load %arg6[%get3A_42, %get3A_43] : memref<64x32xf32, #tpu.memory_space<vmem>>, vector<64x32xf32>
    %dot_general3A_45 = arith.constant dense<0.000000e+00> : vector<1000x32xf32>
    %dot_general3A_46 = tpu.matmul %max3A_39, %get3A_44, %dot_general3A_45 {dimension_numbers = #tpu.dot_dimension_numbers<[1], [0], [0], [1], [0, 0, 1, 1], [], []>, transpose_lhs_hint = false} : vector<1000x64xf32>, vector<64x32xf32>, vector<1000x32xf32> -> vector<1000x32xf32>
    %slice3A = vector.extract_strided_slice %dot_general3A_46 {offsets = [0, 0], sizes = [1000, 16], strides = [1, 1]} : vector<1000x32xf32> to vector<1000x16xf32>
    %swap3A_47 = arith.constant 0 : index
    %swap3A_48 = arith.constant 0 : index
    %swap3A_49 = arith.constant 0 : index
    %swap3A_50 = vector.load %arg8[%swap3A_47, %swap3A_48, %swap3A_49] : memref<2x1000x16xf32, #tpu.memory_space<vmem>>, vector<1x1000x16xf32>
    %swap3A_51 = vector.shape_cast %swap3A_50 : vector<1x1000x16xf32> to vector<1000x16xf32>
    %swap3A_52 = vector.shape_cast %slice3A : vector<1000x16xf32> to vector<1x1000x16xf32>
    tpu.vector_store %arg8[%swap3A_47, %swap3A_48, %swap3A_49], %swap3A_52 {strides = array<i32>} : memref<2x1000x16xf32, #tpu.memory_space<vmem>>, vector<1x1000x16xf32>,
    %slice3A_53 = vector.extract_strided_slice %dot_general3A_46 {offsets = [0, 16], sizes = [1000, 16], strides = [1, 1]} : vector<1000x32xf32> to vector<1000x16xf32>
    %swap3A_54 = arith.constant 1 : index
    %swap3A_55 = arith.constant 0 : index
    %swap3A_56 = arith.constant 0 : index
    %swap3A_57 = vector.load %arg8[%swap3A_54, %swap3A_55, %swap3A_56] : memref<2x1000x16xf32, #tpu.memory_space<vmem>>, vector<1x1000x16xf32>
    %swap3A_58 = vector.shape_cast %swap3A_57 : vector<1x1000x16xf32> to vector<1000x16xf32>
    %swap3A_59 = vector.shape_cast %slice3A_53 : vector<1000x16xf32> to vector<1x1000x16xf32>
    tpu.vector_store %arg8[%swap3A_54, %swap3A_55, %swap3A_56], %swap3A_59 {strides = array<i32>} : memref<2x1000x16xf32, #tpu.memory_space<vmem>>, vector<1x1000x16xf32>,
    return
  }
  func.func @transform_0(%arg0: i32) -> (i32, i32, i32) {
    %c0_i32 = arith.constant 0 : i32
    %c0_i32_0 = arith.constant 0 : i32
    %c0_i32_1 = arith.constant 0 : i32
    return %c0_i32, %arg0, %c0_i32_0 : i32, i32, i32
  }
  func.func @transform_1(%arg0: i32) -> (i32, i32, i32) {
    %c0_i32 = arith.constant 0 : i32
    %c0_i32_0 = arith.constant 0 : i32
    %c0_i32_1 = arith.constant 0 : i32
    return %c0_i32, %arg0, %c0_i32_0 : i32, i32, i32
  }
  func.func @transform_2(%arg0: i32) -> (i32, i32) {
    %c0_i32 = arith.constant 0 : i32
    %c0_i32_0 = arith.constant 0 : i32
    return %arg0, %c0_i32 : i32, i32
  }
  func.func @transform_3(%arg0: i32) -> (i32, i32) {
    %c0_i32 = arith.constant 0 : i32
    %c0_i32_0 = arith.constant 0 : i32
    %c0_i32_1 = arith.constant 0 : i32
    return %c0_i32, %c0_i32_0 : i32, i32
  }
  func.func @transform_4(%arg0: i32) -> (i32, i32) {
    %c0_i32 = arith.constant 0 : i32
    %c0_i32_0 = arith.constant 0 : i32
    %c0_i32_1 = arith.constant 0 : i32
    return %c0_i32, %c0_i32_0 : i32, i32
  }
  func.func @transform_5(%arg0: i32) -> (i32, i32) {
    %c0_i32 = arith.constant 0 : i32
    %c0_i32_0 = arith.constant 0 : i32
    %c0_i32_1 = arith.constant 0 : i32
    return %c0_i32, %c0_i32_0 : i32, i32
  }
  func.func @transform_6(%arg0: i32) -> (i32, i32) {
    %c0_i32 = arith.constant 0 : i32
    %c0_i32_0 = arith.constant 0 : i32
    return %arg0, %c0_i32 : i32, i32
  }
  func.func @transform_7(%arg0: i32) -> (i32, i32, i32) {
    %c0_i32 = arith.constant 0 : i32
    %c0_i32_0 = arith.constant 0 : i32
    %c0_i32_1 = arith.constant 0 : i32
    return %c0_i32, %arg0, %c0_i32_0 : i32, i32, i32
  }
}

module attributes {stable_mosaic.version = 14 : i64} {
  func.func @body(%arg0: i32, %arg1: memref<2x1000x16xf32, #tpu.memory_space<vmem>>, %arg2: memref<2x1000x16xf32, #tpu.memory_space<vmem>>, %arg3: memref<1000x64xf32, #tpu.memory_space<vmem>>, %arg4: memref<64x32xf32, #tpu.memory_space<vmem>>, %arg5: memref<1x32xf32, #tpu.memory_space<vmem>>, %arg6: memref<32x2xf32, #tpu.memory_space<vmem>>, %arg7: memref<1x2xf32, #tpu.memory_space<vmem>>, %arg8: memref<1000x2xf32, #tpu.memory_space<vmem>>) attributes {dimension_semantics = [#tpu.dimension_semantics<arbitrary>], iteration_bounds = array<i64: 10>, scalar_prefetch = 0 : i64, scratch_operands = 0 : i64, tpu.core_type = #tpu.core_type<tc>, window_params = [{transform_indices = @transform_0, window_bounds = array<i64: 2, 1000, 16>}, {transform_indices = @transform_1, window_bounds = array<i64: 2, 1000, 16>}, {transform_indices = @transform_2, window_bounds = array<i64: 1000, 64>}, {pipeline_mode = #tpu.pipeline_mode<synchronous>, transform_indices = @transform_3, window_bounds = array<i64: 64, 32>}, {pipeline_mode = #tpu.pipeline_mode<synchronous>, transform_indices = @transform_4, window_bounds = array<i64: 1, 32>}, {pipeline_mode = #tpu.pipeline_mode<synchronous>, transform_indices = @transform_5, window_bounds = array<i64: 32, 2>}, {pipeline_mode = #tpu.pipeline_mode<synchronous>, transform_indices = @transform_6, window_bounds = array<i64: 1, 2>}, {transform_indices = @transform_7, window_bounds = array<i64: 1000, 2>}]} {
    %get3A = arith.constant 0 : index
    %get3A_0 = arith.constant 0 : index
    %get3A_1 = arith.constant 0 : index
    %get3A_2 = vector.load %arg2[%get3A, %get3A_0, %get3A_1] : memref<2x1000x16xf32, #tpu.memory_space<vmem>>, vector<1x1000x1xf32>
    %get3A_3 = vector.shape_cast %get3A_2 : vector<1x1000x1xf32> to vector<1000x1xf32>
    %get3A_4 = arith.constant 1 : index
    %get3A_5 = arith.constant 0 : index
    %get3A_6 = arith.constant 0 : index
    %get3A_7 = vector.load %arg2[%get3A_4, %get3A_5, %get3A_6] : memref<2x1000x16xf32, #tpu.memory_space<vmem>>, vector<1x1000x1xf32>
    %get3A_8 = vector.shape_cast %get3A_7 : vector<1x1000x1xf32> to vector<1000x1xf32>
    %add3A = arith.addf %get3A_3, %get3A_8 : vector<1000x1xf32>
    %max3A = arith.constant 1.000000e+00 : f32
    %max3A_9 = vector.broadcast %max3A : f32 to vector<1000x1xf32>
    %max3A_10 = arith.maximumf %add3A, %max3A_9 : vector<1000x1xf32>
    %div3A = arith.constant 1.000000e+00 : f32
    %div3A_11 = vector.broadcast %div3A : f32 to vector<1000x1xf32>
    %div3A_12 = arith.divf %div3A_11, %max3A_10 : vector<1000x1xf32>
    %get3A_13 = arith.constant 0 : index
    %get3A_14 = arith.constant 0 : index
    %get3A_15 = vector.load %arg3[%get3A_13, %get3A_14] : memref<1000x64xf32, #tpu.memory_space<vmem>>, vector<1000x64xf32>
    %get3A_16 = arith.constant 0 : index
    %get3A_17 = arith.constant 0 : index
    %get3A_18 = vector.load %arg4[%get3A_16, %get3A_17] : memref<64x32xf32, #tpu.memory_space<vmem>>, vector<64x32xf32>
    %dot_general3A = arith.constant dense<0.000000e+00> : vector<1000x32xf32>
    %dot_general3A_19 = tpu.matmul %get3A_15, %get3A_18, %dot_general3A {dimension_numbers = #tpu.dot_dimension_numbers<[1], [0], [0], [1], [0, 0, 1, 1], [], []>, transpose_lhs_hint = false} : vector<1000x64xf32>, vector<64x32xf32>, vector<1000x32xf32> -> vector<1000x32xf32>
    %get3A_20 = arith.constant 0 : index
    %get3A_21 = arith.constant 0 : index
    %get3A_22 = arith.constant 0 : index
    %get3A_23 = vector.load %arg1[%get3A_20, %get3A_21, %get3A_22] : memref<2x1000x16xf32, #tpu.memory_space<vmem>>, vector<1x1000x16xf32>
    %get3A_24 = vector.shape_cast %get3A_23 : vector<1x1000x16xf32> to vector<1000x16xf32>
    %get3A_25 = arith.constant 1 : index
    %get3A_26 = arith.constant 0 : index
    %get3A_27 = arith.constant 0 : index
    %get3A_28 = vector.load %arg1[%get3A_25, %get3A_26, %get3A_27] : memref<2x1000x16xf32, #tpu.memory_space<vmem>>, vector<1x1000x16xf32>
    %get3A_29 = vector.shape_cast %get3A_28 : vector<1x1000x16xf32> to vector<1000x16xf32>
    %concatenate3A = tpu.concatenate %get3A_24, %get3A_29 in 1 : vector<1000x16xf32>, vector<1000x16xf32> -> vector<1000x32xf32>
    %mul3A = vector.broadcast %div3A_12 : vector<1000x1xf32> to vector<1000x32xf32>
    %mul3A_30 = arith.mulf %concatenate3A, %mul3A : vector<1000x32xf32>
    %get3A_31 = arith.constant 0 : index
    %get3A_32 = arith.constant 0 : index
    %get3A_33 = vector.load %arg5[%get3A_31, %get3A_32] : memref<1x32xf32, #tpu.memory_space<vmem>>, vector<1x32xf32>
    %add3A_34 = vector.broadcast %get3A_33 : vector<1x32xf32> to vector<1000x32xf32>
    %add3A_35 = arith.addf %mul3A_30, %add3A_34 : vector<1000x32xf32>
    %add3A_36 = arith.addf %add3A_35, %dot_general3A_19 : vector<1000x32xf32>
    %max3A_37 = arith.constant 0.000000e+00 : f32
    %max3A_38 = vector.broadcast %max3A_37 : f32 to vector<1000x32xf32>
    %max3A_39 = arith.maximumf %add3A_36, %max3A_38 : vector<1000x32xf32>
    %get3A_40 = arith.constant 0 : index
    %get3A_41 = arith.constant 0 : index
    %get3A_42 = vector.load %arg6[%get3A_40, %get3A_41] : memref<32x2xf32, #tpu.memory_space<vmem>>, vector<32x2xf32>
    %dot_general3A_43 = arith.constant dense<0.000000e+00> : vector<1000x2xf32>
    %dot_general3A_44 = tpu.matmul %max3A_39, %get3A_42, %dot_general3A_43 {dimension_numbers = #tpu.dot_dimension_numbers<[1], [0], [0], [1], [0, 0, 1, 1], [], []>, transpose_lhs_hint = false} : vector<1000x32xf32>, vector<32x2xf32>, vector<1000x2xf32> -> vector<1000x2xf32>
    %get3A_45 = arith.constant 0 : index
    %get3A_46 = arith.constant 0 : index
    %get3A_47 = vector.load %arg7[%get3A_45, %get3A_46] : memref<1x2xf32, #tpu.memory_space<vmem>>, vector<1x2xf32>
    %add3A_48 = vector.broadcast %get3A_47 : vector<1x2xf32> to vector<1000x2xf32>
    %add3A_49 = arith.addf %dot_general3A_44, %add3A_48 : vector<1000x2xf32>
    %swap3A = arith.constant 0 : index
    %swap3A_50 = arith.constant 0 : index
    %swap3A_51 = vector.load %arg8[%swap3A, %swap3A_50] : memref<1000x2xf32, #tpu.memory_space<vmem>>, vector<1000x2xf32>
    tpu.vector_store %arg8[%swap3A, %swap3A_50], %add3A_49 {strides = array<i32>} : memref<1000x2xf32, #tpu.memory_space<vmem>>, vector<1000x2xf32>,
    return
  }
  func.func @transform_0(%arg0: i32) -> (i32, i32, i32) {
    %c0_i32 = arith.constant 0 : i32
    %c0_i32_0 = arith.constant 0 : i32
    %c0_i32_1 = arith.constant 0 : i32
    return %c0_i32, %arg0, %c0_i32_0 : i32, i32, i32
  }
  func.func @transform_1(%arg0: i32) -> (i32, i32, i32) {
    %c0_i32 = arith.constant 0 : i32
    %c0_i32_0 = arith.constant 0 : i32
    %c0_i32_1 = arith.constant 0 : i32
    return %c0_i32, %arg0, %c0_i32_0 : i32, i32, i32
  }
  func.func @transform_2(%arg0: i32) -> (i32, i32) {
    %c0_i32 = arith.constant 0 : i32
    %c0_i32_0 = arith.constant 0 : i32
    return %arg0, %c0_i32 : i32, i32
  }
  func.func @transform_3(%arg0: i32) -> (i32, i32) {
    %c0_i32 = arith.constant 0 : i32
    %c0_i32_0 = arith.constant 0 : i32
    %c0_i32_1 = arith.constant 0 : i32
    return %c0_i32, %c0_i32_0 : i32, i32
  }
  func.func @transform_4(%arg0: i32) -> (i32, i32) {
    %c0_i32 = arith.constant 0 : i32
    %c0_i32_0 = arith.constant 0 : i32
    %c0_i32_1 = arith.constant 0 : i32
    return %c0_i32, %c0_i32_0 : i32, i32
  }
  func.func @transform_5(%arg0: i32) -> (i32, i32) {
    %c0_i32 = arith.constant 0 : i32
    %c0_i32_0 = arith.constant 0 : i32
    %c0_i32_1 = arith.constant 0 : i32
    return %c0_i32, %c0_i32_0 : i32, i32
  }
  func.func @transform_6(%arg0: i32) -> (i32, i32) {
    %c0_i32 = arith.constant 0 : i32
    %c0_i32_0 = arith.constant 0 : i32
    %c0_i32_1 = arith.constant 0 : i32
    return %c0_i32, %c0_i32_0 : i32, i32
  }
  func.func @transform_7(%arg0: i32) -> (i32, i32) {
    %c0_i32 = arith.constant 0 : i32
    %c0_i32_0 = arith.constant 0 : i32
    return %arg0, %c0_i32 : i32, i32
  }
}

</mosaic_0001>

<sc_bundles>
// kernel: kernel.12.cloned.1.call-start
scs
__scs_entry_jumppad:
0x0: {  	(pc) =	sbr.rel $0x88, $3  }
0x1: {  	(tag) =	ssettag $0x0;
	lr =	simm.s32 $0x1  }
0x2: {  	[smem:$0x3F94] =	sst lr;
	_ =	strace $0xD0000000  }
0x3: {  	_ = 	snop  }
0x4: {  	_ = 	snop  }
0x5: {  	_ = 	snop  }
0x6: {  	_ = 	snop  }
0x7: {  	_ = 	snop  }
__scs_overlays_trampoline_lowered:
0x8: {  	[smem:$0x3FA3] =	sst s0  }
0x9: {  	[smem:$0x3FA4] =	sst s1  }
0xa: {  	[smem:$0x3FA5] =	sst s2  }
0xb: {  	[smem:$0x3FA6] =	sst s3  }
0xc: {  	[smem:$0x3FA7] =	sst s4  }
0xd: {  	[smem:$0x3FA8] =	sst s5  }
0xe: {  	[smem:$0x3FA9] =	sst s6  }
0xf: {  	[smem:$0x3FAA] =	sst s7  }
0x10: {  	[smem:$0x3FAB] =	sst s8  }
0x11: {  	[smem:$0x3FAC] =	sst s9;
	s0 =	simm.s32 @!p0 $0x0  }
0x12: {  	s1 =	sld [smem:$0x3F92];
	s0 =	simm.s32 @p0 $0x1  }
0x13: {  	[smem:$0x3FAD] =	sst s0;
	s0 =	simm.s32 @!p1 $0x0  }
0x14: {  	s2 =	sld [smem:$0x3F91];
	s0 =	simm.s32 @p1 $0x1  }
0x15: {  	[smem:$0x3FAE] =	sst s0;
	s0 =	simm.s32 @!p2 $0x0  }
0x16: {  	s3 =	sld [smem:$0x3FDB];
	s0 =	simm.s32 @p2 $0x1  }
0x17: {  	s4 =	simm.s32 $0x1BF5;
	[smem:$0x3FB0] =	sst s0  }
0x18: {  	s0 =	sld [smem:$0x3F93];
	_ =	swait.ge [sflag:s4], $0x0  }
0x19: {  	s7 =	sld [smem:$0x3F94]  }
0x1a: {  	s8 =	sadd.s32 $0xFFFFE003, lr  }
0x1b: {  	s9 =	sadd.s32 $0xFFFFFEF7, lr;
	s5 =	simm.s32 $0xFFFFFFFF;
	p2 =	slt.u32 s8, $0xFFFFF086  }
0x1c: {  	p1 =	slt.u32 s9, $0xF7A;
	s5 =	simm.s32 @!p2 $0x0  }
0x1d: {  	s5 =	simm.s32 @p1 $0x1;
	p0 =	seq.s32 s7, s2  }
0x1e: {  	s7 =	smul.u32 @!p0 $0xF7A, s2;
	p2 =	seq.s32 @!p0 s5, $0x0  }
0x1f: {  	s9 =	smul.u32 $0xF7A, s1;
	s8 =	simm.s32 @!p0 $0x1BF5;
	p2 =	por !p2, p0  }
0x20: {  	[sflag:s8] =	ssyncset.s32 @!p0 $0xFFFFF086;
	s6 =	sadd.s32 @!p0 s3, s7;
	s7 =	simm.s32 @!p0 $0x108  }
0x21: {  	s3 =	sadd.s32 s3, s9;
	s6 =	sadd.s32 @!p0 $0x88, s6;
	s7 =	simm.s32 @p2 $0x1082  }
0x22: {  	[simem:s7], [sflag:s8] =	dma.local @!p0 [hbm:s6], $0xF7A  }
0x23: {  	s9 =	sor.u32 $0xD0000000, s2;
	s6 =	simm.s32 $0x108;
	_ =	swait.ge @!p0 [sflag:s8], $0x0  }
0x24: {  	s3 =	sadd.s32 $0x88, s3;
	s6 =	simm.s32 @!p1 $0x1082;
	[sflag:s4] =	ssyncset.s32 $0xFFFFF086  }
0x25: {  	[simem:s6], [sflag:s4] =	dma.local [hbm:s3], $0xF7A  }
0x26: {  	[smem:$0x3F94] =	sst s1;
	(tag) =	ssettag s2;
	_ =	strace s9  }
0x27: {  	s1 =	sld [smem:$0x3FA4]  }
0x28: {  	s2 =	sld [smem:$0x3FA5]  }
0x29: {  	s4 =	sld [smem:$0x3FA7]  }
0x2a: {  	p0 =	seq.s32 s5, $0x0;
	s5 =	sld [smem:$0x3FA8]  }
0x2b: {  	s6 =	sld [smem:$0x3FA9]  }
0x2c: {  	s7 =	sld [smem:$0x3FAA]  }
0x2d: {  	s3 =	simm.s32 $0x108;
	s8 =	sld [smem:$0x3FAB]  }
0x2e: {  	s3 =	simm.s32 @!p0 $0x1082;
	s9 =	sld [smem:$0x3FAC]  }
0x2f: {  	lr =	sadd.s32 s0, s3;
	s0 =	sld [smem:$0x3FA3]  }
0x30: {  	s3 =	sld [smem:$0x3FA6]  }
0x31: {  	[smem:$0x3FAF] =	sst s10  }
0x32: {  	s10 =	sld [smem:$0x3FAD];
	_ =	sdelay $0x3  }
0x33: {  	p0 =	seq.s32 s10, $0x1;
	s10 =	sld [smem:$0x3FAF];
	_ =	sdelay $0x3  }
0x34: {  	[smem:$0x3FAF] =	sst s10  }
0x35: {  	s10 =	sld [smem:$0x3FAE];
	_ =	sdelay $0x3  }
0x36: {  	p1 =	seq.s32 s10, $0x1;
	s10 =	sld [smem:$0x3FAF];
	_ =	sdelay $0x3  }
0x37: {  	[smem:$0x3FAF] =	sst s10  }
0x38: {  	s10 =	sld [smem:$0x3FB0]  }
0x39: {  	_ = 	snop;
	(pc) =	sbr.ind lr, $3  }
0x3a: {  	_ = 	snop  }
0x3b: {  	_ = 	snop  }
0x3c: {  	p2 =	seq.s32 s10, $0x1;
	s10 =	sld [smem:$0x3FAF]  }
0x3d: {  	_ =	shalt  }
0x3e: {  	_ =	shalt  }
0x3f: {  	_ =	shalt  }
0x40: {  	_ =	shalt  }
0x41: {  	_ =	shalt  }
0x42: {  	_ =	shalt  }
0x43: {  	_ =	shalt  }
0x44: {  	_ =	shalt  }
0x45: {  	_ =	shalt  }
0x46: {  	_ =	shalt  }
0x47: {  	_ =	shalt  }
0x48: {  	_ =	shalt  }
0x49: {  	_ =	shalt  }
0x4a: {  	_ =	shalt  }
0x4b: {  	_ =	shalt  }
0x4c: {  	_ =	shalt  }
0x4d: {  	_ =	shalt  }
0x4e: {  	_ =	shalt  }
0x4f: {  	_ =	shalt  }
0x50: {  	_ =	shalt  }
0x51: {  	_ =	shalt  }
0x52: {  	_ =	shalt  }
0x53: {  	_ =	shalt  }
0x54: {  	_ =	shalt  }
0x55: {  	_ =	shalt  }
0x56: {  	_ =	shalt  }
0x57: {  	_ =	shalt  }
0x58: {  	_ =	shalt  }
0x59: {  	_ =	shalt  }
0x5a: {  	_ =	shalt  }
0x5b: {  	_ =	shalt  }
0x5c: {  	_ =	shalt  }
0x5d: {  	_ =	shalt  }
0x5e: {  	_ =	shalt  }
0x5f: {  	_ =	shalt  }
0x60: {  	_ =	shalt  }
0x61: {  	_ =	shalt  }
0x62: {  	_ =	shalt  }
0x63: {  	_ =	shalt  }
0x64: {  	_ =	shalt  }
0x65: {  	_ =	shalt  }
0x66: {  	_ =	shalt  }
0x67: {  	_ =	shalt  }
0x68: {  	_ =	shalt  }
0x69: {  	_ =	shalt  }
0x6a: {  	_ =	shalt  }
0x6b: {  	_ =	shalt  }
0x6c: {  	_ =	shalt  }
0x6d: {  	_ =	shalt  }
0x6e: {  	_ =	shalt  }
0x6f: {  	_ =	shalt  }
0x70: {  	_ =	shalt  }
0x71: {  	_ =	shalt  }
0x72: {  	_ =	shalt  }
0x73: {  	_ =	shalt  }
0x74: {  	_ =	shalt  }
0x75: {  	_ =	shalt  }
0x76: {  	_ =	shalt  }
0x77: {  	_ =	shalt  }
0x78: {  	_ =	shalt  }
0x79: {  	_ =	shalt  }
0x7a: {  	_ =	shalt  }
0x7b: {  	_ =	shalt  }
0x7c: {  	_ =	shalt  }
0x7d: {  	_ =	shalt  }
0x7e: {  	_ =	shalt  }
0x7f: {  	_ =	shalt  }
0x80: {  	_ =	shalt  }
0x81: {  	_ =	shalt  }
0x82: {  	_ =	shalt  }
0x83: {  	_ =	shalt  }
0x84: {  	_ =	shalt  }
0x85: {  	_ =	shalt  }
0x86: {  	_ =	shalt  }
0x87: {  	_ =	shalt  }
.Lfunc_end0:
.L_simem_size_0:
called_computation.1_lowered:
.L_overlay_start_0:
0x88: {  	s2 =	sld [smem:$0x3FD9]  }
0x89: {  	s3 =	sld [smem:$0x3FFE];
	_ =	sdelay $0x1  }
0x8a: {  	s1 =	srdreg.scid  }
0x8b: {  	s0 =	sand.u32 $0x1, s1  }
0x8c: {  	s16 =	sshll.u32 s0, $0xA;
	s2 =	sadd.s32 s3, s2  }
0x8d: {  	s2 =	sadd.s32 s2, s16  }
0x8e: {  	[smem:$0x3FBB] =	sst s2  }
0x8f: {  	_ = 	snop  }
0x90: {  	(tm) =	ssettm $0x1  }
0x91: {  	s17 =	sld [smem:$0x3FFB];
	_ =	sdelay $0x3  }
0x92: {  	_ =	strace s17  }
0x93: {  	s2 =	sld [smem:$0x3FFC];
	_ =	sdelay $0x3  }
0x94: {  	_ =	strace s2  }
0x95: {  	s2 =	sld [smem:$0x3FFD];
	_ =	sdelay $0x3  }
0x96: {  	_ =	strace s2  }
0x97: {  	_ =	strace $0x8FFFFFFF  }
0x98: {  	s18 =	sld [smem:$0x3FDB];
	_ =	sdelay $0x1  }
0x99: {  	s19 =	simm.s32 $_scs_section_size  }
0x9a: {  	s4 =	simm.s32 $_size__tile_overlayer_lowered;
	s5 =	simm.s32 $_tile_overlayer_lowered  }
0x9b: {  	s22 =	simm.s32 $0x1BFF;
	s21 =	sshll.u32 s5, $0x1;
	s2 =	sadd.s32 s19, s18  }
0x9c: {  	s6 =	simm.s32 $0x0;
	s20 =	sshll.u32 s4, $0x1;
	s4 =	sadd.s32 s21, s2  }
0x9d: {  	[timem:s6], [sflag:s22] =	dma.local [hbm:s4], s20  }
0x9e: {  	_ =	swait.ge [sflag:s22], s20  }
0x9f: {  	s3 =	ssub.s32 $0x0, s20;
	[sflag:s22] =	ssyncset.done $0x0  }
0xa0: {  	[sflag:s22] =	ssyncadd.s32 s3;
	_ =	sdelay $0x1  }
0xa1: {  	s23 =	simm.s32 $0x1B8B  }
0xa2: {  	_ =	swait.ge [sflag:s23], $0x1  }
0xa3: {  	[sflag:s23] =	ssyncset.done $0x0  }
0xa4: {  	s25 =	simm.s32 $0x1B8E;
	s24 =	sld [smem:$0x3FFE];
	[sflag:s23] =	ssyncadd.s32 $0xFFFFFFFF  }
0xa5: {  	s26 =	simm.s32 $execute0_lowered;
	[smem:$0x3FD2] =	sst s25  }
0xa6: {  	s4 =	sshll.u32 s26, $0x1;
	_ =	strace $0x80000049;
	[dreg:$0x1] =	wrdreg $0xFFFFFFFF  }
0xa7: {  	s28 =	simm.s32 $_size_execute0_lowered;
	s2 =	sadd.s32 s2, s4;
	[dreg:$0x0] =	wrdreg $0x0  }
0xa8: {  	s4 =	sshll.u32 s28, $0x1;
	[dreg:$0x2] =	wrdreg s2  }
0xa9: {  	[dreg:$0x3] =	wrdreg s4  }
0xaa: {  	[dreg:$0x4] =	wrdreg $0xC0  }
0xab: {  	_ =	task [dreg:s6], $0x5FFFF  }
0xac: {  	[dreg:$0x1] =	wrdreg $0xFFFFFFFF  }
0xad: {  	[dreg:$0x0] =	wrdreg $0x60  }
0xae: {  	[dreg:$0x2] =	wrdreg s24  }
0xaf: {  	[dreg:$0x3] =	wrdreg $0x0  }
0xb0: {  	[dreg:$0x4] =	wrdreg $0x9  }
0xb1: {  	_ =	task.clear_ibuf [dreg:s6], $0x5FFFF;
	_ =	strace $0x90000049  }
0xb2: {  	s29 =	simm.s32 $0x9;
	_ =	strace $0x8000004B  }
0xb3: {  	_ =	swait.ge [sflag:s29], $0x1  }
0xb4: {  	[sflag:s29] =	ssyncadd.s32 $0xFFFFFFFF  }
0xb5: {  	_ =	strace $0x9000004B  }
0xb6: {  	_ =	sfence  }
0xb7: {  	s30 =	sld [smem:$0x0];
	_ =	sdelay $0x2  }
0xb8: {  	s31 =	sshll.u32 s1, $0xD;
	s1 =	sshrl.u32 s1, $0x2  }
0xb9: {  	s3 =	sand.u32 $0x4000, s31;
	s1 =	sadd.s32 s1, s30  }
0xba: {  	s0 =	sor.u32 s3, s0;
	s1 =	sshll.u32 s1, $0x11  }
0xbb: {  	s0 =	sor.u32 s1, s0  }
0xbc: {  	s0 =	sadd.s32 $0x8F2B, s0  }
0xbd: {  	[sflag:s0] =	ssyncadd.remote.s32 $0x1  }
0xbe: {  	_ =	sfence.sel $0xFFFF  }
0xbf: {  	[dreg:$0x0] =	wrdreg $0xFFFFFFFF;
	(pc) =	sbr.abs _section_cstart, $3  }
0xc0: {  	[dreg:$0x1] =	wrdreg $0xFFFFFFFF  }
0xc1: {  	_ =	task.clear_ibuf [dreg:s6], $0x2FFFF;
	_ =	strace $0x9FFFFFFF  }
0xc2: {  	(tm) =	ssettm $0x7FFFFFFF  }
0xc3: {  	_ =	shalt  }
tec
execute0_lowered:
.L_overlay_start_1:
0x0: {  	(tag) =	ssettag $0x1  }
0x1: {  	s0 =	rddreg [dreg:$0x0];
	s8 =	stileid.u32  }
0x2: {  	s2 =	srdreg.scid;
	s6 =	smul.u32 $0x5000, s8  }
0x3: {  	s1 =	rddreg [dreg:$0x1];
	s7 =	smul.u32 $0xA00, s8  }
0x4: {  	s3 =	simm.s32 $0x0;
	s2 =	sand.u32 $0x1, s2;
	s8 =	smul.u32 $0x14000, s8  }
0x5: {  	[smem:$0x7FF] =	sst s3;
	s4 =	smul.u32 $0x9C40, s2  }
0x6: {  	s5 =	smul.u32 $0x50000, s2;
	_ =	strace $0x8000004A;
	s2 =	ssub.s32 $0x2, s2  }
0x7: {  	s7 =	sadd.s32 s7, s0;
	s9 =	sshrl.u32 s2, $0x1;
	s31 =	sshrl.u32 s8, $0x2  }
0x8: {  	s4 =	sadd.s32 s4, s0;
	s2 =	ssub.s32 s2, s9;
	s9 =	sadd.s32 $0x33800, s7  }
0x9: {  	s5 =	sadd.s32 s6, s5;
	s7 =	sadd.s32 $0x29800, s7;
	[dreg:$0x3] =	wrdreg s9  }
0xa: {  	s5 =	sshrl.u32 s5, $0x3;
	[dreg:$0x4] =	wrdreg s7;
	s2 =	smax.u32 s2, $0x1  }
0xb: {  	s0 =	sadd.s32 s5, s0;
	s5 =	sadd.s32 s31, s1;
	[dreg:$0x7] =	wrdreg s2  }
0xc: {  	s0 =	sadd.s32 $0x3D800, s0;
	[dreg:$0x5] =	wrdreg s5  }
0xd: {  	s11 =	sadd.s32 $0x400, s5;
	[dreg:$0x6] =	wrdreg s0  }
0xe: {  	s12 =	sadd.s32 $0x800, s5;
	[dreg:$0x8] =	wrdreg s11  }
0xf: {  	s13 =	sadd.s32 $0xC00, s5;
	[dreg:$0x9] =	wrdreg s12  }
0x10: {  	s14 =	sadd.s32 $0x1000, s5;
	[dreg:$0xa] =	wrdreg s13  }
0x11: {  	s15 =	sadd.s32 $0x1400, s5;
	[dreg:$0xb] =	wrdreg s14  }
0x12: {  	s16 =	sadd.s32 $0x1800, s5;
	[dreg:$0xc] =	wrdreg s15  }
0x13: {  	s17 =	sadd.s32 $0x1C00, s5;
	[dreg:$0xd] =	wrdreg s16  }
0x14: {  	s18 =	sadd.s32 $0x2000, s5;
	[dreg:$0xe] =	wrdreg s17  }
0x15: {  	s19 =	sadd.s32 $0x2400, s5;
	[dreg:$0xf] =	wrdreg s18  }
0x16: {  	s20 =	sadd.s32 $0x2800, s5;
	[dreg:$0x10] =	wrdreg s19  }
0x17: {  	s21 =	sadd.s32 $0x2C00, s5;
	[dreg:$0x11] =	wrdreg s20  }
0x18: {  	s28 =	simm.s32 $0x0;
	s22 =	sadd.s32 $0x3000, s5;
	[dreg:$0x12] =	wrdreg s21  }
0x19: {  	s10 =	sadd.s32 s6, s1;
	s23 =	sadd.s32 $0x3400, s5;
	[dreg:$0x13] =	wrdreg s22  }
0x1a: {  	s8 =	simm.s32 $0x80;
	s24 =	sadd.s32 $0x3800, s5;
	[dreg:$0x14] =	wrdreg s23  }
0x1b: {  	s7 =	sadd.s32 $0x2600, s4;
	s25 =	sadd.s32 $0x3C00, s5;
	[dreg:$0x15] =	wrdreg s24  }
0x1c: {  	s4 =	simm.s32 $0x1;
	s26 =	sadd.s32 $0x4000, s5;
	[dreg:$0x16] =	wrdreg s25  }
0x1d: {  	s9 =	simm.s32 $0xA000;
	s29 =	sadd.s32 $0x4400, s5;
	[dreg:$0x18] =	wrdreg s26  }
0x1e: {  	s2 =	simm.s32 $0x17000;
	s30 =	sadd.s32 $0x4800, s5;
	[dreg:$0x19] =	wrdreg s29  }
0x1f: {  	s31 =	sadd.s32 $0x4C00, s5;
	s5 =	simm.s32 $0x2;
	[dreg:$0x1a] =	wrdreg s30  }
0x20: {  	s0 =	sshrl.u32 s10, $0x3;
	[dreg:$0x1b] =	wrdreg s31;
	s21 =	simm.s32 $0x12000  }
.Ltmp0:
0x21: {  	s10 =	simm.s32 $0xB000;
	s11 =	simm.s32 $0xC000;
	(pc) =	sbr.rel .LBB2_1-.Ltmp0, $4  }
0x22: {  	s12 =	simm.s32 $0xE000;
	s13 =	simm.s32 $0xF000;
	s14 =	simm.s32 $0x10000  }
0x23: {  	s15 =	simm.s32 $0x11000;
	s16 =	simm.s32 $0x3;
	s17 =	simm.s32 $0x5  }
0x24: {  	s18 =	simm.s32 $0x7;
	s19 =	simm.s32 $0x8;
	s23 =	simm.s32 $0xD  }
0x25: {  	v0 =	vimm.f32 $0.0e+00;
	s24 =	simm.s32 $0xE;
	[dreg:$0x17] =	wrdreg s0;
	s0 =	simm.s32 $0x9  }
.LBB2_6:
0x26: {  	_ =	swait.ge [sflag:s19], $0x1000  }
0x27: {  	[sflag:s19] =	ssyncset.done $0x0  }
0x28: {  	[sflag:s19] =	ssyncadd.s32 $0xFFFFF000  }
0x29: {  	[spmem:s1] =	stream.indirect.scatter.add.f32 [tilespmem:s15], [sflag:$0x10], $0x20, s6, s8, $0xb8;
	[tilespmem:$0x17400] =	vst v63  }
0x2a: {  	_ =	swait.ge [sflag:s0], $0x1000  }
0x2b: {  	[sflag:s0] =	ssyncset.done $0x0  }
0x2c: {  	s20 =	simm.s32 $0xA;
	[sflag:s0] =	ssyncadd.s32 $0xFFFFF000  }
0x2d: {  	_ =	swait.ge [sflag:s20], $0x1000  }
0x2e: {  	[sflag:s20] =	ssyncset.done $0x0  }
0x2f: {  	s21 =	simm.s32 $0xB;
	[sflag:s20] =	ssyncadd.s32 $0xFFFFF000  }
0x30: {  	_ =	swait.ge [sflag:s21], $0x1000  }
0x31: {  	[sflag:s21] =	ssyncset.done $0x0  }
0x32: {  	s22 =	simm.s32 $0xC;
	[sflag:s21] =	ssyncadd.s32 $0xFFFFF000  }
0x33: {  	_ =	swait.ge [sflag:s22], $0x1000  }
0x34: {  	[sflag:s22] =	ssyncset.done $0x0  }
0x35: {  	[sflag:s22] =	ssyncadd.s32 $0xFFFFF000  }
0x36: {  	_ =	swait.ge [sflag:s23], $0x1000  }
0x37: {  	[sflag:s23] =	ssyncset.done $0x0  }
0x38: {  	[sflag:s23] =	ssyncadd.s32 $0xFFFFF000  }
0x39: {  	_ =	swait.ge [sflag:s24], $0x1000  }
0x3a: {  	[sflag:s24] =	ssyncset.done $0x0  }
0x3b: {  	s25 =	simm.s32 $0xF;
	[sflag:s24] =	ssyncadd.s32 $0xFFFFF000  }
0x3c: {  	_ =	swait.ge [sflag:s25], $0x1000  }
0x3d: {  	[sflag:s25] =	ssyncset.done $0x0  }
0x3e: {  	s26 =	simm.s32 $0x10;
	[sflag:s25] =	ssyncadd.s32 $0xFFFFF000  }
0x3f: {  	_ =	swait.ge [sflag:s26], $0x1000  }
0x40: {  	[sflag:s26] =	ssyncset.done $0x0  }
0x41: {  	[sflag:s26] =	ssyncadd.s32 $0xFFFFF000  }
0x42: {  	s29 =	stileid.u32;
	[bflag:$0x0] =	sbarrier.arrive $0xFFFF  }
0x43: {  	s6 =	sshll.u32 s29, $0x6;
	s20 =	rddreg [dreg:$0x6]  }
0x44: {  	s30 =	simm.s32 $0x11;
	s6 =	sor.u32 $0x1C11, s6;
	s21 =	rddreg [dreg:$0x17]  }
0x45: {  	[hbm:s20], [sflag:s6] =	dma.local [spmem:s21], $0xA00  }
0x46: {  	_ =	swait.ge [sflag:s30], $0xA00  }
0x47: {  	s28 =	sadd.s32 $0x1, s28;
	s31 =	rddreg [dreg:$0x7]  }
0x48: {  	p0 =	sne.s32 s28, s31  }
.Ltmp1:
0x49: {  	_ = 	snop;
	(pc) =	sbr.rel @!p0 .LBB2_7-.Ltmp1, $3  }
0x4a: {  	_ =	sdelay $0x1  }
0x4b: {  	[sflag:s30] =	ssyncset.done $0x0  }
0x4c: {  	s21 =	simm.s32 $0x12000;
	[sflag:s30] =	ssyncadd.s32 $0xFFFFF600  }
.LBB2_1:
0x4d: {  	s6 =	rddreg [dreg:$0x3]  }
0x4e: {  	s26 =	rddreg [dreg:$0x4];
	s31 =	sand.u32 $0xF80, s3  }
0x4f: {  	[tilespmem:s21], [sflag:$0x1] =	stream.linear.gather [hbm4b:s6+s3], $0x5000, $0x38;
	[tilespmem:$0x17400] =	vst v63  }
0x50: {  	s20 =	simm.s32 $0x5000;
	s30 =	sand.u32 $0x10, s3;
	s6 =	sshrl.u32 s31, $0x2  }
0x51: {  	s29 =	simm.s32 $0x40;
	s6 =	sor.u32 s30, s6;
	s30 =	simm.s32 $0x0  }
0x52: {  	[tilespmem:s20], [sflag:$0x2] =	stream.linear.gather [hbm4b:s26+s3], $0x5000, $0x38;
	[tilespmem:$0x17400] =	vst v63  }
.LBB2_2:
0x53: {  	p0 =	sne.s32 s29, $0xFC0  }
0x54: {  	[tilespmem:s6+$0x17000] =	vst v0;
	s30 =	sadd.s32 $0x10, s30;
	s6 =	smov.u32 s29;
	s29 =	sadd.s32 $0x40, s29  }
.Ltmp2:
0x55: {  	(pc) =	sbr.rel @p0 .LBB2_2-.Ltmp2, $4  }
0x56: {  	_ = 	snop  }
0x57: {  	s6 =	sand.u32 $0xF80, s6  }
0x58: {  	s20 =	sand.u32 $0x10, s30;
	s6 =	sshrl.u32 s6, $0x2  }
0x59: {  	s6 =	sor.u32 s20, s6  }
0x5a: {  	[tilespmem:s6+$0x17000] =	vst v0;
	s31 =	rddreg [dreg:$0x5]  }
0x5b: {  	[spmem:s31] =	stream.linear.scatter [tilespmem:s2], [sflag:$0x9], $0x400, $0x38;
	[tilespmem:$0x17400] =	vst v63  }
0x5c: {  	s20 =	rddreg [dreg:$0x8]  }
0x5d: {  	[spmem:s20] =	stream.linear.scatter [tilespmem:s2], [sflag:$0x9], $0x400, $0x38;
	[tilespmem:$0x17400] =	vst v63  }
0x5e: {  	s22 =	rddreg [dreg:$0x9]  }
0x5f: {  	[spmem:s22] =	stream.linear.scatter [tilespmem:s2], [sflag:$0x9], $0x400, $0x38;
	[tilespmem:$0x17400] =	vst v63  }
0x60: {  	s25 =	rddreg [dreg:$0xa]  }
0x61: {  	[spmem:s25] =	stream.linear.scatter [tilespmem:s2], [sflag:$0x9], $0x400, $0x38;
	[tilespmem:$0x17400] =	vst v63  }
0x62: {  	s26 =	rddreg [dreg:$0xb]  }
0x63: {  	[spmem:s26] =	stream.linear.scatter [tilespmem:s2], [sflag:$0x9], $0x400, $0x38;
	[tilespmem:$0x17400] =	vst v63  }
0x64: {  	s30 =	rddreg [dreg:$0xc]  }
0x65: {  	[spmem:s30] =	stream.linear.scatter [tilespmem:s2], [sflag:$0x9], $0x400, $0x38;
	[tilespmem:$0x17400] =	vst v63  }
0x66: {  	s31 =	rddreg [dreg:$0xd]  }
0x67: {  	[spmem:s31] =	stream.linear.scatter [tilespmem:s2], [sflag:$0x9], $0x400, $0x38;
	[tilespmem:$0x17400] =	vst v63  }
0x68: {  	s20 =	rddreg [dreg:$0xe]  }
0x69: {  	[spmem:s20] =	stream.linear.scatter [tilespmem:s2], [sflag:$0x9], $0x400, $0x38;
	[tilespmem:$0x17400] =	vst v63  }
0x6a: {  	s22 =	rddreg [dreg:$0xf]  }
0x6b: {  	[spmem:s22] =	stream.linear.scatter [tilespmem:s2], [sflag:$0x9], $0x400, $0x38;
	[tilespmem:$0x17400] =	vst v63  }
0x6c: {  	s25 =	rddreg [dreg:$0x10]  }
0x6d: {  	[spmem:s25] =	stream.linear.scatter [tilespmem:s2], [sflag:$0x9], $0x400, $0x38;
	[tilespmem:$0x17400] =	vst v63  }
0x6e: {  	s26 =	rddreg [dreg:$0x11]  }
0x6f: {  	[spmem:s26] =	stream.linear.scatter [tilespmem:s2], [sflag:$0x9], $0x400, $0x38;
	[tilespmem:$0x17400] =	vst v63  }
0x70: {  	s30 =	rddreg [dreg:$0x12]  }
0x71: {  	[spmem:s30] =	stream.linear.scatter [tilespmem:s2], [sflag:$0x9], $0x400, $0x38;
	[tilespmem:$0x17400] =	vst v63  }
0x72: {  	s31 =	rddreg [dreg:$0x13]  }
0x73: {  	[spmem:s31] =	stream.linear.scatter [tilespmem:s2], [sflag:$0x9], $0x400, $0x38;
	[tilespmem:$0x17400] =	vst v63  }
0x74: {  	s20 =	rddreg [dreg:$0x14]  }
0x75: {  	[spmem:s20] =	stream.linear.scatter [tilespmem:s2], [sflag:$0x9], $0x400, $0x38;
	[tilespmem:$0x17400] =	vst v63  }
0x76: {  	s22 =	rddreg [dreg:$0x15]  }
0x77: {  	[spmem:s22] =	stream.linear.scatter [tilespmem:s2], [sflag:$0x9], $0x400, $0x38;
	[tilespmem:$0x17400] =	vst v63  }
0x78: {  	s25 =	rddreg [dreg:$0x16]  }
0x79: {  	[spmem:s25] =	stream.linear.scatter [tilespmem:s2], [sflag:$0x9], $0x400, $0x38;
	[tilespmem:$0x17400] =	vst v63  }
0x7a: {  	s26 =	rddreg [dreg:$0x18]  }
0x7b: {  	[spmem:s26] =	stream.linear.scatter [tilespmem:s2], [sflag:$0x9], $0x400, $0x38;
	[tilespmem:$0x17400] =	vst v63  }
0x7c: {  	s30 =	rddreg [dreg:$0x19]  }
0x7d: {  	[spmem:s30] =	stream.linear.scatter [tilespmem:s2], [sflag:$0x9], $0x400, $0x38;
	[tilespmem:$0x17400] =	vst v63  }
0x7e: {  	s31 =	rddreg [dreg:$0x1a]  }
0x7f: {  	[spmem:s31] =	stream.linear.scatter [tilespmem:s2], [sflag:$0x9], $0x400, $0x38;
	[tilespmem:$0x17400] =	vst v63  }
0x80: {  	s20 =	rddreg [dreg:$0x1b]  }
0x81: {  	[spmem:s20] =	stream.linear.scatter [tilespmem:s2], [sflag:$0x9], $0x400, $0x38;
	[tilespmem:$0x17400] =	vst v63  }
0x82: {  	_ =	swait.ge [sflag:s0], $0x400  }
0x83: {  	[sflag:s0] =	ssyncset.done $0x0  }
0x84: {  	[sflag:s0] =	ssyncadd.s32 $0xFFFFFC00  }
0x85: {  	_ =	swait.ge [sflag:s0], $0x400  }
0x86: {  	[sflag:s0] =	ssyncset.done $0x0  }
0x87: {  	[sflag:s0] =	ssyncadd.s32 $0xFFFFFC00  }
0x88: {  	_ =	swait.ge [sflag:s0], $0x400  }
0x89: {  	[sflag:s0] =	ssyncset.done $0x0  }
0x8a: {  	[sflag:s0] =	ssyncadd.s32 $0xFFFFFC00  }
0x8b: {  	_ =	swait.ge [sflag:s0], $0x400  }
0x8c: {  	[sflag:s0] =	ssyncset.done $0x0  }
0x8d: {  	[sflag:s0] =	ssyncadd.s32 $0xFFFFFC00  }
0x8e: {  	_ =	swait.ge [sflag:s0], $0x400  }
0x8f: {  	[sflag:s0] =	ssyncset.done $0x0  }
0x90: {  	[sflag:s0] =	ssyncadd.s32 $0xFFFFFC00  }
0x91: {  	_ =	swait.ge [sflag:s0], $0x400  }
0x92: {  	[sflag:s0] =	ssyncset.done $0x0  }
0x93: {  	[sflag:s0] =	ssyncadd.s32 $0xFFFFFC00  }
0x94: {  	_ =	swait.ge [sflag:s0], $0x400  }
0x95: {  	[sflag:s0] =	ssyncset.done $0x0  }
0x96: {  	[sflag:s0] =	ssyncadd.s32 $0xFFFFFC00  }
0x97: {  	_ =	swait.ge [sflag:s0], $0x400  }
0x98: {  	[sflag:s0] =	ssyncset.done $0x0  }
0x99: {  	[sflag:s0] =	ssyncadd.s32 $0xFFFFFC00  }
0x9a: {  	_ =	swait.ge [sflag:s0], $0x400  }
0x9b: {  	[sflag:s0] =	ssyncset.done $0x0  }
0x9c: {  	[sflag:s0] =	ssyncadd.s32 $0xFFFFFC00  }
0x9d: {  	_ =	swait.ge [sflag:s0], $0x400  }
0x9e: {  	[sflag:s0] =	ssyncset.done $0x0  }
0x9f: {  	[sflag:s0] =	ssyncadd.s32 $0xFFFFFC00  }
0xa0: {  	_ =	swait.ge [sflag:s0], $0x400  }
0xa1: {  	[sflag:s0] =	ssyncset.done $0x0  }
0xa2: {  	[sflag:s0] =	ssyncadd.s32 $0xFFFFFC00  }
0xa3: {  	_ =	swait.ge [sflag:s0], $0x400  }
0xa4: {  	[sflag:s0] =	ssyncset.done $0x0  }
0xa5: {  	[sflag:s0] =	ssyncadd.s32 $0xFFFFFC00  }
0xa6: {  	_ =	swait.ge [sflag:s0], $0x400  }
0xa7: {  	[sflag:s0] =	ssyncset.done $0x0  }
0xa8: {  	[sflag:s0] =	ssyncadd.s32 $0xFFFFFC00  }
0xa9: {  	_ =	swait.ge [sflag:s0], $0x400  }
0xaa: {  	[sflag:s0] =	ssyncset.done $0x0  }
0xab: {  	[sflag:s0] =	ssyncadd.s32 $0xFFFFFC00  }
0xac: {  	_ =	swait.ge [sflag:s0], $0x400  }
0xad: {  	[sflag:s0] =	ssyncset.done $0x0  }
0xae: {  	[sflag:s0] =	ssyncadd.s32 $0xFFFFFC00  }
0xaf: {  	_ =	swait.ge [sflag:s0], $0x400  }
0xb0: {  	[sflag:s0] =	ssyncset.done $0x0  }
0xb1: {  	[sflag:s0] =	ssyncadd.s32 $0xFFFFFC00  }
0xb2: {  	_ =	swait.ge [sflag:s0], $0x400  }
0xb3: {  	[sflag:s0] =	ssyncset.done $0x0  }
0xb4: {  	[sflag:s0] =	ssyncadd.s32 $0xFFFFFC00  }
0xb5: {  	_ =	swait.ge [sflag:s0], $0x400  }
0xb6: {  	[sflag:s0] =	ssyncset.done $0x0  }
0xb7: {  	[sflag:s0] =	ssyncadd.s32 $0xFFFFFC00  }
0xb8: {  	_ =	swait.ge [sflag:s0], $0x400  }
0xb9: {  	[sflag:s0] =	ssyncset.done $0x0  }
0xba: {  	[sflag:s0] =	ssyncadd.s32 $0xFFFFFC00  }
0xbb: {  	_ =	swait.ge [sflag:s0], $0x400  }
0xbc: {  	[sflag:s0] =	ssyncset.done $0x0  }
0xbd: {  	[sflag:s0] =	ssyncadd.s32 $0xFFFFFC00  }
0xbe: {  	_ =	swait.ge [sflag:s4], $0x5000  }
0xbf: {  	[sflag:s4] =	ssyncset.done $0x0  }
0xc0: {  	[sflag:s4] =	ssyncadd.s32 $0xFFFFB000  }
0xc1: {  	_ =	swait.ge [sflag:s5], $0x5000  }
0xc2: {  	[sflag:s5] =	ssyncset.done $0x0  }
0xc3: {  	[sflag:s5] =	ssyncadd.s32 $0xFFFFB000  }
0xc4: {  	[tilespmem:s9], [sflag:$0x1] =	stream.indirect.gather [hbm4b:s7+s8], $0x20, s21, s8, $0xb8;
	[tilespmem:$0x17400] =	vst v63  }
0xc5: {  	s22 =	simm.s32 $0x12080  }
0xc6: {  	[tilespmem:s10], [sflag:$0x2] =	stream.indirect.gather [hbm4b:s7+s8], $0x20, s22, s8, $0xb8;
	[tilespmem:$0x17400] =	vst v63  }
0xc7: {  	s25 =	simm.s32 $0x12100  }
0xc8: {  	[tilespmem:s11], [sflag:$0x3] =	stream.indirect.gather [hbm4b:s7+s8], $0x20, s25, s8, $0xb8;
	[tilespmem:$0x17400] =	vst v63  }
0xc9: {  	s26 =	simm.s32 $0x12180;
	s20 =	simm.s32 $0xD000  }
0xca: {  	[tilespmem:s20], [sflag:$0x4] =	stream.indirect.gather [hbm4b:s7+s8], $0x20, s26, s8, $0xb8;
	[tilespmem:$0x17400] =	vst v63  }
0xcb: {  	s30 =	simm.s32 $0x12200  }
0xcc: {  	[tilespmem:s12], [sflag:$0x5] =	stream.indirect.gather [hbm4b:s7+s8], $0x20, s30, s8, $0xb8;
	[tilespmem:$0x17400] =	vst v63  }
0xcd: {  	s31 =	simm.s32 $0x12280  }
0xce: {  	[tilespmem:s13], [sflag:$0x6] =	stream.indirect.gather [hbm4b:s7+s8], $0x20, s31, s8, $0xb8;
	[tilespmem:$0x17400] =	vst v63  }
0xcf: {  	s29 =	simm.s32 $0x0;
	[bflag:$0x0] =	sbarrier.arrive $0xFFFF  }
.LBB2_4:
0xd0: {  	_ =	swait.ge [sflag:s4], $0x1000  }
0xd1: {  	s30 =	sshra.s32 s29, $0x2;
	[sflag:s4] =	ssyncset.done $0x0  }
0xd2: {  	p0 =	seq.s32 s29, $0x0;
	s6 =	sadd.s32 $0x5000, s30;
	[sflag:s4] =	ssyncadd.s32 $0xFFFFF000  }
0xd3: {  	[spmem:s1] =	stream.indirect.scatter.add.f32 [tilespmem:s9], [sflag:$0x9], $0x20, s6, s8, $0xb8;
	[tilespmem:$0x17400] =	vst v63  }
0xd4: {  	s6 =	simm.s32 @!p0 $0xF  }
0xd5: {  	_ =	swait.ge @!p0 [sflag:s6], $0x1000  }
0xd6: {  	[sflag:s6] =	ssyncset.done @!p0 $0x0  }
0xd7: {  	s20 =	sadd.s32 $0x12300, s30;
	[sflag:s6] =	ssyncadd.s32 @!p0 $0xFFFFF000  }
0xd8: {  	[tilespmem:s14], [sflag:$0x7] =	stream.indirect.gather [hbm4b:s7+s8], $0x20, s20, s8, $0xb8;
	[tilespmem:$0x17400] =	vst v63  }
0xd9: {  	_ =	swait.ge [sflag:s5], $0x1000  }
0xda: {  	[sflag:s5] =	ssyncset.done $0x0  }
0xdb: {  	s21 =	sadd.s32 $0x5080, s30;
	s6 =	simm.s32 @!p0 $0x10;
	[sflag:s5] =	ssyncadd.s32 $0xFFFFF000  }
0xdc: {  	[spmem:s1] =	stream.indirect.scatter.add.f32 [tilespmem:s10], [sflag:$0xA], $0x20, s21, s8, $0xb8;
	[tilespmem:$0x17400] =	vst v63  }
0xdd: {  	_ =	swait.ge @!p0 [sflag:s6], $0x1000  }
0xde: {  	[sflag:s6] =	ssyncset.done @!p0 $0x0  }
0xdf: {  	s22 =	sadd.s32 $0x12380, s30;
	[sflag:s6] =	ssyncadd.s32 @!p0 $0xFFFFF000  }
0xe0: {  	[tilespmem:s15], [sflag:$0x8] =	stream.indirect.gather [hbm4b:s7+s8], $0x20, s22, s8, $0xb8;
	[tilespmem:$0x17400] =	vst v63  }
0xe1: {  	_ =	swait.ge [sflag:s16], $0x1000  }
0xe2: {  	p0 =	seq.s32 s29, $0x13000;
	[sflag:s16] =	ssyncset.done $0x0  }
0xe3: {  	s25 =	sadd.s32 $0x5100, s30;
	s6 =	simm.s32 @p0 $0x4;
	[sflag:s16] =	ssyncadd.s32 $0xFFFFF000  }
0xe4: {  	[spmem:s1] =	stream.indirect.scatter.add.f32 [tilespmem:s11], [sflag:$0xB], $0x20, s25, s8, $0xb8;
	[tilespmem:$0x17400] =	vst v63  }
0xe5: {  	_ =	swait.ge @p0 [sflag:s6], $0x1000  }
0xe6: {  	[sflag:s6] =	ssyncset.done @p0 $0x0  }
0xe7: {  	[sflag:s6] =	ssyncadd.s32 @p0 $0xFFFFF000;
	s6 =	sshra.s32 @p0 s29, $0x2  }
0xe8: {  	s21 =	simm.s32 @p0 $0x80;
	s22 =	simm.s32 @p0 $0xD000;
	s20 =	sadd.s32 @p0 $0x5180, s6  }
0xe9: {  	[spmem:s1] =	stream.indirect.scatter.add.f32 @p0 [tilespmem:s22], [sflag:$0xC], $0x20, s20, s21, $0xb8;
	[tilespmem:$0x17400] =	vst v63  }
0xea: {  	s20 =	simm.s32 @!p0 $0x9  }
0xeb: {  	_ =	swait.ge @!p0 [sflag:s20], $0x1000  }
0xec: {  	[sflag:s20] =	ssyncset.done @!p0 $0x0  }
0xed: {  	[sflag:s20] =	ssyncadd.s32 @!p0 $0xFFFFF000;
	s20 =	sshra.s32 @!p0 s29, $0x2  }
0xee: {  	s31 =	simm.s32 @!p0 $0x80;
	s25 =	simm.s32 @!p0 $0xA000;
	s22 =	sadd.s32 @!p0 $0x12400, s20  }
0xef: {  	[tilespmem:s25], [sflag:$0x1] =	stream.indirect.gather @!p0 [hbm4b:s7+s31], $0x20, s22, s31, $0xb8;
	[tilespmem:$0x17400] =	vst v63  }
0xf0: {  	s22 =	simm.s32 @!p0 $0x4  }
0xf1: {  	_ =	swait.ge @!p0 [sflag:s22], $0x1000  }
0xf2: {  	[sflag:s22] =	ssyncset.done @!p0 $0x0  }
0xf3: {  	s25 =	simm.s32 @!p0 $0xD000;
	[sflag:s22] =	ssyncadd.s32 @!p0 $0xFFFFF000;
	s22 =	sadd.s32 @!p0 $0x5180, s20  }
0xf4: {  	[spmem:s1] =	stream.indirect.scatter.add.f32 @!p0 [tilespmem:s25], [sflag:$0xC], $0x20, s22, s31, $0xb8;
	[tilespmem:$0x17400] =	vst v63  }
0xf5: {  	s22 =	simm.s32 @!p0 $0xA  }
0xf6: {  	_ =	swait.ge @!p0 [sflag:s22], $0x1000  }
0xf7: {  	[sflag:s22] =	ssyncset.done @!p0 $0x0  }
0xf8: {  	s26 =	simm.s32 @!p0 $0xB000;
	[sflag:s22] =	ssyncadd.s32 @!p0 $0xFFFFF000;
	s22 =	sadd.s32 @!p0 $0x12480, s20  }
0xf9: {  	[tilespmem:s26], [sflag:$0x2] =	stream.indirect.gather @!p0 [hbm4b:s7+s31], $0x20, s22, s31, $0xb8;
	[tilespmem:$0x17400] =	vst v63  }
0xfa: {  	_ =	swait.ge [sflag:s17], $0x1000  }
0xfb: {  	[sflag:s17] =	ssyncset.done $0x0  }
0xfc: {  	s26 =	sadd.s32 $0x5200, s30;
	s22 =	simm.s32 @p0 $0x6;
	[sflag:s17] =	ssyncadd.s32 $0xFFFFF000  }
0xfd: {  	[spmem:s1] =	stream.indirect.scatter.add.f32 [tilespmem:s12], [sflag:$0xD], $0x20, s26, s8, $0xb8;
	[tilespmem:$0x17400] =	vst v63  }
0xfe: {  	_ =	swait.ge @p0 [sflag:s22], $0x1000  }
0xff: {  	[sflag:s22] =	ssyncset.done @p0 $0x0  }
0x100: {  	s6 =	sadd.s32 @p0 $0x5280, s6;
	[sflag:s22] =	ssyncadd.s32 @p0 $0xFFFFF000;
	s22 =	simm.s32 @p0 $0xF000  }
0x101: {  	[spmem:s1] =	stream.indirect.scatter.add.f32 @p0 [tilespmem:s22], [sflag:$0xE], $0x20, s6, s21, $0xb8;
	[tilespmem:$0x17400] =	vst v63  }
0x102: {  	s6 =	simm.s32 @!p0 $0xB  }
0x103: {  	_ =	swait.ge @!p0 [sflag:s6], $0x1000  }
0x104: {  	[sflag:s6] =	ssyncset.done @!p0 $0x0  }
0x105: {  	s21 =	simm.s32 @!p0 $0xC000;
	[sflag:s6] =	ssyncadd.s32 @!p0 $0xFFFFF000;
	s6 =	sadd.s32 @!p0 $0x12500, s20  }
0x106: {  	[tilespmem:s21], [sflag:$0x3] =	stream.indirect.gather @!p0 [hbm4b:s7+s31], $0x20, s6, s31, $0xb8;
	[tilespmem:$0x17400] =	vst v63  }
0x107: {  	s6 =	simm.s32 @!p0 $0x6  }
0x108: {  	_ =	swait.ge @!p0 [sflag:s6], $0x1000  }
0x109: {  	[sflag:s6] =	ssyncset.done @!p0 $0x0  }
0x10a: {  	s21 =	simm.s32 @!p0 $0xF000;
	[sflag:s6] =	ssyncadd.s32 @!p0 $0xFFFFF000;
	s6 =	sadd.s32 @!p0 $0x5280, s20  }
0x10b: {  	[spmem:s1] =	stream.indirect.scatter.add.f32 @!p0 [tilespmem:s21], [sflag:$0xE], $0x20, s6, s31, $0xb8;
	[tilespmem:$0x17400] =	vst v63  }
0x10c: {  	s6 =	simm.s32 @!p0 $0xC  }
0x10d: {  	_ =	swait.ge @!p0 [sflag:s6], $0x1000  }
0x10e: {  	[sflag:s6] =	ssyncset.done @!p0 $0x0  }
0x10f: {  	[sflag:s6] =	ssyncadd.s32 @!p0 $0xFFFFF000;
	s6 =	sadd.s32 @!p0 $0x12580, s20  }
0x110: {  	[tilespmem:s25], [sflag:$0x4] =	stream.indirect.gather @!p0 [hbm4b:s7+s31], $0x20, s6, s31, $0xb8;
	[tilespmem:$0x17400] =	vst v63  }
.Ltmp3:
0x111: {  	_ = 	snop;
	(pc) =	sbr.rel @p0 .LBB2_6-.Ltmp3, $4  }
0x112: {  	_ =	swait.ge [sflag:s18], $0x1000  }
0x113: {  	[sflag:s18] =	ssyncset.done $0x0  }
0x114: {  	s31 =	sadd.s32 $0x5300, s30;
	s6 =	sadd.s32 $0x5380, s30;
	[sflag:s18] =	ssyncadd.s32 $0xFFFFF000  }
0x115: {  	[spmem:s1] =	stream.indirect.scatter.add.f32 [tilespmem:s14], [sflag:$0xF], $0x20, s31, s8, $0xb8;
	[tilespmem:$0x17400] =	vst v63  }
0x116: {  	_ =	swait.ge [sflag:s23], $0x1000  }
0x117: {  	[sflag:s23] =	ssyncset.done $0x0  }
0x118: {  	s20 =	sadd.s32 $0x12600, s30;
	[sflag:s23] =	ssyncadd.s32 $0xFFFFF000  }
0x119: {  	[tilespmem:s12], [sflag:$0x5] =	stream.indirect.gather [hbm4b:s7+s8], $0x20, s20, s8, $0xb8;
	[tilespmem:$0x17400] =	vst v63  }
0x11a: {  	_ =	swait.ge [sflag:s19], $0x1000  }
0x11b: {  	[sflag:s19] =	ssyncset.done $0x0  }
0x11c: {  	[sflag:s19] =	ssyncadd.s32 $0xFFFFF000  }
0x11d: {  	[spmem:s1] =	stream.indirect.scatter.add.f32 [tilespmem:s15], [sflag:$0x10], $0x20, s6, s8, $0xb8;
	[tilespmem:$0x17400] =	vst v63  }
.Ltmp4:
0x11e: {  	_ = 	snop;
	(pc) =	sbr.rel .LBB2_4-.Ltmp4, $4  }
0x11f: {  	_ =	swait.ge [sflag:s24], $0x1000  }
0x120: {  	[sflag:s24] =	ssyncset.done $0x0  }
0x121: {  	s31 =	sadd.s32 $0x12680, s30;
	s29 =	sadd.s32 $0x1000, s29;
	[sflag:s24] =	ssyncadd.s32 $0xFFFFF000  }
0x122: {  	[tilespmem:s13], [sflag:$0x6] =	stream.indirect.gather [hbm4b:s7+s8], $0x20, s31, s8, $0xb8;
	[tilespmem:$0x17400] =	vst v63  }
.LBB2_7:
0x123: {  	_ =	sfence.sel $0x180000  }
0x124: {  	[bflag:$0x0] =	sbarrier.arrive $0xFFFF  }
0x125: {  	_ =	strace $0x9000004A  }
0x126: {  	s0 =	stileid.u32;
	[bflag:$0x2] =	sbarrier.arrive $0xFFFF  }
0x127: {  	p0 =	sne.s32 s0, $0x0;
	s0 =	rddreg [dreg:$0x2]  }
0x128: {  	s0 =	sadd.s32 @!p0 $0x100000, s0  }
0x129: {  	[sflag:s0] =	ssyncadd.tile.s32 @!p0 $0x1;
	_ =	shalt  }
.Lfunc_end2:
_tile_overlayer_lowered:
.L_overlay_start_2:
0x12a: {  	(tag) =	ssettag $0x2  }
0x12b: {  	s0 =	rddreg [dreg:$0x0];
	s2 =	stileid.u32  }
0x12c: {  	s1 =	rddreg [dreg:$0x1];
	p0 =	sne.s32 s2, $0x0  }
0x12d: {  	s3 =	rddreg [dreg:$0x2];
	[bflag:$0x3] =	sbarrier.arrive $0xFFFF;
	s2 =	simm.s32 @!p0 $0x1C11  }
0x12e: {  	[timem:s3], [sflag:s2] =	dma.local @!p0 [hbm:s0], s1  }
0x12f: {  	s0 =	simm.s32 @!p0 $0x11  }
0x130: {  	_ =	swait.ge @!p0 [sflag:s0], s1  }
0x131: {  	s1 =	ssub.s32 @!p0 $0x0, s1;
	[sflag:s0] =	ssyncset.done @!p0 $0x0  }
0x132: {  	[sflag:s0] =	ssyncadd.s32 @!p0 s1  }
0x133: {  	[bflag:$0x3] =	sbarrier.arrive $0xFFFF  }
0x134: {  	_ =	shalt  }

// kernel: kernel.15.cloned.1.call-start
scs
__scs_entry_jumppad:
0x0: {  	(pc) =	sbr.rel $0x88, $3  }
0x1: {  	(tag) =	ssettag $0x0;
	lr =	simm.s32 $0x1  }
0x2: {  	[smem:$0x3F94] =	sst lr;
	_ =	strace $0xD0000000  }
0x3: {  	_ = 	snop  }
0x4: {  	_ = 	snop  }
0x5: {  	_ = 	snop  }
0x6: {  	_ = 	snop  }
0x7: {  	_ = 	snop  }
__scs_overlays_trampoline_lowered:
0x8: {  	[smem:$0x3FA3] =	sst s0  }
0x9: {  	[smem:$0x3FA4] =	sst s1  }
0xa: {  	[smem:$0x3FA5] =	sst s2  }
0xb: {  	[smem:$0x3FA6] =	sst s3  }
0xc: {  	[smem:$0x3FA7] =	sst s4  }
0xd: {  	[smem:$0x3FA8] =	sst s5  }
0xe: {  	[smem:$0x3FA9] =	sst s6  }
0xf: {  	[smem:$0x3FAA] =	sst s7  }
0x10: {  	[smem:$0x3FAB] =	sst s8  }
0x11: {  	[smem:$0x3FAC] =	sst s9;
	s0 =	simm.s32 @!p0 $0x0  }
0x12: {  	s1 =	sld [smem:$0x3F92];
	s0 =	simm.s32 @p0 $0x1  }
0x13: {  	[smem:$0x3FAD] =	sst s0;
	s0 =	simm.s32 @!p1 $0x0  }
0x14: {  	s2 =	sld [smem:$0x3F91];
	s0 =	simm.s32 @p1 $0x1  }
0x15: {  	[smem:$0x3FAE] =	sst s0;
	s0 =	simm.s32 @!p2 $0x0  }
0x16: {  	s3 =	sld [smem:$0x3FDB];
	s0 =	simm.s32 @p2 $0x1  }
0x17: {  	s4 =	simm.s32 $0x1BF5;
	[smem:$0x3FB0] =	sst s0  }
0x18: {  	s0 =	sld [smem:$0x3F93];
	_ =	swait.ge [sflag:s4], $0x0  }
0x19: {  	s7 =	sld [smem:$0x3F94]  }
0x1a: {  	s8 =	sadd.s32 $0xFFFFE003, lr  }
0x1b: {  	s9 =	sadd.s32 $0xFFFFFEF7, lr;
	s5 =	simm.s32 $0xFFFFFFFF;
	p2 =	slt.u32 s8, $0xFFFFF086  }
0x1c: {  	p1 =	slt.u32 s9, $0xF7A;
	s5 =	simm.s32 @!p2 $0x0  }
0x1d: {  	s5 =	simm.s32 @p1 $0x1;
	p0 =	seq.s32 s7, s2  }
0x1e: {  	s7 =	smul.u32 @!p0 $0xF7A, s2;
	p2 =	seq.s32 @!p0 s5, $0x0  }
0x1f: {  	s9 =	smul.u32 $0xF7A, s1;
	s8 =	simm.s32 @!p0 $0x1BF5;
	p2 =	por !p2, p0  }
0x20: {  	[sflag:s8] =	ssyncset.s32 @!p0 $0xFFFFF086;
	s6 =	sadd.s32 @!p0 s3, s7;
	s7 =	simm.s32 @!p0 $0x108  }
0x21: {  	s3 =	sadd.s32 s3, s9;
	s6 =	sadd.s32 @!p0 $0x88, s6;
	s7 =	simm.s32 @p2 $0x1082  }
0x22: {  	[simem:s7], [sflag:s8] =	dma.local @!p0 [hbm:s6], $0xF7A  }
0x23: {  	s9 =	sor.u32 $0xD0000000, s2;
	s6 =	simm.s32 $0x108;
	_ =	swait.ge @!p0 [sflag:s8], $0x0  }
0x24: {  	s3 =	sadd.s32 $0x88, s3;
	s6 =	simm.s32 @!p1 $0x1082;
	[sflag:s4] =	ssyncset.s32 $0xFFFFF086  }
0x25: {  	[simem:s6], [sflag:s4] =	dma.local [hbm:s3], $0xF7A  }
0x26: {  	[smem:$0x3F94] =	sst s1;
	(tag) =	ssettag s2;
	_ =	strace s9  }
0x27: {  	s1 =	sld [smem:$0x3FA4]  }
0x28: {  	s2 =	sld [smem:$0x3FA5]  }
0x29: {  	s4 =	sld [smem:$0x3FA7]  }
0x2a: {  	p0 =	seq.s32 s5, $0x0;
	s5 =	sld [smem:$0x3FA8]  }
0x2b: {  	s6 =	sld [smem:$0x3FA9]  }
0x2c: {  	s7 =	sld [smem:$0x3FAA]  }
0x2d: {  	s3 =	simm.s32 $0x108;
	s8 =	sld [smem:$0x3FAB]  }
0x2e: {  	s3 =	simm.s32 @!p0 $0x1082;
	s9 =	sld [smem:$0x3FAC]  }
0x2f: {  	lr =	sadd.s32 s0, s3;
	s0 =	sld [smem:$0x3FA3]  }
0x30: {  	s3 =	sld [smem:$0x3FA6]  }
0x31: {  	[smem:$0x3FAF] =	sst s10  }
0x32: {  	s10 =	sld [smem:$0x3FAD];
	_ =	sdelay $0x3  }
0x33: {  	p0 =	seq.s32 s10, $0x1;
	s10 =	sld [smem:$0x3FAF];
	_ =	sdelay $0x3  }
0x34: {  	[smem:$0x3FAF] =	sst s10  }
0x35: {  	s10 =	sld [smem:$0x3FAE];
	_ =	sdelay $0x3  }
0x36: {  	p1 =	seq.s32 s10, $0x1;
	s10 =	sld [smem:$0x3FAF];
	_ =	sdelay $0x3  }
0x37: {  	[smem:$0x3FAF] =	sst s10  }
0x38: {  	s10 =	sld [smem:$0x3FB0]  }
0x39: {  	_ = 	snop;
	(pc) =	sbr.ind lr, $3  }
0x3a: {  	_ = 	snop  }
0x3b: {  	_ = 	snop  }
0x3c: {  	p2 =	seq.s32 s10, $0x1;
	s10 =	sld [smem:$0x3FAF]  }
0x3d: {  	_ =	shalt  }
0x3e: {  	_ =	shalt  }
0x3f: {  	_ =	shalt  }
0x40: {  	_ =	shalt  }
0x41: {  	_ =	shalt  }
0x42: {  	_ =	shalt  }
0x43: {  	_ =	shalt  }
0x44: {  	_ =	shalt  }
0x45: {  	_ =	shalt  }
0x46: {  	_ =	shalt  }
0x47: {  	_ =	shalt  }
0x48: {  	_ =	shalt  }
0x49: {  	_ =	shalt  }
0x4a: {  	_ =	shalt  }
0x4b: {  	_ =	shalt  }
0x4c: {  	_ =	shalt  }
0x4d: {  	_ =	shalt  }
0x4e: {  	_ =	shalt  }
0x4f: {  	_ =	shalt  }
0x50: {  	_ =	shalt  }
0x51: {  	_ =	shalt  }
0x52: {  	_ =	shalt  }
0x53: {  	_ =	shalt  }
0x54: {  	_ =	shalt  }
0x55: {  	_ =	shalt  }
0x56: {  	_ =	shalt  }
0x57: {  	_ =	shalt  }
0x58: {  	_ =	shalt  }
0x59: {  	_ =	shalt  }
0x5a: {  	_ =	shalt  }
0x5b: {  	_ =	shalt  }
0x5c: {  	_ =	shalt  }
0x5d: {  	_ =	shalt  }
0x5e: {  	_ =	shalt  }
0x5f: {  	_ =	shalt  }
0x60: {  	_ =	shalt  }
0x61: {  	_ =	shalt  }
0x62: {  	_ =	shalt  }
0x63: {  	_ =	shalt  }
0x64: {  	_ =	shalt  }
0x65: {  	_ =	shalt  }
0x66: {  	_ =	shalt  }
0x67: {  	_ =	shalt  }
0x68: {  	_ =	shalt  }
0x69: {  	_ =	shalt  }
0x6a: {  	_ =	shalt  }
0x6b: {  	_ =	shalt  }
0x6c: {  	_ =	shalt  }
0x6d: {  	_ =	shalt  }
0x6e: {  	_ =	shalt  }
0x6f: {  	_ =	shalt  }
0x70: {  	_ =	shalt  }
0x71: {  	_ =	shalt  }
0x72: {  	_ =	shalt  }
0x73: {  	_ =	shalt  }
0x74: {  	_ =	shalt  }
0x75: {  	_ =	shalt  }
0x76: {  	_ =	shalt  }
0x77: {  	_ =	shalt  }
0x78: {  	_ =	shalt  }
0x79: {  	_ =	shalt  }
0x7a: {  	_ =	shalt  }
0x7b: {  	_ =	shalt  }
0x7c: {  	_ =	shalt  }
0x7d: {  	_ =	shalt  }
0x7e: {  	_ =	shalt  }
0x7f: {  	_ =	shalt  }
0x80: {  	_ =	shalt  }
0x81: {  	_ =	shalt  }
0x82: {  	_ =	shalt  }
0x83: {  	_ =	shalt  }
0x84: {  	_ =	shalt  }
0x85: {  	_ =	shalt  }
0x86: {  	_ =	shalt  }
0x87: {  	_ =	shalt  }
.Lfunc_end0:
.L_simem_size_0:
called_computation.2_lowered:
.L_overlay_start_0:
0x88: {  	s2 =	sld [smem:$0x3FD9]  }
0x89: {  	s3 =	sld [smem:$0x3FFE];
	_ =	sdelay $0x1  }
0x8a: {  	s1 =	srdreg.scid  }
0x8b: {  	s0 =	sand.u32 $0x1, s1  }
0x8c: {  	s16 =	sshll.u32 s0, $0xA;
	s2 =	sadd.s32 s3, s2  }
0x8d: {  	s2 =	sadd.s32 s2, s16  }
0x8e: {  	[smem:$0x3FBB] =	sst s2  }
0x8f: {  	_ = 	snop  }
0x90: {  	(tm) =	ssettm $0x1  }
0x91: {  	s17 =	sld [smem:$0x3FFB];
	_ =	sdelay $0x3  }
0x92: {  	_ =	strace s17  }
0x93: {  	s2 =	sld [smem:$0x3FFC];
	_ =	sdelay $0x3  }
0x94: {  	_ =	strace s2  }
0x95: {  	s2 =	sld [smem:$0x3FFD];
	_ =	sdelay $0x3  }
0x96: {  	_ =	strace s2  }
0x97: {  	_ =	strace $0x8FFFFFFF  }
0x98: {  	s18 =	sld [smem:$0x3FDB];
	_ =	sdelay $0x1  }
0x99: {  	s19 =	simm.s32 $_scs_section_size  }
0x9a: {  	s4 =	simm.s32 $_size__tile_overlayer_lowered;
	s5 =	simm.s32 $_tile_overlayer_lowered  }
0x9b: {  	s22 =	simm.s32 $0x1BFF;
	s21 =	sshll.u32 s5, $0x1;
	s2 =	sadd.s32 s19, s18  }
0x9c: {  	s6 =	simm.s32 $0x0;
	s20 =	sshll.u32 s4, $0x1;
	s4 =	sadd.s32 s21, s2  }
0x9d: {  	[timem:s6], [sflag:s22] =	dma.local [hbm:s4], s20  }
0x9e: {  	_ =	swait.ge [sflag:s22], s20  }
0x9f: {  	s3 =	ssub.s32 $0x0, s20;
	[sflag:s22] =	ssyncset.done $0x0  }
0xa0: {  	[sflag:s22] =	ssyncadd.s32 s3;
	_ =	sdelay $0x1  }
0xa1: {  	s23 =	simm.s32 $0x1B8B  }
0xa2: {  	_ =	swait.ge [sflag:s23], $0x1  }
0xa3: {  	[sflag:s23] =	ssyncset.done $0x0  }
0xa4: {  	s25 =	simm.s32 $0x1B8E;
	s24 =	sld [smem:$0x3FFE];
	[sflag:s23] =	ssyncadd.s32 $0xFFFFFFFF  }
0xa5: {  	s26 =	simm.s32 $execute0_lowered;
	[smem:$0x3FD2] =	sst s25  }
0xa6: {  	s4 =	sshll.u32 s26, $0x1;
	_ =	strace $0x8000004C;
	[dreg:$0x1] =	wrdreg $0xFFFFFFFF  }
0xa7: {  	s28 =	simm.s32 $_size_execute0_lowered;
	s2 =	sadd.s32 s2, s4;
	[dreg:$0x0] =	wrdreg $0x0  }
0xa8: {  	s4 =	sshll.u32 s28, $0x1;
	[dreg:$0x2] =	wrdreg s2  }
0xa9: {  	[dreg:$0x3] =	wrdreg s4  }
0xaa: {  	[dreg:$0x4] =	wrdreg $0xC0  }
0xab: {  	_ =	task [dreg:s6], $0x5FFFF  }
0xac: {  	[dreg:$0x1] =	wrdreg $0xFFFFFFFF  }
0xad: {  	[dreg:$0x0] =	wrdreg $0x60  }
0xae: {  	[dreg:$0x2] =	wrdreg s24  }
0xaf: {  	[dreg:$0x3] =	wrdreg $0x0  }
0xb0: {  	[dreg:$0x4] =	wrdreg $0x9  }
0xb1: {  	_ =	task.clear_ibuf [dreg:s6], $0x5FFFF;
	_ =	strace $0x9000004C  }
0xb2: {  	s29 =	simm.s32 $0x9;
	_ =	strace $0x8000004E  }
0xb3: {  	_ =	swait.ge [sflag:s29], $0x1  }
0xb4: {  	[sflag:s29] =	ssyncadd.s32 $0xFFFFFFFF  }
0xb5: {  	_ =	strace $0x9000004E  }
0xb6: {  	_ =	sfence  }
0xb7: {  	s30 =	sld [smem:$0x0];
	_ =	sdelay $0x2  }
0xb8: {  	s31 =	sshll.u32 s1, $0xD;
	s1 =	sshrl.u32 s1, $0x2  }
0xb9: {  	s3 =	sand.u32 $0x4000, s31;
	s1 =	sadd.s32 s1, s30  }
0xba: {  	s0 =	sor.u32 s3, s0;
	s1 =	sshll.u32 s1, $0x11  }
0xbb: {  	s0 =	sor.u32 s1, s0  }
0xbc: {  	s0 =	sadd.s32 $0x8F2B, s0  }
0xbd: {  	[sflag:s0] =	ssyncadd.remote.s32 $0x1  }
0xbe: {  	_ =	sfence.sel $0xFFFF  }
0xbf: {  	[dreg:$0x0] =	wrdreg $0xFFFFFFFF;
	(pc) =	sbr.abs _section_cstart, $3  }
0xc0: {  	[dreg:$0x1] =	wrdreg $0xFFFFFFFF  }
0xc1: {  	_ =	task.clear_ibuf [dreg:s6], $0x2FFFF;
	_ =	strace $0x9FFFFFFF  }
0xc2: {  	(tm) =	ssettm $0x7FFFFFFF  }
0xc3: {  	_ =	shalt  }
tec
execute0_lowered:
.L_overlay_start_1:
0x0: {  	(tag) =	ssettag $0x1  }
0x1: {  	s0 =	rddreg [dreg:$0x0];
	s7 =	stileid.u32  }
0x2: {  	s2 =	srdreg.scid;
	s31 =	smul.u32 $0x2800, s7  }
0x3: {  	s1 =	rddreg [dreg:$0x1];
	s6 =	smul.u32 $0xA00, s7  }
0x4: {  	s5 =	simm.s32 $0x0;
	s2 =	sand.u32 $0x1, s2;
	s7 =	smul.u32 $0xA000, s7  }
0x5: {  	[smem:$0x7FF] =	sst s5;
	s3 =	smul.u32 $0x4E20, s2  }
0x6: {  	s4 =	smul.u32 $0x28000, s2;
	_ =	strace $0x8000004D;
	s2 =	ssub.s32 $0x2, s2  }
0x7: {  	s6 =	sadd.s32 s6, s0;
	s8 =	sshrl.u32 s2, $0x1;
	s9 =	sshrl.u32 s7, $0x2  }
0x8: {  	s3 =	sadd.s32 s3, s0;
	s4 =	sadd.s32 s31, s4;
	s10 =	sadd.s32 $0x33800, s6  }
0x9: {  	s2 =	ssub.s32 s2, s8;
	s6 =	sadd.s32 $0x29800, s6;
	[dreg:$0x3] =	wrdreg s10  }
0xa: {  	s4 =	sshrl.u32 s4, $0x3;
	[dreg:$0x4] =	wrdreg s6;
	s2 =	smax.u32 s2, $0x1  }
0xb: {  	s0 =	sadd.s32 s4, s0;
	s4 =	sadd.s32 s9, s1;
	[dreg:$0x7] =	wrdreg s2  }
0xc: {  	s0 =	sadd.s32 $0xC400, s0;
	[dreg:$0x5] =	wrdreg s4  }
0xd: {  	s12 =	sadd.s32 $0x200, s4;
	[dreg:$0x6] =	wrdreg s0  }
0xe: {  	s13 =	sadd.s32 $0x400, s4;
	[dreg:$0x8] =	wrdreg s12  }
0xf: {  	s14 =	sadd.s32 $0x600, s4;
	[dreg:$0x9] =	wrdreg s13  }
0x10: {  	s15 =	sadd.s32 $0x800, s4;
	[dreg:$0xa] =	wrdreg s14  }
0x11: {  	s16 =	sadd.s32 $0xA00, s4;
	[dreg:$0xb] =	wrdreg s15  }
0x12: {  	s17 =	sadd.s32 $0xC00, s4;
	[dreg:$0xc] =	wrdreg s16  }
0x13: {  	s18 =	sadd.s32 $0xE00, s4;
	[dreg:$0xd] =	wrdreg s17  }
0x14: {  	s19 =	sadd.s32 $0x1000, s4;
	[dreg:$0xe] =	wrdreg s18  }
0x15: {  	s20 =	sadd.s32 $0x1200, s4;
	[dreg:$0xf] =	wrdreg s19  }
0x16: {  	s21 =	sadd.s32 $0x1400, s4;
	[dreg:$0x10] =	wrdreg s20  }
0x17: {  	s22 =	sadd.s32 $0x1600, s4;
	[dreg:$0x11] =	wrdreg s21  }
0x18: {  	s5 =	simm.s32 $0x80;
	s23 =	sadd.s32 $0x1800, s4;
	[dreg:$0x12] =	wrdreg s22  }
0x19: {  	s11 =	sadd.s32 s31, s1;
	s24 =	sadd.s32 $0x1A00, s4;
	[dreg:$0x13] =	wrdreg s23  }
0x1a: {  	s8 =	simm.s32 $0x7800;
	s25 =	sadd.s32 $0x1C00, s4;
	[dreg:$0x14] =	wrdreg s24  }
0x1b: {  	s7 =	sadd.s32 $0x2600, s3;
	s26 =	sadd.s32 $0x1E00, s4;
	[dreg:$0x15] =	wrdreg s25  }
0x1c: {  	s3 =	simm.s32 $0x1;
	s28 =	sadd.s32 $0x2000, s4;
	[dreg:$0x16] =	wrdreg s26  }
0x1d: {  	s10 =	simm.s32 $0x8800;
	s29 =	sadd.s32 $0x2200, s4;
	[dreg:$0x18] =	wrdreg s28  }
0x1e: {  	s2 =	simm.s32 $0x10800;
	s30 =	sadd.s32 $0x2400, s4;
	[dreg:$0x19] =	wrdreg s29  }
0x1f: {  	s9 =	simm.s32 $0x8000;
	s31 =	sadd.s32 $0x2600, s4;
	[dreg:$0x1a] =	wrdreg s30  }
0x20: {  	s4 =	simm.s32 $0x2;
	s0 =	sshrl.u32 s11, $0x3;
	[dreg:$0x1b] =	wrdreg s31  }
.Ltmp0:
0x21: {  	s11 =	simm.s32 $0x9800;
	s12 =	simm.s32 $0xA000;
	(pc) =	sbr.rel .LBB2_1-.Ltmp0, $4  }
0x22: {  	s13 =	simm.s32 $0xA800;
	s14 =	simm.s32 $0xB000;
	s15 =	simm.s32 $0x3  }
0x23: {  	s16 =	simm.s32 $0x5;
	s17 =	simm.s32 $0x7;
	s18 =	simm.s32 $0x8  }
0x24: {  	s22 =	simm.s32 $0xD;
	s23 =	simm.s32 $0xE;
	s25 =	simm.s32 $0x11  }
0x25: {  	v0 =	vimm.f32 $0.0e+00;
	s26 =	simm.s32 $0x0;
	[dreg:$0x17] =	wrdreg s0;
	s0 =	simm.s32 $0x9  }
.LBB2_4:
0x26: {  	_ =	swait.ge [sflag:s18], $0x800  }
0x27: {  	[sflag:s18] =	ssyncset.done $0x0  }
0x28: {  	[sflag:s18] =	ssyncadd.s32 $0xFFFFF800  }
0x29: {  	[spmem:s1] =	stream.indirect.scatter.add.f32 [tilespmem:s14], [sflag:$0x10], $0x10, s30, s5, $0xb8;
	[tilespmem:$0x10A00] =	vst v63  }
0x2a: {  	_ =	swait.ge [sflag:s0], $0x800  }
0x2b: {  	[sflag:s0] =	ssyncset.done $0x0  }
0x2c: {  	s6 =	simm.s32 $0xA;
	[sflag:s0] =	ssyncadd.s32 $0xFFFFF800  }
0x2d: {  	_ =	swait.ge [sflag:s6], $0x800  }
0x2e: {  	[sflag:s6] =	ssyncset.done $0x0  }
0x2f: {  	s21 =	simm.s32 $0xB;
	[sflag:s6] =	ssyncadd.s32 $0xFFFFF800  }
0x30: {  	_ =	swait.ge [sflag:s21], $0x800  }
0x31: {  	[sflag:s21] =	ssyncset.done $0x0  }
0x32: {  	s24 =	simm.s32 $0xC;
	[sflag:s21] =	ssyncadd.s32 $0xFFFFF800  }
0x33: {  	_ =	swait.ge [sflag:s24], $0x800  }
0x34: {  	[sflag:s24] =	ssyncset.done $0x0  }
0x35: {  	[sflag:s24] =	ssyncadd.s32 $0xFFFFF800  }
0x36: {  	_ =	swait.ge [sflag:s22], $0x800  }
0x37: {  	[sflag:s22] =	ssyncset.done $0x0  }
0x38: {  	[sflag:s22] =	ssyncadd.s32 $0xFFFFF800  }
0x39: {  	_ =	swait.ge [sflag:s23], $0x800  }
0x3a: {  	[sflag:s23] =	ssyncset.done $0x0  }
0x3b: {  	s28 =	simm.s32 $0xF;
	[sflag:s23] =	ssyncadd.s32 $0xFFFFF800  }
0x3c: {  	_ =	swait.ge [sflag:s28], $0x800  }
0x3d: {  	[sflag:s28] =	ssyncset.done $0x0  }
0x3e: {  	s29 =	simm.s32 $0x10;
	[sflag:s28] =	ssyncadd.s32 $0xFFFFF800  }
0x3f: {  	_ =	swait.ge [sflag:s29], $0x800  }
0x40: {  	[sflag:s29] =	ssyncset.done $0x0  }
0x41: {  	[sflag:s29] =	ssyncadd.s32 $0xFFFFF800  }
0x42: {  	s30 =	stileid.u32;
	[bflag:$0x0] =	sbarrier.arrive $0xFFFF  }
0x43: {  	s6 =	sshll.u32 s30, $0x6;
	s19 =	rddreg [dreg:$0x6]  }
0x44: {  	s6 =	sor.u32 $0x1C11, s6;
	s20 =	rddreg [dreg:$0x17]  }
0x45: {  	[hbm:s19], [sflag:s6] =	dma.local [spmem:s20], $0x500  }
0x46: {  	_ =	swait.ge [sflag:s25], $0x500  }
0x47: {  	s26 =	sadd.s32 $0x1, s26;
	s31 =	rddreg [dreg:$0x7]  }
0x48: {  	p0 =	sne.s32 s26, s31  }
.Ltmp1:
0x49: {  	_ = 	snop;
	(pc) =	sbr.rel @!p0 .LBB2_5-.Ltmp1, $3  }
0x4a: {  	_ =	sdelay $0x1  }
0x4b: {  	[sflag:s25] =	ssyncset.done $0x0  }
0x4c: {  	[sflag:s25] =	ssyncadd.s32 $0xFFFFFB00  }
.LBB2_1:
0x4d: {  	s6 =	simm.s32 $0x0;
	s19 =	rddreg [dreg:$0x3];
	s20 =	simm.s32 $0xB800  }
0x4e: {  	[tilespmem:s20], [sflag:$0x1] =	stream.linear.gather [hbm4b:s19+s6], $0x5000, $0x38;
	[tilespmem:$0x10A00] =	vst v63  }
0x4f: {  	s30 =	rddreg [dreg:$0x4];
	s21 =	simm.s32 $0x2800  }
0x50: {  	[tilespmem:s21], [sflag:$0x2] =	stream.linear.gather [hbm4b:s30+s6], $0x5000, $0x38;
	[tilespmem:$0x10A00] =	vst v63  }
0x51: {  	[tilespmem:$0x10800] =	vst v0  }
0x52: {  	[tilespmem:$0x10810] =	vst v0  }
0x53: {  	[tilespmem:$0x10820] =	vst v0  }
0x54: {  	[tilespmem:$0x10830] =	vst v0  }
0x55: {  	[tilespmem:$0x10840] =	vst v0  }
0x56: {  	[tilespmem:$0x10850] =	vst v0  }
0x57: {  	[tilespmem:$0x10860] =	vst v0  }
0x58: {  	[tilespmem:$0x10870] =	vst v0  }
0x59: {  	[tilespmem:$0x10880] =	vst v0  }
0x5a: {  	[tilespmem:$0x10890] =	vst v0  }
0x5b: {  	[tilespmem:$0x108A0] =	vst v0  }
0x5c: {  	[tilespmem:$0x108B0] =	vst v0  }
0x5d: {  	[tilespmem:$0x108C0] =	vst v0  }
0x5e: {  	[tilespmem:$0x108D0] =	vst v0  }
0x5f: {  	[tilespmem:$0x108E0] =	vst v0  }
0x60: {  	[tilespmem:$0x108F0] =	vst v0  }
0x61: {  	[tilespmem:$0x10900] =	vst v0  }
0x62: {  	[tilespmem:$0x10910] =	vst v0  }
0x63: {  	[tilespmem:$0x10920] =	vst v0  }
0x64: {  	[tilespmem:$0x10930] =	vst v0  }
0x65: {  	[tilespmem:$0x10940] =	vst v0  }
0x66: {  	[tilespmem:$0x10950] =	vst v0  }
0x67: {  	[tilespmem:$0x10960] =	vst v0  }
0x68: {  	[tilespmem:$0x10970] =	vst v0  }
0x69: {  	[tilespmem:$0x10980] =	vst v0  }
0x6a: {  	[tilespmem:$0x10990] =	vst v0  }
0x6b: {  	[tilespmem:$0x109A0] =	vst v0  }
0x6c: {  	[tilespmem:$0x109B0] =	vst v0  }
0x6d: {  	[tilespmem:$0x109C0] =	vst v0  }
0x6e: {  	[tilespmem:$0x109D0] =	vst v0  }
0x6f: {  	[tilespmem:$0x109E0] =	vst v0  }
0x70: {  	s31 =	rddreg [dreg:$0x5];
	[tilespmem:$0x109F0] =	vst v0  }
0x71: {  	[spmem:s31] =	stream.linear.scatter [tilespmem:s2], [sflag:$0x9], $0x200, $0x38;
	[tilespmem:$0x10A00] =	vst v63  }
0x72: {  	s19 =	rddreg [dreg:$0x8]  }
0x73: {  	[spmem:s19] =	stream.linear.scatter [tilespmem:s2], [sflag:$0x9], $0x200, $0x38;
	[tilespmem:$0x10A00] =	vst v63  }
0x74: {  	s21 =	rddreg [dreg:$0x9]  }
0x75: {  	[spmem:s21] =	stream.linear.scatter [tilespmem:s2], [sflag:$0x9], $0x200, $0x38;
	[tilespmem:$0x10A00] =	vst v63  }
0x76: {  	s24 =	rddreg [dreg:$0xa]  }
0x77: {  	[spmem:s24] =	stream.linear.scatter [tilespmem:s2], [sflag:$0x9], $0x200, $0x38;
	[tilespmem:$0x10A00] =	vst v63  }
0x78: {  	s29 =	rddreg [dreg:$0xb]  }
0x79: {  	[spmem:s29] =	stream.linear.scatter [tilespmem:s2], [sflag:$0x9], $0x200, $0x38;
	[tilespmem:$0x10A00] =	vst v63  }
0x7a: {  	s30 =	rddreg [dreg:$0xc]  }
0x7b: {  	[spmem:s30] =	stream.linear.scatter [tilespmem:s2], [sflag:$0x9], $0x200, $0x38;
	[tilespmem:$0x10A00] =	vst v63  }
0x7c: {  	s31 =	rddreg [dreg:$0xd]  }
0x7d: {  	[spmem:s31] =	stream.linear.scatter [tilespmem:s2], [sflag:$0x9], $0x200, $0x38;
	[tilespmem:$0x10A00] =	vst v63  }
0x7e: {  	s19 =	rddreg [dreg:$0xe]  }
0x7f: {  	[spmem:s19] =	stream.linear.scatter [tilespmem:s2], [sflag:$0x9], $0x200, $0x38;
	[tilespmem:$0x10A00] =	vst v63  }
0x80: {  	s21 =	rddreg [dreg:$0xf]  }
0x81: {  	[spmem:s21] =	stream.linear.scatter [tilespmem:s2], [sflag:$0x9], $0x200, $0x38;
	[tilespmem:$0x10A00] =	vst v63  }
0x82: {  	s24 =	rddreg [dreg:$0x10]  }
0x83: {  	[spmem:s24] =	stream.linear.scatter [tilespmem:s2], [sflag:$0x9], $0x200, $0x38;
	[tilespmem:$0x10A00] =	vst v63  }
0x84: {  	s29 =	rddreg [dreg:$0x11]  }
0x85: {  	[spmem:s29] =	stream.linear.scatter [tilespmem:s2], [sflag:$0x9], $0x200, $0x38;
	[tilespmem:$0x10A00] =	vst v63  }
0x86: {  	s30 =	rddreg [dreg:$0x12]  }
0x87: {  	[spmem:s30] =	stream.linear.scatter [tilespmem:s2], [sflag:$0x9], $0x200, $0x38;
	[tilespmem:$0x10A00] =	vst v63  }
0x88: {  	s31 =	rddreg [dreg:$0x13]  }
0x89: {  	[spmem:s31] =	stream.linear.scatter [tilespmem:s2], [sflag:$0x9], $0x200, $0x38;
	[tilespmem:$0x10A00] =	vst v63  }
0x8a: {  	s19 =	rddreg [dreg:$0x14]  }
0x8b: {  	[spmem:s19] =	stream.linear.scatter [tilespmem:s2], [sflag:$0x9], $0x200, $0x38;
	[tilespmem:$0x10A00] =	vst v63  }
0x8c: {  	s21 =	rddreg [dreg:$0x15]  }
0x8d: {  	[spmem:s21] =	stream.linear.scatter [tilespmem:s2], [sflag:$0x9], $0x200, $0x38;
	[tilespmem:$0x10A00] =	vst v63  }
0x8e: {  	s24 =	rddreg [dreg:$0x16]  }
0x8f: {  	[spmem:s24] =	stream.linear.scatter [tilespmem:s2], [sflag:$0x9], $0x200, $0x38;
	[tilespmem:$0x10A00] =	vst v63  }
0x90: {  	s29 =	rddreg [dreg:$0x18]  }
0x91: {  	[spmem:s29] =	stream.linear.scatter [tilespmem:s2], [sflag:$0x9], $0x200, $0x38;
	[tilespmem:$0x10A00] =	vst v63  }
0x92: {  	s30 =	rddreg [dreg:$0x19]  }
0x93: {  	[spmem:s30] =	stream.linear.scatter [tilespmem:s2], [sflag:$0x9], $0x200, $0x38;
	[tilespmem:$0x10A00] =	vst v63  }
0x94: {  	s31 =	rddreg [dreg:$0x1a]  }
0x95: {  	[spmem:s31] =	stream.linear.scatter [tilespmem:s2], [sflag:$0x9], $0x200, $0x38;
	[tilespmem:$0x10A00] =	vst v63  }
0x96: {  	s19 =	rddreg [dreg:$0x1b]  }
0x97: {  	[spmem:s19] =	stream.linear.scatter [tilespmem:s2], [sflag:$0x9], $0x200, $0x38;
	[tilespmem:$0x10A00] =	vst v63  }
0x98: {  	_ =	swait.ge [sflag:s0], $0x200  }
0x99: {  	[sflag:s0] =	ssyncset.done $0x0  }
0x9a: {  	[sflag:s0] =	ssyncadd.s32 $0xFFFFFE00  }
0x9b: {  	_ =	swait.ge [sflag:s0], $0x200  }
0x9c: {  	[sflag:s0] =	ssyncset.done $0x0  }
0x9d: {  	[sflag:s0] =	ssyncadd.s32 $0xFFFFFE00  }
0x9e: {  	_ =	swait.ge [sflag:s0], $0x200  }
0x9f: {  	[sflag:s0] =	ssyncset.done $0x0  }
0xa0: {  	[sflag:s0] =	ssyncadd.s32 $0xFFFFFE00  }
0xa1: {  	_ =	swait.ge [sflag:s0], $0x200  }
0xa2: {  	[sflag:s0] =	ssyncset.done $0x0  }
0xa3: {  	[sflag:s0] =	ssyncadd.s32 $0xFFFFFE00  }
0xa4: {  	_ =	swait.ge [sflag:s0], $0x200  }
0xa5: {  	[sflag:s0] =	ssyncset.done $0x0  }
0xa6: {  	[sflag:s0] =	ssyncadd.s32 $0xFFFFFE00  }
0xa7: {  	_ =	swait.ge [sflag:s0], $0x200  }
0xa8: {  	[sflag:s0] =	ssyncset.done $0x0  }
0xa9: {  	[sflag:s0] =	ssyncadd.s32 $0xFFFFFE00  }
0xaa: {  	_ =	swait.ge [sflag:s0], $0x200  }
0xab: {  	[sflag:s0] =	ssyncset.done $0x0  }
0xac: {  	[sflag:s0] =	ssyncadd.s32 $0xFFFFFE00  }
0xad: {  	_ =	swait.ge [sflag:s0], $0x200  }
0xae: {  	[sflag:s0] =	ssyncset.done $0x0  }
0xaf: {  	[sflag:s0] =	ssyncadd.s32 $0xFFFFFE00  }
0xb0: {  	_ =	swait.ge [sflag:s0], $0x200  }
0xb1: {  	[sflag:s0] =	ssyncset.done $0x0  }
0xb2: {  	[sflag:s0] =	ssyncadd.s32 $0xFFFFFE00  }
0xb3: {  	_ =	swait.ge [sflag:s0], $0x200  }
0xb4: {  	[sflag:s0] =	ssyncset.done $0x0  }
0xb5: {  	[sflag:s0] =	ssyncadd.s32 $0xFFFFFE00  }
0xb6: {  	_ =	swait.ge [sflag:s0], $0x200  }
0xb7: {  	[sflag:s0] =	ssyncset.done $0x0  }
0xb8: {  	[sflag:s0] =	ssyncadd.s32 $0xFFFFFE00  }
0xb9: {  	_ =	swait.ge [sflag:s0], $0x200  }
0xba: {  	[sflag:s0] =	ssyncset.done $0x0  }
0xbb: {  	[sflag:s0] =	ssyncadd.s32 $0xFFFFFE00  }
0xbc: {  	_ =	swait.ge [sflag:s0], $0x200  }
0xbd: {  	[sflag:s0] =	ssyncset.done $0x0  }
0xbe: {  	[sflag:s0] =	ssyncadd.s32 $0xFFFFFE00  }
0xbf: {  	_ =	swait.ge [sflag:s0], $0x200  }
0xc0: {  	[sflag:s0] =	ssyncset.done $0x0  }
0xc1: {  	[sflag:s0] =	ssyncadd.s32 $0xFFFFFE00  }
0xc2: {  	_ =	swait.ge [sflag:s0], $0x200  }
0xc3: {  	[sflag:s0] =	ssyncset.done $0x0  }
0xc4: {  	[sflag:s0] =	ssyncadd.s32 $0xFFFFFE00  }
0xc5: {  	_ =	swait.ge [sflag:s0], $0x200  }
0xc6: {  	[sflag:s0] =	ssyncset.done $0x0  }
0xc7: {  	[sflag:s0] =	ssyncadd.s32 $0xFFFFFE00  }
0xc8: {  	_ =	swait.ge [sflag:s0], $0x200  }
0xc9: {  	[sflag:s0] =	ssyncset.done $0x0  }
0xca: {  	[sflag:s0] =	ssyncadd.s32 $0xFFFFFE00  }
0xcb: {  	_ =	swait.ge [sflag:s0], $0x200  }
0xcc: {  	[sflag:s0] =	ssyncset.done $0x0  }
0xcd: {  	[sflag:s0] =	ssyncadd.s32 $0xFFFFFE00  }
0xce: {  	_ =	swait.ge [sflag:s0], $0x200  }
0xcf: {  	[sflag:s0] =	ssyncset.done $0x0  }
0xd0: {  	[sflag:s0] =	ssyncadd.s32 $0xFFFFFE00  }
0xd1: {  	_ =	swait.ge [sflag:s0], $0x200  }
0xd2: {  	[sflag:s0] =	ssyncset.done $0x0  }
0xd3: {  	[sflag:s0] =	ssyncadd.s32 $0xFFFFFE00  }
0xd4: {  	_ =	swait.ge [sflag:s3], $0x5000  }
0xd5: {  	[sflag:s3] =	ssyncset.done $0x0  }
0xd6: {  	[sflag:s3] =	ssyncadd.s32 $0xFFFFB000  }
0xd7: {  	_ =	swait.ge [sflag:s4], $0x5000  }
0xd8: {  	[sflag:s4] =	ssyncset.done $0x0  }
0xd9: {  	[sflag:s4] =	ssyncadd.s32 $0xFFFFB000  }
0xda: {  	[tilespmem:s8], [sflag:$0x1] =	stream.indirect.gather [hbm4b:s7+s5], $0x10, s20, s5, $0xb8;
	[tilespmem:$0x10A00] =	vst v63  }
0xdb: {  	s20 =	simm.s32 $0xB880  }
0xdc: {  	[tilespmem:s9], [sflag:$0x2] =	stream.indirect.gather [hbm4b:s7+s5], $0x10, s20, s5, $0xb8;
	[tilespmem:$0x10A00] =	vst v63  }
0xdd: {  	s21 =	simm.s32 $0xB900  }
0xde: {  	[tilespmem:s10], [sflag:$0x3] =	stream.indirect.gather [hbm4b:s7+s5], $0x10, s21, s5, $0xb8;
	[tilespmem:$0x10A00] =	vst v63  }
0xdf: {  	s24 =	simm.s32 $0xB980;
	s29 =	simm.s32 $0x9000  }
0xe0: {  	[tilespmem:s29], [sflag:$0x4] =	stream.indirect.gather [hbm4b:s7+s5], $0x10, s24, s5, $0xb8;
	[tilespmem:$0x10A00] =	vst v63  }
0xe1: {  	s30 =	simm.s32 $0xBA00  }
0xe2: {  	[tilespmem:s11], [sflag:$0x5] =	stream.indirect.gather [hbm4b:s7+s5], $0x10, s30, s5, $0xb8;
	[tilespmem:$0x10A00] =	vst v63  }
0xe3: {  	s31 =	simm.s32 $0xBA80  }
0xe4: {  	[tilespmem:s12], [sflag:$0x6] =	stream.indirect.gather [hbm4b:s7+s5], $0x10, s31, s5, $0xb8;
	[tilespmem:$0x10A00] =	vst v63  }
0xe5: {  	s28 =	simm.s32 $0x0;
	[bflag:$0x0] =	sbarrier.arrive $0xFFFF  }
.LBB2_2:
0xe6: {  	_ =	swait.ge [sflag:s3], $0x800  }
0xe7: {  	s29 =	sshra.s32 s28, $0x2;
	[sflag:s3] =	ssyncset.done $0x0  }
0xe8: {  	p0 =	seq.s32 s28, $0x0;
	s30 =	sadd.s32 $0x2800, s29;
	[sflag:s3] =	ssyncadd.s32 $0xFFFFF800  }
0xe9: {  	[spmem:s1] =	stream.indirect.scatter.add.f32 [tilespmem:s8], [sflag:$0x9], $0x10, s30, s5, $0xb8;
	[tilespmem:$0x10A00] =	vst v63  }
0xea: {  	s30 =	simm.s32 @!p0 $0xF  }
0xeb: {  	_ =	swait.ge @!p0 [sflag:s30], $0x800  }
0xec: {  	[sflag:s30] =	ssyncset.done @!p0 $0x0  }
0xed: {  	[sflag:s30] =	ssyncadd.s32 @!p0 $0xFFFFF800;
	s30 =	sadd.s32 $0xBB00, s29  }
0xee: {  	[tilespmem:s13], [sflag:$0x7] =	stream.indirect.gather [hbm4b:s7+s5], $0x10, s30, s5, $0xb8;
	[tilespmem:$0x10A00] =	vst v63  }
0xef: {  	_ =	swait.ge [sflag:s4], $0x800  }
0xf0: {  	[sflag:s4] =	ssyncset.done $0x0  }
0xf1: {  	s30 =	sadd.s32 $0x2880, s29;
	[sflag:s4] =	ssyncadd.s32 $0xFFFFF800  }
0xf2: {  	[spmem:s1] =	stream.indirect.scatter.add.f32 [tilespmem:s9], [sflag:$0xA], $0x10, s30, s5, $0xb8;
	[tilespmem:$0x10A00] =	vst v63  }
0xf3: {  	s30 =	simm.s32 @!p0 $0x10  }
0xf4: {  	_ =	swait.ge @!p0 [sflag:s30], $0x800  }
0xf5: {  	[sflag:s30] =	ssyncset.done @!p0 $0x0  }
0xf6: {  	[sflag:s30] =	ssyncadd.s32 @!p0 $0xFFFFF800;
	s30 =	sadd.s32 $0xBB80, s29  }
0xf7: {  	[tilespmem:s14], [sflag:$0x8] =	stream.indirect.gather [hbm4b:s7+s5], $0x10, s30, s5, $0xb8;
	[tilespmem:$0x10A00] =	vst v63  }
0xf8: {  	_ =	swait.ge [sflag:s15], $0x800  }
0xf9: {  	[sflag:s15] =	ssyncset.done $0x0  }
0xfa: {  	p0 =	seq.s32 s28, $0x13000;
	s30 =	sadd.s32 $0x2900, s29;
	[sflag:s15] =	ssyncadd.s32 $0xFFFFF800  }
0xfb: {  	[spmem:s1] =	stream.indirect.scatter.add.f32 [tilespmem:s10], [sflag:$0xB], $0x10, s30, s5, $0xb8;
	[tilespmem:$0x10A00] =	vst v63  }
0xfc: {  	s30 =	simm.s32 @p0 $0x4  }
0xfd: {  	_ =	swait.ge @p0 [sflag:s30], $0x800  }
0xfe: {  	[sflag:s30] =	ssyncset.done @p0 $0x0  }
0xff: {  	[sflag:s30] =	ssyncadd.s32 @p0 $0xFFFFF800;
	s30 =	sshra.s32 @p0 s28, $0x2  }
0x100: {  	s19 =	simm.s32 @p0 $0x80;
	s20 =	simm.s32 @p0 $0x9000;
	s6 =	sadd.s32 @p0 $0x2980, s30  }
0x101: {  	[spmem:s1] =	stream.indirect.scatter.add.f32 @p0 [tilespmem:s20], [sflag:$0xC], $0x10, s6, s19, $0xb8;
	[tilespmem:$0x10A00] =	vst v63  }
0x102: {  	s6 =	simm.s32 @!p0 $0x9  }
0x103: {  	_ =	swait.ge @!p0 [sflag:s6], $0x800  }
0x104: {  	[sflag:s6] =	ssyncset.done @!p0 $0x0  }
0x105: {  	[sflag:s6] =	ssyncadd.s32 @!p0 $0xFFFFF800;
	s6 =	sshra.s32 @!p0 s28, $0x2  }
0x106: {  	s21 =	simm.s32 @!p0 $0x80;
	s24 =	simm.s32 @!p0 $0x7800;
	s20 =	sadd.s32 @!p0 $0xBC00, s6  }
0x107: {  	[tilespmem:s24], [sflag:$0x1] =	stream.indirect.gather @!p0 [hbm4b:s7+s21], $0x10, s20, s21, $0xb8;
	[tilespmem:$0x10A00] =	vst v63  }
0x108: {  	s20 =	simm.s32 @!p0 $0x4  }
0x109: {  	_ =	swait.ge @!p0 [sflag:s20], $0x800  }
0x10a: {  	[sflag:s20] =	ssyncset.done @!p0 $0x0  }
0x10b: {  	s24 =	simm.s32 @!p0 $0x9000;
	[sflag:s20] =	ssyncadd.s32 @!p0 $0xFFFFF800;
	s20 =	sadd.s32 @!p0 $0x2980, s6  }
0x10c: {  	[spmem:s1] =	stream.indirect.scatter.add.f32 @!p0 [tilespmem:s24], [sflag:$0xC], $0x10, s20, s21, $0xb8;
	[tilespmem:$0x10A00] =	vst v63  }
0x10d: {  	s20 =	simm.s32 @!p0 $0xA  }
0x10e: {  	_ =	swait.ge @!p0 [sflag:s20], $0x800  }
0x10f: {  	[sflag:s20] =	ssyncset.done @!p0 $0x0  }
0x110: {  	s31 =	simm.s32 @!p0 $0x8000;
	[sflag:s20] =	ssyncadd.s32 @!p0 $0xFFFFF800;
	s20 =	sadd.s32 @!p0 $0xBC80, s6  }
0x111: {  	[tilespmem:s31], [sflag:$0x2] =	stream.indirect.gather @!p0 [hbm4b:s7+s21], $0x10, s20, s21, $0xb8;
	[tilespmem:$0x10A00] =	vst v63  }
0x112: {  	_ =	swait.ge [sflag:s16], $0x800  }
0x113: {  	[sflag:s16] =	ssyncset.done $0x0  }
0x114: {  	s31 =	sadd.s32 $0x2A00, s29;
	s20 =	simm.s32 @p0 $0x6;
	[sflag:s16] =	ssyncadd.s32 $0xFFFFF800  }
0x115: {  	[spmem:s1] =	stream.indirect.scatter.add.f32 [tilespmem:s11], [sflag:$0xD], $0x10, s31, s5, $0xb8;
	[tilespmem:$0x10A00] =	vst v63  }
0x116: {  	_ =	swait.ge @p0 [sflag:s20], $0x800  }
0x117: {  	[sflag:s20] =	ssyncset.done @p0 $0x0  }
0x118: {  	[sflag:s20] =	ssyncadd.s32 @p0 $0xFFFFF800;
	s20 =	sadd.s32 @p0 $0x2A80, s30;
	s30 =	simm.s32 @p0 $0xA000  }
0x119: {  	[spmem:s1] =	stream.indirect.scatter.add.f32 @p0 [tilespmem:s30], [sflag:$0xE], $0x10, s20, s19, $0xb8;
	[tilespmem:$0x10A00] =	vst v63  }
0x11a: {  	s19 =	simm.s32 @!p0 $0xB  }
0x11b: {  	_ =	swait.ge @!p0 [sflag:s19], $0x800  }
0x11c: {  	[sflag:s19] =	ssyncset.done @!p0 $0x0  }
0x11d: {  	s20 =	simm.s32 @!p0 $0x8800;
	[sflag:s19] =	ssyncadd.s32 @!p0 $0xFFFFF800;
	s19 =	sadd.s32 @!p0 $0xBD00, s6  }
0x11e: {  	[tilespmem:s20], [sflag:$0x3] =	stream.indirect.gather @!p0 [hbm4b:s7+s21], $0x10, s19, s21, $0xb8;
	[tilespmem:$0x10A00] =	vst v63  }
0x11f: {  	s19 =	simm.s32 @!p0 $0x6  }
0x120: {  	_ =	swait.ge @!p0 [sflag:s19], $0x800  }
0x121: {  	[sflag:s19] =	ssyncset.done @!p0 $0x0  }
0x122: {  	s20 =	simm.s32 @!p0 $0xA000;
	[sflag:s19] =	ssyncadd.s32 @!p0 $0xFFFFF800;
	s19 =	sadd.s32 @!p0 $0x2A80, s6  }
0x123: {  	[spmem:s1] =	stream.indirect.scatter.add.f32 @!p0 [tilespmem:s20], [sflag:$0xE], $0x10, s19, s21, $0xb8;
	[tilespmem:$0x10A00] =	vst v63  }
0x124: {  	s19 =	simm.s32 @!p0 $0xC  }
0x125: {  	_ =	swait.ge @!p0 [sflag:s19], $0x800  }
0x126: {  	[sflag:s19] =	ssyncset.done @!p0 $0x0  }
0x127: {  	s6 =	sadd.s32 @!p0 $0xBD80, s6;
	[sflag:s19] =	ssyncadd.s32 @!p0 $0xFFFFF800  }
0x128: {  	[tilespmem:s24], [sflag:$0x4] =	stream.indirect.gather @!p0 [hbm4b:s7+s21], $0x10, s6, s21, $0xb8;
	[tilespmem:$0x10A00] =	vst v63  }
.Ltmp2:
0x129: {  	_ = 	snop;
	(pc) =	sbr.rel @p0 .LBB2_4-.Ltmp2, $4  }
0x12a: {  	_ =	swait.ge [sflag:s17], $0x800  }
0x12b: {  	[sflag:s17] =	ssyncset.done $0x0  }
0x12c: {  	s31 =	sadd.s32 $0x2B00, s29;
	s30 =	sadd.s32 $0x2B80, s29;
	[sflag:s17] =	ssyncadd.s32 $0xFFFFF800  }
0x12d: {  	[spmem:s1] =	stream.indirect.scatter.add.f32 [tilespmem:s13], [sflag:$0xF], $0x10, s31, s5, $0xb8;
	[tilespmem:$0x10A00] =	vst v63  }
0x12e: {  	_ =	swait.ge [sflag:s22], $0x800  }
0x12f: {  	[sflag:s22] =	ssyncset.done $0x0  }
0x130: {  	s6 =	sadd.s32 $0xBE00, s29;
	[sflag:s22] =	ssyncadd.s32 $0xFFFFF800  }
0x131: {  	[tilespmem:s11], [sflag:$0x5] =	stream.indirect.gather [hbm4b:s7+s5], $0x10, s6, s5, $0xb8;
	[tilespmem:$0x10A00] =	vst v63  }
0x132: {  	_ =	swait.ge [sflag:s18], $0x800  }
0x133: {  	[sflag:s18] =	ssyncset.done $0x0  }
0x134: {  	[sflag:s18] =	ssyncadd.s32 $0xFFFFF800  }
0x135: {  	[spmem:s1] =	stream.indirect.scatter.add.f32 [tilespmem:s14], [sflag:$0x10], $0x10, s30, s5, $0xb8;
	[tilespmem:$0x10A00] =	vst v63  }
.Ltmp3:
0x136: {  	_ = 	snop;
	(pc) =	sbr.rel .LBB2_2-.Ltmp3, $4  }
0x137: {  	_ =	swait.ge [sflag:s23], $0x800  }
0x138: {  	[sflag:s23] =	ssyncset.done $0x0  }
0x139: {  	s31 =	sadd.s32 $0xBE80, s29;
	s28 =	sadd.s32 $0x1000, s28;
	[sflag:s23] =	ssyncadd.s32 $0xFFFFF800  }
0x13a: {  	[tilespmem:s12], [sflag:$0x6] =	stream.indirect.gather [hbm4b:s7+s5], $0x10, s31, s5, $0xb8;
	[tilespmem:$0x10A00] =	vst v63  }
.LBB2_5:
0x13b: {  	_ =	sfence.sel $0x180000  }
0x13c: {  	[bflag:$0x0] =	sbarrier.arrive $0xFFFF  }
0x13d: {  	_ =	strace $0x9000004D  }
0x13e: {  	s0 =	stileid.u32;
	[bflag:$0x2] =	sbarrier.arrive $0xFFFF  }
0x13f: {  	p0 =	sne.s32 s0, $0x0;
	s0 =	rddreg [dreg:$0x2]  }
0x140: {  	s0 =	sadd.s32 @!p0 $0x100000, s0  }
0x141: {  	[sflag:s0] =	ssyncadd.tile.s32 @!p0 $0x1;
	_ =	shalt  }
.Lfunc_end2:
_tile_overlayer_lowered:
.L_overlay_start_2:
0x142: {  	(tag) =	ssettag $0x2  }
0x143: {  	s0 =	rddreg [dreg:$0x0];
	s2 =	stileid.u32  }
0x144: {  	s1 =	rddreg [dreg:$0x1];
	p0 =	sne.s32 s2, $0x0  }
0x145: {  	s3 =	rddreg [dreg:$0x2];
	[bflag:$0x3] =	sbarrier.arrive $0xFFFF;
	s2 =	simm.s32 @!p0 $0x1C11  }
0x146: {  	[timem:s3], [sflag:s2] =	dma.local @!p0 [hbm:s0], s1  }
0x147: {  	s0 =	simm.s32 @!p0 $0x11  }
0x148: {  	_ =	swait.ge @!p0 [sflag:s0], s1  }
0x149: {  	s1 =	ssub.s32 @!p0 $0x0, s1;
	[sflag:s0] =	ssyncset.done @!p0 $0x0  }
0x14a: {  	[sflag:s0] =	ssyncadd.s32 @!p0 s1  }
0x14b: {  	[bflag:$0x3] =	sbarrier.arrive $0xFFFF  }
0x14c: {  	_ =	shalt  }

// kernel: kernel.9.cloned.1.call-start
scs
__scs_entry_jumppad:
0x0: {  	(pc) =	sbr.rel $0x88, $3  }
0x1: {  	(tag) =	ssettag $0x0;
	lr =	simm.s32 $0x1  }
0x2: {  	[smem:$0x3F94] =	sst lr;
	_ =	strace $0xD0000000  }
0x3: {  	_ = 	snop  }
0x4: {  	_ = 	snop  }
0x5: {  	_ = 	snop  }
0x6: {  	_ = 	snop  }
0x7: {  	_ = 	snop  }
__scs_overlays_trampoline_lowered:
0x8: {  	[smem:$0x3FA3] =	sst s0  }
0x9: {  	[smem:$0x3FA4] =	sst s1  }
0xa: {  	[smem:$0x3FA5] =	sst s2  }
0xb: {  	[smem:$0x3FA6] =	sst s3  }
0xc: {  	[smem:$0x3FA7] =	sst s4  }
0xd: {  	[smem:$0x3FA8] =	sst s5  }
0xe: {  	[smem:$0x3FA9] =	sst s6  }
0xf: {  	[smem:$0x3FAA] =	sst s7  }
0x10: {  	[smem:$0x3FAB] =	sst s8  }
0x11: {  	[smem:$0x3FAC] =	sst s9;
	s0 =	simm.s32 @!p0 $0x0  }
0x12: {  	s1 =	sld [smem:$0x3F92];
	s0 =	simm.s32 @p0 $0x1  }
0x13: {  	[smem:$0x3FAD] =	sst s0;
	s0 =	simm.s32 @!p1 $0x0  }
0x14: {  	s2 =	sld [smem:$0x3F91];
	s0 =	simm.s32 @p1 $0x1  }
0x15: {  	[smem:$0x3FAE] =	sst s0;
	s0 =	simm.s32 @!p2 $0x0  }
0x16: {  	s3 =	sld [smem:$0x3FDB];
	s0 =	simm.s32 @p2 $0x1  }
0x17: {  	s4 =	simm.s32 $0x1BF5;
	[smem:$0x3FB0] =	sst s0  }
0x18: {  	s0 =	sld [smem:$0x3F93];
	_ =	swait.ge [sflag:s4], $0x0  }
0x19: {  	s7 =	sld [smem:$0x3F94]  }
0x1a: {  	s8 =	sadd.s32 $0xFFFFE003, lr  }
0x1b: {  	s9 =	sadd.s32 $0xFFFFFEF7, lr;
	s5 =	simm.s32 $0xFFFFFFFF;
	p2 =	slt.u32 s8, $0xFFFFF086  }
0x1c: {  	p1 =	slt.u32 s9, $0xF7A;
	s5 =	simm.s32 @!p2 $0x0  }
0x1d: {  	s5 =	simm.s32 @p1 $0x1;
	p0 =	seq.s32 s7, s2  }
0x1e: {  	s7 =	smul.u32 @!p0 $0xF7A, s2;
	p2 =	seq.s32 @!p0 s5, $0x0  }
0x1f: {  	s9 =	smul.u32 $0xF7A, s1;
	s8 =	simm.s32 @!p0 $0x1BF5;
	p2 =	por !p2, p0  }
0x20: {  	[sflag:s8] =	ssyncset.s32 @!p0 $0xFFFFF086;
	s6 =	sadd.s32 @!p0 s3, s7;
	s7 =	simm.s32 @!p0 $0x108  }
0x21: {  	s3 =	sadd.s32 s3, s9;
	s6 =	sadd.s32 @!p0 $0x88, s6;
	s7 =	simm.s32 @p2 $0x1082  }
0x22: {  	[simem:s7], [sflag:s8] =	dma.local @!p0 [hbm:s6], $0xF7A  }
0x23: {  	s9 =	sor.u32 $0xD0000000, s2;
	s6 =	simm.s32 $0x108;
	_ =	swait.ge @!p0 [sflag:s8], $0x0  }
0x24: {  	s3 =	sadd.s32 $0x88, s3;
	s6 =	simm.s32 @!p1 $0x1082;
	[sflag:s4] =	ssyncset.s32 $0xFFFFF086  }
0x25: {  	[simem:s6], [sflag:s4] =	dma.local [hbm:s3], $0xF7A  }
0x26: {  	[smem:$0x3F94] =	sst s1;
	(tag) =	ssettag s2;
	_ =	strace s9  }
0x27: {  	s1 =	sld [smem:$0x3FA4]  }
0x28: {  	s2 =	sld [smem:$0x3FA5]  }
0x29: {  	s4 =	sld [smem:$0x3FA7]  }
0x2a: {  	p0 =	seq.s32 s5, $0x0;
	s5 =	sld [smem:$0x3FA8]  }
0x2b: {  	s6 =	sld [smem:$0x3FA9]  }
0x2c: {  	s7 =	sld [smem:$0x3FAA]  }
0x2d: {  	s3 =	simm.s32 $0x108;
	s8 =	sld [smem:$0x3FAB]  }
0x2e: {  	s3 =	simm.s32 @!p0 $0x1082;
	s9 =	sld [smem:$0x3FAC]  }
0x2f: {  	lr =	sadd.s32 s0, s3;
	s0 =	sld [smem:$0x3FA3]  }
0x30: {  	s3 =	sld [smem:$0x3FA6]  }
0x31: {  	[smem:$0x3FAF] =	sst s10  }
0x32: {  	s10 =	sld [smem:$0x3FAD];
	_ =	sdelay $0x3  }
0x33: {  	p0 =	seq.s32 s10, $0x1;
	s10 =	sld [smem:$0x3FAF];
	_ =	sdelay $0x3  }
0x34: {  	[smem:$0x3FAF] =	sst s10  }
0x35: {  	s10 =	sld [smem:$0x3FAE];
	_ =	sdelay $0x3  }
0x36: {  	p1 =	seq.s32 s10, $0x1;
	s10 =	sld [smem:$0x3FAF];
	_ =	sdelay $0x3  }
0x37: {  	[smem:$0x3FAF] =	sst s10  }
0x38: {  	s10 =	sld [smem:$0x3FB0]  }
0x39: {  	_ = 	snop;
	(pc) =	sbr.ind lr, $3  }
0x3a: {  	_ = 	snop  }
0x3b: {  	_ = 	snop  }
0x3c: {  	p2 =	seq.s32 s10, $0x1;
	s10 =	sld [smem:$0x3FAF]  }
0x3d: {  	_ =	shalt  }
0x3e: {  	_ =	shalt  }
0x3f: {  	_ =	shalt  }
0x40: {  	_ =	shalt  }
0x41: {  	_ =	shalt  }
0x42: {  	_ =	shalt  }
0x43: {  	_ =	shalt  }
0x44: {  	_ =	shalt  }
0x45: {  	_ =	shalt  }
0x46: {  	_ =	shalt  }
0x47: {  	_ =	shalt  }
0x48: {  	_ =	shalt  }
0x49: {  	_ =	shalt  }
0x4a: {  	_ =	shalt  }
0x4b: {  	_ =	shalt  }
0x4c: {  	_ =	shalt  }
0x4d: {  	_ =	shalt  }
0x4e: {  	_ =	shalt  }
0x4f: {  	_ =	shalt  }
0x50: {  	_ =	shalt  }
0x51: {  	_ =	shalt  }
0x52: {  	_ =	shalt  }
0x53: {  	_ =	shalt  }
0x54: {  	_ =	shalt  }
0x55: {  	_ =	shalt  }
0x56: {  	_ =	shalt  }
0x57: {  	_ =	shalt  }
0x58: {  	_ =	shalt  }
0x59: {  	_ =	shalt  }
0x5a: {  	_ =	shalt  }
0x5b: {  	_ =	shalt  }
0x5c: {  	_ =	shalt  }
0x5d: {  	_ =	shalt  }
0x5e: {  	_ =	shalt  }
0x5f: {  	_ =	shalt  }
0x60: {  	_ =	shalt  }
0x61: {  	_ =	shalt  }
0x62: {  	_ =	shalt  }
0x63: {  	_ =	shalt  }
0x64: {  	_ =	shalt  }
0x65: {  	_ =	shalt  }
0x66: {  	_ =	shalt  }
0x67: {  	_ =	shalt  }
0x68: {  	_ =	shalt  }
0x69: {  	_ =	shalt  }
0x6a: {  	_ =	shalt  }
0x6b: {  	_ =	shalt  }
0x6c: {  	_ =	shalt  }
0x6d: {  	_ =	shalt  }
0x6e: {  	_ =	shalt  }
0x6f: {  	_ =	shalt  }
0x70: {  	_ =	shalt  }
0x71: {  	_ =	shalt  }
0x72: {  	_ =	shalt  }
0x73: {  	_ =	shalt  }
0x74: {  	_ =	shalt  }
0x75: {  	_ =	shalt  }
0x76: {  	_ =	shalt  }
0x77: {  	_ =	shalt  }
0x78: {  	_ =	shalt  }
0x79: {  	_ =	shalt  }
0x7a: {  	_ =	shalt  }
0x7b: {  	_ =	shalt  }
0x7c: {  	_ =	shalt  }
0x7d: {  	_ =	shalt  }
0x7e: {  	_ =	shalt  }
0x7f: {  	_ =	shalt  }
0x80: {  	_ =	shalt  }
0x81: {  	_ =	shalt  }
0x82: {  	_ =	shalt  }
0x83: {  	_ =	shalt  }
0x84: {  	_ =	shalt  }
0x85: {  	_ =	shalt  }
0x86: {  	_ =	shalt  }
0x87: {  	_ =	shalt  }
.Lfunc_end0:
.L_simem_size_0:
called_computation_lowered:
.L_overlay_start_0:
0x88: {  	s2 =	sld [smem:$0x3FD9]  }
0x89: {  	s3 =	sld [smem:$0x3FFE];
	_ =	sdelay $0x1  }
0x8a: {  	s1 =	srdreg.scid  }
0x8b: {  	s0 =	sand.u32 $0x1, s1  }
0x8c: {  	s16 =	sshll.u32 s0, $0xA;
	s2 =	sadd.s32 s3, s2  }
0x8d: {  	s2 =	sadd.s32 s2, s16  }
0x8e: {  	[smem:$0x3FBB] =	sst s2  }
0x8f: {  	_ = 	snop  }
0x90: {  	(tm) =	ssettm $0x1  }
0x91: {  	s17 =	sld [smem:$0x3FFB];
	_ =	sdelay $0x3  }
0x92: {  	_ =	strace s17  }
0x93: {  	s2 =	sld [smem:$0x3FFC];
	_ =	sdelay $0x3  }
0x94: {  	_ =	strace s2  }
0x95: {  	s2 =	sld [smem:$0x3FFD];
	_ =	sdelay $0x3  }
0x96: {  	_ =	strace s2  }
0x97: {  	_ =	strace $0x8FFFFFFF  }
0x98: {  	s18 =	sld [smem:$0x3FDB];
	_ =	sdelay $0x1  }
0x99: {  	s19 =	simm.s32 $_scs_section_size  }
0x9a: {  	s4 =	simm.s32 $_size__tile_overlayer_lowered;
	s5 =	simm.s32 $_tile_overlayer_lowered  }
0x9b: {  	s22 =	simm.s32 $0x1BFF;
	s21 =	sshll.u32 s5, $0x1;
	s2 =	sadd.s32 s19, s18  }
0x9c: {  	s6 =	simm.s32 $0x0;
	s20 =	sshll.u32 s4, $0x1;
	s4 =	sadd.s32 s21, s2  }
0x9d: {  	[timem:s6], [sflag:s22] =	dma.local [hbm:s4], s20  }
0x9e: {  	_ =	swait.ge [sflag:s22], s20  }
0x9f: {  	s3 =	ssub.s32 $0x0, s20;
	[sflag:s22] =	ssyncset.done $0x0  }
0xa0: {  	[sflag:s22] =	ssyncadd.s32 s3;
	_ =	sdelay $0x1  }
0xa1: {  	s23 =	simm.s32 $0x1B8B  }
0xa2: {  	_ =	swait.ge [sflag:s23], $0x1  }
0xa3: {  	[sflag:s23] =	ssyncset.done $0x0  }
0xa4: {  	s25 =	simm.s32 $0x1B8E;
	s24 =	sld [smem:$0x3FFE];
	[sflag:s23] =	ssyncadd.s32 $0xFFFFFFFF  }
0xa5: {  	s26 =	simm.s32 $execute0_lowered;
	[smem:$0x3FD2] =	sst s25  }
0xa6: {  	s4 =	sshll.u32 s26, $0x1;
	_ =	strace $0x80000046;
	[dreg:$0x1] =	wrdreg $0xFFFFFFFF  }
0xa7: {  	s28 =	simm.s32 $_size_execute0_lowered;
	s2 =	sadd.s32 s2, s4;
	[dreg:$0x0] =	wrdreg $0x0  }
0xa8: {  	s4 =	sshll.u32 s28, $0x1;
	[dreg:$0x2] =	wrdreg s2  }
0xa9: {  	[dreg:$0x3] =	wrdreg s4  }
0xaa: {  	[dreg:$0x4] =	wrdreg $0xC0  }
0xab: {  	_ =	task [dreg:s6], $0x5FFFF  }
0xac: {  	[dreg:$0x1] =	wrdreg $0xFFFFFFFF  }
0xad: {  	[dreg:$0x0] =	wrdreg $0x60  }
0xae: {  	[dreg:$0x2] =	wrdreg s24  }
0xaf: {  	[dreg:$0x3] =	wrdreg $0x0  }
0xb0: {  	[dreg:$0x4] =	wrdreg $0xA0000  }
0xb1: {  	[dreg:$0x5] =	wrdreg $0x9  }
0xb2: {  	_ =	task.clear_ibuf [dreg:s6], $0x6FFFF;
	_ =	strace $0x90000046  }
0xb3: {  	s29 =	simm.s32 $0x9;
	_ =	strace $0x80000048  }
0xb4: {  	_ =	swait.ge [sflag:s29], $0x1  }
0xb5: {  	[sflag:s29] =	ssyncadd.s32 $0xFFFFFFFF  }
0xb6: {  	_ =	strace $0x90000048  }
0xb7: {  	_ =	sfence  }
0xb8: {  	s30 =	sld [smem:$0x0];
	_ =	sdelay $0x2  }
0xb9: {  	s31 =	sshll.u32 s1, $0xD;
	s1 =	sshrl.u32 s1, $0x2  }
0xba: {  	s3 =	sand.u32 $0x4000, s31;
	s1 =	sadd.s32 s1, s30  }
0xbb: {  	s0 =	sor.u32 s3, s0;
	s1 =	sshll.u32 s1, $0x11  }
0xbc: {  	s0 =	sor.u32 s1, s0  }
0xbd: {  	s0 =	sadd.s32 $0x8F2B, s0  }
0xbe: {  	[sflag:s0] =	ssyncadd.remote.s32 $0x1  }
0xbf: {  	_ =	sfence.sel $0xFFFF  }
0xc0: {  	[dreg:$0x0] =	wrdreg $0xFFFFFFFF;
	(pc) =	sbr.abs _section_cstart, $3  }
0xc1: {  	[dreg:$0x1] =	wrdreg $0xFFFFFFFF  }
0xc2: {  	_ =	task.clear_ibuf [dreg:s6], $0x2FFFF;
	_ =	strace $0x9FFFFFFF  }
0xc3: {  	(tm) =	ssettm $0x7FFFFFFF  }
tec
execute0_lowered:
.L_overlay_start_1:
0x0: {  	(tag) =	ssettag $0x1  }
0x1: {  	s12 =	stileid.u32  }
0x2: {  	s6 =	smul.u32 $0xA00, s12  }
0x3: {  	s0 =	srdreg.scid;
	s10 =	smul.u32 $0xA000, s12  }
0x4: {  	s5 =	rddreg [dreg:$0x0];
	s11 =	smul.u32 $0x2800, s12  }
0x5: {  	s2 =	rddreg [dreg:$0x1];
	s0 =	sand.u32 $0x1, s0;
	s12 =	smul.u32 $0x28000, s12  }
0x6: {  	s3 =	rddreg [dreg:$0x2];
	s4 =	simm.s32 $0x0;
	s1 =	smul.u32 $0x13880, s0  }
0x7: {  	[smem:$0x7FF] =	sst s4;
	s7 =	smul.u32 $0xA0000, s0  }
0x8: {  	s8 =	smul.u32 $0x28000, s0;
	_ =	strace $0x80000047;
	s9 =	ssub.s32 $0x2, s0  }
0x9: {  	s6 =	sadd.s32 s6, s5;
	s23 =	sshrl.u32 s9, $0x1;
	s25 =	sshrl.u32 s12, $0x2  }
0xa: {  	s26 =	sshrl.u32 s10, $0x2;
	s30 =	sadd.s32 s10, s2;
	s1 =	sadd.s32 s1, s5  }
0xb: {  	s7 =	sadd.s32 s10, s7;
	s8 =	sadd.s32 s11, s8;
	s24 =	sadd.s32 $0x33800, s6  }
0xc: {  	s14 =	ssub.s32 s9, s23;
	s6 =	sadd.s32 $0x29800, s6;
	[dreg:$0x4] =	wrdreg s24  }
0xd: {  	s10 =	sadd.s32 s11, s3;
	s23 =	sshrl.u32 s30, $0x3;
	[dreg:$0x5] =	wrdreg s6  }
0xe: {  	s7 =	sshrl.u32 s7, $0x3;
	s11 =	smax.u32 s14, $0x1;
	[dreg:$0x15] =	wrdreg s23  }
0xf: {  	s8 =	sshrl.u32 s8, $0x3;
	s24 =	sshrl.u32 s10, $0x3;
	[dreg:$0x9] =	wrdreg s11  }
0x10: {  	s13 =	sadd.s32 s7, s5;
	s7 =	sadd.s32 s25, s2;
	[dreg:$0x16] =	wrdreg s24  }
0x11: {  	s5 =	sadd.s32 s8, s5;
	s28 =	sadd.s32 $0x47800, s13;
	[dreg:$0x6] =	wrdreg s7  }
0x12: {  	s5 =	sadd.s32 $0x3D800, s5;
	[dreg:$0x7] =	wrdreg s28  }
0x13: {  	s12 =	sadd.s32 $0x800, s7;
	[dreg:$0x8] =	wrdreg s5  }
0x14: {  	s13 =	sadd.s32 $0x1000, s7;
	[dreg:$0xa] =	wrdreg s12  }
0x15: {  	s14 =	sadd.s32 $0x1800, s7;
	[dreg:$0xb] =	wrdreg s13  }
0x16: {  	s15 =	sadd.s32 $0x2000, s7;
	[dreg:$0xc] =	wrdreg s14  }
0x17: {  	s16 =	sadd.s32 $0x2800, s7;
	[dreg:$0xd] =	wrdreg s15  }
0x18: {  	s17 =	sadd.s32 $0x3000, s7;
	[dreg:$0xe] =	wrdreg s16  }
0x19: {  	s18 =	sadd.s32 $0x3800, s7;
	[dreg:$0xf] =	wrdreg s17  }
0x1a: {  	s19 =	sadd.s32 $0x4000, s7;
	[dreg:$0x10] =	wrdreg s18  }
0x1b: {  	s20 =	sadd.s32 $0x4800, s7;
	[dreg:$0x11] =	wrdreg s19  }
0x1c: {  	s21 =	sadd.s32 $0x5000, s7;
	[dreg:$0x12] =	wrdreg s20  }
0x1d: {  	s22 =	sadd.s32 $0x5800, s7;
	[dreg:$0x13] =	wrdreg s21  }
0x1e: {  	s25 =	sadd.s32 $0x6000, s7;
	[dreg:$0x14] =	wrdreg s22  }
0x1f: {  	s8 =	sadd.s32 s26, s3;
	s26 =	sadd.s32 $0x6800, s7;
	[dreg:$0x17] =	wrdreg s25  }
0x20: {  	s30 =	sadd.s32 $0x7800, s7;
	[dreg:$0x18] =	wrdreg s26  }
0x21: {  	s9 =	sadd.s32 $0x2600, s1;
	s1 =	sadd.s32 $0x8000, s7;
	[dreg:$0x1a] =	wrdreg s30  }
0x22: {  	s6 =	sadd.s32 $0x9000, s7;
	[dreg:$0x1b] =	wrdreg s1  }
0x23: {  	s10 =	sadd.s32 $0x200, s8;
	[dreg:$0x1d] =	wrdreg s6  }
0x24: {  	s11 =	sadd.s32 $0x400, s8;
	[dreg:$0x1f] =	wrdreg s10  }
0x25: {  	s23 =	sadd.s32 $0x1C00, s8;
	[smem:$0x7EC] =	sst s11  }
0x26: {  	s24 =	sadd.s32 $0x1E00, s8;
	[smem:$0x7F8] =	sst s23  }
0x27: {  	s28 =	sadd.s32 $0x7000, s7;
	[smem:$0x7F9] =	sst s24  }
0x28: {  	s5 =	sadd.s32 $0x8800, s7;
	[dreg:$0x19] =	wrdreg s28  }
0x29: {  	s7 =	sadd.s32 $0x9800, s7;
	[dreg:$0x1c] =	wrdreg s5  }
0x2a: {  	s12 =	sadd.s32 $0x600, s8;
	[dreg:$0x1e] =	wrdreg s7  }
0x2b: {  	s13 =	sadd.s32 $0x800, s8;
	[smem:$0x7ED] =	sst s12  }
0x2c: {  	s14 =	sadd.s32 $0xA00, s8;
	[smem:$0x7EE] =	sst s13  }
0x2d: {  	s15 =	sadd.s32 $0xC00, s8;
	[smem:$0x7EF] =	sst s14  }
0x2e: {  	s31 =	simm.s32 $0x1F200;
	s16 =	sadd.s32 $0xE00, s8;
	[smem:$0x7F0] =	sst s15  }
0x2f: {  	s29 =	simm.s32 $0x0;
	s17 =	sadd.s32 $0x1000, s8;
	[smem:$0x7F1] =	sst s16  }
0x30: {  	p0 =	sne.s32 s0, $0x0;
	s18 =	sadd.s32 $0x1200, s8;
	[smem:$0x7F2] =	sst s17  }
0x31: {  	p1 =	seq.s32 s0, $0x0;
	s19 =	sadd.s32 $0x1400, s8;
	[smem:$0x7F3] =	sst s18  }
0x32: {  	s0 =	simm.s32 $0x9;
	s20 =	sadd.s32 $0x1600, s8;
	[smem:$0x7F4] =	sst s19  }
0x33: {  	s21 =	sadd.s32 $0x1800, s8;
	s22 =	sadd.s32 $0x1A00, s8;
	[smem:$0x7F5] =	sst s20  }
0x34: {  	s25 =	sadd.s32 $0x2000, s8;
	s26 =	sadd.s32 $0x2200, s8;
	[smem:$0x7F6] =	sst s21  }
0x35: {  	s30 =	sadd.s32 $0x2600, s8;
	s24 =	simm.s32 $0x1A200;
	[smem:$0x7F7] =	sst s22  }
0x36: {  	s1 =	simm.s32 $0xC800;
	s6 =	simm.s32 $0x1;
	[smem:$0x7FA] =	sst s25  }
0x37: {  	s10 =	simm.s32 $0x2;
	s11 =	simm.s32 $0x80;
	[smem:$0x7FB] =	sst s26  }
.Ltmp0:
0x38: {  	s28 =	sadd.s32 $0x2400, s8;
	[smem:$0x7FD] =	sst s30;
	(pc) =	sbr.rel .LBB2_1-.Ltmp0, $4  }
0x39: {  	s25 =	simm.s32 $0xCA00;
	s5 =	simm.s32 $0x5;
	s12 =	simm.s32 $0x12200  }
0x3a: {  	s13 =	simm.s32 $0x14200;
	s14 =	simm.s32 $0x18200;
	s15 =	simm.s32 $0x3  }
0x3b: {  	s16 =	simm.s32 $0x16200;
	s17 =	simm.s32 $0x6;
	s18 =	simm.s32 $0x7  }
0x3c: {  	v0 =	vimm.f32 $0.0e+00;
	v1 =	vimm.f32 $1.000000000e+00;
	s19 =	simm.s32 $0x8;
	s20 =	simm.s32 $0x4;
	[smem:$0x7FC] =	sst s28  }
.LBB2_8:
0x3d: {  	_ =	swait.ge [sflag:s5], $0x2000  }
0x3e: {  	[sflag:s5] =	ssyncset.done $0x0  }
0x3f: {  	[sflag:s5] =	ssyncadd.s32 $0xFFFFE000  }
0x40: {  	_ =	swait.ge [sflag:s17], $0x2000  }
0x41: {  	[sflag:s17] =	ssyncset.done $0x0  }
0x42: {  	[sflag:s17] =	ssyncadd.s32 $0xFFFFE000  }
0x43: {  	_ =	swait.ge [sflag:s18], $0x2000  }
0x44: {  	[sflag:s18] =	ssyncset.done $0x0  }
0x45: {  	[sflag:s18] =	ssyncadd.s32 $0xFFFFE000  }
0x46: {  	_ =	swait.ge [sflag:s19], $0x2000  }
0x47: {  	[sflag:s19] =	ssyncset.done $0x0  }
0x48: {  	[sflag:s19] =	ssyncadd.s32 $0xFFFFE000  }
0x49: {  	s7 =	stileid.u32;
	[bflag:$0x0] =	sbarrier.arrive $0xFFFF  }
0x4a: {  	s7 =	sshll.u32 s7, $0x6;
	s21 =	rddreg [dreg:$0x7]  }
0x4b: {  	s7 =	sor.u32 $0x1C09, s7;
	s22 =	rddreg [dreg:$0x15]  }
0x4c: {  	[hbm:s21], [sflag:s7] =	dma.local [spmem:s22], $0x1400  }
0x4d: {  	_ =	swait.ge [sflag:s0], $0x1400  }
0x4e: {  	[sflag:s0] =	ssyncset.done $0x0;
	s26 =	rddreg [dreg:$0x8]  }
0x4f: {  	s28 =	rddreg [dreg:$0x16];
	[sflag:s0] =	ssyncadd.s32 $0xFFFFEC00  }
0x50: {  	[hbm:s26], [sflag:s7] =	dma.local [spmem:s28], $0x500  }
0x51: {  	_ =	swait.ge [sflag:s0], $0x500  }
0x52: {  	s29 =	sadd.s32 $0x1, s29;
	s30 =	rddreg [dreg:$0x9]  }
0x53: {  	p2 =	sne.s32 s29, s30  }
.Ltmp1:
0x54: {  	_ = 	snop;
	(pc) =	sbr.rel @!p2 .LBB2_9-.Ltmp1, $3  }
0x55: {  	_ =	sdelay $0x1  }
0x56: {  	[sflag:s0] =	ssyncset.done $0x0  }
0x57: {  	s24 =	simm.s32 $0x1A200;
	s25 =	simm.s32 $0xCA00;
	[sflag:s0] =	ssyncadd.s32 $0xFFFFFB00  }
.LBB2_1:
0x58: {  	s7 =	rddreg [dreg:$0x4];
	s21 =	sand.u32 $0x1F00, s4  }
0x59: {  	[tilespmem:s24], [sflag:$0x1] =	stream.linear.gather [hbm4b:s7+s4], $0x5000, $0x38;
	[tilespmem:$0x1FA00] =	vst v63  }
0x5a: {  	s28 =	rddreg [dreg:$0x5];
	s22 =	sand.u32 $0x30, s4;
	s30 =	sshrl.u32 s21, $0x2  }
0x5b: {  	s21 =	simm.s32 $0x40;
	s30 =	sor.u32 s22, s30;
	s22 =	simm.s32 $0x0  }
0x5c: {  	[tilespmem:s25], [sflag:$0x2] =	stream.linear.gather [hbm4b:s28+s4], $0x5000, $0x38;
	[tilespmem:$0x1FA00] =	vst v63  }
.LBB2_2:
0x5d: {  	p2 =	sne.s32 s21, $0x1FC0  }
0x5e: {  	[tilespmem:s30+$0x1F200] =	vst v0;
	s22 =	sadd.s32 $0x10, s22;
	s30 =	smov.u32 s21;
	s21 =	sadd.s32 $0x40, s21  }
.Ltmp2:
0x5f: {  	(pc) =	sbr.rel @p2 .LBB2_2-.Ltmp2, $4  }
0x60: {  	_ = 	snop  }
0x61: {  	s30 =	sand.u32 $0x1F00, s30  }
0x62: {  	s23 =	sand.u32 $0x30, s22;
	s30 =	sshrl.u32 s30, $0x2  }
0x63: {  	s30 =	sor.u32 s23, s30  }
0x64: {  	[tilespmem:s30+$0x1F200] =	vst v0;
	s7 =	rddreg [dreg:$0x6]  }
0x65: {  	[spmem:s7] =	stream.linear.scatter [tilespmem:s31], [sflag:$0x5], $0x800, $0x38;
	[tilespmem:$0x1FA00] =	vst v63  }
0x66: {  	s30 =	rddreg [dreg:$0xa]  }
0x67: {  	[spmem:s30] =	stream.linear.scatter [tilespmem:s31], [sflag:$0x5], $0x800, $0x38;
	[tilespmem:$0x1FA00] =	vst v63  }
0x68: {  	s21 =	rddreg [dreg:$0xb]  }
0x69: {  	[spmem:s21] =	stream.linear.scatter [tilespmem:s31], [sflag:$0x5], $0x800, $0x38;
	[tilespmem:$0x1FA00] =	vst v63  }
0x6a: {  	s22 =	rddreg [dreg:$0xc]  }
0x6b: {  	[spmem:s22] =	stream.linear.scatter [tilespmem:s31], [sflag:$0x5], $0x800, $0x38;
	[tilespmem:$0x1FA00] =	vst v63  }
0x6c: {  	s23 =	rddreg [dreg:$0xd]  }
0x6d: {  	[spmem:s23] =	stream.linear.scatter [tilespmem:s31], [sflag:$0x5], $0x800, $0x38;
	[tilespmem:$0x1FA00] =	vst v63  }
0x6e: {  	s26 =	rddreg [dreg:$0xe]  }
0x6f: {  	[spmem:s26] =	stream.linear.scatter [tilespmem:s31], [sflag:$0x5], $0x800, $0x38;
	[tilespmem:$0x1FA00] =	vst v63  }
0x70: {  	s28 =	rddreg [dreg:$0xf]  }
0x71: {  	[spmem:s28] =	stream.linear.scatter [tilespmem:s31], [sflag:$0x5], $0x800, $0x38;
	[tilespmem:$0x1FA00] =	vst v63  }
0x72: {  	s30 =	rddreg [dreg:$0x10]  }
0x73: {  	[spmem:s30] =	stream.linear.scatter [tilespmem:s31], [sflag:$0x5], $0x800, $0x38;
	[tilespmem:$0x1FA00] =	vst v63  }
0x74: {  	s21 =	rddreg [dreg:$0x11]  }
0x75: {  	[spmem:s21] =	stream.linear.scatter [tilespmem:s31], [sflag:$0x5], $0x800, $0x38;
	[tilespmem:$0x1FA00] =	vst v63  }
0x76: {  	s22 =	rddreg [dreg:$0x12]  }
0x77: {  	[spmem:s22] =	stream.linear.scatter [tilespmem:s31], [sflag:$0x5], $0x800, $0x38;
	[tilespmem:$0x1FA00] =	vst v63  }
0x78: {  	s23 =	rddreg [dreg:$0x13]  }
0x79: {  	[spmem:s23] =	stream.linear.scatter [tilespmem:s31], [sflag:$0x5], $0x800, $0x38;
	[tilespmem:$0x1FA00] =	vst v63  }
0x7a: {  	s26 =	rddreg [dreg:$0x14]  }
0x7b: {  	[spmem:s26] =	stream.linear.scatter [tilespmem:s31], [sflag:$0x5], $0x800, $0x38;
	[tilespmem:$0x1FA00] =	vst v63  }
0x7c: {  	s28 =	rddreg [dreg:$0x17]  }
0x7d: {  	[spmem:s28] =	stream.linear.scatter [tilespmem:s31], [sflag:$0x5], $0x800, $0x38;
	[tilespmem:$0x1FA00] =	vst v63  }
0x7e: {  	s30 =	rddreg [dreg:$0x18]  }
0x7f: {  	[spmem:s30] =	stream.linear.scatter [tilespmem:s31], [sflag:$0x5], $0x800, $0x38;
	[tilespmem:$0x1FA00] =	vst v63  }
0x80: {  	s21 =	rddreg [dreg:$0x19]  }
0x81: {  	[spmem:s21] =	stream.linear.scatter [tilespmem:s31], [sflag:$0x5], $0x800, $0x38;
	[tilespmem:$0x1FA00] =	vst v63  }
0x82: {  	s22 =	rddreg [dreg:$0x1a]  }
0x83: {  	[spmem:s22] =	stream.linear.scatter [tilespmem:s31], [sflag:$0x5], $0x800, $0x38;
	[tilespmem:$0x1FA00] =	vst v63  }
0x84: {  	s23 =	rddreg [dreg:$0x1b]  }
0x85: {  	[spmem:s23] =	stream.linear.scatter [tilespmem:s31], [sflag:$0x5], $0x800, $0x38;
	[tilespmem:$0x1FA00] =	vst v63  }
0x86: {  	s26 =	rddreg [dreg:$0x1c]  }
0x87: {  	[spmem:s26] =	stream.linear.scatter [tilespmem:s31], [sflag:$0x5], $0x800, $0x38;
	[tilespmem:$0x1FA00] =	vst v63  }
0x88: {  	s28 =	rddreg [dreg:$0x1d]  }
0x89: {  	[spmem:s28] =	stream.linear.scatter [tilespmem:s31], [sflag:$0x5], $0x800, $0x38;
	[tilespmem:$0x1FA00] =	vst v63  }
0x8a: {  	s30 =	rddreg [dreg:$0x1e]  }
0x8b: {  	[spmem:s30] =	stream.linear.scatter [tilespmem:s31], [sflag:$0x5], $0x800, $0x38;
	[tilespmem:$0x1FA00] =	vst v63  }
0x8c: {  	[tilespmem:$0xC800] =	vst v0  }
0x8d: {  	[tilespmem:$0xC810] =	vst v0  }
0x8e: {  	[tilespmem:$0xC820] =	vst v0  }
0x8f: {  	[tilespmem:$0xC830] =	vst v0  }
0x90: {  	[tilespmem:$0xC840] =	vst v0  }
0x91: {  	[tilespmem:$0xC850] =	vst v0  }
0x92: {  	[tilespmem:$0xC860] =	vst v0  }
0x93: {  	[tilespmem:$0xC870] =	vst v0  }
0x94: {  	[tilespmem:$0xC880] =	vst v0  }
0x95: {  	[tilespmem:$0xC890] =	vst v0  }
0x96: {  	[tilespmem:$0xC8A0] =	vst v0  }
0x97: {  	[tilespmem:$0xC8B0] =	vst v0  }
0x98: {  	[tilespmem:$0xC8C0] =	vst v0  }
0x99: {  	[tilespmem:$0xC8D0] =	vst v0  }
0x9a: {  	[tilespmem:$0xC8E0] =	vst v0  }
0x9b: {  	[tilespmem:$0xC8F0] =	vst v0  }
0x9c: {  	[tilespmem:$0xC900] =	vst v0  }
0x9d: {  	[tilespmem:$0xC910] =	vst v0  }
0x9e: {  	[tilespmem:$0xC920] =	vst v0  }
0x9f: {  	[tilespmem:$0xC930] =	vst v0  }
0xa0: {  	[tilespmem:$0xC940] =	vst v0  }
0xa1: {  	[tilespmem:$0xC950] =	vst v0  }
0xa2: {  	[tilespmem:$0xC960] =	vst v0  }
0xa3: {  	[tilespmem:$0xC970] =	vst v0  }
0xa4: {  	[tilespmem:$0xC980] =	vst v0  }
0xa5: {  	[tilespmem:$0xC990] =	vst v0  }
0xa6: {  	[tilespmem:$0xC9A0] =	vst v0  }
0xa7: {  	[tilespmem:$0xC9B0] =	vst v0  }
0xa8: {  	[tilespmem:$0xC9C0] =	vst v0  }
0xa9: {  	[tilespmem:$0xC9D0] =	vst v0  }
0xaa: {  	[tilespmem:$0xC9E0] =	vst v0  }
0xab: {  	s21 =	simm.s32 $0x40;
	s22 =	simm.s32 $0x0;
	[tilespmem:$0xC9F0] =	vst v0  }
.LBB2_4:
0xac: {  	p2 =	sne.s32 s21, $0x1FC0;
	[tilespmem:s22+$0x11A00] =	vst v1;
	s22 =	smov.u32 s21;
	s21 =	sadd.s32 $0x40, s21  }
.Ltmp3:
0xad: {  	(pc) =	sbr.rel @p2 .LBB2_4-.Ltmp3, $2  }
0xae: {  	_ =	sdelay $0x2  }
0xaf: {  	s22 =	sshra.s32 s22, $0x2  }
0xb0: {  	[tilespmem:s22+$0x11A00] =	vst v1  }
0xb1: {  	[spmem:s8] =	stream.linear.scatter [tilespmem:s1], [sflag:$0x9], $0x200, $0x38;
	[tilespmem:$0x1FA00] =	vst v63  }
0xb2: {  	_ =	swait.ge [sflag:s0], $0x200  }
0xb3: {  	[sflag:s0] =	ssyncset.done $0x0  }
0xb4: {  	s7 =	rddreg [dreg:$0x1f];
	[sflag:s0] =	ssyncadd.s32 $0xFFFFFE00  }
0xb5: {  	[spmem:s7] =	stream.linear.scatter [tilespmem:s1], [sflag:$0x9], $0x200, $0x38;
	[tilespmem:$0x1FA00] =	vst v63  }
0xb6: {  	_ =	swait.ge [sflag:s0], $0x200  }
0xb7: {  	s21 =	sld [smem:$0x7EC]  }
0xb8: {  	[sflag:s0] =	ssyncset.done $0x0  }
0xb9: {  	[sflag:s0] =	ssyncadd.s32 $0xFFFFFE00  }
0xba: {  	[spmem:s21] =	stream.linear.scatter [tilespmem:s1], [sflag:$0x9], $0x200, $0x38;
	[tilespmem:$0x1FA00] =	vst v63  }
0xbb: {  	_ =	swait.ge [sflag:s0], $0x200  }
0xbc: {  	s22 =	sld [smem:$0x7ED]  }
0xbd: {  	[sflag:s0] =	ssyncset.done $0x0  }
0xbe: {  	[sflag:s0] =	ssyncadd.s32 $0xFFFFFE00  }
0xbf: {  	[spmem:s22] =	stream.linear.scatter [tilespmem:s1], [sflag:$0x9], $0x200, $0x38;
	[tilespmem:$0x1FA00] =	vst v63  }
0xc0: {  	_ =	swait.ge [sflag:s0], $0x200  }
0xc1: {  	s23 =	sld [smem:$0x7EE]  }
0xc2: {  	[sflag:s0] =	ssyncset.done $0x0  }
0xc3: {  	[sflag:s0] =	ssyncadd.s32 $0xFFFFFE00  }
0xc4: {  	[spmem:s23] =	stream.linear.scatter [tilespmem:s1], [sflag:$0x9], $0x200, $0x38;
	[tilespmem:$0x1FA00] =	vst v63  }
0xc5: {  	_ =	swait.ge [sflag:s0], $0x200  }
0xc6: {  	s26 =	sld [smem:$0x7EF]  }
0xc7: {  	[sflag:s0] =	ssyncset.done $0x0  }
0xc8: {  	[sflag:s0] =	ssyncadd.s32 $0xFFFFFE00  }
0xc9: {  	[spmem:s26] =	stream.linear.scatter [tilespmem:s1], [sflag:$0x9], $0x200, $0x38;
	[tilespmem:$0x1FA00] =	vst v63  }
0xca: {  	_ =	swait.ge [sflag:s0], $0x200  }
0xcb: {  	s28 =	sld [smem:$0x7F0]  }
0xcc: {  	[sflag:s0] =	ssyncset.done $0x0  }
0xcd: {  	[sflag:s0] =	ssyncadd.s32 $0xFFFFFE00  }
0xce: {  	[spmem:s28] =	stream.linear.scatter [tilespmem:s1], [sflag:$0x9], $0x200, $0x38;
	[tilespmem:$0x1FA00] =	vst v63  }
0xcf: {  	_ =	swait.ge [sflag:s0], $0x200  }
0xd0: {  	s21 =	sld [smem:$0x7F1]  }
0xd1: {  	[sflag:s0] =	ssyncset.done $0x0  }
0xd2: {  	[sflag:s0] =	ssyncadd.s32 $0xFFFFFE00  }
0xd3: {  	[spmem:s21] =	stream.linear.scatter [tilespmem:s1], [sflag:$0x9], $0x200, $0x38;
	[tilespmem:$0x1FA00] =	vst v63  }
0xd4: {  	_ =	swait.ge [sflag:s0], $0x200  }
0xd5: {  	s22 =	sld [smem:$0x7F2]  }
0xd6: {  	[sflag:s0] =	ssyncset.done $0x0  }
0xd7: {  	[sflag:s0] =	ssyncadd.s32 $0xFFFFFE00  }
0xd8: {  	[spmem:s22] =	stream.linear.scatter [tilespmem:s1], [sflag:$0x9], $0x200, $0x38;
	[tilespmem:$0x1FA00] =	vst v63  }
0xd9: {  	_ =	swait.ge [sflag:s0], $0x200  }
0xda: {  	s23 =	sld [smem:$0x7F3]  }
0xdb: {  	[sflag:s0] =	ssyncset.done $0x0  }
0xdc: {  	[sflag:s0] =	ssyncadd.s32 $0xFFFFFE00  }
0xdd: {  	[spmem:s23] =	stream.linear.scatter [tilespmem:s1], [sflag:$0x9], $0x200, $0x38;
	[tilespmem:$0x1FA00] =	vst v63  }
0xde: {  	_ =	swait.ge [sflag:s0], $0x200  }
0xdf: {  	s26 =	sld [smem:$0x7F4]  }
0xe0: {  	[sflag:s0] =	ssyncset.done $0x0  }
0xe1: {  	[sflag:s0] =	ssyncadd.s32 $0xFFFFFE00  }
0xe2: {  	[spmem:s26] =	stream.linear.scatter [tilespmem:s1], [sflag:$0x9], $0x200, $0x38;
	[tilespmem:$0x1FA00] =	vst v63  }
0xe3: {  	_ =	swait.ge [sflag:s0], $0x200  }
0xe4: {  	s28 =	sld [smem:$0x7F5]  }
0xe5: {  	[sflag:s0] =	ssyncset.done $0x0  }
0xe6: {  	[sflag:s0] =	ssyncadd.s32 $0xFFFFFE00  }
0xe7: {  	[spmem:s28] =	stream.linear.scatter [tilespmem:s1], [sflag:$0x9], $0x200, $0x38;
	[tilespmem:$0x1FA00] =	vst v63  }
0xe8: {  	_ =	swait.ge [sflag:s0], $0x200  }
0xe9: {  	s21 =	sld [smem:$0x7F6]  }
0xea: {  	[sflag:s0] =	ssyncset.done $0x0  }
0xeb: {  	[sflag:s0] =	ssyncadd.s32 $0xFFFFFE00  }
0xec: {  	[spmem:s21] =	stream.linear.scatter [tilespmem:s1], [sflag:$0x9], $0x200, $0x38;
	[tilespmem:$0x1FA00] =	vst v63  }
0xed: {  	_ =	swait.ge [sflag:s0], $0x200  }
0xee: {  	s22 =	sld [smem:$0x7F7]  }
0xef: {  	[sflag:s0] =	ssyncset.done $0x0  }
0xf0: {  	[sflag:s0] =	ssyncadd.s32 $0xFFFFFE00  }
0xf1: {  	[spmem:s22] =	stream.linear.scatter [tilespmem:s1], [sflag:$0x9], $0x200, $0x38;
	[tilespmem:$0x1FA00] =	vst v63  }
0xf2: {  	_ =	swait.ge [sflag:s0], $0x200  }
0xf3: {  	s23 =	sld [smem:$0x7F8]  }
0xf4: {  	[sflag:s0] =	ssyncset.done $0x0  }
0xf5: {  	[sflag:s0] =	ssyncadd.s32 $0xFFFFFE00  }
0xf6: {  	[spmem:s23] =	stream.linear.scatter [tilespmem:s1], [sflag:$0x9], $0x200, $0x38;
	[tilespmem:$0x1FA00] =	vst v63  }
0xf7: {  	_ =	swait.ge [sflag:s0], $0x200  }
0xf8: {  	s26 =	sld [smem:$0x7F9]  }
0xf9: {  	[sflag:s0] =	ssyncset.done $0x0  }
0xfa: {  	[sflag:s0] =	ssyncadd.s32 $0xFFFFFE00  }
0xfb: {  	[spmem:s26] =	stream.linear.scatter [tilespmem:s1], [sflag:$0x9], $0x200, $0x38;
	[tilespmem:$0x1FA00] =	vst v63  }
0xfc: {  	_ =	swait.ge [sflag:s0], $0x200  }
0xfd: {  	s28 =	sld [smem:$0x7FA]  }
0xfe: {  	[sflag:s0] =	ssyncset.done $0x0  }
0xff: {  	[sflag:s0] =	ssyncadd.s32 $0xFFFFFE00  }
0x100: {  	[spmem:s28] =	stream.linear.scatter [tilespmem:s1], [sflag:$0x9], $0x200, $0x38;
	[tilespmem:$0x1FA00] =	vst v63  }
0x101: {  	_ =	swait.ge [sflag:s0], $0x200  }
0x102: {  	s21 =	sld [smem:$0x7FB]  }
0x103: {  	[sflag:s0] =	ssyncset.done $0x0  }
0x104: {  	[sflag:s0] =	ssyncadd.s32 $0xFFFFFE00  }
0x105: {  	[spmem:s21] =	stream.linear.scatter [tilespmem:s1], [sflag:$0x9], $0x200, $0x38;
	[tilespmem:$0x1FA00] =	vst v63  }
0x106: {  	_ =	swait.ge [sflag:s0], $0x200  }
0x107: {  	s22 =	sld [smem:$0x7FC]  }
0x108: {  	[sflag:s0] =	ssyncset.done $0x0  }
0x109: {  	[sflag:s0] =	ssyncadd.s32 $0xFFFFFE00  }
0x10a: {  	[spmem:s22] =	stream.linear.scatter [tilespmem:s1], [sflag:$0x9], $0x200, $0x38;
	[tilespmem:$0x1FA00] =	vst v63  }
0x10b: {  	_ =	swait.ge [sflag:s0], $0x200  }
0x10c: {  	s23 =	sld [smem:$0x7FD]  }
0x10d: {  	[sflag:s0] =	ssyncset.done $0x0  }
0x10e: {  	[sflag:s0] =	ssyncadd.s32 $0xFFFFFE00  }
0x10f: {  	[spmem:s23] =	stream.linear.scatter [tilespmem:s1], [sflag:$0x9], $0x200, $0x38;
	[tilespmem:$0x1FA00] =	vst v63  }
0x110: {  	_ =	swait.ge [sflag:s0], $0x200  }
0x111: {  	[sflag:s0] =	ssyncset.done $0x0  }
0x112: {  	[sflag:s0] =	ssyncadd.s32 $0xFFFFFE00  }
0x113: {  	_ =	swait.ge [sflag:s5], $0x800  }
0x114: {  	[sflag:s5] =	ssyncset.done $0x0  }
0x115: {  	[sflag:s5] =	ssyncadd.s32 $0xFFFFF800  }
0x116: {  	_ =	swait.ge [sflag:s5], $0x800  }
0x117: {  	[sflag:s5] =	ssyncset.done $0x0  }
0x118: {  	[sflag:s5] =	ssyncadd.s32 $0xFFFFF800  }
0x119: {  	_ =	swait.ge [sflag:s5], $0x800  }
0x11a: {  	[sflag:s5] =	ssyncset.done $0x0  }
0x11b: {  	[sflag:s5] =	ssyncadd.s32 $0xFFFFF800  }
0x11c: {  	_ =	swait.ge [sflag:s5], $0x800  }
0x11d: {  	[sflag:s5] =	ssyncset.done $0x0  }
0x11e: {  	[sflag:s5] =	ssyncadd.s32 $0xFFFFF800  }
0x11f: {  	_ =	swait.ge [sflag:s5], $0x800  }
0x120: {  	[sflag:s5] =	ssyncset.done $0x0  }
0x121: {  	[sflag:s5] =	ssyncadd.s32 $0xFFFFF800  }
0x122: {  	_ =	swait.ge [sflag:s5], $0x800  }
0x123: {  	[sflag:s5] =	ssyncset.done $0x0  }
0x124: {  	[sflag:s5] =	ssyncadd.s32 $0xFFFFF800  }
0x125: {  	_ =	swait.ge [sflag:s5], $0x800  }
0x126: {  	[sflag:s5] =	ssyncset.done $0x0  }
0x127: {  	[sflag:s5] =	ssyncadd.s32 $0xFFFFF800  }
0x128: {  	_ =	swait.ge [sflag:s5], $0x800  }
0x129: {  	[sflag:s5] =	ssyncset.done $0x0  }
0x12a: {  	[sflag:s5] =	ssyncadd.s32 $0xFFFFF800  }
0x12b: {  	_ =	swait.ge [sflag:s5], $0x800  }
0x12c: {  	[sflag:s5] =	ssyncset.done $0x0  }
0x12d: {  	[sflag:s5] =	ssyncadd.s32 $0xFFFFF800  }
0x12e: {  	_ =	swait.ge [sflag:s5], $0x800  }
0x12f: {  	[sflag:s5] =	ssyncset.done $0x0  }
0x130: {  	[sflag:s5] =	ssyncadd.s32 $0xFFFFF800  }
0x131: {  	_ =	swait.ge [sflag:s5], $0x800  }
0x132: {  	[sflag:s5] =	ssyncset.done $0x0  }
0x133: {  	[sflag:s5] =	ssyncadd.s32 $0xFFFFF800  }
0x134: {  	_ =	swait.ge [sflag:s5], $0x800  }
0x135: {  	[sflag:s5] =	ssyncset.done $0x0  }
0x136: {  	[sflag:s5] =	ssyncadd.s32 $0xFFFFF800  }
0x137: {  	_ =	swait.ge [sflag:s5], $0x800  }
0x138: {  	[sflag:s5] =	ssyncset.done $0x0  }
0x139: {  	[sflag:s5] =	ssyncadd.s32 $0xFFFFF800  }
0x13a: {  	_ =	swait.ge [sflag:s5], $0x800  }
0x13b: {  	[sflag:s5] =	ssyncset.done $0x0  }
0x13c: {  	[sflag:s5] =	ssyncadd.s32 $0xFFFFF800  }
0x13d: {  	_ =	swait.ge [sflag:s5], $0x800  }
0x13e: {  	[sflag:s5] =	ssyncset.done $0x0  }
0x13f: {  	[sflag:s5] =	ssyncadd.s32 $0xFFFFF800  }
0x140: {  	_ =	swait.ge [sflag:s5], $0x800  }
0x141: {  	[sflag:s5] =	ssyncset.done $0x0  }
0x142: {  	[sflag:s5] =	ssyncadd.s32 $0xFFFFF800  }
0x143: {  	_ =	swait.ge [sflag:s5], $0x800  }
0x144: {  	[sflag:s5] =	ssyncset.done $0x0  }
0x145: {  	[sflag:s5] =	ssyncadd.s32 $0xFFFFF800  }
0x146: {  	_ =	swait.ge [sflag:s5], $0x800  }
0x147: {  	[sflag:s5] =	ssyncset.done $0x0  }
0x148: {  	[sflag:s5] =	ssyncadd.s32 $0xFFFFF800  }
0x149: {  	_ =	swait.ge [sflag:s5], $0x800  }
0x14a: {  	[sflag:s5] =	ssyncset.done $0x0  }
0x14b: {  	[sflag:s5] =	ssyncadd.s32 $0xFFFFF800  }
0x14c: {  	_ =	swait.ge [sflag:s5], $0x800  }
0x14d: {  	[sflag:s5] =	ssyncset.done $0x0  }
0x14e: {  	[sflag:s5] =	ssyncadd.s32 $0xFFFFF800  }
0x14f: {  	_ =	swait.ge [sflag:s6], $0x5000  }
0x150: {  	[sflag:s6] =	ssyncset.done $0x0  }
0x151: {  	[sflag:s6] =	ssyncadd.s32 $0xFFFFB000  }
0x152: {  	_ =	swait.ge [sflag:s10], $0x5000  }
0x153: {  	[sflag:s10] =	ssyncset.done $0x0  }
0x154: {  	[sflag:s10] =	ssyncadd.s32 $0xFFFFB000  }
0x155: {  	[tilespmem:s12], [sflag:$0x1] =	stream.indirect.gather [hbm4b:s9+s11], $0x40, s24, s11, $0xb8;
	[tilespmem:$0x1FA00] =	vst v63  }
0x156: {  	s24 =	simm.s32 $0x1A280  }
0x157: {  	[tilespmem:s13], [sflag:$0x2] =	stream.indirect.gather [hbm4b:s9+s11], $0x40, s24, s11, $0xb8;
	[tilespmem:$0x1FA00] =	vst v63  }
0x158: {  	[bflag:$0x0] =	sbarrier.arrive $0xFFFF  }
0x159: {  	_ =	swait.ge [sflag:s6], $0x2000  }
0x15a: {  	[sflag:s6] =	ssyncset.done $0x0  }
0x15b: {  	[sflag:s6] =	ssyncadd.s32 $0xFFFFE000  }
0x15c: {  	[spmem:s2] =	stream.indirect.scatter.add.f32 [tilespmem:s12], [sflag:$0x5], $0x40, s25, s11, $0xb8;
	[tilespmem:$0x1FA00] =	vst v63  }
0x15d: {  	s21 =	simm.s32 @p0 $0x80;
	s22 =	simm.s32 @p0 $0x1A300;
	s23 =	simm.s32 @p0 $0x16200  }
0x15e: {  	[tilespmem:s23], [sflag:$0x3] =	stream.indirect.gather @p0 [hbm4b:s9+s21], $0x40, s22, s21, $0xb8;
	[tilespmem:$0x1FA00] =	vst v63  }
0x15f: {  	s22 =	simm.s32 @p0 $0x2  }
0x160: {  	_ =	swait.ge @p0 [sflag:s22], $0x2000  }
0x161: {  	[sflag:s22] =	ssyncset.done @p0 $0x0  }
0x162: {  	s23 =	simm.s32 @p0 $0x14200;
	[sflag:s22] =	ssyncadd.s32 @p0 $0xFFFFE000;
	s22 =	simm.s32 @p0 $0xCA80  }
0x163: {  	[spmem:s2] =	stream.indirect.scatter.add.f32 @p0 [tilespmem:s23], [sflag:$0x6], $0x40, s22, s21, $0xb8;
	[tilespmem:$0x1FA00] =	vst v63  }
0x164: {  	s30 =	simm.s32 @!p0 $0x11A00;
	s22 =	simm.s32 @!p0 $0x80;
	s23 =	simm.s32 @!p0 $0xCA00  }
0x165: {  	[spmem:s3] =	stream.indirect.scatter.add.f32 @!p0 [tilespmem:s30], [sflag:$0x9], $0x10, s23, s22, $0xb8;
	[tilespmem:$0x1FA00] =	vst v63  }
0x166: {  	s23 =	simm.s32 @!p0 $0x9  }
0x167: {  	_ =	swait.ge @!p0 [sflag:s23], $0x800  }
0x168: {  	[sflag:s23] =	ssyncset.done @!p0 $0x0  }
0x169: {  	s24 =	simm.s32 @!p0 $0x1A300;
	s25 =	simm.s32 @!p0 $0x16200;
	[sflag:s23] =	ssyncadd.s32 @!p0 $0xFFFFF800  }
0x16a: {  	[tilespmem:s25], [sflag:$0x3] =	stream.indirect.gather @!p0 [hbm4b:s9+s22], $0x40, s24, s22, $0xb8;
	[tilespmem:$0x1FA00] =	vst v63  }
0x16b: {  	s24 =	simm.s32 @!p0 $0x2  }
0x16c: {  	_ =	swait.ge @!p0 [sflag:s24], $0x2000  }
0x16d: {  	[sflag:s24] =	ssyncset.done @!p0 $0x0  }
0x16e: {  	s25 =	simm.s32 @!p0 $0x14200;
	[sflag:s24] =	ssyncadd.s32 @!p0 $0xFFFFE000;
	s24 =	simm.s32 @!p0 $0xCA80  }
0x16f: {  	[spmem:s2] =	stream.indirect.scatter.add.f32 @!p0 [tilespmem:s25], [sflag:$0x6], $0x40, s24, s22, $0xb8;
	[tilespmem:$0x1FA00] =	vst v63  }
0x170: {  	_ = 	snop  }
0x171: {  	[spmem:s3] =	stream.indirect.scatter.add.f32 @!p0 [tilespmem:s30], [sflag:$0x9], $0x10, s24, s22, $0xb8;
	[tilespmem:$0x1FA00] =	vst v63  }
0x172: {  	_ =	swait.ge @!p0 [sflag:s23], $0x800  }
0x173: {  	[sflag:s23] =	ssyncset.done @!p0 $0x0  }
0x174: {  	s25 =	simm.s32 $0x1A380;
	[sflag:s23] =	ssyncadd.s32 @!p0 $0xFFFFF800  }
0x175: {  	[tilespmem:s14], [sflag:$0x4] =	stream.indirect.gather [hbm4b:s9+s11], $0x40, s25, s11, $0xb8;
	[tilespmem:$0x1FA00] =	vst v63  }
0x176: {  	_ =	swait.ge [sflag:s15], $0x2000  }
0x177: {  	[sflag:s15] =	ssyncset.done $0x0  }
0x178: {  	s26 =	simm.s32 $0xCB00;
	s24 =	simm.s32 @p0 $0x5;
	[sflag:s15] =	ssyncadd.s32 $0xFFFFE000  }
0x179: {  	[spmem:s2] =	stream.indirect.scatter.add.f32 [tilespmem:s16], [sflag:$0x7], $0x40, s26, s11, $0xb8;
	[tilespmem:$0x1FA00] =	vst v63  }
0x17a: {  	_ =	swait.ge @p0 [sflag:s24], $0x2000  }
0x17b: {  	[sflag:s24] =	ssyncset.done @p0 $0x0  }
0x17c: {  	s25 =	simm.s32 @p0 $0x12200;
	[sflag:s24] =	ssyncadd.s32 @p0 $0xFFFFE000;
	s24 =	simm.s32 @p0 $0x1A400  }
0x17d: {  	[tilespmem:s25], [sflag:$0x1] =	stream.indirect.gather @p0 [hbm4b:s9+s21], $0x40, s24, s21, $0xb8;
	[tilespmem:$0x1FA00] =	vst v63  }
0x17e: {  	s24 =	simm.s32 @p0 $0x4  }
0x17f: {  	_ =	swait.ge @p0 [sflag:s24], $0x2000  }
0x180: {  	[sflag:s24] =	ssyncset.done @p0 $0x0  }
0x181: {  	s25 =	simm.s32 @p0 $0x18200;
	[sflag:s24] =	ssyncadd.s32 @p0 $0xFFFFE000;
	s24 =	simm.s32 @p0 $0xCB80  }
0x182: {  	[spmem:s2] =	stream.indirect.scatter.add.f32 @p0 [tilespmem:s25], [sflag:$0x8], $0x40, s24, s21, $0xb8;
	[tilespmem:$0x1FA00] =	vst v63  }
0x183: {  	s21 =	simm.s32 @!p0 $0xCB00  }
0x184: {  	[spmem:s3] =	stream.indirect.scatter.add.f32 @!p0 [tilespmem:s30], [sflag:$0x9], $0x10, s21, s22, $0xb8;
	[tilespmem:$0x1FA00] =	vst v63  }
0x185: {  	_ =	swait.ge @!p0 [sflag:s23], $0x800  }
0x186: {  	[sflag:s23] =	ssyncset.done @!p0 $0x0  }
0x187: {  	s21 =	simm.s32 @!p0 $0x5;
	[sflag:s23] =	ssyncadd.s32 @!p0 $0xFFFFF800  }
0x188: {  	_ =	swait.ge @!p0 [sflag:s21], $0x2000  }
0x189: {  	[sflag:s21] =	ssyncset.done @!p0 $0x0  }
0x18a: {  	s24 =	simm.s32 @!p0 $0x12200;
	[sflag:s21] =	ssyncadd.s32 @!p0 $0xFFFFE000;
	s21 =	simm.s32 @!p0 $0x1A400  }
0x18b: {  	[tilespmem:s24], [sflag:$0x1] =	stream.indirect.gather @!p0 [hbm4b:s9+s22], $0x40, s21, s22, $0xb8;
	[tilespmem:$0x1FA00] =	vst v63  }
0x18c: {  	s21 =	simm.s32 @!p0 $0x4  }
0x18d: {  	_ =	swait.ge @!p0 [sflag:s21], $0x2000  }
0x18e: {  	[sflag:s21] =	ssyncset.done @!p0 $0x0  }
0x18f: {  	s24 =	simm.s32 @!p0 $0x18200;
	[sflag:s21] =	ssyncadd.s32 @!p0 $0xFFFFE000;
	s21 =	simm.s32 @!p0 $0xCB80  }
0x190: {  	[spmem:s2] =	stream.indirect.scatter.add.f32 @!p0 [tilespmem:s24], [sflag:$0x8], $0x40, s21, s22, $0xb8;
	[tilespmem:$0x1FA00] =	vst v63  }
0x191: {  	_ = 	snop  }
0x192: {  	[spmem:s3] =	stream.indirect.scatter.add.f32 @!p0 [tilespmem:s30], [sflag:$0x9], $0x10, s21, s22, $0xb8;
	[tilespmem:$0x1FA00] =	vst v63  }
0x193: {  	_ =	swait.ge @!p0 [sflag:s23], $0x800  }
0x194: {  	[sflag:s23] =	ssyncset.done @!p0 $0x0  }
0x195: {  	[sflag:s23] =	ssyncadd.s32 @!p0 $0xFFFFF800  }
0x196: {  	_ =	swait.ge [sflag:s17], $0x2000  }
0x197: {  	s28 =	simm.s32 $0x1A480;
	[sflag:s17] =	ssyncset.done $0x0  }
0x198: {  	s21 =	simm.s32 $0x1;
	s30 =	simm.s32 $0x0;
	[sflag:s17] =	ssyncadd.s32 $0xFFFFE000  }
0x199: {  	[tilespmem:s13], [sflag:$0x2] =	stream.indirect.gather [hbm4b:s9+s11], $0x40, s28, s11, $0xb8;
	[tilespmem:$0x1FA00] =	vst v63  }
.LBB2_6:
0x19a: {  	_ =	swait.ge [sflag:s6], $0x2000;
	s22 =	sshra.s32 s30, $0x2  }
0x19b: {  	p3 =	sgt.u32 s21, $0x13;
	s24 =	simm.s32 $0x1;
	s25 =	simm.s32 $0x1  }
0x19c: {  	[sflag:s6] =	ssyncset.done $0x0;
	s24 =	simm.s32 @!p3 $0x0;
	s25 =	simm.s32 @!p1 $0x0  }
0x19d: {  	s23 =	sadd.s32 $0xCC00, s22;
	[sflag:s6] =	ssyncadd.s32 $0xFFFFE000;
	p2 =	seq.s32 s25, s24  }
0x19e: {  	[spmem:s2] =	stream.indirect.scatter.add.f32 [tilespmem:s12], [sflag:$0x5], $0x40, s23, s11, $0xb8;
	[tilespmem:$0x1FA00] =	vst v63  }
0x19f: {  	s24 =	simm.s32 @!p2 $0x80;
	s25 =	simm.s32 @!p2 $0x11A00  }
0x1a0: {  	[spmem:s3] =	stream.indirect.scatter.add.f32 @!p2 [tilespmem:s25], [sflag:$0x9], $0x10, s23, s24, $0xb8;
	[tilespmem:$0x1FA00] =	vst v63  }
0x1a1: {  	s23 =	simm.s32 @!p2 $0x9  }
0x1a2: {  	_ =	swait.ge @!p2 [sflag:s23], $0x800  }
0x1a3: {  	[sflag:s23] =	ssyncset.done @!p2 $0x0  }
0x1a4: {  	[sflag:s23] =	ssyncadd.s32 @!p2 $0xFFFFF800  }
0x1a5: {  	_ =	swait.ge [sflag:s18], $0x2000  }
0x1a6: {  	[sflag:s18] =	ssyncset.done $0x0  }
0x1a7: {  	s28 =	sadd.s32 $0x1A500, s22;
	[sflag:s18] =	ssyncadd.s32 $0xFFFFE000  }
0x1a8: {  	[tilespmem:s16], [sflag:$0x3] =	stream.indirect.gather [hbm4b:s9+s11], $0x40, s28, s11, $0xb8;
	[tilespmem:$0x1FA00] =	vst v63  }
0x1a9: {  	_ =	swait.ge [sflag:s10], $0x2000  }
0x1aa: {  	p2 =	por !p3, !p3;
	[sflag:s10] =	ssyncset.done $0x0  }
0x1ab: {  	s23 =	sadd.s32 $0xCC80, s22;
	p2 =	por @!p1 p3, p3;
	[sflag:s10] =	ssyncadd.s32 $0xFFFFE000  }
0x1ac: {  	[spmem:s2] =	stream.indirect.scatter.add.f32 [tilespmem:s13], [sflag:$0x6], $0x40, s23, s11, $0xb8;
	[tilespmem:$0x1FA00] =	vst v63  }
0x1ad: {  	s24 =	simm.s32 @p2 $0x80;
	s25 =	simm.s32 @p2 $0x11A00  }
0x1ae: {  	[spmem:s3] =	stream.indirect.scatter.add.f32 @p2 [tilespmem:s25], [sflag:$0x9], $0x10, s23, s24, $0xb8;
	[tilespmem:$0x1FA00] =	vst v63  }
0x1af: {  	s23 =	simm.s32 @p2 $0x9  }
0x1b0: {  	_ =	swait.ge @p2 [sflag:s23], $0x800  }
0x1b1: {  	[sflag:s23] =	ssyncset.done @p2 $0x0  }
0x1b2: {  	[sflag:s23] =	ssyncadd.s32 @p2 $0xFFFFF800  }
0x1b3: {  	_ =	swait.ge [sflag:s19], $0x2000  }
0x1b4: {  	[sflag:s19] =	ssyncset.done $0x0  }
0x1b5: {  	s26 =	sadd.s32 $0x1A580, s22;
	[sflag:s19] =	ssyncadd.s32 $0xFFFFE000  }
0x1b6: {  	[tilespmem:s14], [sflag:$0x4] =	stream.indirect.gather [hbm4b:s9+s11], $0x40, s26, s11, $0xb8;
	[tilespmem:$0x1FA00] =	vst v63  }
0x1b7: {  	_ =	swait.ge [sflag:s15], $0x2000  }
0x1b8: {  	[sflag:s15] =	ssyncset.done $0x0  }
0x1b9: {  	s26 =	sadd.s32 $0xCD00, s22;
	[sflag:s15] =	ssyncadd.s32 $0xFFFFE000  }
0x1ba: {  	[spmem:s2] =	stream.indirect.scatter.add.f32 [tilespmem:s16], [sflag:$0x7], $0x40, s26, s11, $0xb8;
	[tilespmem:$0x1FA00] =	vst v63  }
0x1bb: {  	_ = 	snop  }
0x1bc: {  	[spmem:s3] =	stream.indirect.scatter.add.f32 @p2 [tilespmem:s25], [sflag:$0x9], $0x10, s26, s24, $0xb8;
	[tilespmem:$0x1FA00] =	vst v63  }
0x1bd: {  	_ =	swait.ge @p2 [sflag:s23], $0x800  }
0x1be: {  	p3 =	seq.s32 s30, $0x13000;
	[sflag:s23] =	ssyncset.done @p2 $0x0  }
0x1bf: {  	s26 =	simm.s32 @!p3 $0x5;
	[sflag:s23] =	ssyncadd.s32 @p2 $0xFFFFF800  }
0x1c0: {  	_ =	swait.ge @!p3 [sflag:s26], $0x2000  }
0x1c1: {  	[sflag:s26] =	ssyncset.done @!p3 $0x0  }
0x1c2: {  	[sflag:s26] =	ssyncadd.s32 @!p3 $0xFFFFE000;
	s26 =	sshra.s32 @!p3 s30, $0x2  }
0x1c3: {  	s7 =	simm.s32 @!p3 $0x12200;
	s28 =	simm.s32 @!p3 $0x80;
	s26 =	sadd.s32 @!p3 $0x1A600, s26  }
0x1c4: {  	[tilespmem:s7], [sflag:$0x1] =	stream.indirect.gather @!p3 [hbm4b:s9+s28], $0x40, s26, s28, $0xb8;
	[tilespmem:$0x1FA00] =	vst v63  }
0x1c5: {  	_ =	swait.ge [sflag:s20], $0x2000  }
0x1c6: {  	[sflag:s20] =	ssyncset.done $0x0  }
0x1c7: {  	s7 =	sadd.s32 $0xCD80, s22;
	[sflag:s20] =	ssyncadd.s32 $0xFFFFE000  }
0x1c8: {  	[spmem:s2] =	stream.indirect.scatter.add.f32 [tilespmem:s14], [sflag:$0x8], $0x40, s7, s11, $0xb8;
	[tilespmem:$0x1FA00] =	vst v63  }
.Ltmp4:
0x1c9: {  	_ = 	snop;
	(pc) =	sbr.rel @p3 .LBB2_8-.Ltmp4, $4  }
0x1ca: {  	[spmem:s3] =	stream.indirect.scatter.add.f32 @p2 [tilespmem:s25], [sflag:$0x9], $0x10, s7, s24, $0xb8;
	[tilespmem:$0x1FA00] =	vst v63  }
0x1cb: {  	_ =	swait.ge @p2 [sflag:s23], $0x800  }
0x1cc: {  	[sflag:s23] =	ssyncset.done @p2 $0x0  }
0x1cd: {  	[sflag:s23] =	ssyncadd.s32 @p2 $0xFFFFF800  }
.Ltmp5:
0x1ce: {  	(pc) =	sbr.rel .LBB2_6-.Ltmp5, $4  }
0x1cf: {  	_ =	swait.ge [sflag:s17], $0x2000  }
0x1d0: {  	s7 =	sadd.s32 $0x1A680, s22;
	[sflag:s17] =	ssyncset.done $0x0  }
0x1d1: {  	s21 =	sadd.s32 $0x1, s21;
	s30 =	sadd.s32 $0x800, s30;
	[sflag:s17] =	ssyncadd.s32 $0xFFFFE000  }
0x1d2: {  	[tilespmem:s13], [sflag:$0x2] =	stream.indirect.gather [hbm4b:s9+s11], $0x40, s7, s11, $0xb8;
	[tilespmem:$0x1FA00] =	vst v63  }
.LBB2_9:
0x1d3: {  	_ =	sfence.sel $0x180000  }
0x1d4: {  	[bflag:$0x0] =	sbarrier.arrive $0xFFFF  }
0x1d5: {  	_ =	strace $0x90000047  }
0x1d6: {  	s0 =	stileid.u32;
	[bflag:$0x2] =	sbarrier.arrive $0xFFFF  }
0x1d7: {  	p0 =	sne.s32 s0, $0x0;
	s0 =	rddreg [dreg:$0x3]  }
0x1d8: {  	s0 =	sadd.s32 @!p0 $0x100000, s0  }
0x1d9: {  	[sflag:s0] =	ssyncadd.tile.s32 @!p0 $0x1;
	_ =	shalt  }
.Lfunc_end2:
_tile_overlayer_lowered:
.L_overlay_start_2:
0x1da: {  	(tag) =	ssettag $0x2  }
0x1db: {  	s0 =	rddreg [dreg:$0x0];
	s2 =	stileid.u32  }
0x1dc: {  	s1 =	rddreg [dreg:$0x1];
	p0 =	sne.s32 s2, $0x0  }
0x1dd: {  	s3 =	rddreg [dreg:$0x2];
	[bflag:$0x3] =	sbarrier.arrive $0xFFFF;
	s2 =	simm.s32 @!p0 $0x1C09  }
0x1de: {  	[timem:s3], [sflag:s2] =	dma.local @!p0 [hbm:s0], s1  }
0x1df: {  	s0 =	simm.s32 @!p0 $0x9  }
0x1e0: {  	_ =	swait.ge @!p0 [sflag:s0], s1  }
0x1e1: {  	s1 =	ssub.s32 @!p0 $0x0, s1;
	[sflag:s0] =	ssyncset.done @!p0 $0x0  }
0x1e2: {  	[sflag:s0] =	ssyncadd.s32 @!p0 s1  }
0x1e3: {  	[bflag:$0x3] =	sbarrier.arrive $0xFFFF  }
0x1e4: {  	_ =	shalt  }

</sc_bundles>
